<compile_context>
chip_gen: v7x
topology: tpu7x:2x2x1
jax: 0.10.2.dev20260603
libtpu: 0.0.44.dev20260713+nightly
codegen_flags: <defaults>
</compile_context>

<pallas_src>
import jax
import jax.numpy as jnp
from jax import lax
from jax.experimental import pallas as pl
from jax.experimental.pallas import tpu as pltpu
from jax.experimental.pallas import tpu_sc as plsc

N = 10000
DI = 128
DO = 64
R = 3
E = 320000
NC = 2
NS = 16

_ST = [s * 632 for s in range(NS - 1)] + [632 * (NS - 1)]
_LN = [632] * (NS - 1) + [N - 632 * (NS - 1)]

_RPS = N // NS
_EW_A = E // (NC * NS)
_KA = 2000
_EW_C = E // NS
_KC = 400
_NCH = _EW_C // _KC
_NPAIR = (_NCH - 2) // 2

_BR = 1000
_NB = N // _BR


def _vec_mesh():
    return plsc.VectorSubcoreMesh(core_axis_name="core", subcore_axis_name="subcore")


_SC_PARAMS = pltpu.CompilerParams(use_tc_tiling_on_sc=False)


def _deg_perm(dst, x, perm2d, z1):
    kfn = pl.kernel(
        _deg_perm_body,
        out_type=(
            jax.ShapeDtypeStruct((NC, R, N), jnp.float32),
            jax.ShapeDtypeStruct((N, DI), jnp.float32),
        ),
        mesh=_vec_mesh(),
        scratch_types=[
            pltpu.VMEM_SHARED((N,), jnp.float32),
            pltpu.VMEM_SHARED((N,), jnp.float32),
            pltpu.VMEM_SHARED((N,), jnp.float32),
            pltpu.VMEM((_KA,), jnp.float32),
            pltpu.VMEM((_KA,), jnp.int32),
            pltpu.VMEM((_RPS,), jnp.int32),
            pltpu.VMEM((_RPS, DI), jnp.float32),
        ],
        compiler_params=_SC_PARAMS,
    )
    return kfn(dst, x, perm2d, z1)


def _deg_perm_body(dst_hbm, x_hbm, perm_hbm, z1_hbm, degp_hbm, xperm_hbm,
                   d0_sh, d1_sh, d2_sh, ones_v, idx_v, perm_v, xrow_v):
    c = lax.axis_index("core")
    s = lax.axis_index("subcore")
    degs = [d0_sh, d1_sh, d2_sh]

    @pl.loop(0, _KA, step=16)
    def _(i):
        ones_v[pl.ds(i, 16)] = jnp.full((16,), 1.0, jnp.float32)

    for i in range(NS):
        @pl.when(s == i)
        def _():
            for r in range(R):
                pltpu.sync_copy(z1_hbm.at[pl.ds(_ST[i], _LN[i])],
                                degs[r].at[pl.ds(_ST[i], _LN[i])])
    plsc.subcore_barrier()

    @pl.when(c == 0)
    def _():
        pltpu.sync_copy(perm_hbm.at[s], perm_v)
        pltpu.sync_copy(x_hbm.at[perm_v], xrow_v)
        pltpu.sync_copy(xrow_v, xperm_hbm.at[pl.ds(s * _RPS, _RPS)])

    base0 = (c * NS + s) * _EW_A
    for r in range(R):
        @pl.loop(0, _EW_A, step=_KA)
        def _(j):
            pltpu.sync_copy(dst_hbm.at[r, pl.ds(base0 + j, _KA)], idx_v)
            pltpu.sync_copy(ones_v, degs[r].at[idx_v], add=True)
    plsc.subcore_barrier()

    for i in range(NS):
        @pl.when(s == i)
        def _():
            for r in range(R):
                pltpu.sync_copy(degs[r].at[pl.ds(_ST[i], _LN[i])],
                                degp_hbm.at[c, r, pl.ds(_ST[i], _LN[i])])


def _tables_body(x_ref, xp_ref, w_ref, degp_ref, t_ref, dinv_ref):
    deg = degp_ref[0, 0, :, 0] + degp_ref[1, 0, :, 0] + 1.0
    dv = lax.rsqrt(deg).reshape(_BR, 1)
    w = w_ref[0]
    xw = jnp.dot(x_ref[...], w, preferred_element_type=jnp.float32,
                 precision=lax.Precision.HIGHEST)
    xwp = jnp.dot(xp_ref[...], w, preferred_element_type=jnp.float32,
                  precision=lax.Precision.HIGHEST)
    t_ref[0, 0] = dv * xw
    t_ref[1, 0] = dv * xwp
    dinv_ref[0] = dv


def _tables(x, xperm, Ws, degp):
    return pl.pallas_call(
        _tables_body,
        grid=(R, _NB),
        in_specs=[
            pl.BlockSpec((_BR, DI), lambda r, b: (b, 0)),
            pl.BlockSpec((_BR, DI), lambda r, b: (b, 0)),
            pl.BlockSpec((1, DI, DO), lambda r, b: (r, 0, 0)),
            pl.BlockSpec((NC, 1, _BR, 1), lambda r, b: (0, r, b, 0)),
        ],
        out_specs=[
            pl.BlockSpec((NC, 1, _BR, DO), lambda r, b: (0, r, b, 0)),
            pl.BlockSpec((1, _BR, 1), lambda r, b: (r, b, 0)),
        ],
        out_shape=[
            jax.ShapeDtypeStruct((NC, R, N, DO), jnp.float32),
            jax.ShapeDtypeStruct((R, N, 1), jnp.float32),
        ],
    )(x, xperm, Ws, degp)


def _edge(src, dst, t, z2):
    kfn = pl.kernel(
        _edge_body,
        out_type=jax.ShapeDtypeStruct((NC, R, N, DO), jnp.float32),
        mesh=_vec_mesh(),
        scratch_types=[
            pltpu.VMEM_SHARED((N, DO), jnp.float32),
            pltpu.VMEM((_KC,), jnp.int32),
            pltpu.VMEM((_KC,), jnp.int32),
            pltpu.VMEM((_KC,), jnp.int32),
            pltpu.VMEM((_KC,), jnp.int32),
            pltpu.VMEM((_KC, DO), jnp.float32),
            pltpu.VMEM((_KC, DO), jnp.float32),
            pltpu.SemaphoreType.DMA,
            pltpu.SemaphoreType.DMA,
        ],
        compiler_params=_SC_PARAMS,
    )
    return kfn(src, dst, t, z2)


def _edge_body(src_hbm, dst_hbm, t_hbm, z2_hbm, acc_hbm,
               acc_sh, srcA, srcB, dstA, dstB, rowA, rowB, semA, semB):
    c = lax.axis_index("core")
    s = lax.axis_index("subcore")
    rs = pl.ds(s * _RPS, _RPS)
    base0 = s * _EW_C
    for r in range(R):
        pltpu.sync_copy(z2_hbm.at[rs], acc_sh.at[rs])
        plsc.subcore_barrier()

        tcr = t_hbm.at[c, r]
        pltpu.sync_copy(src_hbm.at[r, pl.ds(base0, _KC)], srcA)
        pltpu.sync_copy(dst_hbm.at[r, pl.ds(base0, _KC)], dstA)
        pltpu.async_copy(tcr.at[srcA], rowA, semA)

        @pl.loop(0, _NPAIR * 2 * _KC, step=2 * _KC)
        def _(j):
            pltpu.sync_copy(src_hbm.at[r, pl.ds(base0 + j + _KC, _KC)], srcB)
            pltpu.sync_copy(dst_hbm.at[r, pl.ds(base0 + j + _KC, _KC)], dstB)
            pltpu.async_copy(tcr.at[srcB], rowB, semB)
            pltpu.make_async_copy(tcr.at[srcA], rowA, semA).wait()
            pltpu.sync_copy(rowA, acc_sh.at[dstA], add=True)

            nj = j + 2 * _KC
            pltpu.sync_copy(src_hbm.at[r, pl.ds(base0 + nj, _KC)], srcA)
            pltpu.sync_copy(dst_hbm.at[r, pl.ds(base0 + nj, _KC)], dstA)
            pltpu.async_copy(tcr.at[srcA], rowA, semA)
            pltpu.make_async_copy(tcr.at[srcB], rowB, semB).wait()
            pltpu.sync_copy(rowB, acc_sh.at[dstB], add=True)

        pltpu.make_async_copy(tcr.at[srcA], rowA, semA).wait()
        pltpu.sync_copy(rowA, acc_sh.at[dstA], add=True)
        last = base0 + (_NCH - 1) * _KC
        pltpu.sync_copy(src_hbm.at[r, pl.ds(last, _KC)], srcB)
        pltpu.sync_copy(dst_hbm.at[r, pl.ds(last, _KC)], dstB)
        pltpu.sync_copy(tcr.at[srcB], rowB)
        pltpu.sync_copy(rowB, acc_sh.at[dstB], add=True)

        plsc.subcore_barrier()
        pltpu.sync_copy(acc_sh.at[rs], acc_hbm.at[c, r].at[rs])
        plsc.subcore_barrier()


def _final_body(acc_ref, t_ref, dinv_ref, b_ref, pos_ref, neg_ref, sum_ref):
    dv = dinv_ref[0]
    bias = b_ref[0, 0]
    p = jnp.maximum(dv * (acc_ref[0, 0] + t_ref[0, 0]) + bias, 0.0)
    n = jnp.maximum(dv * (acc_ref[1, 0] + t_ref[1, 0]) + bias, 0.0)
    pos_ref[0] = p
    neg_ref[0] = n
    part = (jnp.sum(p, axis=0) * (1.0 / N)).reshape(1, 1, DO)
    b = pl.program_id(1)

    @pl.when(b == 0)
    def _():
        sum_ref[...] = part

    @pl.when(b > 0)
    def _():
        sum_ref[...] += part


def _final(acc, t, dinv, bs3):
    return pl.pallas_call(
        _final_body,
        grid=(R, _NB),
        in_specs=[
            pl.BlockSpec((NC, 1, _BR, DO), lambda r, b: (0, r, b, 0)),
            pl.BlockSpec((NC, 1, _BR, DO), lambda r, b: (0, r, b, 0)),
            pl.BlockSpec((1, _BR, 1), lambda r, b: (r, b, 0)),
            pl.BlockSpec((1, 1, DO), lambda r, b: (r, 0, 0)),
        ],
        out_specs=[
            pl.BlockSpec((1, _BR, DO), lambda r, b: (r, b, 0)),
            pl.BlockSpec((1, _BR, DO), lambda r, b: (r, b, 0)),
            pl.BlockSpec((1, 1, DO), lambda r, b: (r, 0, 0)),
        ],
        out_shape=[
            jax.ShapeDtypeStruct((R, N, DO), jnp.float32),
            jax.ShapeDtypeStruct((R, N, DO), jnp.float32),
            jax.ShapeDtypeStruct((R, 1, DO), jnp.float32),
        ],
    )(acc, t, dinv, bs3)


def kernel(x, edge_indices, Ws, bs):
    src = edge_indices[:, 0, :].astype(jnp.int32)
    dst = edge_indices[:, 1, :].astype(jnp.int32)
    perm = jax.random.permutation(jax.random.key(1), N)
    perm2d = perm.astype(jnp.int32).reshape(NS, _RPS)
    z1 = jnp.zeros((N,), jnp.float32)
    z2 = jnp.zeros((N, DO), jnp.float32)

    degp, xperm = _deg_perm(dst, x, perm2d, z1)
    t, dinv = _tables(x, xperm, Ws, degp.reshape(NC, R, N, 1))
    acc = _edge(src, dst, t, z2)
    pos, neg, summ = _final(acc, t, dinv, bs.reshape(R, 1, DO))
    return pos, neg, summ

# --- scband reference (transcript-rebuilt; emitter-appended) ---
"""Pipeline reference for scband-dmgi-89429809037887 (READ-ONLY COPY).

The authoritative reference and input builder live on the scoring server;
editing this copy changes nothing except your own understanding.
"""

import jax, jax.numpy as jnp
import numpy as np

N = 10000
D_IN = 128
D_OUT = 64
R = 3
E = 320000


def gcn_conv(x, edge_index, W, b):
    # PyG GCNConv: add self-loops, symmetric normalization D^-1/2 (A+I) D^-1/2 X W + b
    src = edge_index[0]
    dst = edge_index[1]
    loop = jnp.arange(N, dtype=src.dtype)
    src = jnp.concatenate([src, loop])
    dst = jnp.concatenate([dst, loop])
    deg = jnp.zeros((N,), x.dtype).at[dst].add(1.0)
    dinv = jnp.where(deg > 0, jax.lax.rsqrt(jnp.maximum(deg, 1e-12)), 0.0)
    norm = dinv[src] * dinv[dst]
    xw = x @ W
    msg = jnp.take(xw, src, axis=0) * norm[:, None]
    out = jnp.zeros((N, W.shape[1]), x.dtype).at[dst].add(msg)
    return out + b


def setup_inputs(seed: int = 0):
    key = jax.random.key(seed)
    k1, k2, k3 = jax.random.split(key, 3)
    x = jax.random.normal(k1, (N, D_IN), dtype=jnp.float32)
    edge_indices = jax.random.randint(k2, (R, 2, E), 0, N)
    Ws = jax.random.normal(k3, (R, D_IN, D_OUT), dtype=jnp.float32) * (1.0 / np.sqrt(D_IN))
    bs = jnp.zeros((R, D_OUT), dtype=jnp.float32)
    return {"x": x, "edge_indices": edge_indices, "Ws": Ws, "bs": bs}


def reference(x, edge_indices, Ws, bs):
    # Eval mode: dropout(p=0.5) is identity. randperm replaced by a fixed
    # deterministic permutation for reproducibility.
    perm = jax.random.permutation(jax.random.key(1), x.shape[0])
    pos_hs, neg_hs, summaries = [], [], []
    for r in range(R):
        pos_h = jax.nn.relu(gcn_conv(x, edge_indices[r], Ws[r], bs[r]))
        pos_hs.append(pos_h)
        neg_x = jnp.take(x, perm, axis=0)
        neg_h = jax.nn.relu(gcn_conv(neg_x, edge_indices[r], Ws[r], bs[r]))
        neg_hs.append(neg_h)
        summaries.append(pos_h.mean(axis=0, keepdims=True))
    return (jnp.stack(pos_hs), jnp.stack(neg_hs), jnp.stack(summaries))

if __name__ == "__main__":
    import jax
    _d = setup_inputs()
    print(jax.jit(kernel)(*tuple(_d.values())))

</pallas_src>

<mosaic_0001>
#map = affine_map<(d0, d1) -> (0, 0)>
#map1 = affine_map<(d0, d1) -> (0, 0, 0, 0)>
module attributes {stable_mosaic.version = 14 : i64} {
  func.func @_edge_body(%arg0: i32, %arg1: i32, %arg2: memref<3x320000xi32, #tpu.memory_space<hbm>>, %arg3: memref<3x320000xi32, #tpu.memory_space<hbm>>, %arg4: memref<2x3x10000x64xf32, #tpu.memory_space<hbm>>, %arg5: memref<10000x64xf32, #tpu.memory_space<hbm>>, %arg6: memref<2x3x10000x64xf32, #tpu.memory_space<hbm>>, %arg7: memref<10000x64xf32, #tpu.memory_space<vmem_shared>>, %arg8: memref<400xi32, #tpu.memory_space<vmem>>, %arg9: memref<400xi32, #tpu.memory_space<vmem>>, %arg10: memref<400xi32, #tpu.memory_space<vmem>>, %arg11: memref<400xi32, #tpu.memory_space<vmem>>, %arg12: memref<400x64xf32, #tpu.memory_space<vmem>>, %arg13: memref<400x64xf32, #tpu.memory_space<vmem>>, %arg14: memref<!tpu.dma_semaphore, #tpu.memory_space<semaphore_mem>>, %arg15: memref<!tpu.dma_semaphore, #tpu.memory_space<semaphore_mem>>) attributes {dimension_semantics = [#tpu.dimension_semantics<core_parallel>, #tpu.dimension_semantics<subcore_parallel>], iteration_bounds = array<i64: 2, 16>, scalar_prefetch = 0 : i64, scratch_operands = 9 : i64, tpu.core_type = #tpu.core_type<sc_vector_subcore>, window_params = [{transform_indices = #map}, {transform_indices = #map}, {transform_indices = #map1}, {transform_indices = #map}, {transform_indices = #map1}]} {
    %mul3A = arith.constant 625 : i32
    %mul3A_0 = arith.muli %arg1, %mul3A : i32
    %mul3A_1 = arith.constant 20000 : i32
    %mul3A_2 = arith.muli %arg1, %mul3A_1 : i32
    "tpu.region"() ({
      %run_scoped3A_96 = tpu.sem_alloc : memref<!tpu.dma_semaphore, #tpu.memory_space<semaphore_mem>>
      %dma_start3A_97 = arith.constant 0 : i32
      %dma_start3A_98 = tpu.memref_slice %arg7[%mul3A_0, %dma_start3A_97] : memref<10000x64xf32, #tpu.memory_space<vmem_shared>> -> memref<625x64xf32, #tpu.memory_space<vmem_shared>>
      %dma_start3A_99 = arith.constant 0 : i32
      %dma_start3A_100 = tpu.memref_slice %arg5[%mul3A_0, %dma_start3A_99] : memref<10000x64xf32, #tpu.memory_space<hbm>> -> memref<625x64xf32, #tpu.memory_space<hbm>>
      tpu.enqueue_dma source(%dma_start3A_100 : memref<625x64xf32, #tpu.memory_space<hbm>>) target(%dma_start3A_98 : memref<625x64xf32, #tpu.memory_space<vmem_shared>>) target_semaphore(%run_scoped3A_96 : memref<!tpu.dma_semaphore, #tpu.memory_space<semaphore_mem>>)
      %dma_wait3A_101 = arith.constant 0 : i32
      %dma_wait3A_102 = tpu.memref_slice %arg7[%mul3A_0, %dma_wait3A_101] : memref<10000x64xf32, #tpu.memory_space<vmem_shared>> -> memref<625x64xf32, #tpu.memory_space<vmem_shared>>
      %dma_wait3A_103 = arith.constant 0 : i32
      %dma_wait3A_104 = tpu.memref_slice %arg5[%mul3A_0, %dma_wait3A_103] : memref<10000x64xf32, #tpu.memory_space<hbm>> -> memref<625x64xf32, #tpu.memory_space<hbm>>
      tpu.wait_dma2 semaphore(%run_scoped3A_96 : memref<!tpu.dma_semaphore, #tpu.memory_space<semaphore_mem>>) src(%dma_wait3A_104 : memref<625x64xf32, #tpu.memory_space<hbm>>) dst(%dma_wait3A_102 : memref<625x64xf32, #tpu.memory_space<vmem_shared>>)
      tpu.yield
    }) : () -> ()
    %barrier3A = arith.constant 0 : index
    tpu.barrier barrier_id(%barrier3A)
    %run_scoped3A = arith.constant 0 : i32
    "tpu.region"() ({
      %run_scoped3A_96 = tpu.sem_alloc : memref<!tpu.dma_semaphore, #tpu.memory_space<semaphore_mem>>
      %dma_start3A_97 = tpu.memref_slice %arg2[%run_scoped3A, %mul3A_2] : memref<3x320000xi32, #tpu.memory_space<hbm>> -> memref<1x400xi32, #tpu.memory_space<hbm>>
      %dma_start3A_98 = tpu.memref_squeeze %dma_start3A_97 : memref<1x400xi32, #tpu.memory_space<hbm>> -> memref<400xi32, #tpu.memory_space<hbm>>
      %dma_start3A_99 = tpu.memref_slice %arg2[%run_scoped3A, %mul3A_2] : memref<3x320000xi32, #tpu.memory_space<hbm>> -> memref<1x400xi32, #tpu.memory_space<hbm>>
      %dma_start3A_100 = tpu.memref_squeeze %dma_start3A_99 : memref<1x400xi32, #tpu.memory_space<hbm>> -> memref<400xi32, #tpu.memory_space<hbm>>
      tpu.enqueue_dma source(%dma_start3A_100 : memref<400xi32, #tpu.memory_space<hbm>>) target(%arg8 : memref<400xi32, #tpu.memory_space<vmem>>) target_semaphore(%run_scoped3A_96 : memref<!tpu.dma_semaphore, #tpu.memory_space<semaphore_mem>>)
      %dma_wait3A_101 = tpu.memref_slice %arg2[%run_scoped3A, %mul3A_2] : memref<3x320000xi32, #tpu.memory_space<hbm>> -> memref<1x400xi32, #tpu.memory_space<hbm>>
      %dma_wait3A_102 = tpu.memref_squeeze %dma_wait3A_101 : memref<1x400xi32, #tpu.memory_space<hbm>> -> memref<400xi32, #tpu.memory_space<hbm>>
      %dma_wait3A_103 = tpu.memref_slice %arg2[%run_scoped3A, %mul3A_2] : memref<3x320000xi32, #tpu.memory_space<hbm>> -> memref<1x400xi32, #tpu.memory_space<hbm>>
      %dma_wait3A_104 = tpu.memref_squeeze %dma_wait3A_103 : memref<1x400xi32, #tpu.memory_space<hbm>> -> memref<400xi32, #tpu.memory_space<hbm>>
      tpu.wait_dma2 semaphore(%run_scoped3A_96 : memref<!tpu.dma_semaphore, #tpu.memory_space<semaphore_mem>>) src(%dma_wait3A_104 : memref<400xi32, #tpu.memory_space<hbm>>) dst(%arg8 : memref<400xi32, #tpu.memory_space<vmem>>)
      tpu.yield
    }) : () -> ()
    %run_scoped3A_3 = arith.constant 0 : i32
    "tpu.region"() ({
      %run_scoped3A_96 = tpu.sem_alloc : memref<!tpu.dma_semaphore, #tpu.memory_space<semaphore_mem>>
      %dma_start3A_97 = tpu.memref_slice %arg3[%run_scoped3A_3, %mul3A_2] : memref<3x320000xi32, #tpu.memory_space<hbm>> -> memref<1x400xi32, #tpu.memory_space<hbm>>
      %dma_start3A_98 = tpu.memref_squeeze %dma_start3A_97 : memref<1x400xi32, #tpu.memory_space<hbm>> -> memref<400xi32, #tpu.memory_space<hbm>>
      %dma_start3A_99 = tpu.memref_slice %arg3[%run_scoped3A_3, %mul3A_2] : memref<3x320000xi32, #tpu.memory_space<hbm>> -> memref<1x400xi32, #tpu.memory_space<hbm>>
      %dma_start3A_100 = tpu.memref_squeeze %dma_start3A_99 : memref<1x400xi32, #tpu.memory_space<hbm>> -> memref<400xi32, #tpu.memory_space<hbm>>
      tpu.enqueue_dma source(%dma_start3A_100 : memref<400xi32, #tpu.memory_space<hbm>>) target(%arg10 : memref<400xi32, #tpu.memory_space<vmem>>) target_semaphore(%run_scoped3A_96 : memref<!tpu.dma_semaphore, #tpu.memory_space<semaphore_mem>>)
      %dma_wait3A_101 = tpu.memref_slice %arg3[%run_scoped3A_3, %mul3A_2] : memref<3x320000xi32, #tpu.memory_space<hbm>> -> memref<1x400xi32, #tpu.memory_space<hbm>>
      %dma_wait3A_102 = tpu.memref_squeeze %dma_wait3A_101 : memref<1x400xi32, #tpu.memory_space<hbm>> -> memref<400xi32, #tpu.memory_space<hbm>>
      %dma_wait3A_103 = tpu.memref_slice %arg3[%run_scoped3A_3, %mul3A_2] : memref<3x320000xi32, #tpu.memory_space<hbm>> -> memref<1x400xi32, #tpu.memory_space<hbm>>
      %dma_wait3A_104 = tpu.memref_squeeze %dma_wait3A_103 : memref<1x400xi32, #tpu.memory_space<hbm>> -> memref<400xi32, #tpu.memory_space<hbm>>
      tpu.wait_dma2 semaphore(%run_scoped3A_96 : memref<!tpu.dma_semaphore, #tpu.memory_space<semaphore_mem>>) src(%dma_wait3A_104 : memref<400xi32, #tpu.memory_space<hbm>>) dst(%arg10 : memref<400xi32, #tpu.memory_space<vmem>>)
      tpu.yield
    }) : () -> ()
    %dma_start3A = arith.constant 0 : i32
    %dma_start3A_4 = arith.constant 0 : i32
    %dma_start3A_5 = arith.constant 0 : i32
    %dma_start3A_6 = tpu.memref_slice %arg4[%arg0, %dma_start3A, %dma_start3A_4, %dma_start3A_5] : memref<2x3x10000x64xf32, #tpu.memory_space<hbm>> -> memref<1x1x10000x64xf32, #tpu.memory_space<hbm>>
    %dma_start3A_7 = tpu.memref_squeeze %dma_start3A_6 : memref<1x1x10000x64xf32, #tpu.memory_space<hbm>> -> memref<10000x64xf32, #tpu.memory_space<hbm>>
    %dma_start3A_8 = arith.constant 0 : i32
    %dma_start3A_9 = arith.constant 0 : i32
    %dma_start3A_10 = tpu.memref_slice %dma_start3A_7[%dma_start3A_8, %dma_start3A_9] : memref<10000x64xf32, #tpu.memory_space<hbm>> -> memref<10000x64xf32, #tpu.memory_space<hbm>>
    tpu.enqueue_indirect_dma source(%dma_start3A_10 : memref<10000x64xf32, #tpu.memory_space<hbm>>) target(%arg12 : memref<400x64xf32, #tpu.memory_space<vmem>>) offsets(%arg8 : memref<400xi32, #tpu.memory_space<vmem>>) semaphore(%arg14 : memref<!tpu.dma_semaphore, #tpu.memory_space<semaphore_mem>>)
    %scan3A = arith.constant 0 : i32
    %scan3A_11 = arith.constant 0 : i32
    %scan3A_12 = arith.constant 24 : i32
    %scan3A_13 = arith.addi %scan3A_11, %scan3A_12 : i32
    %scan3A_14 = arith.constant 1 : i32
    scf.for %scan3A_96 = %scan3A_11 to %scan3A_13 step %scan3A_14  : i32 {
      %mul3A_97 = arith.constant 800 : i32
      %mul3A_98 = arith.muli %scan3A_96, %mul3A_97 : i32
      %add3A_99 = arith.constant 0 : i32
      %add3A_100 = arith.addi %add3A_99, %mul3A_98 : i32
      %add3A_101 = arith.addi %mul3A_2, %add3A_100 : i32
      %add3A_102 = arith.constant 400 : i32
      %add3A_103 = arith.addi %add3A_101, %add3A_102 : i32
      %run_scoped3A_104 = arith.constant 0 : i32
      "tpu.region"() ({
        %run_scoped3A_143 = tpu.sem_alloc : memref<!tpu.dma_semaphore, #tpu.memory_space<semaphore_mem>>
        %dma_start3A_144 = tpu.memref_slice %arg2[%run_scoped3A_104, %add3A_103] : memref<3x320000xi32, #tpu.memory_space<hbm>> -> memref<1x400xi32, #tpu.memory_space<hbm>>
        %dma_start3A_145 = tpu.memref_squeeze %dma_start3A_144 : memref<1x400xi32, #tpu.memory_space<hbm>> -> memref<400xi32, #tpu.memory_space<hbm>>
        %dma_start3A_146 = tpu.memref_slice %arg2[%run_scoped3A_104, %add3A_103] : memref<3x320000xi32, #tpu.memory_space<hbm>> -> memref<1x400xi32, #tpu.memory_space<hbm>>
        %dma_start3A_147 = tpu.memref_squeeze %dma_start3A_146 : memref<1x400xi32, #tpu.memory_space<hbm>> -> memref<400xi32, #tpu.memory_space<hbm>>
        tpu.enqueue_dma source(%dma_start3A_147 : memref<400xi32, #tpu.memory_space<hbm>>) target(%arg9 : memref<400xi32, #tpu.memory_space<vmem>>) target_semaphore(%run_scoped3A_143 : memref<!tpu.dma_semaphore, #tpu.memory_space<semaphore_mem>>)
        %dma_wait3A_148 = tpu.memref_slice %arg2[%run_scoped3A_104, %add3A_103] : memref<3x320000xi32, #tpu.memory_space<hbm>> -> memref<1x400xi32, #tpu.memory_space<hbm>>
        %dma_wait3A_149 = tpu.memref_squeeze %dma_wait3A_148 : memref<1x400xi32, #tpu.memory_space<hbm>> -> memref<400xi32, #tpu.memory_space<hbm>>
        %dma_wait3A_150 = tpu.memref_slice %arg2[%run_scoped3A_104, %add3A_103] : memref<3x320000xi32, #tpu.memory_space<hbm>> -> memref<1x400xi32, #tpu.memory_space<hbm>>
        %dma_wait3A_151 = tpu.memref_squeeze %dma_wait3A_150 : memref<1x400xi32, #tpu.memory_space<hbm>> -> memref<400xi32, #tpu.memory_space<hbm>>
        tpu.wait_dma2 semaphore(%run_scoped3A_143 : memref<!tpu.dma_semaphore, #tpu.memory_space<semaphore_mem>>) src(%dma_wait3A_151 : memref<400xi32, #tpu.memory_space<hbm>>) dst(%arg9 : memref<400xi32, #tpu.memory_space<vmem>>)
        tpu.yield
      }) : () -> ()
      %add3A_105 = arith.addi %mul3A_2, %add3A_100 : i32
      %add3A_106 = arith.constant 400 : i32
      %add3A_107 = arith.addi %add3A_105, %add3A_106 : i32
      %run_scoped3A_108 = arith.constant 0 : i32
      "tpu.region"() ({
        %run_scoped3A_143 = tpu.sem_alloc : memref<!tpu.dma_semaphore, #tpu.memory_space<semaphore_mem>>
        %dma_start3A_144 = tpu.memref_slice %arg3[%run_scoped3A_108, %add3A_107] : memref<3x320000xi32, #tpu.memory_space<hbm>> -> memref<1x400xi32, #tpu.memory_space<hbm>>
        %dma_start3A_145 = tpu.memref_squeeze %dma_start3A_144 : memref<1x400xi32, #tpu.memory_space<hbm>> -> memref<400xi32, #tpu.memory_space<hbm>>
        %dma_start3A_146 = tpu.memref_slice %arg3[%run_scoped3A_108, %add3A_107] : memref<3x320000xi32, #tpu.memory_space<hbm>> -> memref<1x400xi32, #tpu.memory_space<hbm>>
        %dma_start3A_147 = tpu.memref_squeeze %dma_start3A_146 : memref<1x400xi32, #tpu.memory_space<hbm>> -> memref<400xi32, #tpu.memory_space<hbm>>
        tpu.enqueue_dma source(%dma_start3A_147 : memref<400xi32, #tpu.memory_space<hbm>>) target(%arg11 : memref<400xi32, #tpu.memory_space<vmem>>) target_semaphore(%run_scoped3A_143 : memref<!tpu.dma_semaphore, #tpu.memory_space<semaphore_mem>>)
        %dma_wait3A_148 = tpu.memref_slice %arg3[%run_scoped3A_108, %add3A_107] : memref<3x320000xi32, #tpu.memory_space<hbm>> -> memref<1x400xi32, #tpu.memory_space<hbm>>
        %dma_wait3A_149 = tpu.memref_squeeze %dma_wait3A_148 : memref<1x400xi32, #tpu.memory_space<hbm>> -> memref<400xi32, #tpu.memory_space<hbm>>
        %dma_wait3A_150 = tpu.memref_slice %arg3[%run_scoped3A_108, %add3A_107] : memref<3x320000xi32, #tpu.memory_space<hbm>> -> memref<1x400xi32, #tpu.memory_space<hbm>>
        %dma_wait3A_151 = tpu.memref_squeeze %dma_wait3A_150 : memref<1x400xi32, #tpu.memory_space<hbm>> -> memref<400xi32, #tpu.memory_space<hbm>>
        tpu.wait_dma2 semaphore(%run_scoped3A_143 : memref<!tpu.dma_semaphore, #tpu.memory_space<semaphore_mem>>) src(%dma_wait3A_151 : memref<400xi32, #tpu.memory_space<hbm>>) dst(%arg11 : memref<400xi32, #tpu.memory_space<vmem>>)
        tpu.yield
      }) : () -> ()
      %dma_start3A_109 = arith.constant 0 : i32
      %dma_start3A_110 = arith.constant 0 : i32
      %dma_start3A_111 = tpu.memref_slice %arg4[%arg0, %scan3A, %dma_start3A_109, %dma_start3A_110] : memref<2x3x10000x64xf32, #tpu.memory_space<hbm>> -> memref<1x1x10000x64xf32, #tpu.memory_space<hbm>>
      %dma_start3A_112 = tpu.memref_squeeze %dma_start3A_111 : memref<1x1x10000x64xf32, #tpu.memory_space<hbm>> -> memref<10000x64xf32, #tpu.memory_space<hbm>>
      %dma_start3A_113 = arith.constant 0 : i32
      %dma_start3A_114 = arith.constant 0 : i32
      %dma_start3A_115 = tpu.memref_slice %dma_start3A_112[%dma_start3A_113, %dma_start3A_114] : memref<10000x64xf32, #tpu.memory_space<hbm>> -> memref<10000x64xf32, #tpu.memory_space<hbm>>
      tpu.enqueue_indirect_dma source(%dma_start3A_115 : memref<10000x64xf32, #tpu.memory_space<hbm>>) target(%arg13 : memref<400x64xf32, #tpu.memory_space<vmem>>) offsets(%arg9 : memref<400xi32, #tpu.memory_space<vmem>>) semaphore(%arg15 : memref<!tpu.dma_semaphore, #tpu.memory_space<semaphore_mem>>)
      %dma_wait3A_116 = arith.constant 0 : i32
      %dma_wait3A_117 = arith.constant 0 : i32
      %dma_wait3A_118 = tpu.memref_slice %arg4[%arg0, %scan3A, %dma_wait3A_116, %dma_wait3A_117] : memref<2x3x10000x64xf32, #tpu.memory_space<hbm>> -> memref<1x1x10000x64xf32, #tpu.memory_space<hbm>>
      %dma_wait3A_119 = tpu.memref_squeeze %dma_wait3A_118 : memref<1x1x10000x64xf32, #tpu.memory_space<hbm>> -> memref<10000x64xf32, #tpu.memory_space<hbm>>
      %dma_wait3A_120 = arith.constant 0 : i32
      %dma_wait3A_121 = arith.constant 0 : i32
      %dma_wait3A_122 = tpu.memref_slice %dma_wait3A_119[%dma_wait3A_120, %dma_wait3A_121] : memref<10000x64xf32, #tpu.memory_space<hbm>> -> memref<10000x64xf32, #tpu.memory_space<hbm>>
      tpu.wait_indirect_dma semaphore(%arg14 : memref<!tpu.dma_semaphore, #tpu.memory_space<semaphore_mem>>) src(%dma_wait3A_122 : memref<10000x64xf32, #tpu.memory_space<hbm>>) dst(%arg12 : memref<400x64xf32, #tpu.memory_space<vmem>>)
      "tpu.region"() ({
        %run_scoped3A_143 = tpu.sem_alloc : memref<!tpu.dma_semaphore, #tpu.memory_space<semaphore_mem>>
        %dma_start3A_144 = arith.constant 0 : i32
        %dma_start3A_145 = arith.constant 0 : i32
        %dma_start3A_146 = tpu.memref_slice %arg7[%dma_start3A_144, %dma_start3A_145] : memref<10000x64xf32, #tpu.memory_space<vmem_shared>> -> memref<10000x64xf32, #tpu.memory_space<vmem_shared>>
        tpu.enqueue_indirect_dma source(%arg12 : memref<400x64xf32, #tpu.memory_space<vmem>>) target(%dma_start3A_146 : memref<10000x64xf32, #tpu.memory_space<vmem_shared>>) offsets(%arg10 : memref<400xi32, #tpu.memory_space<vmem>>) semaphore(%run_scoped3A_143 : memref<!tpu.dma_semaphore, #tpu.memory_space<semaphore_mem>>) {add = true}
        %dma_wait3A_147 = arith.constant 0 : i32
        %dma_wait3A_148 = arith.constant 0 : i32
        %dma_wait3A_149 = tpu.memref_slice %arg7[%dma_wait3A_147, %dma_wait3A_148] : memref<10000x64xf32, #tpu.memory_space<vmem_shared>> -> memref<10000x64xf32, #tpu.memory_space<vmem_shared>>
        tpu.wait_indirect_dma semaphore(%run_scoped3A_143 : memref<!tpu.dma_semaphore, #tpu.memory_space<semaphore_mem>>) src(%arg12 : memref<400x64xf32, #tpu.memory_space<vmem>>) dst(%dma_wait3A_149 : memref<10000x64xf32, #tpu.memory_space<vmem_shared>>)
        tpu.yield
      }) : () -> ()
      %add3A_123 = arith.constant 800 : i32
      %add3A_124 = arith.addi %add3A_100, %add3A_123 : i32
      %add3A_125 = arith.addi %mul3A_2, %add3A_124 : i32
      %run_scoped3A_126 = arith.constant 0 : i32
      "tpu.region"() ({
        %run_scoped3A_143 = tpu.sem_alloc : memref<!tpu.dma_semaphore, #tpu.memory_space<semaphore_mem>>
        %dma_start3A_144 = tpu.memref_slice %arg2[%run_scoped3A_126, %add3A_125] : memref<3x320000xi32, #tpu.memory_space<hbm>> -> memref<1x400xi32, #tpu.memory_space<hbm>>
        %dma_start3A_145 = tpu.memref_squeeze %dma_start3A_144 : memref<1x400xi32, #tpu.memory_space<hbm>> -> memref<400xi32, #tpu.memory_space<hbm>>
        %dma_start3A_146 = tpu.memref_slice %arg2[%run_scoped3A_126, %add3A_125] : memref<3x320000xi32, #tpu.memory_space<hbm>> -> memref<1x400xi32, #tpu.memory_space<hbm>>
        %dma_start3A_147 = tpu.memref_squeeze %dma_start3A_146 : memref<1x400xi32, #tpu.memory_space<hbm>> -> memref<400xi32, #tpu.memory_space<hbm>>
        tpu.enqueue_dma source(%dma_start3A_147 : memref<400xi32, #tpu.memory_space<hbm>>) target(%arg8 : memref<400xi32, #tpu.memory_space<vmem>>) target_semaphore(%run_scoped3A_143 : memref<!tpu.dma_semaphore, #tpu.memory_space<semaphore_mem>>)
        %dma_wait3A_148 = tpu.memref_slice %arg2[%run_scoped3A_126, %add3A_125] : memref<3x320000xi32, #tpu.memory_space<hbm>> -> memref<1x400xi32, #tpu.memory_space<hbm>>
        %dma_wait3A_149 = tpu.memref_squeeze %dma_wait3A_148 : memref<1x400xi32, #tpu.memory_space<hbm>> -> memref<400xi32, #tpu.memory_space<hbm>>
        %dma_wait3A_150 = tpu.memref_slice %arg2[%run_scoped3A_126, %add3A_125] : memref<3x320000xi32, #tpu.memory_space<hbm>> -> memref<1x400xi32, #tpu.memory_space<hbm>>
        %dma_wait3A_151 = tpu.memref_squeeze %dma_wait3A_150 : memref<1x400xi32, #tpu.memory_space<hbm>> -> memref<400xi32, #tpu.memory_space<hbm>>
        tpu.wait_dma2 semaphore(%run_scoped3A_143 : memref<!tpu.dma_semaphore, #tpu.memory_space<semaphore_mem>>) src(%dma_wait3A_151 : memref<400xi32, #tpu.memory_space<hbm>>) dst(%arg8 : memref<400xi32, #tpu.memory_space<vmem>>)
        tpu.yield
      }) : () -> ()
      %add3A_127 = arith.addi %mul3A_2, %add3A_124 : i32
      %run_scoped3A_128 = arith.constant 0 : i32
      "tpu.region"() ({
        %run_scoped3A_143 = tpu.sem_alloc : memref<!tpu.dma_semaphore, #tpu.memory_space<semaphore_mem>>
        %dma_start3A_144 = tpu.memref_slice %arg3[%run_scoped3A_128, %add3A_127] : memref<3x320000xi32, #tpu.memory_space<hbm>> -> memref<1x400xi32, #tpu.memory_space<hbm>>
        %dma_start3A_145 = tpu.memref_squeeze %dma_start3A_144 : memref<1x400xi32, #tpu.memory_space<hbm>> -> memref<400xi32, #tpu.memory_space<hbm>>
        %dma_start3A_146 = tpu.memref_slice %arg3[%run_scoped3A_128, %add3A_127] : memref<3x320000xi32, #tpu.memory_space<hbm>> -> memref<1x400xi32, #tpu.memory_space<hbm>>
        %dma_start3A_147 = tpu.memref_squeeze %dma_start3A_146 : memref<1x400xi32, #tpu.memory_space<hbm>> -> memref<400xi32, #tpu.memory_space<hbm>>
        tpu.enqueue_dma source(%dma_start3A_147 : memref<400xi32, #tpu.memory_space<hbm>>) target(%arg10 : memref<400xi32, #tpu.memory_space<vmem>>) target_semaphore(%run_scoped3A_143 : memref<!tpu.dma_semaphore, #tpu.memory_space<semaphore_mem>>)
        %dma_wait3A_148 = tpu.memref_slice %arg3[%run_scoped3A_128, %add3A_127] : memref<3x320000xi32, #tpu.memory_space<hbm>> -> memref<1x400xi32, #tpu.memory_space<hbm>>
        %dma_wait3A_149 = tpu.memref_squeeze %dma_wait3A_148 : memref<1x400xi32, #tpu.memory_space<hbm>> -> memref<400xi32, #tpu.memory_space<hbm>>
        %dma_wait3A_150 = tpu.memref_slice %arg3[%run_scoped3A_128, %add3A_127] : memref<3x320000xi32, #tpu.memory_space<hbm>> -> memref<1x400xi32, #tpu.memory_space<hbm>>
        %dma_wait3A_151 = tpu.memref_squeeze %dma_wait3A_150 : memref<1x400xi32, #tpu.memory_space<hbm>> -> memref<400xi32, #tpu.memory_space<hbm>>
        tpu.wait_dma2 semaphore(%run_scoped3A_143 : memref<!tpu.dma_semaphore, #tpu.memory_space<semaphore_mem>>) src(%dma_wait3A_151 : memref<400xi32, #tpu.memory_space<hbm>>) dst(%arg10 : memref<400xi32, #tpu.memory_space<vmem>>)
        tpu.yield
      }) : () -> ()
      %dma_start3A_129 = arith.constant 0 : i32
      %dma_start3A_130 = arith.constant 0 : i32
      %dma_start3A_131 = tpu.memref_slice %arg4[%arg0, %scan3A, %dma_start3A_129, %dma_start3A_130] : memref<2x3x10000x64xf32, #tpu.memory_space<hbm>> -> memref<1x1x10000x64xf32, #tpu.memory_space<hbm>>
      %dma_start3A_132 = tpu.memref_squeeze %dma_start3A_131 : memref<1x1x10000x64xf32, #tpu.memory_space<hbm>> -> memref<10000x64xf32, #tpu.memory_space<hbm>>
      %dma_start3A_133 = arith.constant 0 : i32
      %dma_start3A_134 = arith.constant 0 : i32
      %dma_start3A_135 = tpu.memref_slice %dma_start3A_132[%dma_start3A_133, %dma_start3A_134] : memref<10000x64xf32, #tpu.memory_space<hbm>> -> memref<10000x64xf32, #tpu.memory_space<hbm>>
      tpu.enqueue_indirect_dma source(%dma_start3A_135 : memref<10000x64xf32, #tpu.memory_space<hbm>>) target(%arg12 : memref<400x64xf32, #tpu.memory_space<vmem>>) offsets(%arg8 : memref<400xi32, #tpu.memory_space<vmem>>) semaphore(%arg14 : memref<!tpu.dma_semaphore, #tpu.memory_space<semaphore_mem>>)
      %dma_wait3A_136 = arith.constant 0 : i32
      %dma_wait3A_137 = arith.constant 0 : i32
      %dma_wait3A_138 = tpu.memref_slice %arg4[%arg0, %scan3A, %dma_wait3A_136, %dma_wait3A_137] : memref<2x3x10000x64xf32, #tpu.memory_space<hbm>> -> memref<1x1x10000x64xf32, #tpu.memory_space<hbm>>
      %dma_wait3A_139 = tpu.memref_squeeze %dma_wait3A_138 : memref<1x1x10000x64xf32, #tpu.memory_space<hbm>> -> memref<10000x64xf32, #tpu.memory_space<hbm>>
      %dma_wait3A_140 = arith.constant 0 : i32
      %dma_wait3A_141 = arith.constant 0 : i32
      %dma_wait3A_142 = tpu.memref_slice %dma_wait3A_139[%dma_wait3A_140, %dma_wait3A_141] : memref<10000x64xf32, #tpu.memory_space<hbm>> -> memref<10000x64xf32, #tpu.memory_space<hbm>>
      tpu.wait_indirect_dma semaphore(%arg15 : memref<!tpu.dma_semaphore, #tpu.memory_space<semaphore_mem>>) src(%dma_wait3A_142 : memref<10000x64xf32, #tpu.memory_space<hbm>>) dst(%arg13 : memref<400x64xf32, #tpu.memory_space<vmem>>)
      "tpu.region"() ({
        %run_scoped3A_143 = tpu.sem_alloc : memref<!tpu.dma_semaphore, #tpu.memory_space<semaphore_mem>>
        %dma_start3A_144 = arith.constant 0 : i32
        %dma_start3A_145 = arith.constant 0 : i32
        %dma_start3A_146 = tpu.memref_slice %arg7[%dma_start3A_144, %dma_start3A_145] : memref<10000x64xf32, #tpu.memory_space<vmem_shared>> -> memref<10000x64xf32, #tpu.memory_space<vmem_shared>>
        tpu.enqueue_indirect_dma source(%arg13 : memref<400x64xf32, #tpu.memory_space<vmem>>) target(%dma_start3A_146 : memref<10000x64xf32, #tpu.memory_space<vmem_shared>>) offsets(%arg11 : memref<400xi32, #tpu.memory_space<vmem>>) semaphore(%run_scoped3A_143 : memref<!tpu.dma_semaphore, #tpu.memory_space<semaphore_mem>>) {add = true}
        %dma_wait3A_147 = arith.constant 0 : i32
        %dma_wait3A_148 = arith.constant 0 : i32
        %dma_wait3A_149 = tpu.memref_slice %arg7[%dma_wait3A_147, %dma_wait3A_148] : memref<10000x64xf32, #tpu.memory_space<vmem_shared>> -> memref<10000x64xf32, #tpu.memory_space<vmem_shared>>
        tpu.wait_indirect_dma semaphore(%run_scoped3A_143 : memref<!tpu.dma_semaphore, #tpu.memory_space<semaphore_mem>>) src(%arg13 : memref<400x64xf32, #tpu.memory_space<vmem>>) dst(%dma_wait3A_149 : memref<10000x64xf32, #tpu.memory_space<vmem_shared>>)
        tpu.yield
      }) : () -> ()
    }
    %scan3A_15 = arith.constant 24 : i32
    %dma_wait3A = arith.constant 0 : i32
    %dma_wait3A_16 = arith.constant 0 : i32
    %dma_wait3A_17 = arith.constant 0 : i32
    %dma_wait3A_18 = tpu.memref_slice %arg4[%arg0, %dma_wait3A, %dma_wait3A_16, %dma_wait3A_17] : memref<2x3x10000x64xf32, #tpu.memory_space<hbm>> -> memref<1x1x10000x64xf32, #tpu.memory_space<hbm>>
    %dma_wait3A_19 = tpu.memref_squeeze %dma_wait3A_18 : memref<1x1x10000x64xf32, #tpu.memory_space<hbm>> -> memref<10000x64xf32, #tpu.memory_space<hbm>>
    %dma_wait3A_20 = arith.constant 0 : i32
    %dma_wait3A_21 = arith.constant 0 : i32
    %dma_wait3A_22 = tpu.memref_slice %dma_wait3A_19[%dma_wait3A_20, %dma_wait3A_21] : memref<10000x64xf32, #tpu.memory_space<hbm>> -> memref<10000x64xf32, #tpu.memory_space<hbm>>
    tpu.wait_indirect_dma semaphore(%arg14 : memref<!tpu.dma_semaphore, #tpu.memory_space<semaphore_mem>>) src(%dma_wait3A_22 : memref<10000x64xf32, #tpu.memory_space<hbm>>) dst(%arg12 : memref<400x64xf32, #tpu.memory_space<vmem>>)
    "tpu.region"() ({
      %run_scoped3A_96 = tpu.sem_alloc : memref<!tpu.dma_semaphore, #tpu.memory_space<semaphore_mem>>
      %dma_start3A_97 = arith.constant 0 : i32
      %dma_start3A_98 = arith.constant 0 : i32
      %dma_start3A_99 = tpu.memref_slice %arg7[%dma_start3A_97, %dma_start3A_98] : memref<10000x64xf32, #tpu.memory_space<vmem_shared>> -> memref<10000x64xf32, #tpu.memory_space<vmem_shared>>
      tpu.enqueue_indirect_dma source(%arg12 : memref<400x64xf32, #tpu.memory_space<vmem>>) target(%dma_start3A_99 : memref<10000x64xf32, #tpu.memory_space<vmem_shared>>) offsets(%arg10 : memref<400xi32, #tpu.memory_space<vmem>>) semaphore(%run_scoped3A_96 : memref<!tpu.dma_semaphore, #tpu.memory_space<semaphore_mem>>) {add = true}
      %dma_wait3A_100 = arith.constant 0 : i32
      %dma_wait3A_101 = arith.constant 0 : i32
      %dma_wait3A_102 = tpu.memref_slice %arg7[%dma_wait3A_100, %dma_wait3A_101] : memref<10000x64xf32, #tpu.memory_space<vmem_shared>> -> memref<10000x64xf32, #tpu.memory_space<vmem_shared>>
      tpu.wait_indirect_dma semaphore(%run_scoped3A_96 : memref<!tpu.dma_semaphore, #tpu.memory_space<semaphore_mem>>) src(%arg12 : memref<400x64xf32, #tpu.memory_space<vmem>>) dst(%dma_wait3A_102 : memref<10000x64xf32, #tpu.memory_space<vmem_shared>>)
      tpu.yield
    }) : () -> ()
    %add3A = arith.constant 19600 : i32
    %add3A_23 = arith.addi %mul3A_2, %add3A : i32
    %run_scoped3A_24 = arith.constant 0 : i32
    "tpu.region"() ({
      %run_scoped3A_96 = tpu.sem_alloc : memref<!tpu.dma_semaphore, #tpu.memory_space<semaphore_mem>>
      %dma_start3A_97 = tpu.memref_slice %arg2[%run_scoped3A_24, %add3A_23] : memref<3x320000xi32, #tpu.memory_space<hbm>> -> memref<1x400xi32, #tpu.memory_space<hbm>>
      %dma_start3A_98 = tpu.memref_squeeze %dma_start3A_97 : memref<1x400xi32, #tpu.memory_space<hbm>> -> memref<400xi32, #tpu.memory_space<hbm>>
      %dma_start3A_99 = tpu.memref_slice %arg2[%run_scoped3A_24, %add3A_23] : memref<3x320000xi32, #tpu.memory_space<hbm>> -> memref<1x400xi32, #tpu.memory_space<hbm>>
      %dma_start3A_100 = tpu.memref_squeeze %dma_start3A_99 : memref<1x400xi32, #tpu.memory_space<hbm>> -> memref<400xi32, #tpu.memory_space<hbm>>
      tpu.enqueue_dma source(%dma_start3A_100 : memref<400xi32, #tpu.memory_space<hbm>>) target(%arg9 : memref<400xi32, #tpu.memory_space<vmem>>) target_semaphore(%run_scoped3A_96 : memref<!tpu.dma_semaphore, #tpu.memory_space<semaphore_mem>>)
      %dma_wait3A_101 = tpu.memref_slice %arg2[%run_scoped3A_24, %add3A_23] : memref<3x320000xi32, #tpu.memory_space<hbm>> -> memref<1x400xi32, #tpu.memory_space<hbm>>
      %dma_wait3A_102 = tpu.memref_squeeze %dma_wait3A_101 : memref<1x400xi32, #tpu.memory_space<hbm>> -> memref<400xi32, #tpu.memory_space<hbm>>
      %dma_wait3A_103 = tpu.memref_slice %arg2[%run_scoped3A_24, %add3A_23] : memref<3x320000xi32, #tpu.memory_space<hbm>> -> memref<1x400xi32, #tpu.memory_space<hbm>>
      %dma_wait3A_104 = tpu.memref_squeeze %dma_wait3A_103 : memref<1x400xi32, #tpu.memory_space<hbm>> -> memref<400xi32, #tpu.memory_space<hbm>>
      tpu.wait_dma2 semaphore(%run_scoped3A_96 : memref<!tpu.dma_semaphore, #tpu.memory_space<semaphore_mem>>) src(%dma_wait3A_104 : memref<400xi32, #tpu.memory_space<hbm>>) dst(%arg9 : memref<400xi32, #tpu.memory_space<vmem>>)
      tpu.yield
    }) : () -> ()
    %run_scoped3A_25 = arith.constant 0 : i32
    "tpu.region"() ({
      %run_scoped3A_96 = tpu.sem_alloc : memref<!tpu.dma_semaphore, #tpu.memory_space<semaphore_mem>>
      %dma_start3A_97 = tpu.memref_slice %arg3[%run_scoped3A_25, %add3A_23] : memref<3x320000xi32, #tpu.memory_space<hbm>> -> memref<1x400xi32, #tpu.memory_space<hbm>>
      %dma_start3A_98 = tpu.memref_squeeze %dma_start3A_97 : memref<1x400xi32, #tpu.memory_space<hbm>> -> memref<400xi32, #tpu.memory_space<hbm>>
      %dma_start3A_99 = tpu.memref_slice %arg3[%run_scoped3A_25, %add3A_23] : memref<3x320000xi32, #tpu.memory_space<hbm>> -> memref<1x400xi32, #tpu.memory_space<hbm>>
      %dma_start3A_100 = tpu.memref_squeeze %dma_start3A_99 : memref<1x400xi32, #tpu.memory_space<hbm>> -> memref<400xi32, #tpu.memory_space<hbm>>
      tpu.enqueue_dma source(%dma_start3A_100 : memref<400xi32, #tpu.memory_space<hbm>>) target(%arg11 : memref<400xi32, #tpu.memory_space<vmem>>) target_semaphore(%run_scoped3A_96 : memref<!tpu.dma_semaphore, #tpu.memory_space<semaphore_mem>>)
      %dma_wait3A_101 = tpu.memref_slice %arg3[%run_scoped3A_25, %add3A_23] : memref<3x320000xi32, #tpu.memory_space<hbm>> -> memref<1x400xi32, #tpu.memory_space<hbm>>
      %dma_wait3A_102 = tpu.memref_squeeze %dma_wait3A_101 : memref<1x400xi32, #tpu.memory_space<hbm>> -> memref<400xi32, #tpu.memory_space<hbm>>
      %dma_wait3A_103 = tpu.memref_slice %arg3[%run_scoped3A_25, %add3A_23] : memref<3x320000xi32, #tpu.memory_space<hbm>> -> memref<1x400xi32, #tpu.memory_space<hbm>>
      %dma_wait3A_104 = tpu.memref_squeeze %dma_wait3A_103 : memref<1x400xi32, #tpu.memory_space<hbm>> -> memref<400xi32, #tpu.memory_space<hbm>>
      tpu.wait_dma2 semaphore(%run_scoped3A_96 : memref<!tpu.dma_semaphore, #tpu.memory_space<semaphore_mem>>) src(%dma_wait3A_104 : memref<400xi32, #tpu.memory_space<hbm>>) dst(%arg11 : memref<400xi32, #tpu.memory_space<vmem>>)
      tpu.yield
    }) : () -> ()
    %run_scoped3A_26 = arith.constant 0 : i32
    "tpu.region"() ({
      %run_scoped3A_96 = tpu.sem_alloc : memref<!tpu.dma_semaphore, #tpu.memory_space<semaphore_mem>>
      %dma_start3A_97 = arith.constant 0 : i32
      %dma_start3A_98 = arith.constant 0 : i32
      %dma_start3A_99 = tpu.memref_slice %arg4[%arg0, %run_scoped3A_26, %dma_start3A_97, %dma_start3A_98] : memref<2x3x10000x64xf32, #tpu.memory_space<hbm>> -> memref<1x1x10000x64xf32, #tpu.memory_space<hbm>>
      %dma_start3A_100 = tpu.memref_squeeze %dma_start3A_99 : memref<1x1x10000x64xf32, #tpu.memory_space<hbm>> -> memref<10000x64xf32, #tpu.memory_space<hbm>>
      %dma_start3A_101 = arith.constant 0 : i32
      %dma_start3A_102 = arith.constant 0 : i32
      %dma_start3A_103 = tpu.memref_slice %dma_start3A_100[%dma_start3A_101, %dma_start3A_102] : memref<10000x64xf32, #tpu.memory_space<hbm>> -> memref<10000x64xf32, #tpu.memory_space<hbm>>
      tpu.enqueue_indirect_dma source(%dma_start3A_103 : memref<10000x64xf32, #tpu.memory_space<hbm>>) target(%arg13 : memref<400x64xf32, #tpu.memory_space<vmem>>) offsets(%arg9 : memref<400xi32, #tpu.memory_space<vmem>>) semaphore(%run_scoped3A_96 : memref<!tpu.dma_semaphore, #tpu.memory_space<semaphore_mem>>)
      %dma_wait3A_104 = arith.constant 0 : i32
      %dma_wait3A_105 = arith.constant 0 : i32
      %dma_wait3A_106 = tpu.memref_slice %arg4[%arg0, %run_scoped3A_26, %dma_wait3A_104, %dma_wait3A_105] : memref<2x3x10000x64xf32, #tpu.memory_space<hbm>> -> memref<1x1x10000x64xf32, #tpu.memory_space<hbm>>
      %dma_wait3A_107 = tpu.memref_squeeze %dma_wait3A_106 : memref<1x1x10000x64xf32, #tpu.memory_space<hbm>> -> memref<10000x64xf32, #tpu.memory_space<hbm>>
      %dma_wait3A_108 = arith.constant 0 : i32
      %dma_wait3A_109 = arith.constant 0 : i32
      %dma_wait3A_110 = tpu.memref_slice %dma_wait3A_107[%dma_wait3A_108, %dma_wait3A_109] : memref<10000x64xf32, #tpu.memory_space<hbm>> -> memref<10000x64xf32, #tpu.memory_space<hbm>>
      tpu.wait_indirect_dma semaphore(%run_scoped3A_96 : memref<!tpu.dma_semaphore, #tpu.memory_space<semaphore_mem>>) src(%dma_wait3A_110 : memref<10000x64xf32, #tpu.memory_space<hbm>>) dst(%arg13 : memref<400x64xf32, #tpu.memory_space<vmem>>)
      tpu.yield
    }) : () -> ()
    "tpu.region"() ({
      %run_scoped3A_96 = tpu.sem_alloc : memref<!tpu.dma_semaphore, #tpu.memory_space<semaphore_mem>>
      %dma_start3A_97 = arith.constant 0 : i32
      %dma_start3A_98 = arith.constant 0 : i32
      %dma_start3A_99 = tpu.memref_slice %arg7[%dma_start3A_97, %dma_start3A_98] : memref<10000x64xf32, #tpu.memory_space<vmem_shared>> -> memref<10000x64xf32, #tpu.memory_space<vmem_shared>>
      tpu.enqueue_indirect_dma source(%arg13 : memref<400x64xf32, #tpu.memory_space<vmem>>) target(%dma_start3A_99 : memref<10000x64xf32, #tpu.memory_space<vmem_shared>>) offsets(%arg11 : memref<400xi32, #tpu.memory_space<vmem>>) semaphore(%run_scoped3A_96 : memref<!tpu.dma_semaphore, #tpu.memory_space<semaphore_mem>>) {add = true}
      %dma_wait3A_100 = arith.constant 0 : i32
      %dma_wait3A_101 = arith.constant 0 : i32
      %dma_wait3A_102 = tpu.memref_slice %arg7[%dma_wait3A_100, %dma_wait3A_101] : memref<10000x64xf32, #tpu.memory_space<vmem_shared>> -> memref<10000x64xf32, #tpu.memory_space<vmem_shared>>
      tpu.wait_indirect_dma semaphore(%run_scoped3A_96 : memref<!tpu.dma_semaphore, #tpu.memory_space<semaphore_mem>>) src(%arg13 : memref<400x64xf32, #tpu.memory_space<vmem>>) dst(%dma_wait3A_102 : memref<10000x64xf32, #tpu.memory_space<vmem_shared>>)
      tpu.yield
    }) : () -> ()
    %barrier3A_27 = arith.constant 0 : index
    tpu.barrier barrier_id(%barrier3A_27)
    %run_scoped3A_28 = arith.constant 0 : i32
    "tpu.region"() ({
      %run_scoped3A_96 = tpu.sem_alloc : memref<!tpu.dma_semaphore, #tpu.memory_space<semaphore_mem>>
      %dma_start3A_97 = arith.constant 0 : i32
      %dma_start3A_98 = arith.constant 0 : i32
      %dma_start3A_99 = tpu.memref_slice %arg6[%arg0, %run_scoped3A_28, %dma_start3A_97, %dma_start3A_98] : memref<2x3x10000x64xf32, #tpu.memory_space<hbm>> -> memref<1x1x10000x64xf32, #tpu.memory_space<hbm>>
      %dma_start3A_100 = tpu.memref_squeeze %dma_start3A_99 : memref<1x1x10000x64xf32, #tpu.memory_space<hbm>> -> memref<10000x64xf32, #tpu.memory_space<hbm>>
      %dma_start3A_101 = arith.constant 0 : i32
      %dma_start3A_102 = tpu.memref_slice %dma_start3A_100[%mul3A_0, %dma_start3A_101] : memref<10000x64xf32, #tpu.memory_space<hbm>> -> memref<625x64xf32, #tpu.memory_space<hbm>>
      %dma_start3A_103 = arith.constant 0 : i32
      %dma_start3A_104 = tpu.memref_slice %arg7[%mul3A_0, %dma_start3A_103] : memref<10000x64xf32, #tpu.memory_space<vmem_shared>> -> memref<625x64xf32, #tpu.memory_space<vmem_shared>>
      tpu.enqueue_dma source(%dma_start3A_104 : memref<625x64xf32, #tpu.memory_space<vmem_shared>>) target(%dma_start3A_102 : memref<625x64xf32, #tpu.memory_space<hbm>>) target_semaphore(%run_scoped3A_96 : memref<!tpu.dma_semaphore, #tpu.memory_space<semaphore_mem>>)
      %dma_wait3A_105 = arith.constant 0 : i32
      %dma_wait3A_106 = arith.constant 0 : i32
      %dma_wait3A_107 = tpu.memref_slice %arg6[%arg0, %run_scoped3A_28, %dma_wait3A_105, %dma_wait3A_106] : memref<2x3x10000x64xf32, #tpu.memory_space<hbm>> -> memref<1x1x10000x64xf32, #tpu.memory_space<hbm>>
      %dma_wait3A_108 = tpu.memref_squeeze %dma_wait3A_107 : memref<1x1x10000x64xf32, #tpu.memory_space<hbm>> -> memref<10000x64xf32, #tpu.memory_space<hbm>>
      %dma_wait3A_109 = arith.constant 0 : i32
      %dma_wait3A_110 = tpu.memref_slice %dma_wait3A_108[%mul3A_0, %dma_wait3A_109] : memref<10000x64xf32, #tpu.memory_space<hbm>> -> memref<625x64xf32, #tpu.memory_space<hbm>>
      %dma_wait3A_111 = arith.constant 0 : i32
      %dma_wait3A_112 = tpu.memref_slice %arg7[%mul3A_0, %dma_wait3A_111] : memref<10000x64xf32, #tpu.memory_space<vmem_shared>> -> memref<625x64xf32, #tpu.memory_space<vmem_shared>>
      tpu.wait_dma2 semaphore(%run_scoped3A_96 : memref<!tpu.dma_semaphore, #tpu.memory_space<semaphore_mem>>) src(%dma_wait3A_112 : memref<625x64xf32, #tpu.memory_space<vmem_shared>>) dst(%dma_wait3A_110 : memref<625x64xf32, #tpu.memory_space<hbm>>)
      tpu.yield
    }) : () -> ()
    %barrier3A_29 = arith.constant 0 : index
    tpu.barrier barrier_id(%barrier3A_29)
    "tpu.region"() ({
      %run_scoped3A_96 = tpu.sem_alloc : memref<!tpu.dma_semaphore, #tpu.memory_space<semaphore_mem>>
      %dma_start3A_97 = arith.constant 0 : i32
      %dma_start3A_98 = tpu.memref_slice %arg7[%mul3A_0, %dma_start3A_97] : memref<10000x64xf32, #tpu.memory_space<vmem_shared>> -> memref<625x64xf32, #tpu.memory_space<vmem_shared>>
      %dma_start3A_99 = arith.constant 0 : i32
      %dma_start3A_100 = tpu.memref_slice %arg5[%mul3A_0, %dma_start3A_99] : memref<10000x64xf32, #tpu.memory_space<hbm>> -> memref<625x64xf32, #tpu.memory_space<hbm>>
      tpu.enqueue_dma source(%dma_start3A_100 : memref<625x64xf32, #tpu.memory_space<hbm>>) target(%dma_start3A_98 : memref<625x64xf32, #tpu.memory_space<vmem_shared>>) target_semaphore(%run_scoped3A_96 : memref<!tpu.dma_semaphore, #tpu.memory_space<semaphore_mem>>)
      %dma_wait3A_101 = arith.constant 0 : i32
      %dma_wait3A_102 = tpu.memref_slice %arg7[%mul3A_0, %dma_wait3A_101] : memref<10000x64xf32, #tpu.memory_space<vmem_shared>> -> memref<625x64xf32, #tpu.memory_space<vmem_shared>>
      %dma_wait3A_103 = arith.constant 0 : i32
      %dma_wait3A_104 = tpu.memref_slice %arg5[%mul3A_0, %dma_wait3A_103] : memref<10000x64xf32, #tpu.memory_space<hbm>> -> memref<625x64xf32, #tpu.memory_space<hbm>>
      tpu.wait_dma2 semaphore(%run_scoped3A_96 : memref<!tpu.dma_semaphore, #tpu.memory_space<semaphore_mem>>) src(%dma_wait3A_104 : memref<625x64xf32, #tpu.memory_space<hbm>>) dst(%dma_wait3A_102 : memref<625x64xf32, #tpu.memory_space<vmem_shared>>)
      tpu.yield
    }) : () -> ()
    %barrier3A_30 = arith.constant 0 : index
    tpu.barrier barrier_id(%barrier3A_30)
    %run_scoped3A_31 = arith.constant 1 : i32
    "tpu.region"() ({
      %run_scoped3A_96 = tpu.sem_alloc : memref<!tpu.dma_semaphore, #tpu.memory_space<semaphore_mem>>
      %dma_start3A_97 = tpu.memref_slice %arg2[%run_scoped3A_31, %mul3A_2] : memref<3x320000xi32, #tpu.memory_space<hbm>> -> memref<1x400xi32, #tpu.memory_space<hbm>>
      %dma_start3A_98 = tpu.memref_squeeze %dma_start3A_97 : memref<1x400xi32, #tpu.memory_space<hbm>> -> memref<400xi32, #tpu.memory_space<hbm>>
      %dma_start3A_99 = tpu.memref_slice %arg2[%run_scoped3A_31, %mul3A_2] : memref<3x320000xi32, #tpu.memory_space<hbm>> -> memref<1x400xi32, #tpu.memory_space<hbm>>
      %dma_start3A_100 = tpu.memref_squeeze %dma_start3A_99 : memref<1x400xi32, #tpu.memory_space<hbm>> -> memref<400xi32, #tpu.memory_space<hbm>>
      tpu.enqueue_dma source(%dma_start3A_100 : memref<400xi32, #tpu.memory_space<hbm>>) target(%arg8 : memref<400xi32, #tpu.memory_space<vmem>>) target_semaphore(%run_scoped3A_96 : memref<!tpu.dma_semaphore, #tpu.memory_space<semaphore_mem>>)
      %dma_wait3A_101 = tpu.memref_slice %arg2[%run_scoped3A_31, %mul3A_2] : memref<3x320000xi32, #tpu.memory_space<hbm>> -> memref<1x400xi32, #tpu.memory_space<hbm>>
      %dma_wait3A_102 = tpu.memref_squeeze %dma_wait3A_101 : memref<1x400xi32, #tpu.memory_space<hbm>> -> memref<400xi32, #tpu.memory_space<hbm>>
      %dma_wait3A_103 = tpu.memref_slice %arg2[%run_scoped3A_31, %mul3A_2] : memref<3x320000xi32, #tpu.memory_space<hbm>> -> memref<1x400xi32, #tpu.memory_space<hbm>>
      %dma_wait3A_104 = tpu.memref_squeeze %dma_wait3A_103 : memref<1x400xi32, #tpu.memory_space<hbm>> -> memref<400xi32, #tpu.memory_space<hbm>>
      tpu.wait_dma2 semaphore(%run_scoped3A_96 : memref<!tpu.dma_semaphore, #tpu.memory_space<semaphore_mem>>) src(%dma_wait3A_104 : memref<400xi32, #tpu.memory_space<hbm>>) dst(%arg8 : memref<400xi32, #tpu.memory_space<vmem>>)
      tpu.yield
    }) : () -> ()
    %run_scoped3A_32 = arith.constant 1 : i32
    "tpu.region"() ({
      %run_scoped3A_96 = tpu.sem_alloc : memref<!tpu.dma_semaphore, #tpu.memory_space<semaphore_mem>>
      %dma_start3A_97 = tpu.memref_slice %arg3[%run_scoped3A_32, %mul3A_2] : memref<3x320000xi32, #tpu.memory_space<hbm>> -> memref<1x400xi32, #tpu.memory_space<hbm>>
      %dma_start3A_98 = tpu.memref_squeeze %dma_start3A_97 : memref<1x400xi32, #tpu.memory_space<hbm>> -> memref<400xi32, #tpu.memory_space<hbm>>
      %dma_start3A_99 = tpu.memref_slice %arg3[%run_scoped3A_32, %mul3A_2] : memref<3x320000xi32, #tpu.memory_space<hbm>> -> memref<1x400xi32, #tpu.memory_space<hbm>>
      %dma_start3A_100 = tpu.memref_squeeze %dma_start3A_99 : memref<1x400xi32, #tpu.memory_space<hbm>> -> memref<400xi32, #tpu.memory_space<hbm>>
      tpu.enqueue_dma source(%dma_start3A_100 : memref<400xi32, #tpu.memory_space<hbm>>) target(%arg10 : memref<400xi32, #tpu.memory_space<vmem>>) target_semaphore(%run_scoped3A_96 : memref<!tpu.dma_semaphore, #tpu.memory_space<semaphore_mem>>)
      %dma_wait3A_101 = tpu.memref_slice %arg3[%run_scoped3A_32, %mul3A_2] : memref<3x320000xi32, #tpu.memory_space<hbm>> -> memref<1x400xi32, #tpu.memory_space<hbm>>
      %dma_wait3A_102 = tpu.memref_squeeze %dma_wait3A_101 : memref<1x400xi32, #tpu.memory_space<hbm>> -> memref<400xi32, #tpu.memory_space<hbm>>
      %dma_wait3A_103 = tpu.memref_slice %arg3[%run_scoped3A_32, %mul3A_2] : memref<3x320000xi32, #tpu.memory_space<hbm>> -> memref<1x400xi32, #tpu.memory_space<hbm>>
      %dma_wait3A_104 = tpu.memref_squeeze %dma_wait3A_103 : memref<1x400xi32, #tpu.memory_space<hbm>> -> memref<400xi32, #tpu.memory_space<hbm>>
      tpu.wait_dma2 semaphore(%run_scoped3A_96 : memref<!tpu.dma_semaphore, #tpu.memory_space<semaphore_mem>>) src(%dma_wait3A_104 : memref<400xi32, #tpu.memory_space<hbm>>) dst(%arg10 : memref<400xi32, #tpu.memory_space<vmem>>)
      tpu.yield
    }) : () -> ()
    %dma_start3A_33 = arith.constant 1 : i32
    %dma_start3A_34 = arith.constant 0 : i32
    %dma_start3A_35 = arith.constant 0 : i32
    %dma_start3A_36 = tpu.memref_slice %arg4[%arg0, %dma_start3A_33, %dma_start3A_34, %dma_start3A_35] : memref<2x3x10000x64xf32, #tpu.memory_space<hbm>> -> memref<1x1x10000x64xf32, #tpu.memory_space<hbm>>
    %dma_start3A_37 = tpu.memref_squeeze %dma_start3A_36 : memref<1x1x10000x64xf32, #tpu.memory_space<hbm>> -> memref<10000x64xf32, #tpu.memory_space<hbm>>
    %dma_start3A_38 = arith.constant 0 : i32
    %dma_start3A_39 = arith.constant 0 : i32
    %dma_start3A_40 = tpu.memref_slice %dma_start3A_37[%dma_start3A_38, %dma_start3A_39] : memref<10000x64xf32, #tpu.memory_space<hbm>> -> memref<10000x64xf32, #tpu.memory_space<hbm>>
    tpu.enqueue_indirect_dma source(%dma_start3A_40 : memref<10000x64xf32, #tpu.memory_space<hbm>>) target(%arg12 : memref<400x64xf32, #tpu.memory_space<vmem>>) offsets(%arg8 : memref<400xi32, #tpu.memory_space<vmem>>) semaphore(%arg14 : memref<!tpu.dma_semaphore, #tpu.memory_space<semaphore_mem>>)
    %scan3A_41 = arith.constant 1 : i32
    %scan3A_42 = arith.constant 0 : i32
    %scan3A_43 = arith.constant 24 : i32
    %scan3A_44 = arith.addi %scan3A_42, %scan3A_43 : i32
    %scan3A_45 = arith.constant 1 : i32
    scf.for %scan3A_96 = %scan3A_42 to %scan3A_44 step %scan3A_45  : i32 {
      %mul3A_97 = arith.constant 800 : i32
      %mul3A_98 = arith.muli %scan3A_96, %mul3A_97 : i32
      %add3A_99 = arith.constant 0 : i32
      %add3A_100 = arith.addi %add3A_99, %mul3A_98 : i32
      %add3A_101 = arith.addi %mul3A_2, %add3A_100 : i32
      %add3A_102 = arith.constant 400 : i32
      %add3A_103 = arith.addi %add3A_101, %add3A_102 : i32
      %run_scoped3A_104 = arith.constant 1 : i32
      "tpu.region"() ({
        %run_scoped3A_143 = tpu.sem_alloc : memref<!tpu.dma_semaphore, #tpu.memory_space<semaphore_mem>>
        %dma_start3A_144 = tpu.memref_slice %arg2[%run_scoped3A_104, %add3A_103] : memref<3x320000xi32, #tpu.memory_space<hbm>> -> memref<1x400xi32, #tpu.memory_space<hbm>>
        %dma_start3A_145 = tpu.memref_squeeze %dma_start3A_144 : memref<1x400xi32, #tpu.memory_space<hbm>> -> memref<400xi32, #tpu.memory_space<hbm>>
        %dma_start3A_146 = tpu.memref_slice %arg2[%run_scoped3A_104, %add3A_103] : memref<3x320000xi32, #tpu.memory_space<hbm>> -> memref<1x400xi32, #tpu.memory_space<hbm>>
        %dma_start3A_147 = tpu.memref_squeeze %dma_start3A_146 : memref<1x400xi32, #tpu.memory_space<hbm>> -> memref<400xi32, #tpu.memory_space<hbm>>
        tpu.enqueue_dma source(%dma_start3A_147 : memref<400xi32, #tpu.memory_space<hbm>>) target(%arg9 : memref<400xi32, #tpu.memory_space<vmem>>) target_semaphore(%run_scoped3A_143 : memref<!tpu.dma_semaphore, #tpu.memory_space<semaphore_mem>>)
        %dma_wait3A_148 = tpu.memref_slice %arg2[%run_scoped3A_104, %add3A_103] : memref<3x320000xi32, #tpu.memory_space<hbm>> -> memref<1x400xi32, #tpu.memory_space<hbm>>
        %dma_wait3A_149 = tpu.memref_squeeze %dma_wait3A_148 : memref<1x400xi32, #tpu.memory_space<hbm>> -> memref<400xi32, #tpu.memory_space<hbm>>
        %dma_wait3A_150 = tpu.memref_slice %arg2[%run_scoped3A_104, %add3A_103] : memref<3x320000xi32, #tpu.memory_space<hbm>> -> memref<1x400xi32, #tpu.memory_space<hbm>>
        %dma_wait3A_151 = tpu.memref_squeeze %dma_wait3A_150 : memref<1x400xi32, #tpu.memory_space<hbm>> -> memref<400xi32, #tpu.memory_space<hbm>>
        tpu.wait_dma2 semaphore(%run_scoped3A_143 : memref<!tpu.dma_semaphore, #tpu.memory_space<semaphore_mem>>) src(%dma_wait3A_151 : memref<400xi32, #tpu.memory_space<hbm>>) dst(%arg9 : memref<400xi32, #tpu.memory_space<vmem>>)
        tpu.yield
      }) : () -> ()
      %add3A_105 = arith.addi %mul3A_2, %add3A_100 : i32
      %add3A_106 = arith.constant 400 : i32
      %add3A_107 = arith.addi %add3A_105, %add3A_106 : i32
      %run_scoped3A_108 = arith.constant 1 : i32
      "tpu.region"() ({
        %run_scoped3A_143 = tpu.sem_alloc : memref<!tpu.dma_semaphore, #tpu.memory_space<semaphore_mem>>
        %dma_start3A_144 = tpu.memref_slice %arg3[%run_scoped3A_108, %add3A_107] : memref<3x320000xi32, #tpu.memory_space<hbm>> -> memref<1x400xi32, #tpu.memory_space<hbm>>
        %dma_start3A_145 = tpu.memref_squeeze %dma_start3A_144 : memref<1x400xi32, #tpu.memory_space<hbm>> -> memref<400xi32, #tpu.memory_space<hbm>>
        %dma_start3A_146 = tpu.memref_slice %arg3[%run_scoped3A_108, %add3A_107] : memref<3x320000xi32, #tpu.memory_space<hbm>> -> memref<1x400xi32, #tpu.memory_space<hbm>>
        %dma_start3A_147 = tpu.memref_squeeze %dma_start3A_146 : memref<1x400xi32, #tpu.memory_space<hbm>> -> memref<400xi32, #tpu.memory_space<hbm>>
        tpu.enqueue_dma source(%dma_start3A_147 : memref<400xi32, #tpu.memory_space<hbm>>) target(%arg11 : memref<400xi32, #tpu.memory_space<vmem>>) target_semaphore(%run_scoped3A_143 : memref<!tpu.dma_semaphore, #tpu.memory_space<semaphore_mem>>)
        %dma_wait3A_148 = tpu.memref_slice %arg3[%run_scoped3A_108, %add3A_107] : memref<3x320000xi32, #tpu.memory_space<hbm>> -> memref<1x400xi32, #tpu.memory_space<hbm>>
        %dma_wait3A_149 = tpu.memref_squeeze %dma_wait3A_148 : memref<1x400xi32, #tpu.memory_space<hbm>> -> memref<400xi32, #tpu.memory_space<hbm>>
        %dma_wait3A_150 = tpu.memref_slice %arg3[%run_scoped3A_108, %add3A_107] : memref<3x320000xi32, #tpu.memory_space<hbm>> -> memref<1x400xi32, #tpu.memory_space<hbm>>
        %dma_wait3A_151 = tpu.memref_squeeze %dma_wait3A_150 : memref<1x400xi32, #tpu.memory_space<hbm>> -> memref<400xi32, #tpu.memory_space<hbm>>
        tpu.wait_dma2 semaphore(%run_scoped3A_143 : memref<!tpu.dma_semaphore, #tpu.memory_space<semaphore_mem>>) src(%dma_wait3A_151 : memref<400xi32, #tpu.memory_space<hbm>>) dst(%arg11 : memref<400xi32, #tpu.memory_space<vmem>>)
        tpu.yield
      }) : () -> ()
      %dma_start3A_109 = arith.constant 0 : i32
      %dma_start3A_110 = arith.constant 0 : i32
      %dma_start3A_111 = tpu.memref_slice %arg4[%arg0, %scan3A_41, %dma_start3A_109, %dma_start3A_110] : memref<2x3x10000x64xf32, #tpu.memory_space<hbm>> -> memref<1x1x10000x64xf32, #tpu.memory_space<hbm>>
      %dma_start3A_112 = tpu.memref_squeeze %dma_start3A_111 : memref<1x1x10000x64xf32, #tpu.memory_space<hbm>> -> memref<10000x64xf32, #tpu.memory_space<hbm>>
      %dma_start3A_113 = arith.constant 0 : i32
      %dma_start3A_114 = arith.constant 0 : i32
      %dma_start3A_115 = tpu.memref_slice %dma_start3A_112[%dma_start3A_113, %dma_start3A_114] : memref<10000x64xf32, #tpu.memory_space<hbm>> -> memref<10000x64xf32, #tpu.memory_space<hbm>>
      tpu.enqueue_indirect_dma source(%dma_start3A_115 : memref<10000x64xf32, #tpu.memory_space<hbm>>) target(%arg13 : memref<400x64xf32, #tpu.memory_space<vmem>>) offsets(%arg9 : memref<400xi32, #tpu.memory_space<vmem>>) semaphore(%arg15 : memref<!tpu.dma_semaphore, #tpu.memory_space<semaphore_mem>>)
      %dma_wait3A_116 = arith.constant 0 : i32
      %dma_wait3A_117 = arith.constant 0 : i32
      %dma_wait3A_118 = tpu.memref_slice %arg4[%arg0, %scan3A_41, %dma_wait3A_116, %dma_wait3A_117] : memref<2x3x10000x64xf32, #tpu.memory_space<hbm>> -> memref<1x1x10000x64xf32, #tpu.memory_space<hbm>>
      %dma_wait3A_119 = tpu.memref_squeeze %dma_wait3A_118 : memref<1x1x10000x64xf32, #tpu.memory_space<hbm>> -> memref<10000x64xf32, #tpu.memory_space<hbm>>
      %dma_wait3A_120 = arith.constant 0 : i32
      %dma_wait3A_121 = arith.constant 0 : i32
      %dma_wait3A_122 = tpu.memref_slice %dma_wait3A_119[%dma_wait3A_120, %dma_wait3A_121] : memref<10000x64xf32, #tpu.memory_space<hbm>> -> memref<10000x64xf32, #tpu.memory_space<hbm>>
      tpu.wait_indirect_dma semaphore(%arg14 : memref<!tpu.dma_semaphore, #tpu.memory_space<semaphore_mem>>) src(%dma_wait3A_122 : memref<10000x64xf32, #tpu.memory_space<hbm>>) dst(%arg12 : memref<400x64xf32, #tpu.memory_space<vmem>>)
      "tpu.region"() ({
        %run_scoped3A_143 = tpu.sem_alloc : memref<!tpu.dma_semaphore, #tpu.memory_space<semaphore_mem>>
        %dma_start3A_144 = arith.constant 0 : i32
        %dma_start3A_145 = arith.constant 0 : i32
        %dma_start3A_146 = tpu.memref_slice %arg7[%dma_start3A_144, %dma_start3A_145] : memref<10000x64xf32, #tpu.memory_space<vmem_shared>> -> memref<10000x64xf32, #tpu.memory_space<vmem_shared>>
        tpu.enqueue_indirect_dma source(%arg12 : memref<400x64xf32, #tpu.memory_space<vmem>>) target(%dma_start3A_146 : memref<10000x64xf32, #tpu.memory_space<vmem_shared>>) offsets(%arg10 : memref<400xi32, #tpu.memory_space<vmem>>) semaphore(%run_scoped3A_143 : memref<!tpu.dma_semaphore, #tpu.memory_space<semaphore_mem>>) {add = true}
        %dma_wait3A_147 = arith.constant 0 : i32
        %dma_wait3A_148 = arith.constant 0 : i32
        %dma_wait3A_149 = tpu.memref_slice %arg7[%dma_wait3A_147, %dma_wait3A_148] : memref<10000x64xf32, #tpu.memory_space<vmem_shared>> -> memref<10000x64xf32, #tpu.memory_space<vmem_shared>>
        tpu.wait_indirect_dma semaphore(%run_scoped3A_143 : memref<!tpu.dma_semaphore, #tpu.memory_space<semaphore_mem>>) src(%arg12 : memref<400x64xf32, #tpu.memory_space<vmem>>) dst(%dma_wait3A_149 : memref<10000x64xf32, #tpu.memory_space<vmem_shared>>)
        tpu.yield
      }) : () -> ()
      %add3A_123 = arith.constant 800 : i32
      %add3A_124 = arith.addi %add3A_100, %add3A_123 : i32
      %add3A_125 = arith.addi %mul3A_2, %add3A_124 : i32
      %run_scoped3A_126 = arith.constant 1 : i32
      "tpu.region"() ({
        %run_scoped3A_143 = tpu.sem_alloc : memref<!tpu.dma_semaphore, #tpu.memory_space<semaphore_mem>>
        %dma_start3A_144 = tpu.memref_slice %arg2[%run_scoped3A_126, %add3A_125] : memref<3x320000xi32, #tpu.memory_space<hbm>> -> memref<1x400xi32, #tpu.memory_space<hbm>>
        %dma_start3A_145 = tpu.memref_squeeze %dma_start3A_144 : memref<1x400xi32, #tpu.memory_space<hbm>> -> memref<400xi32, #tpu.memory_space<hbm>>
        %dma_start3A_146 = tpu.memref_slice %arg2[%run_scoped3A_126, %add3A_125] : memref<3x320000xi32, #tpu.memory_space<hbm>> -> memref<1x400xi32, #tpu.memory_space<hbm>>
        %dma_start3A_147 = tpu.memref_squeeze %dma_start3A_146 : memref<1x400xi32, #tpu.memory_space<hbm>> -> memref<400xi32, #tpu.memory_space<hbm>>
        tpu.enqueue_dma source(%dma_start3A_147 : memref<400xi32, #tpu.memory_space<hbm>>) target(%arg8 : memref<400xi32, #tpu.memory_space<vmem>>) target_semaphore(%run_scoped3A_143 : memref<!tpu.dma_semaphore, #tpu.memory_space<semaphore_mem>>)
        %dma_wait3A_148 = tpu.memref_slice %arg2[%run_scoped3A_126, %add3A_125] : memref<3x320000xi32, #tpu.memory_space<hbm>> -> memref<1x400xi32, #tpu.memory_space<hbm>>
        %dma_wait3A_149 = tpu.memref_squeeze %dma_wait3A_148 : memref<1x400xi32, #tpu.memory_space<hbm>> -> memref<400xi32, #tpu.memory_space<hbm>>
        %dma_wait3A_150 = tpu.memref_slice %arg2[%run_scoped3A_126, %add3A_125] : memref<3x320000xi32, #tpu.memory_space<hbm>> -> memref<1x400xi32, #tpu.memory_space<hbm>>
        %dma_wait3A_151 = tpu.memref_squeeze %dma_wait3A_150 : memref<1x400xi32, #tpu.memory_space<hbm>> -> memref<400xi32, #tpu.memory_space<hbm>>
        tpu.wait_dma2 semaphore(%run_scoped3A_143 : memref<!tpu.dma_semaphore, #tpu.memory_space<semaphore_mem>>) src(%dma_wait3A_151 : memref<400xi32, #tpu.memory_space<hbm>>) dst(%arg8 : memref<400xi32, #tpu.memory_space<vmem>>)
        tpu.yield
      }) : () -> ()
      %add3A_127 = arith.addi %mul3A_2, %add3A_124 : i32
      %run_scoped3A_128 = arith.constant 1 : i32
      "tpu.region"() ({
        %run_scoped3A_143 = tpu.sem_alloc : memref<!tpu.dma_semaphore, #tpu.memory_space<semaphore_mem>>
        %dma_start3A_144 = tpu.memref_slice %arg3[%run_scoped3A_128, %add3A_127] : memref<3x320000xi32, #tpu.memory_space<hbm>> -> memref<1x400xi32, #tpu.memory_space<hbm>>
        %dma_start3A_145 = tpu.memref_squeeze %dma_start3A_144 : memref<1x400xi32, #tpu.memory_space<hbm>> -> memref<400xi32, #tpu.memory_space<hbm>>
        %dma_start3A_146 = tpu.memref_slice %arg3[%run_scoped3A_128, %add3A_127] : memref<3x320000xi32, #tpu.memory_space<hbm>> -> memref<1x400xi32, #tpu.memory_space<hbm>>
        %dma_start3A_147 = tpu.memref_squeeze %dma_start3A_146 : memref<1x400xi32, #tpu.memory_space<hbm>> -> memref<400xi32, #tpu.memory_space<hbm>>
        tpu.enqueue_dma source(%dma_start3A_147 : memref<400xi32, #tpu.memory_space<hbm>>) target(%arg10 : memref<400xi32, #tpu.memory_space<vmem>>) target_semaphore(%run_scoped3A_143 : memref<!tpu.dma_semaphore, #tpu.memory_space<semaphore_mem>>)
        %dma_wait3A_148 = tpu.memref_slice %arg3[%run_scoped3A_128, %add3A_127] : memref<3x320000xi32, #tpu.memory_space<hbm>> -> memref<1x400xi32, #tpu.memory_space<hbm>>
        %dma_wait3A_149 = tpu.memref_squeeze %dma_wait3A_148 : memref<1x400xi32, #tpu.memory_space<hbm>> -> memref<400xi32, #tpu.memory_space<hbm>>
        %dma_wait3A_150 = tpu.memref_slice %arg3[%run_scoped3A_128, %add3A_127] : memref<3x320000xi32, #tpu.memory_space<hbm>> -> memref<1x400xi32, #tpu.memory_space<hbm>>
        %dma_wait3A_151 = tpu.memref_squeeze %dma_wait3A_150 : memref<1x400xi32, #tpu.memory_space<hbm>> -> memref<400xi32, #tpu.memory_space<hbm>>
        tpu.wait_dma2 semaphore(%run_scoped3A_143 : memref<!tpu.dma_semaphore, #tpu.memory_space<semaphore_mem>>) src(%dma_wait3A_151 : memref<400xi32, #tpu.memory_space<hbm>>) dst(%arg10 : memref<400xi32, #tpu.memory_space<vmem>>)
        tpu.yield
      }) : () -> ()
      %dma_start3A_129 = arith.constant 0 : i32
      %dma_start3A_130 = arith.constant 0 : i32
      %dma_start3A_131 = tpu.memref_slice %arg4[%arg0, %scan3A_41, %dma_start3A_129, %dma_start3A_130] : memref<2x3x10000x64xf32, #tpu.memory_space<hbm>> -> memref<1x1x10000x64xf32, #tpu.memory_space<hbm>>
      %dma_start3A_132 = tpu.memref_squeeze %dma_start3A_131 : memref<1x1x10000x64xf32, #tpu.memory_space<hbm>> -> memref<10000x64xf32, #tpu.memory_space<hbm>>
      %dma_start3A_133 = arith.constant 0 : i32
      %dma_start3A_134 = arith.constant 0 : i32
      %dma_start3A_135 = tpu.memref_slice %dma_start3A_132[%dma_start3A_133, %dma_start3A_134] : memref<10000x64xf32, #tpu.memory_space<hbm>> -> memref<10000x64xf32, #tpu.memory_space<hbm>>
      tpu.enqueue_indirect_dma source(%dma_start3A_135 : memref<10000x64xf32, #tpu.memory_space<hbm>>) target(%arg12 : memref<400x64xf32, #tpu.memory_space<vmem>>) offsets(%arg8 : memref<400xi32, #tpu.memory_space<vmem>>) semaphore(%arg14 : memref<!tpu.dma_semaphore, #tpu.memory_space<semaphore_mem>>)
      %dma_wait3A_136 = arith.constant 0 : i32
      %dma_wait3A_137 = arith.constant 0 : i32
      %dma_wait3A_138 = tpu.memref_slice %arg4[%arg0, %scan3A_41, %dma_wait3A_136, %dma_wait3A_137] : memref<2x3x10000x64xf32, #tpu.memory_space<hbm>> -> memref<1x1x10000x64xf32, #tpu.memory_space<hbm>>
      %dma_wait3A_139 = tpu.memref_squeeze %dma_wait3A_138 : memref<1x1x10000x64xf32, #tpu.memory_space<hbm>> -> memref<10000x64xf32, #tpu.memory_space<hbm>>
      %dma_wait3A_140 = arith.constant 0 : i32
      %dma_wait3A_141 = arith.constant 0 : i32
      %dma_wait3A_142 = tpu.memref_slice %dma_wait3A_139[%dma_wait3A_140, %dma_wait3A_141] : memref<10000x64xf32, #tpu.memory_space<hbm>> -> memref<10000x64xf32, #tpu.memory_space<hbm>>
      tpu.wait_indirect_dma semaphore(%arg15 : memref<!tpu.dma_semaphore, #tpu.memory_space<semaphore_mem>>) src(%dma_wait3A_142 : memref<10000x64xf32, #tpu.memory_space<hbm>>) dst(%arg13 : memref<400x64xf32, #tpu.memory_space<vmem>>)
      "tpu.region"() ({
        %run_scoped3A_143 = tpu.sem_alloc : memref<!tpu.dma_semaphore, #tpu.memory_space<semaphore_mem>>
        %dma_start3A_144 = arith.constant 0 : i32
        %dma_start3A_145 = arith.constant 0 : i32
        %dma_start3A_146 = tpu.memref_slice %arg7[%dma_start3A_144, %dma_start3A_145] : memref<10000x64xf32, #tpu.memory_space<vmem_shared>> -> memref<10000x64xf32, #tpu.memory_space<vmem_shared>>
        tpu.enqueue_indirect_dma source(%arg13 : memref<400x64xf32, #tpu.memory_space<vmem>>) target(%dma_start3A_146 : memref<10000x64xf32, #tpu.memory_space<vmem_shared>>) offsets(%arg11 : memref<400xi32, #tpu.memory_space<vmem>>) semaphore(%run_scoped3A_143 : memref<!tpu.dma_semaphore, #tpu.memory_space<semaphore_mem>>) {add = true}
        %dma_wait3A_147 = arith.constant 0 : i32
        %dma_wait3A_148 = arith.constant 0 : i32
        %dma_wait3A_149 = tpu.memref_slice %arg7[%dma_wait3A_147, %dma_wait3A_148] : memref<10000x64xf32, #tpu.memory_space<vmem_shared>> -> memref<10000x64xf32, #tpu.memory_space<vmem_shared>>
        tpu.wait_indirect_dma semaphore(%run_scoped3A_143 : memref<!tpu.dma_semaphore, #tpu.memory_space<semaphore_mem>>) src(%arg13 : memref<400x64xf32, #tpu.memory_space<vmem>>) dst(%dma_wait3A_149 : memref<10000x64xf32, #tpu.memory_space<vmem_shared>>)
        tpu.yield
      }) : () -> ()
    }
    %scan3A_46 = arith.constant 24 : i32
    %dma_wait3A_47 = arith.constant 1 : i32
    %dma_wait3A_48 = arith.constant 0 : i32
    %dma_wait3A_49 = arith.constant 0 : i32
    %dma_wait3A_50 = tpu.memref_slice %arg4[%arg0, %dma_wait3A_47, %dma_wait3A_48, %dma_wait3A_49] : memref<2x3x10000x64xf32, #tpu.memory_space<hbm>> -> memref<1x1x10000x64xf32, #tpu.memory_space<hbm>>
    %dma_wait3A_51 = tpu.memref_squeeze %dma_wait3A_50 : memref<1x1x10000x64xf32, #tpu.memory_space<hbm>> -> memref<10000x64xf32, #tpu.memory_space<hbm>>
    %dma_wait3A_52 = arith.constant 0 : i32
    %dma_wait3A_53 = arith.constant 0 : i32
    %dma_wait3A_54 = tpu.memref_slice %dma_wait3A_51[%dma_wait3A_52, %dma_wait3A_53] : memref<10000x64xf32, #tpu.memory_space<hbm>> -> memref<10000x64xf32, #tpu.memory_space<hbm>>
    tpu.wait_indirect_dma semaphore(%arg14 : memref<!tpu.dma_semaphore, #tpu.memory_space<semaphore_mem>>) src(%dma_wait3A_54 : memref<10000x64xf32, #tpu.memory_space<hbm>>) dst(%arg12 : memref<400x64xf32, #tpu.memory_space<vmem>>)
    "tpu.region"() ({
      %run_scoped3A_96 = tpu.sem_alloc : memref<!tpu.dma_semaphore, #tpu.memory_space<semaphore_mem>>
      %dma_start3A_97 = arith.constant 0 : i32
      %dma_start3A_98 = arith.constant 0 : i32
      %dma_start3A_99 = tpu.memref_slice %arg7[%dma_start3A_97, %dma_start3A_98] : memref<10000x64xf32, #tpu.memory_space<vmem_shared>> -> memref<10000x64xf32, #tpu.memory_space<vmem_shared>>
      tpu.enqueue_indirect_dma source(%arg12 : memref<400x64xf32, #tpu.memory_space<vmem>>) target(%dma_start3A_99 : memref<10000x64xf32, #tpu.memory_space<vmem_shared>>) offsets(%arg10 : memref<400xi32, #tpu.memory_space<vmem>>) semaphore(%run_scoped3A_96 : memref<!tpu.dma_semaphore, #tpu.memory_space<semaphore_mem>>) {add = true}
      %dma_wait3A_100 = arith.constant 0 : i32
      %dma_wait3A_101 = arith.constant 0 : i32
      %dma_wait3A_102 = tpu.memref_slice %arg7[%dma_wait3A_100, %dma_wait3A_101] : memref<10000x64xf32, #tpu.memory_space<vmem_shared>> -> memref<10000x64xf32, #tpu.memory_space<vmem_shared>>
      tpu.wait_indirect_dma semaphore(%run_scoped3A_96 : memref<!tpu.dma_semaphore, #tpu.memory_space<semaphore_mem>>) src(%arg12 : memref<400x64xf32, #tpu.memory_space<vmem>>) dst(%dma_wait3A_102 : memref<10000x64xf32, #tpu.memory_space<vmem_shared>>)
      tpu.yield
    }) : () -> ()
    %add3A_55 = arith.constant 19600 : i32
    %add3A_56 = arith.addi %mul3A_2, %add3A_55 : i32
    %run_scoped3A_57 = arith.constant 1 : i32
    "tpu.region"() ({
      %run_scoped3A_96 = tpu.sem_alloc : memref<!tpu.dma_semaphore, #tpu.memory_space<semaphore_mem>>
      %dma_start3A_97 = tpu.memref_slice %arg2[%run_scoped3A_57, %add3A_56] : memref<3x320000xi32, #tpu.memory_space<hbm>> -> memref<1x400xi32, #tpu.memory_space<hbm>>
      %dma_start3A_98 = tpu.memref_squeeze %dma_start3A_97 : memref<1x400xi32, #tpu.memory_space<hbm>> -> memref<400xi32, #tpu.memory_space<hbm>>
      %dma_start3A_99 = tpu.memref_slice %arg2[%run_scoped3A_57, %add3A_56] : memref<3x320000xi32, #tpu.memory_space<hbm>> -> memref<1x400xi32, #tpu.memory_space<hbm>>
      %dma_start3A_100 = tpu.memref_squeeze %dma_start3A_99 : memref<1x400xi32, #tpu.memory_space<hbm>> -> memref<400xi32, #tpu.memory_space<hbm>>
      tpu.enqueue_dma source(%dma_start3A_100 : memref<400xi32, #tpu.memory_space<hbm>>) target(%arg9 : memref<400xi32, #tpu.memory_space<vmem>>) target_semaphore(%run_scoped3A_96 : memref<!tpu.dma_semaphore, #tpu.memory_space<semaphore_mem>>)
      %dma_wait3A_101 = tpu.memref_slice %arg2[%run_scoped3A_57, %add3A_56] : memref<3x320000xi32, #tpu.memory_space<hbm>> -> memref<1x400xi32, #tpu.memory_space<hbm>>
      %dma_wait3A_102 = tpu.memref_squeeze %dma_wait3A_101 : memref<1x400xi32, #tpu.memory_space<hbm>> -> memref<400xi32, #tpu.memory_space<hbm>>
      %dma_wait3A_103 = tpu.memref_slice %arg2[%run_scoped3A_57, %add3A_56] : memref<3x320000xi32, #tpu.memory_space<hbm>> -> memref<1x400xi32, #tpu.memory_space<hbm>>
      %dma_wait3A_104 = tpu.memref_squeeze %dma_wait3A_103 : memref<1x400xi32, #tpu.memory_space<hbm>> -> memref<400xi32, #tpu.memory_space<hbm>>
      tpu.wait_dma2 semaphore(%run_scoped3A_96 : memref<!tpu.dma_semaphore, #tpu.memory_space<semaphore_mem>>) src(%dma_wait3A_104 : memref<400xi32, #tpu.memory_space<hbm>>) dst(%arg9 : memref<400xi32, #tpu.memory_space<vmem>>)
      tpu.yield
    }) : () -> ()
    %run_scoped3A_58 = arith.constant 1 : i32
    "tpu.region"() ({
      %run_scoped3A_96 = tpu.sem_alloc : memref<!tpu.dma_semaphore, #tpu.memory_space<semaphore_mem>>
      %dma_start3A_97 = tpu.memref_slice %arg3[%run_scoped3A_58, %add3A_56] : memref<3x320000xi32, #tpu.memory_space<hbm>> -> memref<1x400xi32, #tpu.memory_space<hbm>>
      %dma_start3A_98 = tpu.memref_squeeze %dma_start3A_97 : memref<1x400xi32, #tpu.memory_space<hbm>> -> memref<400xi32, #tpu.memory_space<hbm>>
      %dma_start3A_99 = tpu.memref_slice %arg3[%run_scoped3A_58, %add3A_56] : memref<3x320000xi32, #tpu.memory_space<hbm>> -> memref<1x400xi32, #tpu.memory_space<hbm>>
      %dma_start3A_100 = tpu.memref_squeeze %dma_start3A_99 : memref<1x400xi32, #tpu.memory_space<hbm>> -> memref<400xi32, #tpu.memory_space<hbm>>
      tpu.enqueue_dma source(%dma_start3A_100 : memref<400xi32, #tpu.memory_space<hbm>>) target(%arg11 : memref<400xi32, #tpu.memory_space<vmem>>) target_semaphore(%run_scoped3A_96 : memref<!tpu.dma_semaphore, #tpu.memory_space<semaphore_mem>>)
      %dma_wait3A_101 = tpu.memref_slice %arg3[%run_scoped3A_58, %add3A_56] : memref<3x320000xi32, #tpu.memory_space<hbm>> -> memref<1x400xi32, #tpu.memory_space<hbm>>
      %dma_wait3A_102 = tpu.memref_squeeze %dma_wait3A_101 : memref<1x400xi32, #tpu.memory_space<hbm>> -> memref<400xi32, #tpu.memory_space<hbm>>
      %dma_wait3A_103 = tpu.memref_slice %arg3[%run_scoped3A_58, %add3A_56] : memref<3x320000xi32, #tpu.memory_space<hbm>> -> memref<1x400xi32, #tpu.memory_space<hbm>>
      %dma_wait3A_104 = tpu.memref_squeeze %dma_wait3A_103 : memref<1x400xi32, #tpu.memory_space<hbm>> -> memref<400xi32, #tpu.memory_space<hbm>>
      tpu.wait_dma2 semaphore(%run_scoped3A_96 : memref<!tpu.dma_semaphore, #tpu.memory_space<semaphore_mem>>) src(%dma_wait3A_104 : memref<400xi32, #tpu.memory_space<hbm>>) dst(%arg11 : memref<400xi32, #tpu.memory_space<vmem>>)
      tpu.yield
    }) : () -> ()
    %run_scoped3A_59 = arith.constant 1 : i32
    "tpu.region"() ({
      %run_scoped3A_96 = tpu.sem_alloc : memref<!tpu.dma_semaphore, #tpu.memory_space<semaphore_mem>>
      %dma_start3A_97 = arith.constant 0 : i32
      %dma_start3A_98 = arith.constant 0 : i32
      %dma_start3A_99 = tpu.memref_slice %arg4[%arg0, %run_scoped3A_59, %dma_start3A_97, %dma_start3A_98] : memref<2x3x10000x64xf32, #tpu.memory_space<hbm>> -> memref<1x1x10000x64xf32, #tpu.memory_space<hbm>>
      %dma_start3A_100 = tpu.memref_squeeze %dma_start3A_99 : memref<1x1x10000x64xf32, #tpu.memory_space<hbm>> -> memref<10000x64xf32, #tpu.memory_space<hbm>>
      %dma_start3A_101 = arith.constant 0 : i32
      %dma_start3A_102 = arith.constant 0 : i32
      %dma_start3A_103 = tpu.memref_slice %dma_start3A_100[%dma_start3A_101, %dma_start3A_102] : memref<10000x64xf32, #tpu.memory_space<hbm>> -> memref<10000x64xf32, #tpu.memory_space<hbm>>
      tpu.enqueue_indirect_dma source(%dma_start3A_103 : memref<10000x64xf32, #tpu.memory_space<hbm>>) target(%arg13 : memref<400x64xf32, #tpu.memory_space<vmem>>) offsets(%arg9 : memref<400xi32, #tpu.memory_space<vmem>>) semaphore(%run_scoped3A_96 : memref<!tpu.dma_semaphore, #tpu.memory_space<semaphore_mem>>)
      %dma_wait3A_104 = arith.constant 0 : i32
      %dma_wait3A_105 = arith.constant 0 : i32
      %dma_wait3A_106 = tpu.memref_slice %arg4[%arg0, %run_scoped3A_59, %dma_wait3A_104, %dma_wait3A_105] : memref<2x3x10000x64xf32, #tpu.memory_space<hbm>> -> memref<1x1x10000x64xf32, #tpu.memory_space<hbm>>
      %dma_wait3A_107 = tpu.memref_squeeze %dma_wait3A_106 : memref<1x1x10000x64xf32, #tpu.memory_space<hbm>> -> memref<10000x64xf32, #tpu.memory_space<hbm>>
      %dma_wait3A_108 = arith.constant 0 : i32
      %dma_wait3A_109 = arith.constant 0 : i32
      %dma_wait3A_110 = tpu.memref_slice %dma_wait3A_107[%dma_wait3A_108, %dma_wait3A_109] : memref<10000x64xf32, #tpu.memory_space<hbm>> -> memref<10000x64xf32, #tpu.memory_space<hbm>>
      tpu.wait_indirect_dma semaphore(%run_scoped3A_96 : memref<!tpu.dma_semaphore, #tpu.memory_space<semaphore_mem>>) src(%dma_wait3A_110 : memref<10000x64xf32, #tpu.memory_space<hbm>>) dst(%arg13 : memref<400x64xf32, #tpu.memory_space<vmem>>)
      tpu.yield
    }) : () -> ()
    "tpu.region"() ({
      %run_scoped3A_96 = tpu.sem_alloc : memref<!tpu.dma_semaphore, #tpu.memory_space<semaphore_mem>>
      %dma_start3A_97 = arith.constant 0 : i32
      %dma_start3A_98 = arith.constant 0 : i32
      %dma_start3A_99 = tpu.memref_slice %arg7[%dma_start3A_97, %dma_start3A_98] : memref<10000x64xf32, #tpu.memory_space<vmem_shared>> -> memref<10000x64xf32, #tpu.memory_space<vmem_shared>>
      tpu.enqueue_indirect_dma source(%arg13 : memref<400x64xf32, #tpu.memory_space<vmem>>) target(%dma_start3A_99 : memref<10000x64xf32, #tpu.memory_space<vmem_shared>>) offsets(%arg11 : memref<400xi32, #tpu.memory_space<vmem>>) semaphore(%run_scoped3A_96 : memref<!tpu.dma_semaphore, #tpu.memory_space<semaphore_mem>>) {add = true}
      %dma_wait3A_100 = arith.constant 0 : i32
      %dma_wait3A_101 = arith.constant 0 : i32
      %dma_wait3A_102 = tpu.memref_slice %arg7[%dma_wait3A_100, %dma_wait3A_101] : memref<10000x64xf32, #tpu.memory_space<vmem_shared>> -> memref<10000x64xf32, #tpu.memory_space<vmem_shared>>
      tpu.wait_indirect_dma semaphore(%run_scoped3A_96 : memref<!tpu.dma_semaphore, #tpu.memory_space<semaphore_mem>>) src(%arg13 : memref<400x64xf32, #tpu.memory_space<vmem>>) dst(%dma_wait3A_102 : memref<10000x64xf32, #tpu.memory_space<vmem_shared>>)
      tpu.yield
    }) : () -> ()
    %barrier3A_60 = arith.constant 0 : index
    tpu.barrier barrier_id(%barrier3A_60)
    %run_scoped3A_61 = arith.constant 1 : i32
    "tpu.region"() ({
      %run_scoped3A_96 = tpu.sem_alloc : memref<!tpu.dma_semaphore, #tpu.memory_space<semaphore_mem>>
      %dma_start3A_97 = arith.constant 0 : i32
      %dma_start3A_98 = arith.constant 0 : i32
      %dma_start3A_99 = tpu.memref_slice %arg6[%arg0, %run_scoped3A_61, %dma_start3A_97, %dma_start3A_98] : memref<2x3x10000x64xf32, #tpu.memory_space<hbm>> -> memref<1x1x10000x64xf32, #tpu.memory_space<hbm>>
      %dma_start3A_100 = tpu.memref_squeeze %dma_start3A_99 : memref<1x1x10000x64xf32, #tpu.memory_space<hbm>> -> memref<10000x64xf32, #tpu.memory_space<hbm>>
      %dma_start3A_101 = arith.constant 0 : i32
      %dma_start3A_102 = tpu.memref_slice %dma_start3A_100[%mul3A_0, %dma_start3A_101] : memref<10000x64xf32, #tpu.memory_space<hbm>> -> memref<625x64xf32, #tpu.memory_space<hbm>>
      %dma_start3A_103 = arith.constant 0 : i32
      %dma_start3A_104 = tpu.memref_slice %arg7[%mul3A_0, %dma_start3A_103] : memref<10000x64xf32, #tpu.memory_space<vmem_shared>> -> memref<625x64xf32, #tpu.memory_space<vmem_shared>>
      tpu.enqueue_dma source(%dma_start3A_104 : memref<625x64xf32, #tpu.memory_space<vmem_shared>>) target(%dma_start3A_102 : memref<625x64xf32, #tpu.memory_space<hbm>>) target_semaphore(%run_scoped3A_96 : memref<!tpu.dma_semaphore, #tpu.memory_space<semaphore_mem>>)
      %dma_wait3A_105 = arith.constant 0 : i32
      %dma_wait3A_106 = arith.constant 0 : i32
      %dma_wait3A_107 = tpu.memref_slice %arg6[%arg0, %run_scoped3A_61, %dma_wait3A_105, %dma_wait3A_106] : memref<2x3x10000x64xf32, #tpu.memory_space<hbm>> -> memref<1x1x10000x64xf32, #tpu.memory_space<hbm>>
      %dma_wait3A_108 = tpu.memref_squeeze %dma_wait3A_107 : memref<1x1x10000x64xf32, #tpu.memory_space<hbm>> -> memref<10000x64xf32, #tpu.memory_space<hbm>>
      %dma_wait3A_109 = arith.constant 0 : i32
      %dma_wait3A_110 = tpu.memref_slice %dma_wait3A_108[%mul3A_0, %dma_wait3A_109] : memref<10000x64xf32, #tpu.memory_space<hbm>> -> memref<625x64xf32, #tpu.memory_space<hbm>>
      %dma_wait3A_111 = arith.constant 0 : i32
      %dma_wait3A_112 = tpu.memref_slice %arg7[%mul3A_0, %dma_wait3A_111] : memref<10000x64xf32, #tpu.memory_space<vmem_shared>> -> memref<625x64xf32, #tpu.memory_space<vmem_shared>>
      tpu.wait_dma2 semaphore(%run_scoped3A_96 : memref<!tpu.dma_semaphore, #tpu.memory_space<semaphore_mem>>) src(%dma_wait3A_112 : memref<625x64xf32, #tpu.memory_space<vmem_shared>>) dst(%dma_wait3A_110 : memref<625x64xf32, #tpu.memory_space<hbm>>)
      tpu.yield
    }) : () -> ()
    %barrier3A_62 = arith.constant 0 : index
    tpu.barrier barrier_id(%barrier3A_62)
    "tpu.region"() ({
      %run_scoped3A_96 = tpu.sem_alloc : memref<!tpu.dma_semaphore, #tpu.memory_space<semaphore_mem>>
      %dma_start3A_97 = arith.constant 0 : i32
      %dma_start3A_98 = tpu.memref_slice %arg7[%mul3A_0, %dma_start3A_97] : memref<10000x64xf32, #tpu.memory_space<vmem_shared>> -> memref<625x64xf32, #tpu.memory_space<vmem_shared>>
      %dma_start3A_99 = arith.constant 0 : i32
      %dma_start3A_100 = tpu.memref_slice %arg5[%mul3A_0, %dma_start3A_99] : memref<10000x64xf32, #tpu.memory_space<hbm>> -> memref<625x64xf32, #tpu.memory_space<hbm>>
      tpu.enqueue_dma source(%dma_start3A_100 : memref<625x64xf32, #tpu.memory_space<hbm>>) target(%dma_start3A_98 : memref<625x64xf32, #tpu.memory_space<vmem_shared>>) target_semaphore(%run_scoped3A_96 : memref<!tpu.dma_semaphore, #tpu.memory_space<semaphore_mem>>)
      %dma_wait3A_101 = arith.constant 0 : i32
      %dma_wait3A_102 = tpu.memref_slice %arg7[%mul3A_0, %dma_wait3A_101] : memref<10000x64xf32, #tpu.memory_space<vmem_shared>> -> memref<625x64xf32, #tpu.memory_space<vmem_shared>>
      %dma_wait3A_103 = arith.constant 0 : i32
      %dma_wait3A_104 = tpu.memref_slice %arg5[%mul3A_0, %dma_wait3A_103] : memref<10000x64xf32, #tpu.memory_space<hbm>> -> memref<625x64xf32, #tpu.memory_space<hbm>>
      tpu.wait_dma2 semaphore(%run_scoped3A_96 : memref<!tpu.dma_semaphore, #tpu.memory_space<semaphore_mem>>) src(%dma_wait3A_104 : memref<625x64xf32, #tpu.memory_space<hbm>>) dst(%dma_wait3A_102 : memref<625x64xf32, #tpu.memory_space<vmem_shared>>)
      tpu.yield
    }) : () -> ()
    %barrier3A_63 = arith.constant 0 : index
    tpu.barrier barrier_id(%barrier3A_63)
    %run_scoped3A_64 = arith.constant 2 : i32
    "tpu.region"() ({
      %run_scoped3A_96 = tpu.sem_alloc : memref<!tpu.dma_semaphore, #tpu.memory_space<semaphore_mem>>
      %dma_start3A_97 = tpu.memref_slice %arg2[%run_scoped3A_64, %mul3A_2] : memref<3x320000xi32, #tpu.memory_space<hbm>> -> memref<1x400xi32, #tpu.memory_space<hbm>>
      %dma_start3A_98 = tpu.memref_squeeze %dma_start3A_97 : memref<1x400xi32, #tpu.memory_space<hbm>> -> memref<400xi32, #tpu.memory_space<hbm>>
      %dma_start3A_99 = tpu.memref_slice %arg2[%run_scoped3A_64, %mul3A_2] : memref<3x320000xi32, #tpu.memory_space<hbm>> -> memref<1x400xi32, #tpu.memory_space<hbm>>
      %dma_start3A_100 = tpu.memref_squeeze %dma_start3A_99 : memref<1x400xi32, #tpu.memory_space<hbm>> -> memref<400xi32, #tpu.memory_space<hbm>>
      tpu.enqueue_dma source(%dma_start3A_100 : memref<400xi32, #tpu.memory_space<hbm>>) target(%arg8 : memref<400xi32, #tpu.memory_space<vmem>>) target_semaphore(%run_scoped3A_96 : memref<!tpu.dma_semaphore, #tpu.memory_space<semaphore_mem>>)
      %dma_wait3A_101 = tpu.memref_slice %arg2[%run_scoped3A_64, %mul3A_2] : memref<3x320000xi32, #tpu.memory_space<hbm>> -> memref<1x400xi32, #tpu.memory_space<hbm>>
      %dma_wait3A_102 = tpu.memref_squeeze %dma_wait3A_101 : memref<1x400xi32, #tpu.memory_space<hbm>> -> memref<400xi32, #tpu.memory_space<hbm>>
      %dma_wait3A_103 = tpu.memref_slice %arg2[%run_scoped3A_64, %mul3A_2] : memref<3x320000xi32, #tpu.memory_space<hbm>> -> memref<1x400xi32, #tpu.memory_space<hbm>>
      %dma_wait3A_104 = tpu.memref_squeeze %dma_wait3A_103 : memref<1x400xi32, #tpu.memory_space<hbm>> -> memref<400xi32, #tpu.memory_space<hbm>>
      tpu.wait_dma2 semaphore(%run_scoped3A_96 : memref<!tpu.dma_semaphore, #tpu.memory_space<semaphore_mem>>) src(%dma_wait3A_104 : memref<400xi32, #tpu.memory_space<hbm>>) dst(%arg8 : memref<400xi32, #tpu.memory_space<vmem>>)
      tpu.yield
    }) : () -> ()
    %run_scoped3A_65 = arith.constant 2 : i32
    "tpu.region"() ({
      %run_scoped3A_96 = tpu.sem_alloc : memref<!tpu.dma_semaphore, #tpu.memory_space<semaphore_mem>>
      %dma_start3A_97 = tpu.memref_slice %arg3[%run_scoped3A_65, %mul3A_2] : memref<3x320000xi32, #tpu.memory_space<hbm>> -> memref<1x400xi32, #tpu.memory_space<hbm>>
      %dma_start3A_98 = tpu.memref_squeeze %dma_start3A_97 : memref<1x400xi32, #tpu.memory_space<hbm>> -> memref<400xi32, #tpu.memory_space<hbm>>
      %dma_start3A_99 = tpu.memref_slice %arg3[%run_scoped3A_65, %mul3A_2] : memref<3x320000xi32, #tpu.memory_space<hbm>> -> memref<1x400xi32, #tpu.memory_space<hbm>>
      %dma_start3A_100 = tpu.memref_squeeze %dma_start3A_99 : memref<1x400xi32, #tpu.memory_space<hbm>> -> memref<400xi32, #tpu.memory_space<hbm>>
      tpu.enqueue_dma source(%dma_start3A_100 : memref<400xi32, #tpu.memory_space<hbm>>) target(%arg10 : memref<400xi32, #tpu.memory_space<vmem>>) target_semaphore(%run_scoped3A_96 : memref<!tpu.dma_semaphore, #tpu.memory_space<semaphore_mem>>)
      %dma_wait3A_101 = tpu.memref_slice %arg3[%run_scoped3A_65, %mul3A_2] : memref<3x320000xi32, #tpu.memory_space<hbm>> -> memref<1x400xi32, #tpu.memory_space<hbm>>
      %dma_wait3A_102 = tpu.memref_squeeze %dma_wait3A_101 : memref<1x400xi32, #tpu.memory_space<hbm>> -> memref<400xi32, #tpu.memory_space<hbm>>
      %dma_wait3A_103 = tpu.memref_slice %arg3[%run_scoped3A_65, %mul3A_2] : memref<3x320000xi32, #tpu.memory_space<hbm>> -> memref<1x400xi32, #tpu.memory_space<hbm>>
      %dma_wait3A_104 = tpu.memref_squeeze %dma_wait3A_103 : memref<1x400xi32, #tpu.memory_space<hbm>> -> memref<400xi32, #tpu.memory_space<hbm>>
      tpu.wait_dma2 semaphore(%run_scoped3A_96 : memref<!tpu.dma_semaphore, #tpu.memory_space<semaphore_mem>>) src(%dma_wait3A_104 : memref<400xi32, #tpu.memory_space<hbm>>) dst(%arg10 : memref<400xi32, #tpu.memory_space<vmem>>)
      tpu.yield
    }) : () -> ()
    %dma_start3A_66 = arith.constant 2 : i32
    %dma_start3A_67 = arith.constant 0 : i32
    %dma_start3A_68 = arith.constant 0 : i32
    %dma_start3A_69 = tpu.memref_slice %arg4[%arg0, %dma_start3A_66, %dma_start3A_67, %dma_start3A_68] : memref<2x3x10000x64xf32, #tpu.memory_space<hbm>> -> memref<1x1x10000x64xf32, #tpu.memory_space<hbm>>
    %dma_start3A_70 = tpu.memref_squeeze %dma_start3A_69 : memref<1x1x10000x64xf32, #tpu.memory_space<hbm>> -> memref<10000x64xf32, #tpu.memory_space<hbm>>
    %dma_start3A_71 = arith.constant 0 : i32
    %dma_start3A_72 = arith.constant 0 : i32
    %dma_start3A_73 = tpu.memref_slice %dma_start3A_70[%dma_start3A_71, %dma_start3A_72] : memref<10000x64xf32, #tpu.memory_space<hbm>> -> memref<10000x64xf32, #tpu.memory_space<hbm>>
    tpu.enqueue_indirect_dma source(%dma_start3A_73 : memref<10000x64xf32, #tpu.memory_space<hbm>>) target(%arg12 : memref<400x64xf32, #tpu.memory_space<vmem>>) offsets(%arg8 : memref<400xi32, #tpu.memory_space<vmem>>) semaphore(%arg14 : memref<!tpu.dma_semaphore, #tpu.memory_space<semaphore_mem>>)
    %scan3A_74 = arith.constant 2 : i32
    %scan3A_75 = arith.constant 0 : i32
    %scan3A_76 = arith.constant 24 : i32
    %scan3A_77 = arith.addi %scan3A_75, %scan3A_76 : i32
    %scan3A_78 = arith.constant 1 : i32
    scf.for %scan3A_96 = %scan3A_75 to %scan3A_77 step %scan3A_78  : i32 {
      %mul3A_97 = arith.constant 800 : i32
      %mul3A_98 = arith.muli %scan3A_96, %mul3A_97 : i32
      %add3A_99 = arith.constant 0 : i32
      %add3A_100 = arith.addi %add3A_99, %mul3A_98 : i32
      %add3A_101 = arith.addi %mul3A_2, %add3A_100 : i32
      %add3A_102 = arith.constant 400 : i32
      %add3A_103 = arith.addi %add3A_101, %add3A_102 : i32
      %run_scoped3A_104 = arith.constant 2 : i32
      "tpu.region"() ({
        %run_scoped3A_143 = tpu.sem_alloc : memref<!tpu.dma_semaphore, #tpu.memory_space<semaphore_mem>>
        %dma_start3A_144 = tpu.memref_slice %arg2[%run_scoped3A_104, %add3A_103] : memref<3x320000xi32, #tpu.memory_space<hbm>> -> memref<1x400xi32, #tpu.memory_space<hbm>>
        %dma_start3A_145 = tpu.memref_squeeze %dma_start3A_144 : memref<1x400xi32, #tpu.memory_space<hbm>> -> memref<400xi32, #tpu.memory_space<hbm>>
        %dma_start3A_146 = tpu.memref_slice %arg2[%run_scoped3A_104, %add3A_103] : memref<3x320000xi32, #tpu.memory_space<hbm>> -> memref<1x400xi32, #tpu.memory_space<hbm>>
        %dma_start3A_147 = tpu.memref_squeeze %dma_start3A_146 : memref<1x400xi32, #tpu.memory_space<hbm>> -> memref<400xi32, #tpu.memory_space<hbm>>
        tpu.enqueue_dma source(%dma_start3A_147 : memref<400xi32, #tpu.memory_space<hbm>>) target(%arg9 : memref<400xi32, #tpu.memory_space<vmem>>) target_semaphore(%run_scoped3A_143 : memref<!tpu.dma_semaphore, #tpu.memory_space<semaphore_mem>>)
        %dma_wait3A_148 = tpu.memref_slice %arg2[%run_scoped3A_104, %add3A_103] : memref<3x320000xi32, #tpu.memory_space<hbm>> -> memref<1x400xi32, #tpu.memory_space<hbm>>
        %dma_wait3A_149 = tpu.memref_squeeze %dma_wait3A_148 : memref<1x400xi32, #tpu.memory_space<hbm>> -> memref<400xi32, #tpu.memory_space<hbm>>
        %dma_wait3A_150 = tpu.memref_slice %arg2[%run_scoped3A_104, %add3A_103] : memref<3x320000xi32, #tpu.memory_space<hbm>> -> memref<1x400xi32, #tpu.memory_space<hbm>>
        %dma_wait3A_151 = tpu.memref_squeeze %dma_wait3A_150 : memref<1x400xi32, #tpu.memory_space<hbm>> -> memref<400xi32, #tpu.memory_space<hbm>>
        tpu.wait_dma2 semaphore(%run_scoped3A_143 : memref<!tpu.dma_semaphore, #tpu.memory_space<semaphore_mem>>) src(%dma_wait3A_151 : memref<400xi32, #tpu.memory_space<hbm>>) dst(%arg9 : memref<400xi32, #tpu.memory_space<vmem>>)
        tpu.yield
      }) : () -> ()
      %add3A_105 = arith.addi %mul3A_2, %add3A_100 : i32
      %add3A_106 = arith.constant 400 : i32
      %add3A_107 = arith.addi %add3A_105, %add3A_106 : i32
      %run_scoped3A_108 = arith.constant 2 : i32
      "tpu.region"() ({
        %run_scoped3A_143 = tpu.sem_alloc : memref<!tpu.dma_semaphore, #tpu.memory_space<semaphore_mem>>
        %dma_start3A_144 = tpu.memref_slice %arg3[%run_scoped3A_108, %add3A_107] : memref<3x320000xi32, #tpu.memory_space<hbm>> -> memref<1x400xi32, #tpu.memory_space<hbm>>
        %dma_start3A_145 = tpu.memref_squeeze %dma_start3A_144 : memref<1x400xi32, #tpu.memory_space<hbm>> -> memref<400xi32, #tpu.memory_space<hbm>>
        %dma_start3A_146 = tpu.memref_slice %arg3[%run_scoped3A_108, %add3A_107] : memref<3x320000xi32, #tpu.memory_space<hbm>> -> memref<1x400xi32, #tpu.memory_space<hbm>>
        %dma_start3A_147 = tpu.memref_squeeze %dma_start3A_146 : memref<1x400xi32, #tpu.memory_space<hbm>> -> memref<400xi32, #tpu.memory_space<hbm>>
        tpu.enqueue_dma source(%dma_start3A_147 : memref<400xi32, #tpu.memory_space<hbm>>) target(%arg11 : memref<400xi32, #tpu.memory_space<vmem>>) target_semaphore(%run_scoped3A_143 : memref<!tpu.dma_semaphore, #tpu.memory_space<semaphore_mem>>)
        %dma_wait3A_148 = tpu.memref_slice %arg3[%run_scoped3A_108, %add3A_107] : memref<3x320000xi32, #tpu.memory_space<hbm>> -> memref<1x400xi32, #tpu.memory_space<hbm>>
        %dma_wait3A_149 = tpu.memref_squeeze %dma_wait3A_148 : memref<1x400xi32, #tpu.memory_space<hbm>> -> memref<400xi32, #tpu.memory_space<hbm>>
        %dma_wait3A_150 = tpu.memref_slice %arg3[%run_scoped3A_108, %add3A_107] : memref<3x320000xi32, #tpu.memory_space<hbm>> -> memref<1x400xi32, #tpu.memory_space<hbm>>
        %dma_wait3A_151 = tpu.memref_squeeze %dma_wait3A_150 : memref<1x400xi32, #tpu.memory_space<hbm>> -> memref<400xi32, #tpu.memory_space<hbm>>
        tpu.wait_dma2 semaphore(%run_scoped3A_143 : memref<!tpu.dma_semaphore, #tpu.memory_space<semaphore_mem>>) src(%dma_wait3A_151 : memref<400xi32, #tpu.memory_space<hbm>>) dst(%arg11 : memref<400xi32, #tpu.memory_space<vmem>>)
        tpu.yield
      }) : () -> ()
      %dma_start3A_109 = arith.constant 0 : i32
      %dma_start3A_110 = arith.constant 0 : i32
      %dma_start3A_111 = tpu.memref_slice %arg4[%arg0, %scan3A_74, %dma_start3A_109, %dma_start3A_110] : memref<2x3x10000x64xf32, #tpu.memory_space<hbm>> -> memref<1x1x10000x64xf32, #tpu.memory_space<hbm>>
      %dma_start3A_112 = tpu.memref_squeeze %dma_start3A_111 : memref<1x1x10000x64xf32, #tpu.memory_space<hbm>> -> memref<10000x64xf32, #tpu.memory_space<hbm>>
      %dma_start3A_113 = arith.constant 0 : i32
      %dma_start3A_114 = arith.constant 0 : i32
      %dma_start3A_115 = tpu.memref_slice %dma_start3A_112[%dma_start3A_113, %dma_start3A_114] : memref<10000x64xf32, #tpu.memory_space<hbm>> -> memref<10000x64xf32, #tpu.memory_space<hbm>>
      tpu.enqueue_indirect_dma source(%dma_start3A_115 : memref<10000x64xf32, #tpu.memory_space<hbm>>) target(%arg13 : memref<400x64xf32, #tpu.memory_space<vmem>>) offsets(%arg9 : memref<400xi32, #tpu.memory_space<vmem>>) semaphore(%arg15 : memref<!tpu.dma_semaphore, #tpu.memory_space<semaphore_mem>>)
      %dma_wait3A_116 = arith.constant 0 : i32
      %dma_wait3A_117 = arith.constant 0 : i32
      %dma_wait3A_118 = tpu.memref_slice %arg4[%arg0, %scan3A_74, %dma_wait3A_116, %dma_wait3A_117] : memref<2x3x10000x64xf32, #tpu.memory_space<hbm>> -> memref<1x1x10000x64xf32, #tpu.memory_space<hbm>>
      %dma_wait3A_119 = tpu.memref_squeeze %dma_wait3A_118 : memref<1x1x10000x64xf32, #tpu.memory_space<hbm>> -> memref<10000x64xf32, #tpu.memory_space<hbm>>
      %dma_wait3A_120 = arith.constant 0 : i32
      %dma_wait3A_121 = arith.constant 0 : i32
      %dma_wait3A_122 = tpu.memref_slice %dma_wait3A_119[%dma_wait3A_120, %dma_wait3A_121] : memref<10000x64xf32, #tpu.memory_space<hbm>> -> memref<10000x64xf32, #tpu.memory_space<hbm>>
      tpu.wait_indirect_dma semaphore(%arg14 : memref<!tpu.dma_semaphore, #tpu.memory_space<semaphore_mem>>) src(%dma_wait3A_122 : memref<10000x64xf32, #tpu.memory_space<hbm>>) dst(%arg12 : memref<400x64xf32, #tpu.memory_space<vmem>>)
      "tpu.region"() ({
        %run_scoped3A_143 = tpu.sem_alloc : memref<!tpu.dma_semaphore, #tpu.memory_space<semaphore_mem>>
        %dma_start3A_144 = arith.constant 0 : i32
        %dma_start3A_145 = arith.constant 0 : i32
        %dma_start3A_146 = tpu.memref_slice %arg7[%dma_start3A_144, %dma_start3A_145] : memref<10000x64xf32, #tpu.memory_space<vmem_shared>> -> memref<10000x64xf32, #tpu.memory_space<vmem_shared>>
        tpu.enqueue_indirect_dma source(%arg12 : memref<400x64xf32, #tpu.memory_space<vmem>>) target(%dma_start3A_146 : memref<10000x64xf32, #tpu.memory_space<vmem_shared>>) offsets(%arg10 : memref<400xi32, #tpu.memory_space<vmem>>) semaphore(%run_scoped3A_143 : memref<!tpu.dma_semaphore, #tpu.memory_space<semaphore_mem>>) {add = true}
        %dma_wait3A_147 = arith.constant 0 : i32
        %dma_wait3A_148 = arith.constant 0 : i32
        %dma_wait3A_149 = tpu.memref_slice %arg7[%dma_wait3A_147, %dma_wait3A_148] : memref<10000x64xf32, #tpu.memory_space<vmem_shared>> -> memref<10000x64xf32, #tpu.memory_space<vmem_shared>>
        tpu.wait_indirect_dma semaphore(%run_scoped3A_143 : memref<!tpu.dma_semaphore, #tpu.memory_space<semaphore_mem>>) src(%arg12 : memref<400x64xf32, #tpu.memory_space<vmem>>) dst(%dma_wait3A_149 : memref<10000x64xf32, #tpu.memory_space<vmem_shared>>)
        tpu.yield
      }) : () -> ()
      %add3A_123 = arith.constant 800 : i32
      %add3A_124 = arith.addi %add3A_100, %add3A_123 : i32
      %add3A_125 = arith.addi %mul3A_2, %add3A_124 : i32
      %run_scoped3A_126 = arith.constant 2 : i32
      "tpu.region"() ({
        %run_scoped3A_143 = tpu.sem_alloc : memref<!tpu.dma_semaphore, #tpu.memory_space<semaphore_mem>>
        %dma_start3A_144 = tpu.memref_slice %arg2[%run_scoped3A_126, %add3A_125] : memref<3x320000xi32, #tpu.memory_space<hbm>> -> memref<1x400xi32, #tpu.memory_space<hbm>>
        %dma_start3A_145 = tpu.memref_squeeze %dma_start3A_144 : memref<1x400xi32, #tpu.memory_space<hbm>> -> memref<400xi32, #tpu.memory_space<hbm>>
        %dma_start3A_146 = tpu.memref_slice %arg2[%run_scoped3A_126, %add3A_125] : memref<3x320000xi32, #tpu.memory_space<hbm>> -> memref<1x400xi32, #tpu.memory_space<hbm>>
        %dma_start3A_147 = tpu.memref_squeeze %dma_start3A_146 : memref<1x400xi32, #tpu.memory_space<hbm>> -> memref<400xi32, #tpu.memory_space<hbm>>
        tpu.enqueue_dma source(%dma_start3A_147 : memref<400xi32, #tpu.memory_space<hbm>>) target(%arg8 : memref<400xi32, #tpu.memory_space<vmem>>) target_semaphore(%run_scoped3A_143 : memref<!tpu.dma_semaphore, #tpu.memory_space<semaphore_mem>>)
        %dma_wait3A_148 = tpu.memref_slice %arg2[%run_scoped3A_126, %add3A_125] : memref<3x320000xi32, #tpu.memory_space<hbm>> -> memref<1x400xi32, #tpu.memory_space<hbm>>
        %dma_wait3A_149 = tpu.memref_squeeze %dma_wait3A_148 : memref<1x400xi32, #tpu.memory_space<hbm>> -> memref<400xi32, #tpu.memory_space<hbm>>
        %dma_wait3A_150 = tpu.memref_slice %arg2[%run_scoped3A_126, %add3A_125] : memref<3x320000xi32, #tpu.memory_space<hbm>> -> memref<1x400xi32, #tpu.memory_space<hbm>>
        %dma_wait3A_151 = tpu.memref_squeeze %dma_wait3A_150 : memref<1x400xi32, #tpu.memory_space<hbm>> -> memref<400xi32, #tpu.memory_space<hbm>>
        tpu.wait_dma2 semaphore(%run_scoped3A_143 : memref<!tpu.dma_semaphore, #tpu.memory_space<semaphore_mem>>) src(%dma_wait3A_151 : memref<400xi32, #tpu.memory_space<hbm>>) dst(%arg8 : memref<400xi32, #tpu.memory_space<vmem>>)
        tpu.yield
      }) : () -> ()
      %add3A_127 = arith.addi %mul3A_2, %add3A_124 : i32
      %run_scoped3A_128 = arith.constant 2 : i32
      "tpu.region"() ({
        %run_scoped3A_143 = tpu.sem_alloc : memref<!tpu.dma_semaphore, #tpu.memory_space<semaphore_mem>>
        %dma_start3A_144 = tpu.memref_slice %arg3[%run_scoped3A_128, %add3A_127] : memref<3x320000xi32, #tpu.memory_space<hbm>> -> memref<1x400xi32, #tpu.memory_space<hbm>>
        %dma_start3A_145 = tpu.memref_squeeze %dma_start3A_144 : memref<1x400xi32, #tpu.memory_space<hbm>> -> memref<400xi32, #tpu.memory_space<hbm>>
        %dma_start3A_146 = tpu.memref_slice %arg3[%run_scoped3A_128, %add3A_127] : memref<3x320000xi32, #tpu.memory_space<hbm>> -> memref<1x400xi32, #tpu.memory_space<hbm>>
        %dma_start3A_147 = tpu.memref_squeeze %dma_start3A_146 : memref<1x400xi32, #tpu.memory_space<hbm>> -> memref<400xi32, #tpu.memory_space<hbm>>
        tpu.enqueue_dma source(%dma_start3A_147 : memref<400xi32, #tpu.memory_space<hbm>>) target(%arg10 : memref<400xi32, #tpu.memory_space<vmem>>) target_semaphore(%run_scoped3A_143 : memref<!tpu.dma_semaphore, #tpu.memory_space<semaphore_mem>>)
        %dma_wait3A_148 = tpu.memref_slice %arg3[%run_scoped3A_128, %add3A_127] : memref<3x320000xi32, #tpu.memory_space<hbm>> -> memref<1x400xi32, #tpu.memory_space<hbm>>
        %dma_wait3A_149 = tpu.memref_squeeze %dma_wait3A_148 : memref<1x400xi32, #tpu.memory_space<hbm>> -> memref<400xi32, #tpu.memory_space<hbm>>
        %dma_wait3A_150 = tpu.memref_slice %arg3[%run_scoped3A_128, %add3A_127] : memref<3x320000xi32, #tpu.memory_space<hbm>> -> memref<1x400xi32, #tpu.memory_space<hbm>>
        %dma_wait3A_151 = tpu.memref_squeeze %dma_wait3A_150 : memref<1x400xi32, #tpu.memory_space<hbm>> -> memref<400xi32, #tpu.memory_space<hbm>>
        tpu.wait_dma2 semaphore(%run_scoped3A_143 : memref<!tpu.dma_semaphore, #tpu.memory_space<semaphore_mem>>) src(%dma_wait3A_151 : memref<400xi32, #tpu.memory_space<hbm>>) dst(%arg10 : memref<400xi32, #tpu.memory_space<vmem>>)
        tpu.yield
      }) : () -> ()
      %dma_start3A_129 = arith.constant 0 : i32
      %dma_start3A_130 = arith.constant 0 : i32
      %dma_start3A_131 = tpu.memref_slice %arg4[%arg0, %scan3A_74, %dma_start3A_129, %dma_start3A_130] : memref<2x3x10000x64xf32, #tpu.memory_space<hbm>> -> memref<1x1x10000x64xf32, #tpu.memory_space<hbm>>
      %dma_start3A_132 = tpu.memref_squeeze %dma_start3A_131 : memref<1x1x10000x64xf32, #tpu.memory_space<hbm>> -> memref<10000x64xf32, #tpu.memory_space<hbm>>
      %dma_start3A_133 = arith.constant 0 : i32
      %dma_start3A_134 = arith.constant 0 : i32
      %dma_start3A_135 = tpu.memref_slice %dma_start3A_132[%dma_start3A_133, %dma_start3A_134] : memref<10000x64xf32, #tpu.memory_space<hbm>> -> memref<10000x64xf32, #tpu.memory_space<hbm>>
      tpu.enqueue_indirect_dma source(%dma_start3A_135 : memref<10000x64xf32, #tpu.memory_space<hbm>>) target(%arg12 : memref<400x64xf32, #tpu.memory_space<vmem>>) offsets(%arg8 : memref<400xi32, #tpu.memory_space<vmem>>) semaphore(%arg14 : memref<!tpu.dma_semaphore, #tpu.memory_space<semaphore_mem>>)
      %dma_wait3A_136 = arith.constant 0 : i32
      %dma_wait3A_137 = arith.constant 0 : i32
      %dma_wait3A_138 = tpu.memref_slice %arg4[%arg0, %scan3A_74, %dma_wait3A_136, %dma_wait3A_137] : memref<2x3x10000x64xf32, #tpu.memory_space<hbm>> -> memref<1x1x10000x64xf32, #tpu.memory_space<hbm>>
      %dma_wait3A_139 = tpu.memref_squeeze %dma_wait3A_138 : memref<1x1x10000x64xf32, #tpu.memory_space<hbm>> -> memref<10000x64xf32, #tpu.memory_space<hbm>>
      %dma_wait3A_140 = arith.constant 0 : i32
      %dma_wait3A_141 = arith.constant 0 : i32
      %dma_wait3A_142 = tpu.memref_slice %dma_wait3A_139[%dma_wait3A_140, %dma_wait3A_141] : memref<10000x64xf32, #tpu.memory_space<hbm>> -> memref<10000x64xf32, #tpu.memory_space<hbm>>
      tpu.wait_indirect_dma semaphore(%arg15 : memref<!tpu.dma_semaphore, #tpu.memory_space<semaphore_mem>>) src(%dma_wait3A_142 : memref<10000x64xf32, #tpu.memory_space<hbm>>) dst(%arg13 : memref<400x64xf32, #tpu.memory_space<vmem>>)
      "tpu.region"() ({
        %run_scoped3A_143 = tpu.sem_alloc : memref<!tpu.dma_semaphore, #tpu.memory_space<semaphore_mem>>
        %dma_start3A_144 = arith.constant 0 : i32
        %dma_start3A_145 = arith.constant 0 : i32
        %dma_start3A_146 = tpu.memref_slice %arg7[%dma_start3A_144, %dma_start3A_145] : memref<10000x64xf32, #tpu.memory_space<vmem_shared>> -> memref<10000x64xf32, #tpu.memory_space<vmem_shared>>
        tpu.enqueue_indirect_dma source(%arg13 : memref<400x64xf32, #tpu.memory_space<vmem>>) target(%dma_start3A_146 : memref<10000x64xf32, #tpu.memory_space<vmem_shared>>) offsets(%arg11 : memref<400xi32, #tpu.memory_space<vmem>>) semaphore(%run_scoped3A_143 : memref<!tpu.dma_semaphore, #tpu.memory_space<semaphore_mem>>) {add = true}
        %dma_wait3A_147 = arith.constant 0 : i32
        %dma_wait3A_148 = arith.constant 0 : i32
        %dma_wait3A_149 = tpu.memref_slice %arg7[%dma_wait3A_147, %dma_wait3A_148] : memref<10000x64xf32, #tpu.memory_space<vmem_shared>> -> memref<10000x64xf32, #tpu.memory_space<vmem_shared>>
        tpu.wait_indirect_dma semaphore(%run_scoped3A_143 : memref<!tpu.dma_semaphore, #tpu.memory_space<semaphore_mem>>) src(%arg13 : memref<400x64xf32, #tpu.memory_space<vmem>>) dst(%dma_wait3A_149 : memref<10000x64xf32, #tpu.memory_space<vmem_shared>>)
        tpu.yield
      }) : () -> ()
    }
    %scan3A_79 = arith.constant 24 : i32
    %dma_wait3A_80 = arith.constant 2 : i32
    %dma_wait3A_81 = arith.constant 0 : i32
    %dma_wait3A_82 = arith.constant 0 : i32
    %dma_wait3A_83 = tpu.memref_slice %arg4[%arg0, %dma_wait3A_80, %dma_wait3A_81, %dma_wait3A_82] : memref<2x3x10000x64xf32, #tpu.memory_space<hbm>> -> memref<1x1x10000x64xf32, #tpu.memory_space<hbm>>
    %dma_wait3A_84 = tpu.memref_squeeze %dma_wait3A_83 : memref<1x1x10000x64xf32, #tpu.memory_space<hbm>> -> memref<10000x64xf32, #tpu.memory_space<hbm>>
    %dma_wait3A_85 = arith.constant 0 : i32
    %dma_wait3A_86 = arith.constant 0 : i32
    %dma_wait3A_87 = tpu.memref_slice %dma_wait3A_84[%dma_wait3A_85, %dma_wait3A_86] : memref<10000x64xf32, #tpu.memory_space<hbm>> -> memref<10000x64xf32, #tpu.memory_space<hbm>>
    tpu.wait_indirect_dma semaphore(%arg14 : memref<!tpu.dma_semaphore, #tpu.memory_space<semaphore_mem>>) src(%dma_wait3A_87 : memref<10000x64xf32, #tpu.memory_space<hbm>>) dst(%arg12 : memref<400x64xf32, #tpu.memory_space<vmem>>)
    "tpu.region"() ({
      %run_scoped3A_96 = tpu.sem_alloc : memref<!tpu.dma_semaphore, #tpu.memory_space<semaphore_mem>>
      %dma_start3A_97 = arith.constant 0 : i32
      %dma_start3A_98 = arith.constant 0 : i32
      %dma_start3A_99 = tpu.memref_slice %arg7[%dma_start3A_97, %dma_start3A_98] : memref<10000x64xf32, #tpu.memory_space<vmem_shared>> -> memref<10000x64xf32, #tpu.memory_space<vmem_shared>>
      tpu.enqueue_indirect_dma source(%arg12 : memref<400x64xf32, #tpu.memory_space<vmem>>) target(%dma_start3A_99 : memref<10000x64xf32, #tpu.memory_space<vmem_shared>>) offsets(%arg10 : memref<400xi32, #tpu.memory_space<vmem>>) semaphore(%run_scoped3A_96 : memref<!tpu.dma_semaphore, #tpu.memory_space<semaphore_mem>>) {add = true}
      %dma_wait3A_100 = arith.constant 0 : i32
      %dma_wait3A_101 = arith.constant 0 : i32
      %dma_wait3A_102 = tpu.memref_slice %arg7[%dma_wait3A_100, %dma_wait3A_101] : memref<10000x64xf32, #tpu.memory_space<vmem_shared>> -> memref<10000x64xf32, #tpu.memory_space<vmem_shared>>
      tpu.wait_indirect_dma semaphore(%run_scoped3A_96 : memref<!tpu.dma_semaphore, #tpu.memory_space<semaphore_mem>>) src(%arg12 : memref<400x64xf32, #tpu.memory_space<vmem>>) dst(%dma_wait3A_102 : memref<10000x64xf32, #tpu.memory_space<vmem_shared>>)
      tpu.yield
    }) : () -> ()
    %add3A_88 = arith.constant 19600 : i32
    %add3A_89 = arith.addi %mul3A_2, %add3A_88 : i32
    %run_scoped3A_90 = arith.constant 2 : i32
    "tpu.region"() ({
      %run_scoped3A_96 = tpu.sem_alloc : memref<!tpu.dma_semaphore, #tpu.memory_space<semaphore_mem>>
      %dma_start3A_97 = tpu.memref_slice %arg2[%run_scoped3A_90, %add3A_89] : memref<3x320000xi32, #tpu.memory_space<hbm>> -> memref<1x400xi32, #tpu.memory_space<hbm>>
      %dma_start3A_98 = tpu.memref_squeeze %dma_start3A_97 : memref<1x400xi32, #tpu.memory_space<hbm>> -> memref<400xi32, #tpu.memory_space<hbm>>
      %dma_start3A_99 = tpu.memref_slice %arg2[%run_scoped3A_90, %add3A_89] : memref<3x320000xi32, #tpu.memory_space<hbm>> -> memref<1x400xi32, #tpu.memory_space<hbm>>
      %dma_start3A_100 = tpu.memref_squeeze %dma_start3A_99 : memref<1x400xi32, #tpu.memory_space<hbm>> -> memref<400xi32, #tpu.memory_space<hbm>>
      tpu.enqueue_dma source(%dma_start3A_100 : memref<400xi32, #tpu.memory_space<hbm>>) target(%arg9 : memref<400xi32, #tpu.memory_space<vmem>>) target_semaphore(%run_scoped3A_96 : memref<!tpu.dma_semaphore, #tpu.memory_space<semaphore_mem>>)
      %dma_wait3A_101 = tpu.memref_slice %arg2[%run_scoped3A_90, %add3A_89] : memref<3x320000xi32, #tpu.memory_space<hbm>> -> memref<1x400xi32, #tpu.memory_space<hbm>>
      %dma_wait3A_102 = tpu.memref_squeeze %dma_wait3A_101 : memref<1x400xi32, #tpu.memory_space<hbm>> -> memref<400xi32, #tpu.memory_space<hbm>>
      %dma_wait3A_103 = tpu.memref_slice %arg2[%run_scoped3A_90, %add3A_89] : memref<3x320000xi32, #tpu.memory_space<hbm>> -> memref<1x400xi32, #tpu.memory_space<hbm>>
      %dma_wait3A_104 = tpu.memref_squeeze %dma_wait3A_103 : memref<1x400xi32, #tpu.memory_space<hbm>> -> memref<400xi32, #tpu.memory_space<hbm>>
      tpu.wait_dma2 semaphore(%run_scoped3A_96 : memref<!tpu.dma_semaphore, #tpu.memory_space<semaphore_mem>>) src(%dma_wait3A_104 : memref<400xi32, #tpu.memory_space<hbm>>) dst(%arg9 : memref<400xi32, #tpu.memory_space<vmem>>)
      tpu.yield
    }) : () -> ()
    %run_scoped3A_91 = arith.constant 2 : i32
    "tpu.region"() ({
      %run_scoped3A_96 = tpu.sem_alloc : memref<!tpu.dma_semaphore, #tpu.memory_space<semaphore_mem>>
      %dma_start3A_97 = tpu.memref_slice %arg3[%run_scoped3A_91, %add3A_89] : memref<3x320000xi32, #tpu.memory_space<hbm>> -> memref<1x400xi32, #tpu.memory_space<hbm>>
      %dma_start3A_98 = tpu.memref_squeeze %dma_start3A_97 : memref<1x400xi32, #tpu.memory_space<hbm>> -> memref<400xi32, #tpu.memory_space<hbm>>
      %dma_start3A_99 = tpu.memref_slice %arg3[%run_scoped3A_91, %add3A_89] : memref<3x320000xi32, #tpu.memory_space<hbm>> -> memref<1x400xi32, #tpu.memory_space<hbm>>
      %dma_start3A_100 = tpu.memref_squeeze %dma_start3A_99 : memref<1x400xi32, #tpu.memory_space<hbm>> -> memref<400xi32, #tpu.memory_space<hbm>>
      tpu.enqueue_dma source(%dma_start3A_100 : memref<400xi32, #tpu.memory_space<hbm>>) target(%arg11 : memref<400xi32, #tpu.memory_space<vmem>>) target_semaphore(%run_scoped3A_96 : memref<!tpu.dma_semaphore, #tpu.memory_space<semaphore_mem>>)
      %dma_wait3A_101 = tpu.memref_slice %arg3[%run_scoped3A_91, %add3A_89] : memref<3x320000xi32, #tpu.memory_space<hbm>> -> memref<1x400xi32, #tpu.memory_space<hbm>>
      %dma_wait3A_102 = tpu.memref_squeeze %dma_wait3A_101 : memref<1x400xi32, #tpu.memory_space<hbm>> -> memref<400xi32, #tpu.memory_space<hbm>>
      %dma_wait3A_103 = tpu.memref_slice %arg3[%run_scoped3A_91, %add3A_89] : memref<3x320000xi32, #tpu.memory_space<hbm>> -> memref<1x400xi32, #tpu.memory_space<hbm>>
      %dma_wait3A_104 = tpu.memref_squeeze %dma_wait3A_103 : memref<1x400xi32, #tpu.memory_space<hbm>> -> memref<400xi32, #tpu.memory_space<hbm>>
      tpu.wait_dma2 semaphore(%run_scoped3A_96 : memref<!tpu.dma_semaphore, #tpu.memory_space<semaphore_mem>>) src(%dma_wait3A_104 : memref<400xi32, #tpu.memory_space<hbm>>) dst(%arg11 : memref<400xi32, #tpu.memory_space<vmem>>)
      tpu.yield
    }) : () -> ()
    %run_scoped3A_92 = arith.constant 2 : i32
    "tpu.region"() ({
      %run_scoped3A_96 = tpu.sem_alloc : memref<!tpu.dma_semaphore, #tpu.memory_space<semaphore_mem>>
      %dma_start3A_97 = arith.constant 0 : i32
      %dma_start3A_98 = arith.constant 0 : i32
      %dma_start3A_99 = tpu.memref_slice %arg4[%arg0, %run_scoped3A_92, %dma_start3A_97, %dma_start3A_98] : memref<2x3x10000x64xf32, #tpu.memory_space<hbm>> -> memref<1x1x10000x64xf32, #tpu.memory_space<hbm>>
      %dma_start3A_100 = tpu.memref_squeeze %dma_start3A_99 : memref<1x1x10000x64xf32, #tpu.memory_space<hbm>> -> memref<10000x64xf32, #tpu.memory_space<hbm>>
      %dma_start3A_101 = arith.constant 0 : i32
      %dma_start3A_102 = arith.constant 0 : i32
      %dma_start3A_103 = tpu.memref_slice %dma_start3A_100[%dma_start3A_101, %dma_start3A_102] : memref<10000x64xf32, #tpu.memory_space<hbm>> -> memref<10000x64xf32, #tpu.memory_space<hbm>>
      tpu.enqueue_indirect_dma source(%dma_start3A_103 : memref<10000x64xf32, #tpu.memory_space<hbm>>) target(%arg13 : memref<400x64xf32, #tpu.memory_space<vmem>>) offsets(%arg9 : memref<400xi32, #tpu.memory_space<vmem>>) semaphore(%run_scoped3A_96 : memref<!tpu.dma_semaphore, #tpu.memory_space<semaphore_mem>>)
      %dma_wait3A_104 = arith.constant 0 : i32
      %dma_wait3A_105 = arith.constant 0 : i32
      %dma_wait3A_106 = tpu.memref_slice %arg4[%arg0, %run_scoped3A_92, %dma_wait3A_104, %dma_wait3A_105] : memref<2x3x10000x64xf32, #tpu.memory_space<hbm>> -> memref<1x1x10000x64xf32, #tpu.memory_space<hbm>>
      %dma_wait3A_107 = tpu.memref_squeeze %dma_wait3A_106 : memref<1x1x10000x64xf32, #tpu.memory_space<hbm>> -> memref<10000x64xf32, #tpu.memory_space<hbm>>
      %dma_wait3A_108 = arith.constant 0 : i32
      %dma_wait3A_109 = arith.constant 0 : i32
      %dma_wait3A_110 = tpu.memref_slice %dma_wait3A_107[%dma_wait3A_108, %dma_wait3A_109] : memref<10000x64xf32, #tpu.memory_space<hbm>> -> memref<10000x64xf32, #tpu.memory_space<hbm>>
      tpu.wait_indirect_dma semaphore(%run_scoped3A_96 : memref<!tpu.dma_semaphore, #tpu.memory_space<semaphore_mem>>) src(%dma_wait3A_110 : memref<10000x64xf32, #tpu.memory_space<hbm>>) dst(%arg13 : memref<400x64xf32, #tpu.memory_space<vmem>>)
      tpu.yield
    }) : () -> ()
    "tpu.region"() ({
      %run_scoped3A_96 = tpu.sem_alloc : memref<!tpu.dma_semaphore, #tpu.memory_space<semaphore_mem>>
      %dma_start3A_97 = arith.constant 0 : i32
      %dma_start3A_98 = arith.constant 0 : i32
      %dma_start3A_99 = tpu.memref_slice %arg7[%dma_start3A_97, %dma_start3A_98] : memref<10000x64xf32, #tpu.memory_space<vmem_shared>> -> memref<10000x64xf32, #tpu.memory_space<vmem_shared>>
      tpu.enqueue_indirect_dma source(%arg13 : memref<400x64xf32, #tpu.memory_space<vmem>>) target(%dma_start3A_99 : memref<10000x64xf32, #tpu.memory_space<vmem_shared>>) offsets(%arg11 : memref<400xi32, #tpu.memory_space<vmem>>) semaphore(%run_scoped3A_96 : memref<!tpu.dma_semaphore, #tpu.memory_space<semaphore_mem>>) {add = true}
      %dma_wait3A_100 = arith.constant 0 : i32
      %dma_wait3A_101 = arith.constant 0 : i32
      %dma_wait3A_102 = tpu.memref_slice %arg7[%dma_wait3A_100, %dma_wait3A_101] : memref<10000x64xf32, #tpu.memory_space<vmem_shared>> -> memref<10000x64xf32, #tpu.memory_space<vmem_shared>>
      tpu.wait_indirect_dma semaphore(%run_scoped3A_96 : memref<!tpu.dma_semaphore, #tpu.memory_space<semaphore_mem>>) src(%arg13 : memref<400x64xf32, #tpu.memory_space<vmem>>) dst(%dma_wait3A_102 : memref<10000x64xf32, #tpu.memory_space<vmem_shared>>)
      tpu.yield
    }) : () -> ()
    %barrier3A_93 = arith.constant 0 : index
    tpu.barrier barrier_id(%barrier3A_93)
    %run_scoped3A_94 = arith.constant 2 : i32
    "tpu.region"() ({
      %run_scoped3A_96 = tpu.sem_alloc : memref<!tpu.dma_semaphore, #tpu.memory_space<semaphore_mem>>
      %dma_start3A_97 = arith.constant 0 : i32
      %dma_start3A_98 = arith.constant 0 : i32
      %dma_start3A_99 = tpu.memref_slice %arg6[%arg0, %run_scoped3A_94, %dma_start3A_97, %dma_start3A_98] : memref<2x3x10000x64xf32, #tpu.memory_space<hbm>> -> memref<1x1x10000x64xf32, #tpu.memory_space<hbm>>
      %dma_start3A_100 = tpu.memref_squeeze %dma_start3A_99 : memref<1x1x10000x64xf32, #tpu.memory_space<hbm>> -> memref<10000x64xf32, #tpu.memory_space<hbm>>
      %dma_start3A_101 = arith.constant 0 : i32
      %dma_start3A_102 = tpu.memref_slice %dma_start3A_100[%mul3A_0, %dma_start3A_101] : memref<10000x64xf32, #tpu.memory_space<hbm>> -> memref<625x64xf32, #tpu.memory_space<hbm>>
      %dma_start3A_103 = arith.constant 0 : i32
      %dma_start3A_104 = tpu.memref_slice %arg7[%mul3A_0, %dma_start3A_103] : memref<10000x64xf32, #tpu.memory_space<vmem_shared>> -> memref<625x64xf32, #tpu.memory_space<vmem_shared>>
      tpu.enqueue_dma source(%dma_start3A_104 : memref<625x64xf32, #tpu.memory_space<vmem_shared>>) target(%dma_start3A_102 : memref<625x64xf32, #tpu.memory_space<hbm>>) target_semaphore(%run_scoped3A_96 : memref<!tpu.dma_semaphore, #tpu.memory_space<semaphore_mem>>)
      %dma_wait3A_105 = arith.constant 0 : i32
      %dma_wait3A_106 = arith.constant 0 : i32
      %dma_wait3A_107 = tpu.memref_slice %arg6[%arg0, %run_scoped3A_94, %dma_wait3A_105, %dma_wait3A_106] : memref<2x3x10000x64xf32, #tpu.memory_space<hbm>> -> memref<1x1x10000x64xf32, #tpu.memory_space<hbm>>
      %dma_wait3A_108 = tpu.memref_squeeze %dma_wait3A_107 : memref<1x1x10000x64xf32, #tpu.memory_space<hbm>> -> memref<10000x64xf32, #tpu.memory_space<hbm>>
      %dma_wait3A_109 = arith.constant 0 : i32
      %dma_wait3A_110 = tpu.memref_slice %dma_wait3A_108[%mul3A_0, %dma_wait3A_109] : memref<10000x64xf32, #tpu.memory_space<hbm>> -> memref<625x64xf32, #tpu.memory_space<hbm>>
      %dma_wait3A_111 = arith.constant 0 : i32
      %dma_wait3A_112 = tpu.memref_slice %arg7[%mul3A_0, %dma_wait3A_111] : memref<10000x64xf32, #tpu.memory_space<vmem_shared>> -> memref<625x64xf32, #tpu.memory_space<vmem_shared>>
      tpu.wait_dma2 semaphore(%run_scoped3A_96 : memref<!tpu.dma_semaphore, #tpu.memory_space<semaphore_mem>>) src(%dma_wait3A_112 : memref<625x64xf32, #tpu.memory_space<vmem_shared>>) dst(%dma_wait3A_110 : memref<625x64xf32, #tpu.memory_space<hbm>>)
      tpu.yield
    }) : () -> ()
    %barrier3A_95 = arith.constant 0 : index
    tpu.barrier barrier_id(%barrier3A_95)
    return
  }
}

#map = affine_map<(d0, d1) -> (0, 0)>
#map1 = affine_map<(d0, d1) -> (0)>
#map2 = affine_map<(d0, d1) -> (0, 0, 0)>
module attributes {stable_mosaic.version = 14 : i64} {
  func.func @_deg_perm_body(%arg0: i32, %arg1: i32, %arg2: memref<3x320000xi32, #tpu.memory_space<hbm>>, %arg3: memref<10000x128xf32, #tpu.memory_space<hbm>>, %arg4: memref<16x625xi32, #tpu.memory_space<hbm>>, %arg5: memref<10000xf32, #tpu.memory_space<hbm>>, %arg6: memref<2x3x10000xf32, #tpu.memory_space<hbm>>, %arg7: memref<10000x128xf32, #tpu.memory_space<hbm>>, %arg8: memref<10000xf32, #tpu.memory_space<vmem_shared>>, %arg9: memref<10000xf32, #tpu.memory_space<vmem_shared>>, %arg10: memref<10000xf32, #tpu.memory_space<vmem_shared>>, %arg11: memref<2000xf32, #tpu.memory_space<vmem>>, %arg12: memref<2000xi32, #tpu.memory_space<vmem>>, %arg13: memref<625xi32, #tpu.memory_space<vmem>>, %arg14: memref<625x128xf32, #tpu.memory_space<vmem>>) attributes {dimension_semantics = [#tpu.dimension_semantics<core_parallel>, #tpu.dimension_semantics<subcore_parallel>], iteration_bounds = array<i64: 2, 16>, scalar_prefetch = 0 : i64, scratch_operands = 7 : i64, tpu.core_type = #tpu.core_type<sc_vector_subcore>, window_params = [{transform_indices = #map}, {transform_indices = #map}, {transform_indices = #map}, {transform_indices = #map1}, {transform_indices = #map2}, {transform_indices = #map}]} {
    %scan3A = arith.constant 0 : i32
    %scan3A_0 = arith.constant 125 : i32
    %scan3A_1 = arith.addi %scan3A, %scan3A_0 : i32
    %scan3A_2 = arith.constant 1 : i32
    scf.for %scan3A_185 = %scan3A to %scan3A_1 step %scan3A_2  : i32 {
      %mul3A_186 = arith.constant 16 : i32
      %mul3A_187 = arith.muli %scan3A_185, %mul3A_186 : i32
      %add3A_188 = arith.constant 0 : i32
      %add3A_189 = arith.addi %add3A_188, %mul3A_187 : i32
      %broadcast_in_dim3A = arith.constant 1.000000e+00 : f32
      %broadcast_in_dim3A_190 = vector.broadcast %broadcast_in_dim3A : f32 to vector<16xf32>
      %swap3A = arith.index_cast %add3A_189 : i32 to index
      %swap3A_191 = tpu.vector_load %arg11[%swap3A] {strides = array<i32>} : memref<2000xf32, #tpu.memory_space<vmem>>, vector<16xf32>,
      %swap3A_192 = vector.shape_cast %swap3A_191 : vector<16xf32> to vector<16xf32>
      %swap3A_193 = vector.shape_cast %broadcast_in_dim3A_190 : vector<16xf32> to vector<16xf32>
      tpu.vector_store %arg11[%swap3A], %swap3A_193 {strides = array<i32>} : memref<2000xf32, #tpu.memory_space<vmem>>, vector<16xf32>,
    }
    %scan3A_3 = arith.constant 125 : i32
    %eq3A = arith.constant 0 : i32
    %eq3A_4 = arith.cmpi eq, %arg1, %eq3A : i32
    %convert_element_type3A = arith.extui %eq3A_4 : i1 to i32
    %cond3A = arith.constant 0 : i32
    %cond3A_5 = arith.cmpi ne, %convert_element_type3A, %cond3A : i32
    scf.if %cond3A_5 {
      "tpu.region"() ({
        %run_scoped3A = tpu.sem_alloc : memref<!tpu.dma_semaphore, #tpu.memory_space<semaphore_mem>>
        %dma_start3A = arith.constant 0 : i32
        %dma_start3A_185 = tpu.memref_slice %arg8[%dma_start3A] : memref<10000xf32, #tpu.memory_space<vmem_shared>> -> memref<632xf32, #tpu.memory_space<vmem_shared>>
        %dma_start3A_186 = arith.constant 0 : i32
        %dma_start3A_187 = tpu.memref_slice %arg5[%dma_start3A_186] : memref<10000xf32, #tpu.memory_space<hbm>> -> memref<632xf32, #tpu.memory_space<hbm>>
        tpu.enqueue_dma source(%dma_start3A_187 : memref<632xf32, #tpu.memory_space<hbm>>) target(%dma_start3A_185 : memref<632xf32, #tpu.memory_space<vmem_shared>>) target_semaphore(%run_scoped3A : memref<!tpu.dma_semaphore, #tpu.memory_space<semaphore_mem>>)
        %dma_wait3A = arith.constant 0 : i32
        %dma_wait3A_188 = tpu.memref_slice %arg8[%dma_wait3A] : memref<10000xf32, #tpu.memory_space<vmem_shared>> -> memref<632xf32, #tpu.memory_space<vmem_shared>>
        %dma_wait3A_189 = arith.constant 0 : i32
        %dma_wait3A_190 = tpu.memref_slice %arg5[%dma_wait3A_189] : memref<10000xf32, #tpu.memory_space<hbm>> -> memref<632xf32, #tpu.memory_space<hbm>>
        tpu.wait_dma2 semaphore(%run_scoped3A : memref<!tpu.dma_semaphore, #tpu.memory_space<semaphore_mem>>) src(%dma_wait3A_190 : memref<632xf32, #tpu.memory_space<hbm>>) dst(%dma_wait3A_188 : memref<632xf32, #tpu.memory_space<vmem_shared>>)
        tpu.yield
      }) : () -> ()
      "tpu.region"() ({
        %run_scoped3A = tpu.sem_alloc : memref<!tpu.dma_semaphore, #tpu.memory_space<semaphore_mem>>
        %dma_start3A = arith.constant 0 : i32
        %dma_start3A_185 = tpu.memref_slice %arg9[%dma_start3A] : memref<10000xf32, #tpu.memory_space<vmem_shared>> -> memref<632xf32, #tpu.memory_space<vmem_shared>>
        %dma_start3A_186 = arith.constant 0 : i32
        %dma_start3A_187 = tpu.memref_slice %arg5[%dma_start3A_186] : memref<10000xf32, #tpu.memory_space<hbm>> -> memref<632xf32, #tpu.memory_space<hbm>>
        tpu.enqueue_dma source(%dma_start3A_187 : memref<632xf32, #tpu.memory_space<hbm>>) target(%dma_start3A_185 : memref<632xf32, #tpu.memory_space<vmem_shared>>) target_semaphore(%run_scoped3A : memref<!tpu.dma_semaphore, #tpu.memory_space<semaphore_mem>>)
        %dma_wait3A = arith.constant 0 : i32
        %dma_wait3A_188 = tpu.memref_slice %arg9[%dma_wait3A] : memref<10000xf32, #tpu.memory_space<vmem_shared>> -> memref<632xf32, #tpu.memory_space<vmem_shared>>
        %dma_wait3A_189 = arith.constant 0 : i32
        %dma_wait3A_190 = tpu.memref_slice %arg5[%dma_wait3A_189] : memref<10000xf32, #tpu.memory_space<hbm>> -> memref<632xf32, #tpu.memory_space<hbm>>
        tpu.wait_dma2 semaphore(%run_scoped3A : memref<!tpu.dma_semaphore, #tpu.memory_space<semaphore_mem>>) src(%dma_wait3A_190 : memref<632xf32, #tpu.memory_space<hbm>>) dst(%dma_wait3A_188 : memref<632xf32, #tpu.memory_space<vmem_shared>>)
        tpu.yield
      }) : () -> ()
      "tpu.region"() ({
        %run_scoped3A = tpu.sem_alloc : memref<!tpu.dma_semaphore, #tpu.memory_space<semaphore_mem>>
        %dma_start3A = arith.constant 0 : i32
        %dma_start3A_185 = tpu.memref_slice %arg10[%dma_start3A] : memref<10000xf32, #tpu.memory_space<vmem_shared>> -> memref<632xf32, #tpu.memory_space<vmem_shared>>
        %dma_start3A_186 = arith.constant 0 : i32
        %dma_start3A_187 = tpu.memref_slice %arg5[%dma_start3A_186] : memref<10000xf32, #tpu.memory_space<hbm>> -> memref<632xf32, #tpu.memory_space<hbm>>
        tpu.enqueue_dma source(%dma_start3A_187 : memref<632xf32, #tpu.memory_space<hbm>>) target(%dma_start3A_185 : memref<632xf32, #tpu.memory_space<vmem_shared>>) target_semaphore(%run_scoped3A : memref<!tpu.dma_semaphore, #tpu.memory_space<semaphore_mem>>)
        %dma_wait3A = arith.constant 0 : i32
        %dma_wait3A_188 = tpu.memref_slice %arg10[%dma_wait3A] : memref<10000xf32, #tpu.memory_space<vmem_shared>> -> memref<632xf32, #tpu.memory_space<vmem_shared>>
        %dma_wait3A_189 = arith.constant 0 : i32
        %dma_wait3A_190 = tpu.memref_slice %arg5[%dma_wait3A_189] : memref<10000xf32, #tpu.memory_space<hbm>> -> memref<632xf32, #tpu.memory_space<hbm>>
        tpu.wait_dma2 semaphore(%run_scoped3A : memref<!tpu.dma_semaphore, #tpu.memory_space<semaphore_mem>>) src(%dma_wait3A_190 : memref<632xf32, #tpu.memory_space<hbm>>) dst(%dma_wait3A_188 : memref<632xf32, #tpu.memory_space<vmem_shared>>)
        tpu.yield
      }) : () -> ()
    } else {
    }
    %eq3A_6 = arith.constant 1 : i32
    %eq3A_7 = arith.cmpi eq, %arg1, %eq3A_6 : i32
    %convert_element_type3A_8 = arith.extui %eq3A_7 : i1 to i32
    %cond3A_9 = arith.constant 0 : i32
    %cond3A_10 = arith.cmpi ne, %convert_element_type3A_8, %cond3A_9 : i32
    scf.if %cond3A_10 {
      "tpu.region"() ({
        %run_scoped3A = tpu.sem_alloc : memref<!tpu.dma_semaphore, #tpu.memory_space<semaphore_mem>>
        %dma_start3A = arith.constant 632 : i32
        %dma_start3A_185 = tpu.memref_slice %arg8[%dma_start3A] : memref<10000xf32, #tpu.memory_space<vmem_shared>> -> memref<632xf32, #tpu.memory_space<vmem_shared>>
        %dma_start3A_186 = arith.constant 632 : i32
        %dma_start3A_187 = tpu.memref_slice %arg5[%dma_start3A_186] : memref<10000xf32, #tpu.memory_space<hbm>> -> memref<632xf32, #tpu.memory_space<hbm>>
        tpu.enqueue_dma source(%dma_start3A_187 : memref<632xf32, #tpu.memory_space<hbm>>) target(%dma_start3A_185 : memref<632xf32, #tpu.memory_space<vmem_shared>>) target_semaphore(%run_scoped3A : memref<!tpu.dma_semaphore, #tpu.memory_space<semaphore_mem>>)
        %dma_wait3A = arith.constant 632 : i32
        %dma_wait3A_188 = tpu.memref_slice %arg8[%dma_wait3A] : memref<10000xf32, #tpu.memory_space<vmem_shared>> -> memref<632xf32, #tpu.memory_space<vmem_shared>>
        %dma_wait3A_189 = arith.constant 632 : i32
        %dma_wait3A_190 = tpu.memref_slice %arg5[%dma_wait3A_189] : memref<10000xf32, #tpu.memory_space<hbm>> -> memref<632xf32, #tpu.memory_space<hbm>>
        tpu.wait_dma2 semaphore(%run_scoped3A : memref<!tpu.dma_semaphore, #tpu.memory_space<semaphore_mem>>) src(%dma_wait3A_190 : memref<632xf32, #tpu.memory_space<hbm>>) dst(%dma_wait3A_188 : memref<632xf32, #tpu.memory_space<vmem_shared>>)
        tpu.yield
      }) : () -> ()
      "tpu.region"() ({
        %run_scoped3A = tpu.sem_alloc : memref<!tpu.dma_semaphore, #tpu.memory_space<semaphore_mem>>
        %dma_start3A = arith.constant 632 : i32
        %dma_start3A_185 = tpu.memref_slice %arg9[%dma_start3A] : memref<10000xf32, #tpu.memory_space<vmem_shared>> -> memref<632xf32, #tpu.memory_space<vmem_shared>>
        %dma_start3A_186 = arith.constant 632 : i32
        %dma_start3A_187 = tpu.memref_slice %arg5[%dma_start3A_186] : memref<10000xf32, #tpu.memory_space<hbm>> -> memref<632xf32, #tpu.memory_space<hbm>>
        tpu.enqueue_dma source(%dma_start3A_187 : memref<632xf32, #tpu.memory_space<hbm>>) target(%dma_start3A_185 : memref<632xf32, #tpu.memory_space<vmem_shared>>) target_semaphore(%run_scoped3A : memref<!tpu.dma_semaphore, #tpu.memory_space<semaphore_mem>>)
        %dma_wait3A = arith.constant 632 : i32
        %dma_wait3A_188 = tpu.memref_slice %arg9[%dma_wait3A] : memref<10000xf32, #tpu.memory_space<vmem_shared>> -> memref<632xf32, #tpu.memory_space<vmem_shared>>
        %dma_wait3A_189 = arith.constant 632 : i32
        %dma_wait3A_190 = tpu.memref_slice %arg5[%dma_wait3A_189] : memref<10000xf32, #tpu.memory_space<hbm>> -> memref<632xf32, #tpu.memory_space<hbm>>
        tpu.wait_dma2 semaphore(%run_scoped3A : memref<!tpu.dma_semaphore, #tpu.memory_space<semaphore_mem>>) src(%dma_wait3A_190 : memref<632xf32, #tpu.memory_space<hbm>>) dst(%dma_wait3A_188 : memref<632xf32, #tpu.memory_space<vmem_shared>>)
        tpu.yield
      }) : () -> ()
      "tpu.region"() ({
        %run_scoped3A = tpu.sem_alloc : memref<!tpu.dma_semaphore, #tpu.memory_space<semaphore_mem>>
        %dma_start3A = arith.constant 632 : i32
        %dma_start3A_185 = tpu.memref_slice %arg10[%dma_start3A] : memref<10000xf32, #tpu.memory_space<vmem_shared>> -> memref<632xf32, #tpu.memory_space<vmem_shared>>
        %dma_start3A_186 = arith.constant 632 : i32
        %dma_start3A_187 = tpu.memref_slice %arg5[%dma_start3A_186] : memref<10000xf32, #tpu.memory_space<hbm>> -> memref<632xf32, #tpu.memory_space<hbm>>
        tpu.enqueue_dma source(%dma_start3A_187 : memref<632xf32, #tpu.memory_space<hbm>>) target(%dma_start3A_185 : memref<632xf32, #tpu.memory_space<vmem_shared>>) target_semaphore(%run_scoped3A : memref<!tpu.dma_semaphore, #tpu.memory_space<semaphore_mem>>)
        %dma_wait3A = arith.constant 632 : i32
        %dma_wait3A_188 = tpu.memref_slice %arg10[%dma_wait3A] : memref<10000xf32, #tpu.memory_space<vmem_shared>> -> memref<632xf32, #tpu.memory_space<vmem_shared>>
        %dma_wait3A_189 = arith.constant 632 : i32
        %dma_wait3A_190 = tpu.memref_slice %arg5[%dma_wait3A_189] : memref<10000xf32, #tpu.memory_space<hbm>> -> memref<632xf32, #tpu.memory_space<hbm>>
        tpu.wait_dma2 semaphore(%run_scoped3A : memref<!tpu.dma_semaphore, #tpu.memory_space<semaphore_mem>>) src(%dma_wait3A_190 : memref<632xf32, #tpu.memory_space<hbm>>) dst(%dma_wait3A_188 : memref<632xf32, #tpu.memory_space<vmem_shared>>)
        tpu.yield
      }) : () -> ()
    } else {
    }
    %eq3A_11 = arith.constant 2 : i32
    %eq3A_12 = arith.cmpi eq, %arg1, %eq3A_11 : i32
    %convert_element_type3A_13 = arith.extui %eq3A_12 : i1 to i32
    %cond3A_14 = arith.constant 0 : i32
    %cond3A_15 = arith.cmpi ne, %convert_element_type3A_13, %cond3A_14 : i32
    scf.if %cond3A_15 {
      "tpu.region"() ({
        %run_scoped3A = tpu.sem_alloc : memref<!tpu.dma_semaphore, #tpu.memory_space<semaphore_mem>>
        %dma_start3A = arith.constant 1264 : i32
        %dma_start3A_185 = tpu.memref_slice %arg8[%dma_start3A] : memref<10000xf32, #tpu.memory_space<vmem_shared>> -> memref<632xf32, #tpu.memory_space<vmem_shared>>
        %dma_start3A_186 = arith.constant 1264 : i32
        %dma_start3A_187 = tpu.memref_slice %arg5[%dma_start3A_186] : memref<10000xf32, #tpu.memory_space<hbm>> -> memref<632xf32, #tpu.memory_space<hbm>>
        tpu.enqueue_dma source(%dma_start3A_187 : memref<632xf32, #tpu.memory_space<hbm>>) target(%dma_start3A_185 : memref<632xf32, #tpu.memory_space<vmem_shared>>) target_semaphore(%run_scoped3A : memref<!tpu.dma_semaphore, #tpu.memory_space<semaphore_mem>>)
        %dma_wait3A = arith.constant 1264 : i32
        %dma_wait3A_188 = tpu.memref_slice %arg8[%dma_wait3A] : memref<10000xf32, #tpu.memory_space<vmem_shared>> -> memref<632xf32, #tpu.memory_space<vmem_shared>>
        %dma_wait3A_189 = arith.constant 1264 : i32
        %dma_wait3A_190 = tpu.memref_slice %arg5[%dma_wait3A_189] : memref<10000xf32, #tpu.memory_space<hbm>> -> memref<632xf32, #tpu.memory_space<hbm>>
        tpu.wait_dma2 semaphore(%run_scoped3A : memref<!tpu.dma_semaphore, #tpu.memory_space<semaphore_mem>>) src(%dma_wait3A_190 : memref<632xf32, #tpu.memory_space<hbm>>) dst(%dma_wait3A_188 : memref<632xf32, #tpu.memory_space<vmem_shared>>)
        tpu.yield
      }) : () -> ()
      "tpu.region"() ({
        %run_scoped3A = tpu.sem_alloc : memref<!tpu.dma_semaphore, #tpu.memory_space<semaphore_mem>>
        %dma_start3A = arith.constant 1264 : i32
        %dma_start3A_185 = tpu.memref_slice %arg9[%dma_start3A] : memref<10000xf32, #tpu.memory_space<vmem_shared>> -> memref<632xf32, #tpu.memory_space<vmem_shared>>
        %dma_start3A_186 = arith.constant 1264 : i32
        %dma_start3A_187 = tpu.memref_slice %arg5[%dma_start3A_186] : memref<10000xf32, #tpu.memory_space<hbm>> -> memref<632xf32, #tpu.memory_space<hbm>>
        tpu.enqueue_dma source(%dma_start3A_187 : memref<632xf32, #tpu.memory_space<hbm>>) target(%dma_start3A_185 : memref<632xf32, #tpu.memory_space<vmem_shared>>) target_semaphore(%run_scoped3A : memref<!tpu.dma_semaphore, #tpu.memory_space<semaphore_mem>>)
        %dma_wait3A = arith.constant 1264 : i32
        %dma_wait3A_188 = tpu.memref_slice %arg9[%dma_wait3A] : memref<10000xf32, #tpu.memory_space<vmem_shared>> -> memref<632xf32, #tpu.memory_space<vmem_shared>>
        %dma_wait3A_189 = arith.constant 1264 : i32
        %dma_wait3A_190 = tpu.memref_slice %arg5[%dma_wait3A_189] : memref<10000xf32, #tpu.memory_space<hbm>> -> memref<632xf32, #tpu.memory_space<hbm>>
        tpu.wait_dma2 semaphore(%run_scoped3A : memref<!tpu.dma_semaphore, #tpu.memory_space<semaphore_mem>>) src(%dma_wait3A_190 : memref<632xf32, #tpu.memory_space<hbm>>) dst(%dma_wait3A_188 : memref<632xf32, #tpu.memory_space<vmem_shared>>)
        tpu.yield
      }) : () -> ()
      "tpu.region"() ({
        %run_scoped3A = tpu.sem_alloc : memref<!tpu.dma_semaphore, #tpu.memory_space<semaphore_mem>>
        %dma_start3A = arith.constant 1264 : i32
        %dma_start3A_185 = tpu.memref_slice %arg10[%dma_start3A] : memref<10000xf32, #tpu.memory_space<vmem_shared>> -> memref<632xf32, #tpu.memory_space<vmem_shared>>
        %dma_start3A_186 = arith.constant 1264 : i32
        %dma_start3A_187 = tpu.memref_slice %arg5[%dma_start3A_186] : memref<10000xf32, #tpu.memory_space<hbm>> -> memref<632xf32, #tpu.memory_space<hbm>>
        tpu.enqueue_dma source(%dma_start3A_187 : memref<632xf32, #tpu.memory_space<hbm>>) target(%dma_start3A_185 : memref<632xf32, #tpu.memory_space<vmem_shared>>) target_semaphore(%run_scoped3A : memref<!tpu.dma_semaphore, #tpu.memory_space<semaphore_mem>>)
        %dma_wait3A = arith.constant 1264 : i32
        %dma_wait3A_188 = tpu.memref_slice %arg10[%dma_wait3A] : memref<10000xf32, #tpu.memory_space<vmem_shared>> -> memref<632xf32, #tpu.memory_space<vmem_shared>>
        %dma_wait3A_189 = arith.constant 1264 : i32
        %dma_wait3A_190 = tpu.memref_slice %arg5[%dma_wait3A_189] : memref<10000xf32, #tpu.memory_space<hbm>> -> memref<632xf32, #tpu.memory_space<hbm>>
        tpu.wait_dma2 semaphore(%run_scoped3A : memref<!tpu.dma_semaphore, #tpu.memory_space<semaphore_mem>>) src(%dma_wait3A_190 : memref<632xf32, #tpu.memory_space<hbm>>) dst(%dma_wait3A_188 : memref<632xf32, #tpu.memory_space<vmem_shared>>)
        tpu.yield
      }) : () -> ()
    } else {
    }
    %eq3A_16 = arith.constant 3 : i32
    %eq3A_17 = arith.cmpi eq, %arg1, %eq3A_16 : i32
    %convert_element_type3A_18 = arith.extui %eq3A_17 : i1 to i32
    %cond3A_19 = arith.constant 0 : i32
    %cond3A_20 = arith.cmpi ne, %convert_element_type3A_18, %cond3A_19 : i32
    scf.if %cond3A_20 {
      "tpu.region"() ({
        %run_scoped3A = tpu.sem_alloc : memref<!tpu.dma_semaphore, #tpu.memory_space<semaphore_mem>>
        %dma_start3A = arith.constant 1896 : i32
        %dma_start3A_185 = tpu.memref_slice %arg8[%dma_start3A] : memref<10000xf32, #tpu.memory_space<vmem_shared>> -> memref<632xf32, #tpu.memory_space<vmem_shared>>
        %dma_start3A_186 = arith.constant 1896 : i32
        %dma_start3A_187 = tpu.memref_slice %arg5[%dma_start3A_186] : memref<10000xf32, #tpu.memory_space<hbm>> -> memref<632xf32, #tpu.memory_space<hbm>>
        tpu.enqueue_dma source(%dma_start3A_187 : memref<632xf32, #tpu.memory_space<hbm>>) target(%dma_start3A_185 : memref<632xf32, #tpu.memory_space<vmem_shared>>) target_semaphore(%run_scoped3A : memref<!tpu.dma_semaphore, #tpu.memory_space<semaphore_mem>>)
        %dma_wait3A = arith.constant 1896 : i32
        %dma_wait3A_188 = tpu.memref_slice %arg8[%dma_wait3A] : memref<10000xf32, #tpu.memory_space<vmem_shared>> -> memref<632xf32, #tpu.memory_space<vmem_shared>>
        %dma_wait3A_189 = arith.constant 1896 : i32
        %dma_wait3A_190 = tpu.memref_slice %arg5[%dma_wait3A_189] : memref<10000xf32, #tpu.memory_space<hbm>> -> memref<632xf32, #tpu.memory_space<hbm>>
        tpu.wait_dma2 semaphore(%run_scoped3A : memref<!tpu.dma_semaphore, #tpu.memory_space<semaphore_mem>>) src(%dma_wait3A_190 : memref<632xf32, #tpu.memory_space<hbm>>) dst(%dma_wait3A_188 : memref<632xf32, #tpu.memory_space<vmem_shared>>)
        tpu.yield
      }) : () -> ()
      "tpu.region"() ({
        %run_scoped3A = tpu.sem_alloc : memref<!tpu.dma_semaphore, #tpu.memory_space<semaphore_mem>>
        %dma_start3A = arith.constant 1896 : i32
        %dma_start3A_185 = tpu.memref_slice %arg9[%dma_start3A] : memref<10000xf32, #tpu.memory_space<vmem_shared>> -> memref<632xf32, #tpu.memory_space<vmem_shared>>
        %dma_start3A_186 = arith.constant 1896 : i32
        %dma_start3A_187 = tpu.memref_slice %arg5[%dma_start3A_186] : memref<10000xf32, #tpu.memory_space<hbm>> -> memref<632xf32, #tpu.memory_space<hbm>>
        tpu.enqueue_dma source(%dma_start3A_187 : memref<632xf32, #tpu.memory_space<hbm>>) target(%dma_start3A_185 : memref<632xf32, #tpu.memory_space<vmem_shared>>) target_semaphore(%run_scoped3A : memref<!tpu.dma_semaphore, #tpu.memory_space<semaphore_mem>>)
        %dma_wait3A = arith.constant 1896 : i32
        %dma_wait3A_188 = tpu.memref_slice %arg9[%dma_wait3A] : memref<10000xf32, #tpu.memory_space<vmem_shared>> -> memref<632xf32, #tpu.memory_space<vmem_shared>>
        %dma_wait3A_189 = arith.constant 1896 : i32
        %dma_wait3A_190 = tpu.memref_slice %arg5[%dma_wait3A_189] : memref<10000xf32, #tpu.memory_space<hbm>> -> memref<632xf32, #tpu.memory_space<hbm>>
        tpu.wait_dma2 semaphore(%run_scoped3A : memref<!tpu.dma_semaphore, #tpu.memory_space<semaphore_mem>>) src(%dma_wait3A_190 : memref<632xf32, #tpu.memory_space<hbm>>) dst(%dma_wait3A_188 : memref<632xf32, #tpu.memory_space<vmem_shared>>)
        tpu.yield
      }) : () -> ()
      "tpu.region"() ({
        %run_scoped3A = tpu.sem_alloc : memref<!tpu.dma_semaphore, #tpu.memory_space<semaphore_mem>>
        %dma_start3A = arith.constant 1896 : i32
        %dma_start3A_185 = tpu.memref_slice %arg10[%dma_start3A] : memref<10000xf32, #tpu.memory_space<vmem_shared>> -> memref<632xf32, #tpu.memory_space<vmem_shared>>
        %dma_start3A_186 = arith.constant 1896 : i32
        %dma_start3A_187 = tpu.memref_slice %arg5[%dma_start3A_186] : memref<10000xf32, #tpu.memory_space<hbm>> -> memref<632xf32, #tpu.memory_space<hbm>>
        tpu.enqueue_dma source(%dma_start3A_187 : memref<632xf32, #tpu.memory_space<hbm>>) target(%dma_start3A_185 : memref<632xf32, #tpu.memory_space<vmem_shared>>) target_semaphore(%run_scoped3A : memref<!tpu.dma_semaphore, #tpu.memory_space<semaphore_mem>>)
        %dma_wait3A = arith.constant 1896 : i32
        %dma_wait3A_188 = tpu.memref_slice %arg10[%dma_wait3A] : memref<10000xf32, #tpu.memory_space<vmem_shared>> -> memref<632xf32, #tpu.memory_space<vmem_shared>>
        %dma_wait3A_189 = arith.constant 1896 : i32
        %dma_wait3A_190 = tpu.memref_slice %arg5[%dma_wait3A_189] : memref<10000xf32, #tpu.memory_space<hbm>> -> memref<632xf32, #tpu.memory_space<hbm>>
        tpu.wait_dma2 semaphore(%run_scoped3A : memref<!tpu.dma_semaphore, #tpu.memory_space<semaphore_mem>>) src(%dma_wait3A_190 : memref<632xf32, #tpu.memory_space<hbm>>) dst(%dma_wait3A_188 : memref<632xf32, #tpu.memory_space<vmem_shared>>)
        tpu.yield
      }) : () -> ()
    } else {
    }
    %eq3A_21 = arith.constant 4 : i32
    %eq3A_22 = arith.cmpi eq, %arg1, %eq3A_21 : i32
    %convert_element_type3A_23 = arith.extui %eq3A_22 : i1 to i32
    %cond3A_24 = arith.constant 0 : i32
    %cond3A_25 = arith.cmpi ne, %convert_element_type3A_23, %cond3A_24 : i32
    scf.if %cond3A_25 {
      "tpu.region"() ({
        %run_scoped3A = tpu.sem_alloc : memref<!tpu.dma_semaphore, #tpu.memory_space<semaphore_mem>>
        %dma_start3A = arith.constant 2528 : i32
        %dma_start3A_185 = tpu.memref_slice %arg8[%dma_start3A] : memref<10000xf32, #tpu.memory_space<vmem_shared>> -> memref<632xf32, #tpu.memory_space<vmem_shared>>
        %dma_start3A_186 = arith.constant 2528 : i32
        %dma_start3A_187 = tpu.memref_slice %arg5[%dma_start3A_186] : memref<10000xf32, #tpu.memory_space<hbm>> -> memref<632xf32, #tpu.memory_space<hbm>>
        tpu.enqueue_dma source(%dma_start3A_187 : memref<632xf32, #tpu.memory_space<hbm>>) target(%dma_start3A_185 : memref<632xf32, #tpu.memory_space<vmem_shared>>) target_semaphore(%run_scoped3A : memref<!tpu.dma_semaphore, #tpu.memory_space<semaphore_mem>>)
        %dma_wait3A = arith.constant 2528 : i32
        %dma_wait3A_188 = tpu.memref_slice %arg8[%dma_wait3A] : memref<10000xf32, #tpu.memory_space<vmem_shared>> -> memref<632xf32, #tpu.memory_space<vmem_shared>>
        %dma_wait3A_189 = arith.constant 2528 : i32
        %dma_wait3A_190 = tpu.memref_slice %arg5[%dma_wait3A_189] : memref<10000xf32, #tpu.memory_space<hbm>> -> memref<632xf32, #tpu.memory_space<hbm>>
        tpu.wait_dma2 semaphore(%run_scoped3A : memref<!tpu.dma_semaphore, #tpu.memory_space<semaphore_mem>>) src(%dma_wait3A_190 : memref<632xf32, #tpu.memory_space<hbm>>) dst(%dma_wait3A_188 : memref<632xf32, #tpu.memory_space<vmem_shared>>)
        tpu.yield
      }) : () -> ()
      "tpu.region"() ({
        %run_scoped3A = tpu.sem_alloc : memref<!tpu.dma_semaphore, #tpu.memory_space<semaphore_mem>>
        %dma_start3A = arith.constant 2528 : i32
        %dma_start3A_185 = tpu.memref_slice %arg9[%dma_start3A] : memref<10000xf32, #tpu.memory_space<vmem_shared>> -> memref<632xf32, #tpu.memory_space<vmem_shared>>
        %dma_start3A_186 = arith.constant 2528 : i32
        %dma_start3A_187 = tpu.memref_slice %arg5[%dma_start3A_186] : memref<10000xf32, #tpu.memory_space<hbm>> -> memref<632xf32, #tpu.memory_space<hbm>>
        tpu.enqueue_dma source(%dma_start3A_187 : memref<632xf32, #tpu.memory_space<hbm>>) target(%dma_start3A_185 : memref<632xf32, #tpu.memory_space<vmem_shared>>) target_semaphore(%run_scoped3A : memref<!tpu.dma_semaphore, #tpu.memory_space<semaphore_mem>>)
        %dma_wait3A = arith.constant 2528 : i32
        %dma_wait3A_188 = tpu.memref_slice %arg9[%dma_wait3A] : memref<10000xf32, #tpu.memory_space<vmem_shared>> -> memref<632xf32, #tpu.memory_space<vmem_shared>>
        %dma_wait3A_189 = arith.constant 2528 : i32
        %dma_wait3A_190 = tpu.memref_slice %arg5[%dma_wait3A_189] : memref<10000xf32, #tpu.memory_space<hbm>> -> memref<632xf32, #tpu.memory_space<hbm>>
        tpu.wait_dma2 semaphore(%run_scoped3A : memref<!tpu.dma_semaphore, #tpu.memory_space<semaphore_mem>>) src(%dma_wait3A_190 : memref<632xf32, #tpu.memory_space<hbm>>) dst(%dma_wait3A_188 : memref<632xf32, #tpu.memory_space<vmem_shared>>)
        tpu.yield
      }) : () -> ()
      "tpu.region"() ({
        %run_scoped3A = tpu.sem_alloc : memref<!tpu.dma_semaphore, #tpu.memory_space<semaphore_mem>>
        %dma_start3A = arith.constant 2528 : i32
        %dma_start3A_185 = tpu.memref_slice %arg10[%dma_start3A] : memref<10000xf32, #tpu.memory_space<vmem_shared>> -> memref<632xf32, #tpu.memory_space<vmem_shared>>
        %dma_start3A_186 = arith.constant 2528 : i32
        %dma_start3A_187 = tpu.memref_slice %arg5[%dma_start3A_186] : memref<10000xf32, #tpu.memory_space<hbm>> -> memref<632xf32, #tpu.memory_space<hbm>>
        tpu.enqueue_dma source(%dma_start3A_187 : memref<632xf32, #tpu.memory_space<hbm>>) target(%dma_start3A_185 : memref<632xf32, #tpu.memory_space<vmem_shared>>) target_semaphore(%run_scoped3A : memref<!tpu.dma_semaphore, #tpu.memory_space<semaphore_mem>>)
        %dma_wait3A = arith.constant 2528 : i32
        %dma_wait3A_188 = tpu.memref_slice %arg10[%dma_wait3A] : memref<10000xf32, #tpu.memory_space<vmem_shared>> -> memref<632xf32, #tpu.memory_space<vmem_shared>>
        %dma_wait3A_189 = arith.constant 2528 : i32
        %dma_wait3A_190 = tpu.memref_slice %arg5[%dma_wait3A_189] : memref<10000xf32, #tpu.memory_space<hbm>> -> memref<632xf32, #tpu.memory_space<hbm>>
        tpu.wait_dma2 semaphore(%run_scoped3A : memref<!tpu.dma_semaphore, #tpu.memory_space<semaphore_mem>>) src(%dma_wait3A_190 : memref<632xf32, #tpu.memory_space<hbm>>) dst(%dma_wait3A_188 : memref<632xf32, #tpu.memory_space<vmem_shared>>)
        tpu.yield
      }) : () -> ()
    } else {
    }
    %eq3A_26 = arith.constant 5 : i32
    %eq3A_27 = arith.cmpi eq, %arg1, %eq3A_26 : i32
    %convert_element_type3A_28 = arith.extui %eq3A_27 : i1 to i32
    %cond3A_29 = arith.constant 0 : i32
    %cond3A_30 = arith.cmpi ne, %convert_element_type3A_28, %cond3A_29 : i32
    scf.if %cond3A_30 {
      "tpu.region"() ({
        %run_scoped3A = tpu.sem_alloc : memref<!tpu.dma_semaphore, #tpu.memory_space<semaphore_mem>>
        %dma_start3A = arith.constant 3160 : i32
        %dma_start3A_185 = tpu.memref_slice %arg8[%dma_start3A] : memref<10000xf32, #tpu.memory_space<vmem_shared>> -> memref<632xf32, #tpu.memory_space<vmem_shared>>
        %dma_start3A_186 = arith.constant 3160 : i32
        %dma_start3A_187 = tpu.memref_slice %arg5[%dma_start3A_186] : memref<10000xf32, #tpu.memory_space<hbm>> -> memref<632xf32, #tpu.memory_space<hbm>>
        tpu.enqueue_dma source(%dma_start3A_187 : memref<632xf32, #tpu.memory_space<hbm>>) target(%dma_start3A_185 : memref<632xf32, #tpu.memory_space<vmem_shared>>) target_semaphore(%run_scoped3A : memref<!tpu.dma_semaphore, #tpu.memory_space<semaphore_mem>>)
        %dma_wait3A = arith.constant 3160 : i32
        %dma_wait3A_188 = tpu.memref_slice %arg8[%dma_wait3A] : memref<10000xf32, #tpu.memory_space<vmem_shared>> -> memref<632xf32, #tpu.memory_space<vmem_shared>>
        %dma_wait3A_189 = arith.constant 3160 : i32
        %dma_wait3A_190 = tpu.memref_slice %arg5[%dma_wait3A_189] : memref<10000xf32, #tpu.memory_space<hbm>> -> memref<632xf32, #tpu.memory_space<hbm>>
        tpu.wait_dma2 semaphore(%run_scoped3A : memref<!tpu.dma_semaphore, #tpu.memory_space<semaphore_mem>>) src(%dma_wait3A_190 : memref<632xf32, #tpu.memory_space<hbm>>) dst(%dma_wait3A_188 : memref<632xf32, #tpu.memory_space<vmem_shared>>)
        tpu.yield
      }) : () -> ()
      "tpu.region"() ({
        %run_scoped3A = tpu.sem_alloc : memref<!tpu.dma_semaphore, #tpu.memory_space<semaphore_mem>>
        %dma_start3A = arith.constant 3160 : i32
        %dma_start3A_185 = tpu.memref_slice %arg9[%dma_start3A] : memref<10000xf32, #tpu.memory_space<vmem_shared>> -> memref<632xf32, #tpu.memory_space<vmem_shared>>
        %dma_start3A_186 = arith.constant 3160 : i32
        %dma_start3A_187 = tpu.memref_slice %arg5[%dma_start3A_186] : memref<10000xf32, #tpu.memory_space<hbm>> -> memref<632xf32, #tpu.memory_space<hbm>>
        tpu.enqueue_dma source(%dma_start3A_187 : memref<632xf32, #tpu.memory_space<hbm>>) target(%dma_start3A_185 : memref<632xf32, #tpu.memory_space<vmem_shared>>) target_semaphore(%run_scoped3A : memref<!tpu.dma_semaphore, #tpu.memory_space<semaphore_mem>>)
        %dma_wait3A = arith.constant 3160 : i32
        %dma_wait3A_188 = tpu.memref_slice %arg9[%dma_wait3A] : memref<10000xf32, #tpu.memory_space<vmem_shared>> -> memref<632xf32, #tpu.memory_space<vmem_shared>>
        %dma_wait3A_189 = arith.constant 3160 : i32
        %dma_wait3A_190 = tpu.memref_slice %arg5[%dma_wait3A_189] : memref<10000xf32, #tpu.memory_space<hbm>> -> memref<632xf32, #tpu.memory_space<hbm>>
        tpu.wait_dma2 semaphore(%run_scoped3A : memref<!tpu.dma_semaphore, #tpu.memory_space<semaphore_mem>>) src(%dma_wait3A_190 : memref<632xf32, #tpu.memory_space<hbm>>) dst(%dma_wait3A_188 : memref<632xf32, #tpu.memory_space<vmem_shared>>)
        tpu.yield
      }) : () -> ()
      "tpu.region"() ({
        %run_scoped3A = tpu.sem_alloc : memref<!tpu.dma_semaphore, #tpu.memory_space<semaphore_mem>>
        %dma_start3A = arith.constant 3160 : i32
        %dma_start3A_185 = tpu.memref_slice %arg10[%dma_start3A] : memref<10000xf32, #tpu.memory_space<vmem_shared>> -> memref<632xf32, #tpu.memory_space<vmem_shared>>
        %dma_start3A_186 = arith.constant 3160 : i32
        %dma_start3A_187 = tpu.memref_slice %arg5[%dma_start3A_186] : memref<10000xf32, #tpu.memory_space<hbm>> -> memref<632xf32, #tpu.memory_space<hbm>>
        tpu.enqueue_dma source(%dma_start3A_187 : memref<632xf32, #tpu.memory_space<hbm>>) target(%dma_start3A_185 : memref<632xf32, #tpu.memory_space<vmem_shared>>) target_semaphore(%run_scoped3A : memref<!tpu.dma_semaphore, #tpu.memory_space<semaphore_mem>>)
        %dma_wait3A = arith.constant 3160 : i32
        %dma_wait3A_188 = tpu.memref_slice %arg10[%dma_wait3A] : memref<10000xf32, #tpu.memory_space<vmem_shared>> -> memref<632xf32, #tpu.memory_space<vmem_shared>>
        %dma_wait3A_189 = arith.constant 3160 : i32
        %dma_wait3A_190 = tpu.memref_slice %arg5[%dma_wait3A_189] : memref<10000xf32, #tpu.memory_space<hbm>> -> memref<632xf32, #tpu.memory_space<hbm>>
        tpu.wait_dma2 semaphore(%run_scoped3A : memref<!tpu.dma_semaphore, #tpu.memory_space<semaphore_mem>>) src(%dma_wait3A_190 : memref<632xf32, #tpu.memory_space<hbm>>) dst(%dma_wait3A_188 : memref<632xf32, #tpu.memory_space<vmem_shared>>)
        tpu.yield
      }) : () -> ()
    } else {
    }
    %eq3A_31 = arith.constant 6 : i32
    %eq3A_32 = arith.cmpi eq, %arg1, %eq3A_31 : i32
    %convert_element_type3A_33 = arith.extui %eq3A_32 : i1 to i32
    %cond3A_34 = arith.constant 0 : i32
    %cond3A_35 = arith.cmpi ne, %convert_element_type3A_33, %cond3A_34 : i32
    scf.if %cond3A_35 {
      "tpu.region"() ({
        %run_scoped3A = tpu.sem_alloc : memref<!tpu.dma_semaphore, #tpu.memory_space<semaphore_mem>>
        %dma_start3A = arith.constant 3792 : i32
        %dma_start3A_185 = tpu.memref_slice %arg8[%dma_start3A] : memref<10000xf32, #tpu.memory_space<vmem_shared>> -> memref<632xf32, #tpu.memory_space<vmem_shared>>
        %dma_start3A_186 = arith.constant 3792 : i32
        %dma_start3A_187 = tpu.memref_slice %arg5[%dma_start3A_186] : memref<10000xf32, #tpu.memory_space<hbm>> -> memref<632xf32, #tpu.memory_space<hbm>>
        tpu.enqueue_dma source(%dma_start3A_187 : memref<632xf32, #tpu.memory_space<hbm>>) target(%dma_start3A_185 : memref<632xf32, #tpu.memory_space<vmem_shared>>) target_semaphore(%run_scoped3A : memref<!tpu.dma_semaphore, #tpu.memory_space<semaphore_mem>>)
        %dma_wait3A = arith.constant 3792 : i32
        %dma_wait3A_188 = tpu.memref_slice %arg8[%dma_wait3A] : memref<10000xf32, #tpu.memory_space<vmem_shared>> -> memref<632xf32, #tpu.memory_space<vmem_shared>>
        %dma_wait3A_189 = arith.constant 3792 : i32
        %dma_wait3A_190 = tpu.memref_slice %arg5[%dma_wait3A_189] : memref<10000xf32, #tpu.memory_space<hbm>> -> memref<632xf32, #tpu.memory_space<hbm>>
        tpu.wait_dma2 semaphore(%run_scoped3A : memref<!tpu.dma_semaphore, #tpu.memory_space<semaphore_mem>>) src(%dma_wait3A_190 : memref<632xf32, #tpu.memory_space<hbm>>) dst(%dma_wait3A_188 : memref<632xf32, #tpu.memory_space<vmem_shared>>)
        tpu.yield
      }) : () -> ()
      "tpu.region"() ({
        %run_scoped3A = tpu.sem_alloc : memref<!tpu.dma_semaphore, #tpu.memory_space<semaphore_mem>>
        %dma_start3A = arith.constant 3792 : i32
        %dma_start3A_185 = tpu.memref_slice %arg9[%dma_start3A] : memref<10000xf32, #tpu.memory_space<vmem_shared>> -> memref<632xf32, #tpu.memory_space<vmem_shared>>
        %dma_start3A_186 = arith.constant 3792 : i32
        %dma_start3A_187 = tpu.memref_slice %arg5[%dma_start3A_186] : memref<10000xf32, #tpu.memory_space<hbm>> -> memref<632xf32, #tpu.memory_space<hbm>>
        tpu.enqueue_dma source(%dma_start3A_187 : memref<632xf32, #tpu.memory_space<hbm>>) target(%dma_start3A_185 : memref<632xf32, #tpu.memory_space<vmem_shared>>) target_semaphore(%run_scoped3A : memref<!tpu.dma_semaphore, #tpu.memory_space<semaphore_mem>>)
        %dma_wait3A = arith.constant 3792 : i32
        %dma_wait3A_188 = tpu.memref_slice %arg9[%dma_wait3A] : memref<10000xf32, #tpu.memory_space<vmem_shared>> -> memref<632xf32, #tpu.memory_space<vmem_shared>>
        %dma_wait3A_189 = arith.constant 3792 : i32
        %dma_wait3A_190 = tpu.memref_slice %arg5[%dma_wait3A_189] : memref<10000xf32, #tpu.memory_space<hbm>> -> memref<632xf32, #tpu.memory_space<hbm>>
        tpu.wait_dma2 semaphore(%run_scoped3A : memref<!tpu.dma_semaphore, #tpu.memory_space<semaphore_mem>>) src(%dma_wait3A_190 : memref<632xf32, #tpu.memory_space<hbm>>) dst(%dma_wait3A_188 : memref<632xf32, #tpu.memory_space<vmem_shared>>)
        tpu.yield
      }) : () -> ()
      "tpu.region"() ({
        %run_scoped3A = tpu.sem_alloc : memref<!tpu.dma_semaphore, #tpu.memory_space<semaphore_mem>>
        %dma_start3A = arith.constant 3792 : i32
        %dma_start3A_185 = tpu.memref_slice %arg10[%dma_start3A] : memref<10000xf32, #tpu.memory_space<vmem_shared>> -> memref<632xf32, #tpu.memory_space<vmem_shared>>
        %dma_start3A_186 = arith.constant 3792 : i32
        %dma_start3A_187 = tpu.memref_slice %arg5[%dma_start3A_186] : memref<10000xf32, #tpu.memory_space<hbm>> -> memref<632xf32, #tpu.memory_space<hbm>>
        tpu.enqueue_dma source(%dma_start3A_187 : memref<632xf32, #tpu.memory_space<hbm>>) target(%dma_start3A_185 : memref<632xf32, #tpu.memory_space<vmem_shared>>) target_semaphore(%run_scoped3A : memref<!tpu.dma_semaphore, #tpu.memory_space<semaphore_mem>>)
        %dma_wait3A = arith.constant 3792 : i32
        %dma_wait3A_188 = tpu.memref_slice %arg10[%dma_wait3A] : memref<10000xf32, #tpu.memory_space<vmem_shared>> -> memref<632xf32, #tpu.memory_space<vmem_shared>>
        %dma_wait3A_189 = arith.constant 3792 : i32
        %dma_wait3A_190 = tpu.memref_slice %arg5[%dma_wait3A_189] : memref<10000xf32, #tpu.memory_space<hbm>> -> memref<632xf32, #tpu.memory_space<hbm>>
        tpu.wait_dma2 semaphore(%run_scoped3A : memref<!tpu.dma_semaphore, #tpu.memory_space<semaphore_mem>>) src(%dma_wait3A_190 : memref<632xf32, #tpu.memory_space<hbm>>) dst(%dma_wait3A_188 : memref<632xf32, #tpu.memory_space<vmem_shared>>)
        tpu.yield
      }) : () -> ()
    } else {
    }
    %eq3A_36 = arith.constant 7 : i32
    %eq3A_37 = arith.cmpi eq, %arg1, %eq3A_36 : i32
    %convert_element_type3A_38 = arith.extui %eq3A_37 : i1 to i32
    %cond3A_39 = arith.constant 0 : i32
    %cond3A_40 = arith.cmpi ne, %convert_element_type3A_38, %cond3A_39 : i32
    scf.if %cond3A_40 {
      "tpu.region"() ({
        %run_scoped3A = tpu.sem_alloc : memref<!tpu.dma_semaphore, #tpu.memory_space<semaphore_mem>>
        %dma_start3A = arith.constant 4424 : i32
        %dma_start3A_185 = tpu.memref_slice %arg8[%dma_start3A] : memref<10000xf32, #tpu.memory_space<vmem_shared>> -> memref<632xf32, #tpu.memory_space<vmem_shared>>
        %dma_start3A_186 = arith.constant 4424 : i32
        %dma_start3A_187 = tpu.memref_slice %arg5[%dma_start3A_186] : memref<10000xf32, #tpu.memory_space<hbm>> -> memref<632xf32, #tpu.memory_space<hbm>>
        tpu.enqueue_dma source(%dma_start3A_187 : memref<632xf32, #tpu.memory_space<hbm>>) target(%dma_start3A_185 : memref<632xf32, #tpu.memory_space<vmem_shared>>) target_semaphore(%run_scoped3A : memref<!tpu.dma_semaphore, #tpu.memory_space<semaphore_mem>>)
        %dma_wait3A = arith.constant 4424 : i32
        %dma_wait3A_188 = tpu.memref_slice %arg8[%dma_wait3A] : memref<10000xf32, #tpu.memory_space<vmem_shared>> -> memref<632xf32, #tpu.memory_space<vmem_shared>>
        %dma_wait3A_189 = arith.constant 4424 : i32
        %dma_wait3A_190 = tpu.memref_slice %arg5[%dma_wait3A_189] : memref<10000xf32, #tpu.memory_space<hbm>> -> memref<632xf32, #tpu.memory_space<hbm>>
        tpu.wait_dma2 semaphore(%run_scoped3A : memref<!tpu.dma_semaphore, #tpu.memory_space<semaphore_mem>>) src(%dma_wait3A_190 : memref<632xf32, #tpu.memory_space<hbm>>) dst(%dma_wait3A_188 : memref<632xf32, #tpu.memory_space<vmem_shared>>)
        tpu.yield
      }) : () -> ()
      "tpu.region"() ({
        %run_scoped3A = tpu.sem_alloc : memref<!tpu.dma_semaphore, #tpu.memory_space<semaphore_mem>>
        %dma_start3A = arith.constant 4424 : i32
        %dma_start3A_185 = tpu.memref_slice %arg9[%dma_start3A] : memref<10000xf32, #tpu.memory_space<vmem_shared>> -> memref<632xf32, #tpu.memory_space<vmem_shared>>
        %dma_start3A_186 = arith.constant 4424 : i32
        %dma_start3A_187 = tpu.memref_slice %arg5[%dma_start3A_186] : memref<10000xf32, #tpu.memory_space<hbm>> -> memref<632xf32, #tpu.memory_space<hbm>>
        tpu.enqueue_dma source(%dma_start3A_187 : memref<632xf32, #tpu.memory_space<hbm>>) target(%dma_start3A_185 : memref<632xf32, #tpu.memory_space<vmem_shared>>) target_semaphore(%run_scoped3A : memref<!tpu.dma_semaphore, #tpu.memory_space<semaphore_mem>>)
        %dma_wait3A = arith.constant 4424 : i32
        %dma_wait3A_188 = tpu.memref_slice %arg9[%dma_wait3A] : memref<10000xf32, #tpu.memory_space<vmem_shared>> -> memref<632xf32, #tpu.memory_space<vmem_shared>>
        %dma_wait3A_189 = arith.constant 4424 : i32
        %dma_wait3A_190 = tpu.memref_slice %arg5[%dma_wait3A_189] : memref<10000xf32, #tpu.memory_space<hbm>> -> memref<632xf32, #tpu.memory_space<hbm>>
        tpu.wait_dma2 semaphore(%run_scoped3A : memref<!tpu.dma_semaphore, #tpu.memory_space<semaphore_mem>>) src(%dma_wait3A_190 : memref<632xf32, #tpu.memory_space<hbm>>) dst(%dma_wait3A_188 : memref<632xf32, #tpu.memory_space<vmem_shared>>)
        tpu.yield
      }) : () -> ()
      "tpu.region"() ({
        %run_scoped3A = tpu.sem_alloc : memref<!tpu.dma_semaphore, #tpu.memory_space<semaphore_mem>>
        %dma_start3A = arith.constant 4424 : i32
        %dma_start3A_185 = tpu.memref_slice %arg10[%dma_start3A] : memref<10000xf32, #tpu.memory_space<vmem_shared>> -> memref<632xf32, #tpu.memory_space<vmem_shared>>
        %dma_start3A_186 = arith.constant 4424 : i32
        %dma_start3A_187 = tpu.memref_slice %arg5[%dma_start3A_186] : memref<10000xf32, #tpu.memory_space<hbm>> -> memref<632xf32, #tpu.memory_space<hbm>>
        tpu.enqueue_dma source(%dma_start3A_187 : memref<632xf32, #tpu.memory_space<hbm>>) target(%dma_start3A_185 : memref<632xf32, #tpu.memory_space<vmem_shared>>) target_semaphore(%run_scoped3A : memref<!tpu.dma_semaphore, #tpu.memory_space<semaphore_mem>>)
        %dma_wait3A = arith.constant 4424 : i32
        %dma_wait3A_188 = tpu.memref_slice %arg10[%dma_wait3A] : memref<10000xf32, #tpu.memory_space<vmem_shared>> -> memref<632xf32, #tpu.memory_space<vmem_shared>>
        %dma_wait3A_189 = arith.constant 4424 : i32
        %dma_wait3A_190 = tpu.memref_slice %arg5[%dma_wait3A_189] : memref<10000xf32, #tpu.memory_space<hbm>> -> memref<632xf32, #tpu.memory_space<hbm>>
        tpu.wait_dma2 semaphore(%run_scoped3A : memref<!tpu.dma_semaphore, #tpu.memory_space<semaphore_mem>>) src(%dma_wait3A_190 : memref<632xf32, #tpu.memory_space<hbm>>) dst(%dma_wait3A_188 : memref<632xf32, #tpu.memory_space<vmem_shared>>)
        tpu.yield
      }) : () -> ()
    } else {
    }
    %eq3A_41 = arith.constant 8 : i32
    %eq3A_42 = arith.cmpi eq, %arg1, %eq3A_41 : i32
    %convert_element_type3A_43 = arith.extui %eq3A_42 : i1 to i32
    %cond3A_44 = arith.constant 0 : i32
    %cond3A_45 = arith.cmpi ne, %convert_element_type3A_43, %cond3A_44 : i32
    scf.if %cond3A_45 {
      "tpu.region"() ({
        %run_scoped3A = tpu.sem_alloc : memref<!tpu.dma_semaphore, #tpu.memory_space<semaphore_mem>>
        %dma_start3A = arith.constant 5056 : i32
        %dma_start3A_185 = tpu.memref_slice %arg8[%dma_start3A] : memref<10000xf32, #tpu.memory_space<vmem_shared>> -> memref<632xf32, #tpu.memory_space<vmem_shared>>
        %dma_start3A_186 = arith.constant 5056 : i32
        %dma_start3A_187 = tpu.memref_slice %arg5[%dma_start3A_186] : memref<10000xf32, #tpu.memory_space<hbm>> -> memref<632xf32, #tpu.memory_space<hbm>>
        tpu.enqueue_dma source(%dma_start3A_187 : memref<632xf32, #tpu.memory_space<hbm>>) target(%dma_start3A_185 : memref<632xf32, #tpu.memory_space<vmem_shared>>) target_semaphore(%run_scoped3A : memref<!tpu.dma_semaphore, #tpu.memory_space<semaphore_mem>>)
        %dma_wait3A = arith.constant 5056 : i32
        %dma_wait3A_188 = tpu.memref_slice %arg8[%dma_wait3A] : memref<10000xf32, #tpu.memory_space<vmem_shared>> -> memref<632xf32, #tpu.memory_space<vmem_shared>>
        %dma_wait3A_189 = arith.constant 5056 : i32
        %dma_wait3A_190 = tpu.memref_slice %arg5[%dma_wait3A_189] : memref<10000xf32, #tpu.memory_space<hbm>> -> memref<632xf32, #tpu.memory_space<hbm>>
        tpu.wait_dma2 semaphore(%run_scoped3A : memref<!tpu.dma_semaphore, #tpu.memory_space<semaphore_mem>>) src(%dma_wait3A_190 : memref<632xf32, #tpu.memory_space<hbm>>) dst(%dma_wait3A_188 : memref<632xf32, #tpu.memory_space<vmem_shared>>)
        tpu.yield
      }) : () -> ()
      "tpu.region"() ({
        %run_scoped3A = tpu.sem_alloc : memref<!tpu.dma_semaphore, #tpu.memory_space<semaphore_mem>>
        %dma_start3A = arith.constant 5056 : i32
        %dma_start3A_185 = tpu.memref_slice %arg9[%dma_start3A] : memref<10000xf32, #tpu.memory_space<vmem_shared>> -> memref<632xf32, #tpu.memory_space<vmem_shared>>
        %dma_start3A_186 = arith.constant 5056 : i32
        %dma_start3A_187 = tpu.memref_slice %arg5[%dma_start3A_186] : memref<10000xf32, #tpu.memory_space<hbm>> -> memref<632xf32, #tpu.memory_space<hbm>>
        tpu.enqueue_dma source(%dma_start3A_187 : memref<632xf32, #tpu.memory_space<hbm>>) target(%dma_start3A_185 : memref<632xf32, #tpu.memory_space<vmem_shared>>) target_semaphore(%run_scoped3A : memref<!tpu.dma_semaphore, #tpu.memory_space<semaphore_mem>>)
        %dma_wait3A = arith.constant 5056 : i32
        %dma_wait3A_188 = tpu.memref_slice %arg9[%dma_wait3A] : memref<10000xf32, #tpu.memory_space<vmem_shared>> -> memref<632xf32, #tpu.memory_space<vmem_shared>>
        %dma_wait3A_189 = arith.constant 5056 : i32
        %dma_wait3A_190 = tpu.memref_slice %arg5[%dma_wait3A_189] : memref<10000xf32, #tpu.memory_space<hbm>> -> memref<632xf32, #tpu.memory_space<hbm>>
        tpu.wait_dma2 semaphore(%run_scoped3A : memref<!tpu.dma_semaphore, #tpu.memory_space<semaphore_mem>>) src(%dma_wait3A_190 : memref<632xf32, #tpu.memory_space<hbm>>) dst(%dma_wait3A_188 : memref<632xf32, #tpu.memory_space<vmem_shared>>)
        tpu.yield
      }) : () -> ()
      "tpu.region"() ({
        %run_scoped3A = tpu.sem_alloc : memref<!tpu.dma_semaphore, #tpu.memory_space<semaphore_mem>>
        %dma_start3A = arith.constant 5056 : i32
        %dma_start3A_185 = tpu.memref_slice %arg10[%dma_start3A] : memref<10000xf32, #tpu.memory_space<vmem_shared>> -> memref<632xf32, #tpu.memory_space<vmem_shared>>
        %dma_start3A_186 = arith.constant 5056 : i32
        %dma_start3A_187 = tpu.memref_slice %arg5[%dma_start3A_186] : memref<10000xf32, #tpu.memory_space<hbm>> -> memref<632xf32, #tpu.memory_space<hbm>>
        tpu.enqueue_dma source(%dma_start3A_187 : memref<632xf32, #tpu.memory_space<hbm>>) target(%dma_start3A_185 : memref<632xf32, #tpu.memory_space<vmem_shared>>) target_semaphore(%run_scoped3A : memref<!tpu.dma_semaphore, #tpu.memory_space<semaphore_mem>>)
        %dma_wait3A = arith.constant 5056 : i32
        %dma_wait3A_188 = tpu.memref_slice %arg10[%dma_wait3A] : memref<10000xf32, #tpu.memory_space<vmem_shared>> -> memref<632xf32, #tpu.memory_space<vmem_shared>>
        %dma_wait3A_189 = arith.constant 5056 : i32
        %dma_wait3A_190 = tpu.memref_slice %arg5[%dma_wait3A_189] : memref<10000xf32, #tpu.memory_space<hbm>> -> memref<632xf32, #tpu.memory_space<hbm>>
        tpu.wait_dma2 semaphore(%run_scoped3A : memref<!tpu.dma_semaphore, #tpu.memory_space<semaphore_mem>>) src(%dma_wait3A_190 : memref<632xf32, #tpu.memory_space<hbm>>) dst(%dma_wait3A_188 : memref<632xf32, #tpu.memory_space<vmem_shared>>)
        tpu.yield
      }) : () -> ()
    } else {
    }
    %eq3A_46 = arith.constant 9 : i32
    %eq3A_47 = arith.cmpi eq, %arg1, %eq3A_46 : i32
    %convert_element_type3A_48 = arith.extui %eq3A_47 : i1 to i32
    %cond3A_49 = arith.constant 0 : i32
    %cond3A_50 = arith.cmpi ne, %convert_element_type3A_48, %cond3A_49 : i32
    scf.if %cond3A_50 {
      "tpu.region"() ({
        %run_scoped3A = tpu.sem_alloc : memref<!tpu.dma_semaphore, #tpu.memory_space<semaphore_mem>>
        %dma_start3A = arith.constant 5688 : i32
        %dma_start3A_185 = tpu.memref_slice %arg8[%dma_start3A] : memref<10000xf32, #tpu.memory_space<vmem_shared>> -> memref<632xf32, #tpu.memory_space<vmem_shared>>
        %dma_start3A_186 = arith.constant 5688 : i32
        %dma_start3A_187 = tpu.memref_slice %arg5[%dma_start3A_186] : memref<10000xf32, #tpu.memory_space<hbm>> -> memref<632xf32, #tpu.memory_space<hbm>>
        tpu.enqueue_dma source(%dma_start3A_187 : memref<632xf32, #tpu.memory_space<hbm>>) target(%dma_start3A_185 : memref<632xf32, #tpu.memory_space<vmem_shared>>) target_semaphore(%run_scoped3A : memref<!tpu.dma_semaphore, #tpu.memory_space<semaphore_mem>>)
        %dma_wait3A = arith.constant 5688 : i32
        %dma_wait3A_188 = tpu.memref_slice %arg8[%dma_wait3A] : memref<10000xf32, #tpu.memory_space<vmem_shared>> -> memref<632xf32, #tpu.memory_space<vmem_shared>>
        %dma_wait3A_189 = arith.constant 5688 : i32
        %dma_wait3A_190 = tpu.memref_slice %arg5[%dma_wait3A_189] : memref<10000xf32, #tpu.memory_space<hbm>> -> memref<632xf32, #tpu.memory_space<hbm>>
        tpu.wait_dma2 semaphore(%run_scoped3A : memref<!tpu.dma_semaphore, #tpu.memory_space<semaphore_mem>>) src(%dma_wait3A_190 : memref<632xf32, #tpu.memory_space<hbm>>) dst(%dma_wait3A_188 : memref<632xf32, #tpu.memory_space<vmem_shared>>)
        tpu.yield
      }) : () -> ()
      "tpu.region"() ({
        %run_scoped3A = tpu.sem_alloc : memref<!tpu.dma_semaphore, #tpu.memory_space<semaphore_mem>>
        %dma_start3A = arith.constant 5688 : i32
        %dma_start3A_185 = tpu.memref_slice %arg9[%dma_start3A] : memref<10000xf32, #tpu.memory_space<vmem_shared>> -> memref<632xf32, #tpu.memory_space<vmem_shared>>
        %dma_start3A_186 = arith.constant 5688 : i32
        %dma_start3A_187 = tpu.memref_slice %arg5[%dma_start3A_186] : memref<10000xf32, #tpu.memory_space<hbm>> -> memref<632xf32, #tpu.memory_space<hbm>>
        tpu.enqueue_dma source(%dma_start3A_187 : memref<632xf32, #tpu.memory_space<hbm>>) target(%dma_start3A_185 : memref<632xf32, #tpu.memory_space<vmem_shared>>) target_semaphore(%run_scoped3A : memref<!tpu.dma_semaphore, #tpu.memory_space<semaphore_mem>>)
        %dma_wait3A = arith.constant 5688 : i32
        %dma_wait3A_188 = tpu.memref_slice %arg9[%dma_wait3A] : memref<10000xf32, #tpu.memory_space<vmem_shared>> -> memref<632xf32, #tpu.memory_space<vmem_shared>>
        %dma_wait3A_189 = arith.constant 5688 : i32
        %dma_wait3A_190 = tpu.memref_slice %arg5[%dma_wait3A_189] : memref<10000xf32, #tpu.memory_space<hbm>> -> memref<632xf32, #tpu.memory_space<hbm>>
        tpu.wait_dma2 semaphore(%run_scoped3A : memref<!tpu.dma_semaphore, #tpu.memory_space<semaphore_mem>>) src(%dma_wait3A_190 : memref<632xf32, #tpu.memory_space<hbm>>) dst(%dma_wait3A_188 : memref<632xf32, #tpu.memory_space<vmem_shared>>)
        tpu.yield
      }) : () -> ()
      "tpu.region"() ({
        %run_scoped3A = tpu.sem_alloc : memref<!tpu.dma_semaphore, #tpu.memory_space<semaphore_mem>>
        %dma_start3A = arith.constant 5688 : i32
        %dma_start3A_185 = tpu.memref_slice %arg10[%dma_start3A] : memref<10000xf32, #tpu.memory_space<vmem_shared>> -> memref<632xf32, #tpu.memory_space<vmem_shared>>
        %dma_start3A_186 = arith.constant 5688 : i32
        %dma_start3A_187 = tpu.memref_slice %arg5[%dma_start3A_186] : memref<10000xf32, #tpu.memory_space<hbm>> -> memref<632xf32, #tpu.memory_space<hbm>>
        tpu.enqueue_dma source(%dma_start3A_187 : memref<632xf32, #tpu.memory_space<hbm>>) target(%dma_start3A_185 : memref<632xf32, #tpu.memory_space<vmem_shared>>) target_semaphore(%run_scoped3A : memref<!tpu.dma_semaphore, #tpu.memory_space<semaphore_mem>>)
        %dma_wait3A = arith.constant 5688 : i32
        %dma_wait3A_188 = tpu.memref_slice %arg10[%dma_wait3A] : memref<10000xf32, #tpu.memory_space<vmem_shared>> -> memref<632xf32, #tpu.memory_space<vmem_shared>>
        %dma_wait3A_189 = arith.constant 5688 : i32
        %dma_wait3A_190 = tpu.memref_slice %arg5[%dma_wait3A_189] : memref<10000xf32, #tpu.memory_space<hbm>> -> memref<632xf32, #tpu.memory_space<hbm>>
        tpu.wait_dma2 semaphore(%run_scoped3A : memref<!tpu.dma_semaphore, #tpu.memory_space<semaphore_mem>>) src(%dma_wait3A_190 : memref<632xf32, #tpu.memory_space<hbm>>) dst(%dma_wait3A_188 : memref<632xf32, #tpu.memory_space<vmem_shared>>)
        tpu.yield
      }) : () -> ()
    } else {
    }
    %eq3A_51 = arith.constant 10 : i32
    %eq3A_52 = arith.cmpi eq, %arg1, %eq3A_51 : i32
    %convert_element_type3A_53 = arith.extui %eq3A_52 : i1 to i32
    %cond3A_54 = arith.constant 0 : i32
    %cond3A_55 = arith.cmpi ne, %convert_element_type3A_53, %cond3A_54 : i32
    scf.if %cond3A_55 {
      "tpu.region"() ({
        %run_scoped3A = tpu.sem_alloc : memref<!tpu.dma_semaphore, #tpu.memory_space<semaphore_mem>>
        %dma_start3A = arith.constant 6320 : i32
        %dma_start3A_185 = tpu.memref_slice %arg8[%dma_start3A] : memref<10000xf32, #tpu.memory_space<vmem_shared>> -> memref<632xf32, #tpu.memory_space<vmem_shared>>
        %dma_start3A_186 = arith.constant 6320 : i32
        %dma_start3A_187 = tpu.memref_slice %arg5[%dma_start3A_186] : memref<10000xf32, #tpu.memory_space<hbm>> -> memref<632xf32, #tpu.memory_space<hbm>>
        tpu.enqueue_dma source(%dma_start3A_187 : memref<632xf32, #tpu.memory_space<hbm>>) target(%dma_start3A_185 : memref<632xf32, #tpu.memory_space<vmem_shared>>) target_semaphore(%run_scoped3A : memref<!tpu.dma_semaphore, #tpu.memory_space<semaphore_mem>>)
        %dma_wait3A = arith.constant 6320 : i32
        %dma_wait3A_188 = tpu.memref_slice %arg8[%dma_wait3A] : memref<10000xf32, #tpu.memory_space<vmem_shared>> -> memref<632xf32, #tpu.memory_space<vmem_shared>>
        %dma_wait3A_189 = arith.constant 6320 : i32
        %dma_wait3A_190 = tpu.memref_slice %arg5[%dma_wait3A_189] : memref<10000xf32, #tpu.memory_space<hbm>> -> memref<632xf32, #tpu.memory_space<hbm>>
        tpu.wait_dma2 semaphore(%run_scoped3A : memref<!tpu.dma_semaphore, #tpu.memory_space<semaphore_mem>>) src(%dma_wait3A_190 : memref<632xf32, #tpu.memory_space<hbm>>) dst(%dma_wait3A_188 : memref<632xf32, #tpu.memory_space<vmem_shared>>)
        tpu.yield
      }) : () -> ()
      "tpu.region"() ({
        %run_scoped3A = tpu.sem_alloc : memref<!tpu.dma_semaphore, #tpu.memory_space<semaphore_mem>>
        %dma_start3A = arith.constant 6320 : i32
        %dma_start3A_185 = tpu.memref_slice %arg9[%dma_start3A] : memref<10000xf32, #tpu.memory_space<vmem_shared>> -> memref<632xf32, #tpu.memory_space<vmem_shared>>
        %dma_start3A_186 = arith.constant 6320 : i32
        %dma_start3A_187 = tpu.memref_slice %arg5[%dma_start3A_186] : memref<10000xf32, #tpu.memory_space<hbm>> -> memref<632xf32, #tpu.memory_space<hbm>>
        tpu.enqueue_dma source(%dma_start3A_187 : memref<632xf32, #tpu.memory_space<hbm>>) target(%dma_start3A_185 : memref<632xf32, #tpu.memory_space<vmem_shared>>) target_semaphore(%run_scoped3A : memref<!tpu.dma_semaphore, #tpu.memory_space<semaphore_mem>>)
        %dma_wait3A = arith.constant 6320 : i32
        %dma_wait3A_188 = tpu.memref_slice %arg9[%dma_wait3A] : memref<10000xf32, #tpu.memory_space<vmem_shared>> -> memref<632xf32, #tpu.memory_space<vmem_shared>>
        %dma_wait3A_189 = arith.constant 6320 : i32
        %dma_wait3A_190 = tpu.memref_slice %arg5[%dma_wait3A_189] : memref<10000xf32, #tpu.memory_space<hbm>> -> memref<632xf32, #tpu.memory_space<hbm>>
        tpu.wait_dma2 semaphore(%run_scoped3A : memref<!tpu.dma_semaphore, #tpu.memory_space<semaphore_mem>>) src(%dma_wait3A_190 : memref<632xf32, #tpu.memory_space<hbm>>) dst(%dma_wait3A_188 : memref<632xf32, #tpu.memory_space<vmem_shared>>)
        tpu.yield
      }) : () -> ()
      "tpu.region"() ({
        %run_scoped3A = tpu.sem_alloc : memref<!tpu.dma_semaphore, #tpu.memory_space<semaphore_mem>>
        %dma_start3A = arith.constant 6320 : i32
        %dma_start3A_185 = tpu.memref_slice %arg10[%dma_start3A] : memref<10000xf32, #tpu.memory_space<vmem_shared>> -> memref<632xf32, #tpu.memory_space<vmem_shared>>
        %dma_start3A_186 = arith.constant 6320 : i32
        %dma_start3A_187 = tpu.memref_slice %arg5[%dma_start3A_186] : memref<10000xf32, #tpu.memory_space<hbm>> -> memref<632xf32, #tpu.memory_space<hbm>>
        tpu.enqueue_dma source(%dma_start3A_187 : memref<632xf32, #tpu.memory_space<hbm>>) target(%dma_start3A_185 : memref<632xf32, #tpu.memory_space<vmem_shared>>) target_semaphore(%run_scoped3A : memref<!tpu.dma_semaphore, #tpu.memory_space<semaphore_mem>>)
        %dma_wait3A = arith.constant 6320 : i32
        %dma_wait3A_188 = tpu.memref_slice %arg10[%dma_wait3A] : memref<10000xf32, #tpu.memory_space<vmem_shared>> -> memref<632xf32, #tpu.memory_space<vmem_shared>>
        %dma_wait3A_189 = arith.constant 6320 : i32
        %dma_wait3A_190 = tpu.memref_slice %arg5[%dma_wait3A_189] : memref<10000xf32, #tpu.memory_space<hbm>> -> memref<632xf32, #tpu.memory_space<hbm>>
        tpu.wait_dma2 semaphore(%run_scoped3A : memref<!tpu.dma_semaphore, #tpu.memory_space<semaphore_mem>>) src(%dma_wait3A_190 : memref<632xf32, #tpu.memory_space<hbm>>) dst(%dma_wait3A_188 : memref<632xf32, #tpu.memory_space<vmem_shared>>)
        tpu.yield
      }) : () -> ()
    } else {
    }
    %eq3A_56 = arith.constant 11 : i32
    %eq3A_57 = arith.cmpi eq, %arg1, %eq3A_56 : i32
    %convert_element_type3A_58 = arith.extui %eq3A_57 : i1 to i32
    %cond3A_59 = arith.constant 0 : i32
    %cond3A_60 = arith.cmpi ne, %convert_element_type3A_58, %cond3A_59 : i32
    scf.if %cond3A_60 {
      "tpu.region"() ({
        %run_scoped3A = tpu.sem_alloc : memref<!tpu.dma_semaphore, #tpu.memory_space<semaphore_mem>>
        %dma_start3A = arith.constant 6952 : i32
        %dma_start3A_185 = tpu.memref_slice %arg8[%dma_start3A] : memref<10000xf32, #tpu.memory_space<vmem_shared>> -> memref<632xf32, #tpu.memory_space<vmem_shared>>
        %dma_start3A_186 = arith.constant 6952 : i32
        %dma_start3A_187 = tpu.memref_slice %arg5[%dma_start3A_186] : memref<10000xf32, #tpu.memory_space<hbm>> -> memref<632xf32, #tpu.memory_space<hbm>>
        tpu.enqueue_dma source(%dma_start3A_187 : memref<632xf32, #tpu.memory_space<hbm>>) target(%dma_start3A_185 : memref<632xf32, #tpu.memory_space<vmem_shared>>) target_semaphore(%run_scoped3A : memref<!tpu.dma_semaphore, #tpu.memory_space<semaphore_mem>>)
        %dma_wait3A = arith.constant 6952 : i32
        %dma_wait3A_188 = tpu.memref_slice %arg8[%dma_wait3A] : memref<10000xf32, #tpu.memory_space<vmem_shared>> -> memref<632xf32, #tpu.memory_space<vmem_shared>>
        %dma_wait3A_189 = arith.constant 6952 : i32
        %dma_wait3A_190 = tpu.memref_slice %arg5[%dma_wait3A_189] : memref<10000xf32, #tpu.memory_space<hbm>> -> memref<632xf32, #tpu.memory_space<hbm>>
        tpu.wait_dma2 semaphore(%run_scoped3A : memref<!tpu.dma_semaphore, #tpu.memory_space<semaphore_mem>>) src(%dma_wait3A_190 : memref<632xf32, #tpu.memory_space<hbm>>) dst(%dma_wait3A_188 : memref<632xf32, #tpu.memory_space<vmem_shared>>)
        tpu.yield
      }) : () -> ()
      "tpu.region"() ({
        %run_scoped3A = tpu.sem_alloc : memref<!tpu.dma_semaphore, #tpu.memory_space<semaphore_mem>>
        %dma_start3A = arith.constant 6952 : i32
        %dma_start3A_185 = tpu.memref_slice %arg9[%dma_start3A] : memref<10000xf32, #tpu.memory_space<vmem_shared>> -> memref<632xf32, #tpu.memory_space<vmem_shared>>
        %dma_start3A_186 = arith.constant 6952 : i32
        %dma_start3A_187 = tpu.memref_slice %arg5[%dma_start3A_186] : memref<10000xf32, #tpu.memory_space<hbm>> -> memref<632xf32, #tpu.memory_space<hbm>>
        tpu.enqueue_dma source(%dma_start3A_187 : memref<632xf32, #tpu.memory_space<hbm>>) target(%dma_start3A_185 : memref<632xf32, #tpu.memory_space<vmem_shared>>) target_semaphore(%run_scoped3A : memref<!tpu.dma_semaphore, #tpu.memory_space<semaphore_mem>>)
        %dma_wait3A = arith.constant 6952 : i32
        %dma_wait3A_188 = tpu.memref_slice %arg9[%dma_wait3A] : memref<10000xf32, #tpu.memory_space<vmem_shared>> -> memref<632xf32, #tpu.memory_space<vmem_shared>>
        %dma_wait3A_189 = arith.constant 6952 : i32
        %dma_wait3A_190 = tpu.memref_slice %arg5[%dma_wait3A_189] : memref<10000xf32, #tpu.memory_space<hbm>> -> memref<632xf32, #tpu.memory_space<hbm>>
        tpu.wait_dma2 semaphore(%run_scoped3A : memref<!tpu.dma_semaphore, #tpu.memory_space<semaphore_mem>>) src(%dma_wait3A_190 : memref<632xf32, #tpu.memory_space<hbm>>) dst(%dma_wait3A_188 : memref<632xf32, #tpu.memory_space<vmem_shared>>)
        tpu.yield
      }) : () -> ()
      "tpu.region"() ({
        %run_scoped3A = tpu.sem_alloc : memref<!tpu.dma_semaphore, #tpu.memory_space<semaphore_mem>>
        %dma_start3A = arith.constant 6952 : i32
        %dma_start3A_185 = tpu.memref_slice %arg10[%dma_start3A] : memref<10000xf32, #tpu.memory_space<vmem_shared>> -> memref<632xf32, #tpu.memory_space<vmem_shared>>
        %dma_start3A_186 = arith.constant 6952 : i32
        %dma_start3A_187 = tpu.memref_slice %arg5[%dma_start3A_186] : memref<10000xf32, #tpu.memory_space<hbm>> -> memref<632xf32, #tpu.memory_space<hbm>>
        tpu.enqueue_dma source(%dma_start3A_187 : memref<632xf32, #tpu.memory_space<hbm>>) target(%dma_start3A_185 : memref<632xf32, #tpu.memory_space<vmem_shared>>) target_semaphore(%run_scoped3A : memref<!tpu.dma_semaphore, #tpu.memory_space<semaphore_mem>>)
        %dma_wait3A = arith.constant 6952 : i32
        %dma_wait3A_188 = tpu.memref_slice %arg10[%dma_wait3A] : memref<10000xf32, #tpu.memory_space<vmem_shared>> -> memref<632xf32, #tpu.memory_space<vmem_shared>>
        %dma_wait3A_189 = arith.constant 6952 : i32
        %dma_wait3A_190 = tpu.memref_slice %arg5[%dma_wait3A_189] : memref<10000xf32, #tpu.memory_space<hbm>> -> memref<632xf32, #tpu.memory_space<hbm>>
        tpu.wait_dma2 semaphore(%run_scoped3A : memref<!tpu.dma_semaphore, #tpu.memory_space<semaphore_mem>>) src(%dma_wait3A_190 : memref<632xf32, #tpu.memory_space<hbm>>) dst(%dma_wait3A_188 : memref<632xf32, #tpu.memory_space<vmem_shared>>)
        tpu.yield
      }) : () -> ()
    } else {
    }
    %eq3A_61 = arith.constant 12 : i32
    %eq3A_62 = arith.cmpi eq, %arg1, %eq3A_61 : i32
    %convert_element_type3A_63 = arith.extui %eq3A_62 : i1 to i32
    %cond3A_64 = arith.constant 0 : i32
    %cond3A_65 = arith.cmpi ne, %convert_element_type3A_63, %cond3A_64 : i32
    scf.if %cond3A_65 {
      "tpu.region"() ({
        %run_scoped3A = tpu.sem_alloc : memref<!tpu.dma_semaphore, #tpu.memory_space<semaphore_mem>>
        %dma_start3A = arith.constant 7584 : i32
        %dma_start3A_185 = tpu.memref_slice %arg8[%dma_start3A] : memref<10000xf32, #tpu.memory_space<vmem_shared>> -> memref<632xf32, #tpu.memory_space<vmem_shared>>
        %dma_start3A_186 = arith.constant 7584 : i32
        %dma_start3A_187 = tpu.memref_slice %arg5[%dma_start3A_186] : memref<10000xf32, #tpu.memory_space<hbm>> -> memref<632xf32, #tpu.memory_space<hbm>>
        tpu.enqueue_dma source(%dma_start3A_187 : memref<632xf32, #tpu.memory_space<hbm>>) target(%dma_start3A_185 : memref<632xf32, #tpu.memory_space<vmem_shared>>) target_semaphore(%run_scoped3A : memref<!tpu.dma_semaphore, #tpu.memory_space<semaphore_mem>>)
        %dma_wait3A = arith.constant 7584 : i32
        %dma_wait3A_188 = tpu.memref_slice %arg8[%dma_wait3A] : memref<10000xf32, #tpu.memory_space<vmem_shared>> -> memref<632xf32, #tpu.memory_space<vmem_shared>>
        %dma_wait3A_189 = arith.constant 7584 : i32
        %dma_wait3A_190 = tpu.memref_slice %arg5[%dma_wait3A_189] : memref<10000xf32, #tpu.memory_space<hbm>> -> memref<632xf32, #tpu.memory_space<hbm>>
        tpu.wait_dma2 semaphore(%run_scoped3A : memref<!tpu.dma_semaphore, #tpu.memory_space<semaphore_mem>>) src(%dma_wait3A_190 : memref<632xf32, #tpu.memory_space<hbm>>) dst(%dma_wait3A_188 : memref<632xf32, #tpu.memory_space<vmem_shared>>)
        tpu.yield
      }) : () -> ()
      "tpu.region"() ({
        %run_scoped3A = tpu.sem_alloc : memref<!tpu.dma_semaphore, #tpu.memory_space<semaphore_mem>>
        %dma_start3A = arith.constant 7584 : i32
        %dma_start3A_185 = tpu.memref_slice %arg9[%dma_start3A] : memref<10000xf32, #tpu.memory_space<vmem_shared>> -> memref<632xf32, #tpu.memory_space<vmem_shared>>
        %dma_start3A_186 = arith.constant 7584 : i32
        %dma_start3A_187 = tpu.memref_slice %arg5[%dma_start3A_186] : memref<10000xf32, #tpu.memory_space<hbm>> -> memref<632xf32, #tpu.memory_space<hbm>>
        tpu.enqueue_dma source(%dma_start3A_187 : memref<632xf32, #tpu.memory_space<hbm>>) target(%dma_start3A_185 : memref<632xf32, #tpu.memory_space<vmem_shared>>) target_semaphore(%run_scoped3A : memref<!tpu.dma_semaphore, #tpu.memory_space<semaphore_mem>>)
        %dma_wait3A = arith.constant 7584 : i32
        %dma_wait3A_188 = tpu.memref_slice %arg9[%dma_wait3A] : memref<10000xf32, #tpu.memory_space<vmem_shared>> -> memref<632xf32, #tpu.memory_space<vmem_shared>>
        %dma_wait3A_189 = arith.constant 7584 : i32
        %dma_wait3A_190 = tpu.memref_slice %arg5[%dma_wait3A_189] : memref<10000xf32, #tpu.memory_space<hbm>> -> memref<632xf32, #tpu.memory_space<hbm>>
        tpu.wait_dma2 semaphore(%run_scoped3A : memref<!tpu.dma_semaphore, #tpu.memory_space<semaphore_mem>>) src(%dma_wait3A_190 : memref<632xf32, #tpu.memory_space<hbm>>) dst(%dma_wait3A_188 : memref<632xf32, #tpu.memory_space<vmem_shared>>)
        tpu.yield
      }) : () -> ()
      "tpu.region"() ({
        %run_scoped3A = tpu.sem_alloc : memref<!tpu.dma_semaphore, #tpu.memory_space<semaphore_mem>>
        %dma_start3A = arith.constant 7584 : i32
        %dma_start3A_185 = tpu.memref_slice %arg10[%dma_start3A] : memref<10000xf32, #tpu.memory_space<vmem_shared>> -> memref<632xf32, #tpu.memory_space<vmem_shared>>
        %dma_start3A_186 = arith.constant 7584 : i32
        %dma_start3A_187 = tpu.memref_slice %arg5[%dma_start3A_186] : memref<10000xf32, #tpu.memory_space<hbm>> -> memref<632xf32, #tpu.memory_space<hbm>>
        tpu.enqueue_dma source(%dma_start3A_187 : memref<632xf32, #tpu.memory_space<hbm>>) target(%dma_start3A_185 : memref<632xf32, #tpu.memory_space<vmem_shared>>) target_semaphore(%run_scoped3A : memref<!tpu.dma_semaphore, #tpu.memory_space<semaphore_mem>>)
        %dma_wait3A = arith.constant 7584 : i32
        %dma_wait3A_188 = tpu.memref_slice %arg10[%dma_wait3A] : memref<10000xf32, #tpu.memory_space<vmem_shared>> -> memref<632xf32, #tpu.memory_space<vmem_shared>>
        %dma_wait3A_189 = arith.constant 7584 : i32
        %dma_wait3A_190 = tpu.memref_slice %arg5[%dma_wait3A_189] : memref<10000xf32, #tpu.memory_space<hbm>> -> memref<632xf32, #tpu.memory_space<hbm>>
        tpu.wait_dma2 semaphore(%run_scoped3A : memref<!tpu.dma_semaphore, #tpu.memory_space<semaphore_mem>>) src(%dma_wait3A_190 : memref<632xf32, #tpu.memory_space<hbm>>) dst(%dma_wait3A_188 : memref<632xf32, #tpu.memory_space<vmem_shared>>)
        tpu.yield
      }) : () -> ()
    } else {
    }
    %eq3A_66 = arith.constant 13 : i32
    %eq3A_67 = arith.cmpi eq, %arg1, %eq3A_66 : i32
    %convert_element_type3A_68 = arith.extui %eq3A_67 : i1 to i32
    %cond3A_69 = arith.constant 0 : i32
    %cond3A_70 = arith.cmpi ne, %convert_element_type3A_68, %cond3A_69 : i32
    scf.if %cond3A_70 {
      "tpu.region"() ({
        %run_scoped3A = tpu.sem_alloc : memref<!tpu.dma_semaphore, #tpu.memory_space<semaphore_mem>>
        %dma_start3A = arith.constant 8216 : i32
        %dma_start3A_185 = tpu.memref_slice %arg8[%dma_start3A] : memref<10000xf32, #tpu.memory_space<vmem_shared>> -> memref<632xf32, #tpu.memory_space<vmem_shared>>
        %dma_start3A_186 = arith.constant 8216 : i32
        %dma_start3A_187 = tpu.memref_slice %arg5[%dma_start3A_186] : memref<10000xf32, #tpu.memory_space<hbm>> -> memref<632xf32, #tpu.memory_space<hbm>>
        tpu.enqueue_dma source(%dma_start3A_187 : memref<632xf32, #tpu.memory_space<hbm>>) target(%dma_start3A_185 : memref<632xf32, #tpu.memory_space<vmem_shared>>) target_semaphore(%run_scoped3A : memref<!tpu.dma_semaphore, #tpu.memory_space<semaphore_mem>>)
        %dma_wait3A = arith.constant 8216 : i32
        %dma_wait3A_188 = tpu.memref_slice %arg8[%dma_wait3A] : memref<10000xf32, #tpu.memory_space<vmem_shared>> -> memref<632xf32, #tpu.memory_space<vmem_shared>>
        %dma_wait3A_189 = arith.constant 8216 : i32
        %dma_wait3A_190 = tpu.memref_slice %arg5[%dma_wait3A_189] : memref<10000xf32, #tpu.memory_space<hbm>> -> memref<632xf32, #tpu.memory_space<hbm>>
        tpu.wait_dma2 semaphore(%run_scoped3A : memref<!tpu.dma_semaphore, #tpu.memory_space<semaphore_mem>>) src(%dma_wait3A_190 : memref<632xf32, #tpu.memory_space<hbm>>) dst(%dma_wait3A_188 : memref<632xf32, #tpu.memory_space<vmem_shared>>)
        tpu.yield
      }) : () -> ()
      "tpu.region"() ({
        %run_scoped3A = tpu.sem_alloc : memref<!tpu.dma_semaphore, #tpu.memory_space<semaphore_mem>>
        %dma_start3A = arith.constant 8216 : i32
        %dma_start3A_185 = tpu.memref_slice %arg9[%dma_start3A] : memref<10000xf32, #tpu.memory_space<vmem_shared>> -> memref<632xf32, #tpu.memory_space<vmem_shared>>
        %dma_start3A_186 = arith.constant 8216 : i32
        %dma_start3A_187 = tpu.memref_slice %arg5[%dma_start3A_186] : memref<10000xf32, #tpu.memory_space<hbm>> -> memref<632xf32, #tpu.memory_space<hbm>>
        tpu.enqueue_dma source(%dma_start3A_187 : memref<632xf32, #tpu.memory_space<hbm>>) target(%dma_start3A_185 : memref<632xf32, #tpu.memory_space<vmem_shared>>) target_semaphore(%run_scoped3A : memref<!tpu.dma_semaphore, #tpu.memory_space<semaphore_mem>>)
        %dma_wait3A = arith.constant 8216 : i32
        %dma_wait3A_188 = tpu.memref_slice %arg9[%dma_wait3A] : memref<10000xf32, #tpu.memory_space<vmem_shared>> -> memref<632xf32, #tpu.memory_space<vmem_shared>>
        %dma_wait3A_189 = arith.constant 8216 : i32
        %dma_wait3A_190 = tpu.memref_slice %arg5[%dma_wait3A_189] : memref<10000xf32, #tpu.memory_space<hbm>> -> memref<632xf32, #tpu.memory_space<hbm>>
        tpu.wait_dma2 semaphore(%run_scoped3A : memref<!tpu.dma_semaphore, #tpu.memory_space<semaphore_mem>>) src(%dma_wait3A_190 : memref<632xf32, #tpu.memory_space<hbm>>) dst(%dma_wait3A_188 : memref<632xf32, #tpu.memory_space<vmem_shared>>)
        tpu.yield
      }) : () -> ()
      "tpu.region"() ({
        %run_scoped3A = tpu.sem_alloc : memref<!tpu.dma_semaphore, #tpu.memory_space<semaphore_mem>>
        %dma_start3A = arith.constant 8216 : i32
        %dma_start3A_185 = tpu.memref_slice %arg10[%dma_start3A] : memref<10000xf32, #tpu.memory_space<vmem_shared>> -> memref<632xf32, #tpu.memory_space<vmem_shared>>
        %dma_start3A_186 = arith.constant 8216 : i32
        %dma_start3A_187 = tpu.memref_slice %arg5[%dma_start3A_186] : memref<10000xf32, #tpu.memory_space<hbm>> -> memref<632xf32, #tpu.memory_space<hbm>>
        tpu.enqueue_dma source(%dma_start3A_187 : memref<632xf32, #tpu.memory_space<hbm>>) target(%dma_start3A_185 : memref<632xf32, #tpu.memory_space<vmem_shared>>) target_semaphore(%run_scoped3A : memref<!tpu.dma_semaphore, #tpu.memory_space<semaphore_mem>>)
        %dma_wait3A = arith.constant 8216 : i32
        %dma_wait3A_188 = tpu.memref_slice %arg10[%dma_wait3A] : memref<10000xf32, #tpu.memory_space<vmem_shared>> -> memref<632xf32, #tpu.memory_space<vmem_shared>>
        %dma_wait3A_189 = arith.constant 8216 : i32
        %dma_wait3A_190 = tpu.memref_slice %arg5[%dma_wait3A_189] : memref<10000xf32, #tpu.memory_space<hbm>> -> memref<632xf32, #tpu.memory_space<hbm>>
        tpu.wait_dma2 semaphore(%run_scoped3A : memref<!tpu.dma_semaphore, #tpu.memory_space<semaphore_mem>>) src(%dma_wait3A_190 : memref<632xf32, #tpu.memory_space<hbm>>) dst(%dma_wait3A_188 : memref<632xf32, #tpu.memory_space<vmem_shared>>)
        tpu.yield
      }) : () -> ()
    } else {
    }
    %eq3A_71 = arith.constant 14 : i32
    %eq3A_72 = arith.cmpi eq, %arg1, %eq3A_71 : i32
    %convert_element_type3A_73 = arith.extui %eq3A_72 : i1 to i32
    %cond3A_74 = arith.constant 0 : i32
    %cond3A_75 = arith.cmpi ne, %convert_element_type3A_73, %cond3A_74 : i32
    scf.if %cond3A_75 {
      "tpu.region"() ({
        %run_scoped3A = tpu.sem_alloc : memref<!tpu.dma_semaphore, #tpu.memory_space<semaphore_mem>>
        %dma_start3A = arith.constant 8848 : i32
        %dma_start3A_185 = tpu.memref_slice %arg8[%dma_start3A] : memref<10000xf32, #tpu.memory_space<vmem_shared>> -> memref<632xf32, #tpu.memory_space<vmem_shared>>
        %dma_start3A_186 = arith.constant 8848 : i32
        %dma_start3A_187 = tpu.memref_slice %arg5[%dma_start3A_186] : memref<10000xf32, #tpu.memory_space<hbm>> -> memref<632xf32, #tpu.memory_space<hbm>>
        tpu.enqueue_dma source(%dma_start3A_187 : memref<632xf32, #tpu.memory_space<hbm>>) target(%dma_start3A_185 : memref<632xf32, #tpu.memory_space<vmem_shared>>) target_semaphore(%run_scoped3A : memref<!tpu.dma_semaphore, #tpu.memory_space<semaphore_mem>>)
        %dma_wait3A = arith.constant 8848 : i32
        %dma_wait3A_188 = tpu.memref_slice %arg8[%dma_wait3A] : memref<10000xf32, #tpu.memory_space<vmem_shared>> -> memref<632xf32, #tpu.memory_space<vmem_shared>>
        %dma_wait3A_189 = arith.constant 8848 : i32
        %dma_wait3A_190 = tpu.memref_slice %arg5[%dma_wait3A_189] : memref<10000xf32, #tpu.memory_space<hbm>> -> memref<632xf32, #tpu.memory_space<hbm>>
        tpu.wait_dma2 semaphore(%run_scoped3A : memref<!tpu.dma_semaphore, #tpu.memory_space<semaphore_mem>>) src(%dma_wait3A_190 : memref<632xf32, #tpu.memory_space<hbm>>) dst(%dma_wait3A_188 : memref<632xf32, #tpu.memory_space<vmem_shared>>)
        tpu.yield
      }) : () -> ()
      "tpu.region"() ({
        %run_scoped3A = tpu.sem_alloc : memref<!tpu.dma_semaphore, #tpu.memory_space<semaphore_mem>>
        %dma_start3A = arith.constant 8848 : i32
        %dma_start3A_185 = tpu.memref_slice %arg9[%dma_start3A] : memref<10000xf32, #tpu.memory_space<vmem_shared>> -> memref<632xf32, #tpu.memory_space<vmem_shared>>
        %dma_start3A_186 = arith.constant 8848 : i32
        %dma_start3A_187 = tpu.memref_slice %arg5[%dma_start3A_186] : memref<10000xf32, #tpu.memory_space<hbm>> -> memref<632xf32, #tpu.memory_space<hbm>>
        tpu.enqueue_dma source(%dma_start3A_187 : memref<632xf32, #tpu.memory_space<hbm>>) target(%dma_start3A_185 : memref<632xf32, #tpu.memory_space<vmem_shared>>) target_semaphore(%run_scoped3A : memref<!tpu.dma_semaphore, #tpu.memory_space<semaphore_mem>>)
        %dma_wait3A = arith.constant 8848 : i32
        %dma_wait3A_188 = tpu.memref_slice %arg9[%dma_wait3A] : memref<10000xf32, #tpu.memory_space<vmem_shared>> -> memref<632xf32, #tpu.memory_space<vmem_shared>>
        %dma_wait3A_189 = arith.constant 8848 : i32
        %dma_wait3A_190 = tpu.memref_slice %arg5[%dma_wait3A_189] : memref<10000xf32, #tpu.memory_space<hbm>> -> memref<632xf32, #tpu.memory_space<hbm>>
        tpu.wait_dma2 semaphore(%run_scoped3A : memref<!tpu.dma_semaphore, #tpu.memory_space<semaphore_mem>>) src(%dma_wait3A_190 : memref<632xf32, #tpu.memory_space<hbm>>) dst(%dma_wait3A_188 : memref<632xf32, #tpu.memory_space<vmem_shared>>)
        tpu.yield
      }) : () -> ()
      "tpu.region"() ({
        %run_scoped3A = tpu.sem_alloc : memref<!tpu.dma_semaphore, #tpu.memory_space<semaphore_mem>>
        %dma_start3A = arith.constant 8848 : i32
        %dma_start3A_185 = tpu.memref_slice %arg10[%dma_start3A] : memref<10000xf32, #tpu.memory_space<vmem_shared>> -> memref<632xf32, #tpu.memory_space<vmem_shared>>
        %dma_start3A_186 = arith.constant 8848 : i32
        %dma_start3A_187 = tpu.memref_slice %arg5[%dma_start3A_186] : memref<10000xf32, #tpu.memory_space<hbm>> -> memref<632xf32, #tpu.memory_space<hbm>>
        tpu.enqueue_dma source(%dma_start3A_187 : memref<632xf32, #tpu.memory_space<hbm>>) target(%dma_start3A_185 : memref<632xf32, #tpu.memory_space<vmem_shared>>) target_semaphore(%run_scoped3A : memref<!tpu.dma_semaphore, #tpu.memory_space<semaphore_mem>>)
        %dma_wait3A = arith.constant 8848 : i32
        %dma_wait3A_188 = tpu.memref_slice %arg10[%dma_wait3A] : memref<10000xf32, #tpu.memory_space<vmem_shared>> -> memref<632xf32, #tpu.memory_space<vmem_shared>>
        %dma_wait3A_189 = arith.constant 8848 : i32
        %dma_wait3A_190 = tpu.memref_slice %arg5[%dma_wait3A_189] : memref<10000xf32, #tpu.memory_space<hbm>> -> memref<632xf32, #tpu.memory_space<hbm>>
        tpu.wait_dma2 semaphore(%run_scoped3A : memref<!tpu.dma_semaphore, #tpu.memory_space<semaphore_mem>>) src(%dma_wait3A_190 : memref<632xf32, #tpu.memory_space<hbm>>) dst(%dma_wait3A_188 : memref<632xf32, #tpu.memory_space<vmem_shared>>)
        tpu.yield
      }) : () -> ()
    } else {
    }
    %eq3A_76 = arith.constant 15 : i32
    %eq3A_77 = arith.cmpi eq, %arg1, %eq3A_76 : i32
    %convert_element_type3A_78 = arith.extui %eq3A_77 : i1 to i32
    %cond3A_79 = arith.constant 0 : i32
    %cond3A_80 = arith.cmpi ne, %convert_element_type3A_78, %cond3A_79 : i32
    scf.if %cond3A_80 {
      "tpu.region"() ({
        %run_scoped3A = tpu.sem_alloc : memref<!tpu.dma_semaphore, #tpu.memory_space<semaphore_mem>>
        %dma_start3A = arith.constant 9480 : i32
        %dma_start3A_185 = tpu.memref_slice %arg8[%dma_start3A] : memref<10000xf32, #tpu.memory_space<vmem_shared>> -> memref<520xf32, #tpu.memory_space<vmem_shared>>
        %dma_start3A_186 = arith.constant 9480 : i32
        %dma_start3A_187 = tpu.memref_slice %arg5[%dma_start3A_186] : memref<10000xf32, #tpu.memory_space<hbm>> -> memref<520xf32, #tpu.memory_space<hbm>>
        tpu.enqueue_dma source(%dma_start3A_187 : memref<520xf32, #tpu.memory_space<hbm>>) target(%dma_start3A_185 : memref<520xf32, #tpu.memory_space<vmem_shared>>) target_semaphore(%run_scoped3A : memref<!tpu.dma_semaphore, #tpu.memory_space<semaphore_mem>>)
        %dma_wait3A = arith.constant 9480 : i32
        %dma_wait3A_188 = tpu.memref_slice %arg8[%dma_wait3A] : memref<10000xf32, #tpu.memory_space<vmem_shared>> -> memref<520xf32, #tpu.memory_space<vmem_shared>>
        %dma_wait3A_189 = arith.constant 9480 : i32
        %dma_wait3A_190 = tpu.memref_slice %arg5[%dma_wait3A_189] : memref<10000xf32, #tpu.memory_space<hbm>> -> memref<520xf32, #tpu.memory_space<hbm>>
        tpu.wait_dma2 semaphore(%run_scoped3A : memref<!tpu.dma_semaphore, #tpu.memory_space<semaphore_mem>>) src(%dma_wait3A_190 : memref<520xf32, #tpu.memory_space<hbm>>) dst(%dma_wait3A_188 : memref<520xf32, #tpu.memory_space<vmem_shared>>)
        tpu.yield
      }) : () -> ()
      "tpu.region"() ({
        %run_scoped3A = tpu.sem_alloc : memref<!tpu.dma_semaphore, #tpu.memory_space<semaphore_mem>>
        %dma_start3A = arith.constant 9480 : i32
        %dma_start3A_185 = tpu.memref_slice %arg9[%dma_start3A] : memref<10000xf32, #tpu.memory_space<vmem_shared>> -> memref<520xf32, #tpu.memory_space<vmem_shared>>
        %dma_start3A_186 = arith.constant 9480 : i32
        %dma_start3A_187 = tpu.memref_slice %arg5[%dma_start3A_186] : memref<10000xf32, #tpu.memory_space<hbm>> -> memref<520xf32, #tpu.memory_space<hbm>>
        tpu.enqueue_dma source(%dma_start3A_187 : memref<520xf32, #tpu.memory_space<hbm>>) target(%dma_start3A_185 : memref<520xf32, #tpu.memory_space<vmem_shared>>) target_semaphore(%run_scoped3A : memref<!tpu.dma_semaphore, #tpu.memory_space<semaphore_mem>>)
        %dma_wait3A = arith.constant 9480 : i32
        %dma_wait3A_188 = tpu.memref_slice %arg9[%dma_wait3A] : memref<10000xf32, #tpu.memory_space<vmem_shared>> -> memref<520xf32, #tpu.memory_space<vmem_shared>>
        %dma_wait3A_189 = arith.constant 9480 : i32
        %dma_wait3A_190 = tpu.memref_slice %arg5[%dma_wait3A_189] : memref<10000xf32, #tpu.memory_space<hbm>> -> memref<520xf32, #tpu.memory_space<hbm>>
        tpu.wait_dma2 semaphore(%run_scoped3A : memref<!tpu.dma_semaphore, #tpu.memory_space<semaphore_mem>>) src(%dma_wait3A_190 : memref<520xf32, #tpu.memory_space<hbm>>) dst(%dma_wait3A_188 : memref<520xf32, #tpu.memory_space<vmem_shared>>)
        tpu.yield
      }) : () -> ()
      "tpu.region"() ({
        %run_scoped3A = tpu.sem_alloc : memref<!tpu.dma_semaphore, #tpu.memory_space<semaphore_mem>>
        %dma_start3A = arith.constant 9480 : i32
        %dma_start3A_185 = tpu.memref_slice %arg10[%dma_start3A] : memref<10000xf32, #tpu.memory_space<vmem_shared>> -> memref<520xf32, #tpu.memory_space<vmem_shared>>
        %dma_start3A_186 = arith.constant 9480 : i32
        %dma_start3A_187 = tpu.memref_slice %arg5[%dma_start3A_186] : memref<10000xf32, #tpu.memory_space<hbm>> -> memref<520xf32, #tpu.memory_space<hbm>>
        tpu.enqueue_dma source(%dma_start3A_187 : memref<520xf32, #tpu.memory_space<hbm>>) target(%dma_start3A_185 : memref<520xf32, #tpu.memory_space<vmem_shared>>) target_semaphore(%run_scoped3A : memref<!tpu.dma_semaphore, #tpu.memory_space<semaphore_mem>>)
        %dma_wait3A = arith.constant 9480 : i32
        %dma_wait3A_188 = tpu.memref_slice %arg10[%dma_wait3A] : memref<10000xf32, #tpu.memory_space<vmem_shared>> -> memref<520xf32, #tpu.memory_space<vmem_shared>>
        %dma_wait3A_189 = arith.constant 9480 : i32
        %dma_wait3A_190 = tpu.memref_slice %arg5[%dma_wait3A_189] : memref<10000xf32, #tpu.memory_space<hbm>> -> memref<520xf32, #tpu.memory_space<hbm>>
        tpu.wait_dma2 semaphore(%run_scoped3A : memref<!tpu.dma_semaphore, #tpu.memory_space<semaphore_mem>>) src(%dma_wait3A_190 : memref<520xf32, #tpu.memory_space<hbm>>) dst(%dma_wait3A_188 : memref<520xf32, #tpu.memory_space<vmem_shared>>)
        tpu.yield
      }) : () -> ()
    } else {
    }
    %barrier3A = arith.constant 0 : index
    tpu.barrier barrier_id(%barrier3A)
    %eq3A_81 = arith.constant 0 : i32
    %eq3A_82 = arith.cmpi eq, %arg0, %eq3A_81 : i32
    %convert_element_type3A_83 = arith.extui %eq3A_82 : i1 to i32
    %cond3A_84 = arith.constant 0 : i32
    %cond3A_85 = arith.cmpi ne, %convert_element_type3A_83, %cond3A_84 : i32
    scf.if %cond3A_85 {
      "tpu.region"() ({
        %run_scoped3A = tpu.sem_alloc : memref<!tpu.dma_semaphore, #tpu.memory_space<semaphore_mem>>
        %dma_start3A = arith.constant 0 : i32
        %dma_start3A_187 = tpu.memref_slice %arg4[%arg1, %dma_start3A] : memref<16x625xi32, #tpu.memory_space<hbm>> -> memref<1x625xi32, #tpu.memory_space<hbm>>
        %dma_start3A_188 = tpu.memref_squeeze %dma_start3A_187 : memref<1x625xi32, #tpu.memory_space<hbm>> -> memref<625xi32, #tpu.memory_space<hbm>>
        %dma_start3A_189 = arith.constant 0 : i32
        %dma_start3A_190 = tpu.memref_slice %arg4[%arg1, %dma_start3A_189] : memref<16x625xi32, #tpu.memory_space<hbm>> -> memref<1x625xi32, #tpu.memory_space<hbm>>
        %dma_start3A_191 = tpu.memref_squeeze %dma_start3A_190 : memref<1x625xi32, #tpu.memory_space<hbm>> -> memref<625xi32, #tpu.memory_space<hbm>>
        tpu.enqueue_dma source(%dma_start3A_191 : memref<625xi32, #tpu.memory_space<hbm>>) target(%arg13 : memref<625xi32, #tpu.memory_space<vmem>>) target_semaphore(%run_scoped3A : memref<!tpu.dma_semaphore, #tpu.memory_space<semaphore_mem>>)
        %dma_wait3A = arith.constant 0 : i32
        %dma_wait3A_192 = tpu.memref_slice %arg4[%arg1, %dma_wait3A] : memref<16x625xi32, #tpu.memory_space<hbm>> -> memref<1x625xi32, #tpu.memory_space<hbm>>
        %dma_wait3A_193 = tpu.memref_squeeze %dma_wait3A_192 : memref<1x625xi32, #tpu.memory_space<hbm>> -> memref<625xi32, #tpu.memory_space<hbm>>
        %dma_wait3A_194 = arith.constant 0 : i32
        %dma_wait3A_195 = tpu.memref_slice %arg4[%arg1, %dma_wait3A_194] : memref<16x625xi32, #tpu.memory_space<hbm>> -> memref<1x625xi32, #tpu.memory_space<hbm>>
        %dma_wait3A_196 = tpu.memref_squeeze %dma_wait3A_195 : memref<1x625xi32, #tpu.memory_space<hbm>> -> memref<625xi32, #tpu.memory_space<hbm>>
        tpu.wait_dma2 semaphore(%run_scoped3A : memref<!tpu.dma_semaphore, #tpu.memory_space<semaphore_mem>>) src(%dma_wait3A_196 : memref<625xi32, #tpu.memory_space<hbm>>) dst(%arg13 : memref<625xi32, #tpu.memory_space<vmem>>)
        tpu.yield
      }) : () -> ()
      "tpu.region"() ({
        %run_scoped3A = tpu.sem_alloc : memref<!tpu.dma_semaphore, #tpu.memory_space<semaphore_mem>>
        %dma_start3A = arith.constant 0 : i32
        %dma_start3A_187 = arith.constant 0 : i32
        %dma_start3A_188 = tpu.memref_slice %arg3[%dma_start3A, %dma_start3A_187] : memref<10000x128xf32, #tpu.memory_space<hbm>> -> memref<10000x128xf32, #tpu.memory_space<hbm>>
        tpu.enqueue_indirect_dma source(%dma_start3A_188 : memref<10000x128xf32, #tpu.memory_space<hbm>>) target(%arg14 : memref<625x128xf32, #tpu.memory_space<vmem>>) offsets(%arg13 : memref<625xi32, #tpu.memory_space<vmem>>) semaphore(%run_scoped3A : memref<!tpu.dma_semaphore, #tpu.memory_space<semaphore_mem>>)
        %dma_wait3A = arith.constant 0 : i32
        %dma_wait3A_189 = arith.constant 0 : i32
        %dma_wait3A_190 = tpu.memref_slice %arg3[%dma_wait3A, %dma_wait3A_189] : memref<10000x128xf32, #tpu.memory_space<hbm>> -> memref<10000x128xf32, #tpu.memory_space<hbm>>
        tpu.wait_indirect_dma semaphore(%run_scoped3A : memref<!tpu.dma_semaphore, #tpu.memory_space<semaphore_mem>>) src(%dma_wait3A_190 : memref<10000x128xf32, #tpu.memory_space<hbm>>) dst(%arg14 : memref<625x128xf32, #tpu.memory_space<vmem>>)
        tpu.yield
      }) : () -> ()
      %mul3A_185 = arith.constant 625 : i32
      %mul3A_186 = arith.muli %arg1, %mul3A_185 : i32
      "tpu.region"() ({
        %run_scoped3A = tpu.sem_alloc : memref<!tpu.dma_semaphore, #tpu.memory_space<semaphore_mem>>
        %dma_start3A = arith.constant 0 : i32
        %dma_start3A_187 = tpu.memref_slice %arg7[%mul3A_186, %dma_start3A] : memref<10000x128xf32, #tpu.memory_space<hbm>> -> memref<625x128xf32, #tpu.memory_space<hbm>>
        %dma_start3A_188 = arith.constant 0 : i32
        %dma_start3A_189 = tpu.memref_slice %arg7[%mul3A_186, %dma_start3A_188] : memref<10000x128xf32, #tpu.memory_space<hbm>> -> memref<625x128xf32, #tpu.memory_space<hbm>>
        tpu.enqueue_dma source(%arg14 : memref<625x128xf32, #tpu.memory_space<vmem>>) target(%dma_start3A_189 : memref<625x128xf32, #tpu.memory_space<hbm>>) target_semaphore(%run_scoped3A : memref<!tpu.dma_semaphore, #tpu.memory_space<semaphore_mem>>)
        %dma_wait3A = arith.constant 0 : i32
        %dma_wait3A_190 = tpu.memref_slice %arg7[%mul3A_186, %dma_wait3A] : memref<10000x128xf32, #tpu.memory_space<hbm>> -> memref<625x128xf32, #tpu.memory_space<hbm>>
        %dma_wait3A_191 = arith.constant 0 : i32
        %dma_wait3A_192 = tpu.memref_slice %arg7[%mul3A_186, %dma_wait3A_191] : memref<10000x128xf32, #tpu.memory_space<hbm>> -> memref<625x128xf32, #tpu.memory_space<hbm>>
        tpu.wait_dma2 semaphore(%run_scoped3A : memref<!tpu.dma_semaphore, #tpu.memory_space<semaphore_mem>>) src(%arg14 : memref<625x128xf32, #tpu.memory_space<vmem>>) dst(%dma_wait3A_192 : memref<625x128xf32, #tpu.memory_space<hbm>>)
        tpu.yield
      }) : () -> ()
    } else {
    }
    %mul3A = arith.constant 16 : i32
    %mul3A_86 = arith.muli %arg0, %mul3A : i32
    %add3A = arith.addi %mul3A_86, %arg1 : i32
    %mul3A_87 = arith.constant 10000 : i32
    %mul3A_88 = arith.muli %add3A, %mul3A_87 : i32
    %scan3A_89 = arith.constant 0 : i32
    %scan3A_90 = arith.constant 5 : i32
    %scan3A_91 = arith.addi %scan3A_89, %scan3A_90 : i32
    %scan3A_92 = arith.constant 1 : i32
    scf.for %scan3A_185 = %scan3A_89 to %scan3A_91 step %scan3A_92  : i32 {
      %mul3A_186 = arith.constant 2000 : i32
      %mul3A_187 = arith.muli %scan3A_185, %mul3A_186 : i32
      %add3A_188 = arith.constant 0 : i32
      %add3A_189 = arith.addi %add3A_188, %mul3A_187 : i32
      %add3A_190 = arith.addi %mul3A_88, %add3A_189 : i32
      %run_scoped3A = arith.constant 0 : i32
      "tpu.region"() ({
        %run_scoped3A_191 = tpu.sem_alloc : memref<!tpu.dma_semaphore, #tpu.memory_space<semaphore_mem>>
        %dma_start3A = tpu.memref_slice %arg2[%run_scoped3A, %add3A_190] : memref<3x320000xi32, #tpu.memory_space<hbm>> -> memref<1x2000xi32, #tpu.memory_space<hbm>>
        %dma_start3A_192 = tpu.memref_squeeze %dma_start3A : memref<1x2000xi32, #tpu.memory_space<hbm>> -> memref<2000xi32, #tpu.memory_space<hbm>>
        %dma_start3A_193 = tpu.memref_slice %arg2[%run_scoped3A, %add3A_190] : memref<3x320000xi32, #tpu.memory_space<hbm>> -> memref<1x2000xi32, #tpu.memory_space<hbm>>
        %dma_start3A_194 = tpu.memref_squeeze %dma_start3A_193 : memref<1x2000xi32, #tpu.memory_space<hbm>> -> memref<2000xi32, #tpu.memory_space<hbm>>
        tpu.enqueue_dma source(%dma_start3A_194 : memref<2000xi32, #tpu.memory_space<hbm>>) target(%arg12 : memref<2000xi32, #tpu.memory_space<vmem>>) target_semaphore(%run_scoped3A_191 : memref<!tpu.dma_semaphore, #tpu.memory_space<semaphore_mem>>)
        %dma_wait3A = tpu.memref_slice %arg2[%run_scoped3A, %add3A_190] : memref<3x320000xi32, #tpu.memory_space<hbm>> -> memref<1x2000xi32, #tpu.memory_space<hbm>>
        %dma_wait3A_195 = tpu.memref_squeeze %dma_wait3A : memref<1x2000xi32, #tpu.memory_space<hbm>> -> memref<2000xi32, #tpu.memory_space<hbm>>
        %dma_wait3A_196 = tpu.memref_slice %arg2[%run_scoped3A, %add3A_190] : memref<3x320000xi32, #tpu.memory_space<hbm>> -> memref<1x2000xi32, #tpu.memory_space<hbm>>
        %dma_wait3A_197 = tpu.memref_squeeze %dma_wait3A_196 : memref<1x2000xi32, #tpu.memory_space<hbm>> -> memref<2000xi32, #tpu.memory_space<hbm>>
        tpu.wait_dma2 semaphore(%run_scoped3A_191 : memref<!tpu.dma_semaphore, #tpu.memory_space<semaphore_mem>>) src(%dma_wait3A_197 : memref<2000xi32, #tpu.memory_space<hbm>>) dst(%arg12 : memref<2000xi32, #tpu.memory_space<vmem>>)
        tpu.yield
      }) : () -> ()
      "tpu.region"() ({
        %run_scoped3A_191 = tpu.sem_alloc : memref<!tpu.dma_semaphore, #tpu.memory_space<semaphore_mem>>
        %dma_start3A = arith.constant 0 : i32
        %dma_start3A_192 = tpu.memref_slice %arg8[%dma_start3A] : memref<10000xf32, #tpu.memory_space<vmem_shared>> -> memref<10000xf32, #tpu.memory_space<vmem_shared>>
        tpu.enqueue_indirect_dma source(%arg11 : memref<2000xf32, #tpu.memory_space<vmem>>) target(%dma_start3A_192 : memref<10000xf32, #tpu.memory_space<vmem_shared>>) offsets(%arg12 : memref<2000xi32, #tpu.memory_space<vmem>>) semaphore(%run_scoped3A_191 : memref<!tpu.dma_semaphore, #tpu.memory_space<semaphore_mem>>) {add = true}
        %dma_wait3A = arith.constant 0 : i32
        %dma_wait3A_193 = tpu.memref_slice %arg8[%dma_wait3A] : memref<10000xf32, #tpu.memory_space<vmem_shared>> -> memref<10000xf32, #tpu.memory_space<vmem_shared>>
        tpu.wait_indirect_dma semaphore(%run_scoped3A_191 : memref<!tpu.dma_semaphore, #tpu.memory_space<semaphore_mem>>) src(%arg11 : memref<2000xf32, #tpu.memory_space<vmem>>) dst(%dma_wait3A_193 : memref<10000xf32, #tpu.memory_space<vmem_shared>>)
        tpu.yield
      }) : () -> ()
    }
    %scan3A_93 = arith.constant 5 : i32
    %scan3A_94 = arith.constant 0 : i32
    %scan3A_95 = arith.constant 5 : i32
    %scan3A_96 = arith.addi %scan3A_94, %scan3A_95 : i32
    %scan3A_97 = arith.constant 1 : i32
    scf.for %scan3A_185 = %scan3A_94 to %scan3A_96 step %scan3A_97  : i32 {
      %mul3A_186 = arith.constant 2000 : i32
      %mul3A_187 = arith.muli %scan3A_185, %mul3A_186 : i32
      %add3A_188 = arith.constant 0 : i32
      %add3A_189 = arith.addi %add3A_188, %mul3A_187 : i32
      %add3A_190 = arith.addi %mul3A_88, %add3A_189 : i32
      %run_scoped3A = arith.constant 1 : i32
      "tpu.region"() ({
        %run_scoped3A_191 = tpu.sem_alloc : memref<!tpu.dma_semaphore, #tpu.memory_space<semaphore_mem>>
        %dma_start3A = tpu.memref_slice %arg2[%run_scoped3A, %add3A_190] : memref<3x320000xi32, #tpu.memory_space<hbm>> -> memref<1x2000xi32, #tpu.memory_space<hbm>>
        %dma_start3A_192 = tpu.memref_squeeze %dma_start3A : memref<1x2000xi32, #tpu.memory_space<hbm>> -> memref<2000xi32, #tpu.memory_space<hbm>>
        %dma_start3A_193 = tpu.memref_slice %arg2[%run_scoped3A, %add3A_190] : memref<3x320000xi32, #tpu.memory_space<hbm>> -> memref<1x2000xi32, #tpu.memory_space<hbm>>
        %dma_start3A_194 = tpu.memref_squeeze %dma_start3A_193 : memref<1x2000xi32, #tpu.memory_space<hbm>> -> memref<2000xi32, #tpu.memory_space<hbm>>
        tpu.enqueue_dma source(%dma_start3A_194 : memref<2000xi32, #tpu.memory_space<hbm>>) target(%arg12 : memref<2000xi32, #tpu.memory_space<vmem>>) target_semaphore(%run_scoped3A_191 : memref<!tpu.dma_semaphore, #tpu.memory_space<semaphore_mem>>)
        %dma_wait3A = tpu.memref_slice %arg2[%run_scoped3A, %add3A_190] : memref<3x320000xi32, #tpu.memory_space<hbm>> -> memref<1x2000xi32, #tpu.memory_space<hbm>>
        %dma_wait3A_195 = tpu.memref_squeeze %dma_wait3A : memref<1x2000xi32, #tpu.memory_space<hbm>> -> memref<2000xi32, #tpu.memory_space<hbm>>
        %dma_wait3A_196 = tpu.memref_slice %arg2[%run_scoped3A, %add3A_190] : memref<3x320000xi32, #tpu.memory_space<hbm>> -> memref<1x2000xi32, #tpu.memory_space<hbm>>
        %dma_wait3A_197 = tpu.memref_squeeze %dma_wait3A_196 : memref<1x2000xi32, #tpu.memory_space<hbm>> -> memref<2000xi32, #tpu.memory_space<hbm>>
        tpu.wait_dma2 semaphore(%run_scoped3A_191 : memref<!tpu.dma_semaphore, #tpu.memory_space<semaphore_mem>>) src(%dma_wait3A_197 : memref<2000xi32, #tpu.memory_space<hbm>>) dst(%arg12 : memref<2000xi32, #tpu.memory_space<vmem>>)
        tpu.yield
      }) : () -> ()
      "tpu.region"() ({
        %run_scoped3A_191 = tpu.sem_alloc : memref<!tpu.dma_semaphore, #tpu.memory_space<semaphore_mem>>
        %dma_start3A = arith.constant 0 : i32
        %dma_start3A_192 = tpu.memref_slice %arg9[%dma_start3A] : memref<10000xf32, #tpu.memory_space<vmem_shared>> -> memref<10000xf32, #tpu.memory_space<vmem_shared>>
        tpu.enqueue_indirect_dma source(%arg11 : memref<2000xf32, #tpu.memory_space<vmem>>) target(%dma_start3A_192 : memref<10000xf32, #tpu.memory_space<vmem_shared>>) offsets(%arg12 : memref<2000xi32, #tpu.memory_space<vmem>>) semaphore(%run_scoped3A_191 : memref<!tpu.dma_semaphore, #tpu.memory_space<semaphore_mem>>) {add = true}
        %dma_wait3A = arith.constant 0 : i32
        %dma_wait3A_193 = tpu.memref_slice %arg9[%dma_wait3A] : memref<10000xf32, #tpu.memory_space<vmem_shared>> -> memref<10000xf32, #tpu.memory_space<vmem_shared>>
        tpu.wait_indirect_dma semaphore(%run_scoped3A_191 : memref<!tpu.dma_semaphore, #tpu.memory_space<semaphore_mem>>) src(%arg11 : memref<2000xf32, #tpu.memory_space<vmem>>) dst(%dma_wait3A_193 : memref<10000xf32, #tpu.memory_space<vmem_shared>>)
        tpu.yield
      }) : () -> ()
    }
    %scan3A_98 = arith.constant 5 : i32
    %scan3A_99 = arith.constant 0 : i32
    %scan3A_100 = arith.constant 5 : i32
    %scan3A_101 = arith.addi %scan3A_99, %scan3A_100 : i32
    %scan3A_102 = arith.constant 1 : i32
    scf.for %scan3A_185 = %scan3A_99 to %scan3A_101 step %scan3A_102  : i32 {
      %mul3A_186 = arith.constant 2000 : i32
      %mul3A_187 = arith.muli %scan3A_185, %mul3A_186 : i32
      %add3A_188 = arith.constant 0 : i32
      %add3A_189 = arith.addi %add3A_188, %mul3A_187 : i32
      %add3A_190 = arith.addi %mul3A_88, %add3A_189 : i32
      %run_scoped3A = arith.constant 2 : i32
      "tpu.region"() ({
        %run_scoped3A_191 = tpu.sem_alloc : memref<!tpu.dma_semaphore, #tpu.memory_space<semaphore_mem>>
        %dma_start3A = tpu.memref_slice %arg2[%run_scoped3A, %add3A_190] : memref<3x320000xi32, #tpu.memory_space<hbm>> -> memref<1x2000xi32, #tpu.memory_space<hbm>>
        %dma_start3A_192 = tpu.memref_squeeze %dma_start3A : memref<1x2000xi32, #tpu.memory_space<hbm>> -> memref<2000xi32, #tpu.memory_space<hbm>>
        %dma_start3A_193 = tpu.memref_slice %arg2[%run_scoped3A, %add3A_190] : memref<3x320000xi32, #tpu.memory_space<hbm>> -> memref<1x2000xi32, #tpu.memory_space<hbm>>
        %dma_start3A_194 = tpu.memref_squeeze %dma_start3A_193 : memref<1x2000xi32, #tpu.memory_space<hbm>> -> memref<2000xi32, #tpu.memory_space<hbm>>
        tpu.enqueue_dma source(%dma_start3A_194 : memref<2000xi32, #tpu.memory_space<hbm>>) target(%arg12 : memref<2000xi32, #tpu.memory_space<vmem>>) target_semaphore(%run_scoped3A_191 : memref<!tpu.dma_semaphore, #tpu.memory_space<semaphore_mem>>)
        %dma_wait3A = tpu.memref_slice %arg2[%run_scoped3A, %add3A_190] : memref<3x320000xi32, #tpu.memory_space<hbm>> -> memref<1x2000xi32, #tpu.memory_space<hbm>>
        %dma_wait3A_195 = tpu.memref_squeeze %dma_wait3A : memref<1x2000xi32, #tpu.memory_space<hbm>> -> memref<2000xi32, #tpu.memory_space<hbm>>
        %dma_wait3A_196 = tpu.memref_slice %arg2[%run_scoped3A, %add3A_190] : memref<3x320000xi32, #tpu.memory_space<hbm>> -> memref<1x2000xi32, #tpu.memory_space<hbm>>
        %dma_wait3A_197 = tpu.memref_squeeze %dma_wait3A_196 : memref<1x2000xi32, #tpu.memory_space<hbm>> -> memref<2000xi32, #tpu.memory_space<hbm>>
        tpu.wait_dma2 semaphore(%run_scoped3A_191 : memref<!tpu.dma_semaphore, #tpu.memory_space<semaphore_mem>>) src(%dma_wait3A_197 : memref<2000xi32, #tpu.memory_space<hbm>>) dst(%arg12 : memref<2000xi32, #tpu.memory_space<vmem>>)
        tpu.yield
      }) : () -> ()
      "tpu.region"() ({
        %run_scoped3A_191 = tpu.sem_alloc : memref<!tpu.dma_semaphore, #tpu.memory_space<semaphore_mem>>
        %dma_start3A = arith.constant 0 : i32
        %dma_start3A_192 = tpu.memref_slice %arg10[%dma_start3A] : memref<10000xf32, #tpu.memory_space<vmem_shared>> -> memref<10000xf32, #tpu.memory_space<vmem_shared>>
        tpu.enqueue_indirect_dma source(%arg11 : memref<2000xf32, #tpu.memory_space<vmem>>) target(%dma_start3A_192 : memref<10000xf32, #tpu.memory_space<vmem_shared>>) offsets(%arg12 : memref<2000xi32, #tpu.memory_space<vmem>>) semaphore(%run_scoped3A_191 : memref<!tpu.dma_semaphore, #tpu.memory_space<semaphore_mem>>) {add = true}
        %dma_wait3A = arith.constant 0 : i32
        %dma_wait3A_193 = tpu.memref_slice %arg10[%dma_wait3A] : memref<10000xf32, #tpu.memory_space<vmem_shared>> -> memref<10000xf32, #tpu.memory_space<vmem_shared>>
        tpu.wait_indirect_dma semaphore(%run_scoped3A_191 : memref<!tpu.dma_semaphore, #tpu.memory_space<semaphore_mem>>) src(%arg11 : memref<2000xf32, #tpu.memory_space<vmem>>) dst(%dma_wait3A_193 : memref<10000xf32, #tpu.memory_space<vmem_shared>>)
        tpu.yield
      }) : () -> ()
    }
    %scan3A_103 = arith.constant 5 : i32
    %barrier3A_104 = arith.constant 0 : index
    tpu.barrier barrier_id(%barrier3A_104)
    %eq3A_105 = arith.constant 0 : i32
    %eq3A_106 = arith.cmpi eq, %arg1, %eq3A_105 : i32
    %convert_element_type3A_107 = arith.extui %eq3A_106 : i1 to i32
    %cond3A_108 = arith.constant 0 : i32
    %cond3A_109 = arith.cmpi ne, %convert_element_type3A_107, %cond3A_108 : i32
    scf.if %cond3A_109 {
      %run_scoped3A = arith.constant 0 : i32
      "tpu.region"() ({
        %run_scoped3A_187 = tpu.sem_alloc : memref<!tpu.dma_semaphore, #tpu.memory_space<semaphore_mem>>
        %dma_start3A = arith.constant 0 : i32
        %dma_start3A_188 = tpu.memref_slice %arg6[%arg0, %run_scoped3A, %dma_start3A] : memref<2x3x10000xf32, #tpu.memory_space<hbm>> -> memref<1x1x632xf32, #tpu.memory_space<hbm>>
        %dma_start3A_189 = tpu.memref_squeeze %dma_start3A_188 : memref<1x1x632xf32, #tpu.memory_space<hbm>> -> memref<632xf32, #tpu.memory_space<hbm>>
        %dma_start3A_190 = arith.constant 0 : i32
        %dma_start3A_191 = tpu.memref_slice %arg8[%dma_start3A_190] : memref<10000xf32, #tpu.memory_space<vmem_shared>> -> memref<632xf32, #tpu.memory_space<vmem_shared>>
        tpu.enqueue_dma source(%dma_start3A_191 : memref<632xf32, #tpu.memory_space<vmem_shared>>) target(%dma_start3A_189 : memref<632xf32, #tpu.memory_space<hbm>>) target_semaphore(%run_scoped3A_187 : memref<!tpu.dma_semaphore, #tpu.memory_space<semaphore_mem>>)
        %dma_wait3A = arith.constant 0 : i32
        %dma_wait3A_192 = tpu.memref_slice %arg6[%arg0, %run_scoped3A, %dma_wait3A] : memref<2x3x10000xf32, #tpu.memory_space<hbm>> -> memref<1x1x632xf32, #tpu.memory_space<hbm>>
        %dma_wait3A_193 = tpu.memref_squeeze %dma_wait3A_192 : memref<1x1x632xf32, #tpu.memory_space<hbm>> -> memref<632xf32, #tpu.memory_space<hbm>>
        %dma_wait3A_194 = arith.constant 0 : i32
        %dma_wait3A_195 = tpu.memref_slice %arg8[%dma_wait3A_194] : memref<10000xf32, #tpu.memory_space<vmem_shared>> -> memref<632xf32, #tpu.memory_space<vmem_shared>>
        tpu.wait_dma2 semaphore(%run_scoped3A_187 : memref<!tpu.dma_semaphore, #tpu.memory_space<semaphore_mem>>) src(%dma_wait3A_195 : memref<632xf32, #tpu.memory_space<vmem_shared>>) dst(%dma_wait3A_193 : memref<632xf32, #tpu.memory_space<hbm>>)
        tpu.yield
      }) : () -> ()
      %run_scoped3A_185 = arith.constant 1 : i32
      "tpu.region"() ({
        %run_scoped3A_187 = tpu.sem_alloc : memref<!tpu.dma_semaphore, #tpu.memory_space<semaphore_mem>>
        %dma_start3A = arith.constant 0 : i32
        %dma_start3A_188 = tpu.memref_slice %arg6[%arg0, %run_scoped3A_185, %dma_start3A] : memref<2x3x10000xf32, #tpu.memory_space<hbm>> -> memref<1x1x632xf32, #tpu.memory_space<hbm>>
        %dma_start3A_189 = tpu.memref_squeeze %dma_start3A_188 : memref<1x1x632xf32, #tpu.memory_space<hbm>> -> memref<632xf32, #tpu.memory_space<hbm>>
        %dma_start3A_190 = arith.constant 0 : i32
        %dma_start3A_191 = tpu.memref_slice %arg9[%dma_start3A_190] : memref<10000xf32, #tpu.memory_space<vmem_shared>> -> memref<632xf32, #tpu.memory_space<vmem_shared>>
        tpu.enqueue_dma source(%dma_start3A_191 : memref<632xf32, #tpu.memory_space<vmem_shared>>) target(%dma_start3A_189 : memref<632xf32, #tpu.memory_space<hbm>>) target_semaphore(%run_scoped3A_187 : memref<!tpu.dma_semaphore, #tpu.memory_space<semaphore_mem>>)
        %dma_wait3A = arith.constant 0 : i32
        %dma_wait3A_192 = tpu.memref_slice %arg6[%arg0, %run_scoped3A_185, %dma_wait3A] : memref<2x3x10000xf32, #tpu.memory_space<hbm>> -> memref<1x1x632xf32, #tpu.memory_space<hbm>>
        %dma_wait3A_193 = tpu.memref_squeeze %dma_wait3A_192 : memref<1x1x632xf32, #tpu.memory_space<hbm>> -> memref<632xf32, #tpu.memory_space<hbm>>
        %dma_wait3A_194 = arith.constant 0 : i32
        %dma_wait3A_195 = tpu.memref_slice %arg9[%dma_wait3A_194] : memref<10000xf32, #tpu.memory_space<vmem_shared>> -> memref<632xf32, #tpu.memory_space<vmem_shared>>
        tpu.wait_dma2 semaphore(%run_scoped3A_187 : memref<!tpu.dma_semaphore, #tpu.memory_space<semaphore_mem>>) src(%dma_wait3A_195 : memref<632xf32, #tpu.memory_space<vmem_shared>>) dst(%dma_wait3A_193 : memref<632xf32, #tpu.memory_space<hbm>>)
        tpu.yield
      }) : () -> ()
      %run_scoped3A_186 = arith.constant 2 : i32
      "tpu.region"() ({
        %run_scoped3A_187 = tpu.sem_alloc : memref<!tpu.dma_semaphore, #tpu.memory_space<semaphore_mem>>
        %dma_start3A = arith.constant 0 : i32
        %dma_start3A_188 = tpu.memref_slice %arg6[%arg0, %run_scoped3A_186, %dma_start3A] : memref<2x3x10000xf32, #tpu.memory_space<hbm>> -> memref<1x1x632xf32, #tpu.memory_space<hbm>>
        %dma_start3A_189 = tpu.memref_squeeze %dma_start3A_188 : memref<1x1x632xf32, #tpu.memory_space<hbm>> -> memref<632xf32, #tpu.memory_space<hbm>>
        %dma_start3A_190 = arith.constant 0 : i32
        %dma_start3A_191 = tpu.memref_slice %arg10[%dma_start3A_190] : memref<10000xf32, #tpu.memory_space<vmem_shared>> -> memref<632xf32, #tpu.memory_space<vmem_shared>>
        tpu.enqueue_dma source(%dma_start3A_191 : memref<632xf32, #tpu.memory_space<vmem_shared>>) target(%dma_start3A_189 : memref<632xf32, #tpu.memory_space<hbm>>) target_semaphore(%run_scoped3A_187 : memref<!tpu.dma_semaphore, #tpu.memory_space<semaphore_mem>>)
        %dma_wait3A = arith.constant 0 : i32
        %dma_wait3A_192 = tpu.memref_slice %arg6[%arg0, %run_scoped3A_186, %dma_wait3A] : memref<2x3x10000xf32, #tpu.memory_space<hbm>> -> memref<1x1x632xf32, #tpu.memory_space<hbm>>
        %dma_wait3A_193 = tpu.memref_squeeze %dma_wait3A_192 : memref<1x1x632xf32, #tpu.memory_space<hbm>> -> memref<632xf32, #tpu.memory_space<hbm>>
        %dma_wait3A_194 = arith.constant 0 : i32
        %dma_wait3A_195 = tpu.memref_slice %arg10[%dma_wait3A_194] : memref<10000xf32, #tpu.memory_space<vmem_shared>> -> memref<632xf32, #tpu.memory_space<vmem_shared>>
        tpu.wait_dma2 semaphore(%run_scoped3A_187 : memref<!tpu.dma_semaphore, #tpu.memory_space<semaphore_mem>>) src(%dma_wait3A_195 : memref<632xf32, #tpu.memory_space<vmem_shared>>) dst(%dma_wait3A_193 : memref<632xf32, #tpu.memory_space<hbm>>)
        tpu.yield
      }) : () -> ()
    } else {
    }
    %eq3A_110 = arith.constant 1 : i32
    %eq3A_111 = arith.cmpi eq, %arg1, %eq3A_110 : i32
    %convert_element_type3A_112 = arith.extui %eq3A_111 : i1 to i32
    %cond3A_113 = arith.constant 0 : i32
    %cond3A_114 = arith.cmpi ne, %convert_element_type3A_112, %cond3A_113 : i32
    scf.if %cond3A_114 {
      %run_scoped3A = arith.constant 0 : i32
      "tpu.region"() ({
        %run_scoped3A_187 = tpu.sem_alloc : memref<!tpu.dma_semaphore, #tpu.memory_space<semaphore_mem>>
        %dma_start3A = arith.constant 632 : i32
        %dma_start3A_188 = tpu.memref_slice %arg6[%arg0, %run_scoped3A, %dma_start3A] : memref<2x3x10000xf32, #tpu.memory_space<hbm>> -> memref<1x1x632xf32, #tpu.memory_space<hbm>>
        %dma_start3A_189 = tpu.memref_squeeze %dma_start3A_188 : memref<1x1x632xf32, #tpu.memory_space<hbm>> -> memref<632xf32, #tpu.memory_space<hbm>>
        %dma_start3A_190 = arith.constant 632 : i32
        %dma_start3A_191 = tpu.memref_slice %arg8[%dma_start3A_190] : memref<10000xf32, #tpu.memory_space<vmem_shared>> -> memref<632xf32, #tpu.memory_space<vmem_shared>>
        tpu.enqueue_dma source(%dma_start3A_191 : memref<632xf32, #tpu.memory_space<vmem_shared>>) target(%dma_start3A_189 : memref<632xf32, #tpu.memory_space<hbm>>) target_semaphore(%run_scoped3A_187 : memref<!tpu.dma_semaphore, #tpu.memory_space<semaphore_mem>>)
        %dma_wait3A = arith.constant 632 : i32
        %dma_wait3A_192 = tpu.memref_slice %arg6[%arg0, %run_scoped3A, %dma_wait3A] : memref<2x3x10000xf32, #tpu.memory_space<hbm>> -> memref<1x1x632xf32, #tpu.memory_space<hbm>>
        %dma_wait3A_193 = tpu.memref_squeeze %dma_wait3A_192 : memref<1x1x632xf32, #tpu.memory_space<hbm>> -> memref<632xf32, #tpu.memory_space<hbm>>
        %dma_wait3A_194 = arith.constant 632 : i32
        %dma_wait3A_195 = tpu.memref_slice %arg8[%dma_wait3A_194] : memref<10000xf32, #tpu.memory_space<vmem_shared>> -> memref<632xf32, #tpu.memory_space<vmem_shared>>
        tpu.wait_dma2 semaphore(%run_scoped3A_187 : memref<!tpu.dma_semaphore, #tpu.memory_space<semaphore_mem>>) src(%dma_wait3A_195 : memref<632xf32, #tpu.memory_space<vmem_shared>>) dst(%dma_wait3A_193 : memref<632xf32, #tpu.memory_space<hbm>>)
        tpu.yield
      }) : () -> ()
      %run_scoped3A_185 = arith.constant 1 : i32
      "tpu.region"() ({
        %run_scoped3A_187 = tpu.sem_alloc : memref<!tpu.dma_semaphore, #tpu.memory_space<semaphore_mem>>
        %dma_start3A = arith.constant 632 : i32
        %dma_start3A_188 = tpu.memref_slice %arg6[%arg0, %run_scoped3A_185, %dma_start3A] : memref<2x3x10000xf32, #tpu.memory_space<hbm>> -> memref<1x1x632xf32, #tpu.memory_space<hbm>>
        %dma_start3A_189 = tpu.memref_squeeze %dma_start3A_188 : memref<1x1x632xf32, #tpu.memory_space<hbm>> -> memref<632xf32, #tpu.memory_space<hbm>>
        %dma_start3A_190 = arith.constant 632 : i32
        %dma_start3A_191 = tpu.memref_slice %arg9[%dma_start3A_190] : memref<10000xf32, #tpu.memory_space<vmem_shared>> -> memref<632xf32, #tpu.memory_space<vmem_shared>>
        tpu.enqueue_dma source(%dma_start3A_191 : memref<632xf32, #tpu.memory_space<vmem_shared>>) target(%dma_start3A_189 : memref<632xf32, #tpu.memory_space<hbm>>) target_semaphore(%run_scoped3A_187 : memref<!tpu.dma_semaphore, #tpu.memory_space<semaphore_mem>>)
        %dma_wait3A = arith.constant 632 : i32
        %dma_wait3A_192 = tpu.memref_slice %arg6[%arg0, %run_scoped3A_185, %dma_wait3A] : memref<2x3x10000xf32, #tpu.memory_space<hbm>> -> memref<1x1x632xf32, #tpu.memory_space<hbm>>
        %dma_wait3A_193 = tpu.memref_squeeze %dma_wait3A_192 : memref<1x1x632xf32, #tpu.memory_space<hbm>> -> memref<632xf32, #tpu.memory_space<hbm>>
        %dma_wait3A_194 = arith.constant 632 : i32
        %dma_wait3A_195 = tpu.memref_slice %arg9[%dma_wait3A_194] : memref<10000xf32, #tpu.memory_space<vmem_shared>> -> memref<632xf32, #tpu.memory_space<vmem_shared>>
        tpu.wait_dma2 semaphore(%run_scoped3A_187 : memref<!tpu.dma_semaphore, #tpu.memory_space<semaphore_mem>>) src(%dma_wait3A_195 : memref<632xf32, #tpu.memory_space<vmem_shared>>) dst(%dma_wait3A_193 : memref<632xf32, #tpu.memory_space<hbm>>)
        tpu.yield
      }) : () -> ()
      %run_scoped3A_186 = arith.constant 2 : i32
      "tpu.region"() ({
        %run_scoped3A_187 = tpu.sem_alloc : memref<!tpu.dma_semaphore, #tpu.memory_space<semaphore_mem>>
        %dma_start3A = arith.constant 632 : i32
        %dma_start3A_188 = tpu.memref_slice %arg6[%arg0, %run_scoped3A_186, %dma_start3A] : memref<2x3x10000xf32, #tpu.memory_space<hbm>> -> memref<1x1x632xf32, #tpu.memory_space<hbm>>
        %dma_start3A_189 = tpu.memref_squeeze %dma_start3A_188 : memref<1x1x632xf32, #tpu.memory_space<hbm>> -> memref<632xf32, #tpu.memory_space<hbm>>
        %dma_start3A_190 = arith.constant 632 : i32
        %dma_start3A_191 = tpu.memref_slice %arg10[%dma_start3A_190] : memref<10000xf32, #tpu.memory_space<vmem_shared>> -> memref<632xf32, #tpu.memory_space<vmem_shared>>
        tpu.enqueue_dma source(%dma_start3A_191 : memref<632xf32, #tpu.memory_space<vmem_shared>>) target(%dma_start3A_189 : memref<632xf32, #tpu.memory_space<hbm>>) target_semaphore(%run_scoped3A_187 : memref<!tpu.dma_semaphore, #tpu.memory_space<semaphore_mem>>)
        %dma_wait3A = arith.constant 632 : i32
        %dma_wait3A_192 = tpu.memref_slice %arg6[%arg0, %run_scoped3A_186, %dma_wait3A] : memref<2x3x10000xf32, #tpu.memory_space<hbm>> -> memref<1x1x632xf32, #tpu.memory_space<hbm>>
        %dma_wait3A_193 = tpu.memref_squeeze %dma_wait3A_192 : memref<1x1x632xf32, #tpu.memory_space<hbm>> -> memref<632xf32, #tpu.memory_space<hbm>>
        %dma_wait3A_194 = arith.constant 632 : i32
        %dma_wait3A_195 = tpu.memref_slice %arg10[%dma_wait3A_194] : memref<10000xf32, #tpu.memory_space<vmem_shared>> -> memref<632xf32, #tpu.memory_space<vmem_shared>>
        tpu.wait_dma2 semaphore(%run_scoped3A_187 : memref<!tpu.dma_semaphore, #tpu.memory_space<semaphore_mem>>) src(%dma_wait3A_195 : memref<632xf32, #tpu.memory_space<vmem_shared>>) dst(%dma_wait3A_193 : memref<632xf32, #tpu.memory_space<hbm>>)
        tpu.yield
      }) : () -> ()
    } else {
    }
    %eq3A_115 = arith.constant 2 : i32
    %eq3A_116 = arith.cmpi eq, %arg1, %eq3A_115 : i32
    %convert_element_type3A_117 = arith.extui %eq3A_116 : i1 to i32
    %cond3A_118 = arith.constant 0 : i32
    %cond3A_119 = arith.cmpi ne, %convert_element_type3A_117, %cond3A_118 : i32
    scf.if %cond3A_119 {
      %run_scoped3A = arith.constant 0 : i32
      "tpu.region"() ({
        %run_scoped3A_187 = tpu.sem_alloc : memref<!tpu.dma_semaphore, #tpu.memory_space<semaphore_mem>>
        %dma_start3A = arith.constant 1264 : i32
        %dma_start3A_188 = tpu.memref_slice %arg6[%arg0, %run_scoped3A, %dma_start3A] : memref<2x3x10000xf32, #tpu.memory_space<hbm>> -> memref<1x1x632xf32, #tpu.memory_space<hbm>>
        %dma_start3A_189 = tpu.memref_squeeze %dma_start3A_188 : memref<1x1x632xf32, #tpu.memory_space<hbm>> -> memref<632xf32, #tpu.memory_space<hbm>>
        %dma_start3A_190 = arith.constant 1264 : i32
        %dma_start3A_191 = tpu.memref_slice %arg8[%dma_start3A_190] : memref<10000xf32, #tpu.memory_space<vmem_shared>> -> memref<632xf32, #tpu.memory_space<vmem_shared>>
        tpu.enqueue_dma source(%dma_start3A_191 : memref<632xf32, #tpu.memory_space<vmem_shared>>) target(%dma_start3A_189 : memref<632xf32, #tpu.memory_space<hbm>>) target_semaphore(%run_scoped3A_187 : memref<!tpu.dma_semaphore, #tpu.memory_space<semaphore_mem>>)
        %dma_wait3A = arith.constant 1264 : i32
        %dma_wait3A_192 = tpu.memref_slice %arg6[%arg0, %run_scoped3A, %dma_wait3A] : memref<2x3x10000xf32, #tpu.memory_space<hbm>> -> memref<1x1x632xf32, #tpu.memory_space<hbm>>
        %dma_wait3A_193 = tpu.memref_squeeze %dma_wait3A_192 : memref<1x1x632xf32, #tpu.memory_space<hbm>> -> memref<632xf32, #tpu.memory_space<hbm>>
        %dma_wait3A_194 = arith.constant 1264 : i32
        %dma_wait3A_195 = tpu.memref_slice %arg8[%dma_wait3A_194] : memref<10000xf32, #tpu.memory_space<vmem_shared>> -> memref<632xf32, #tpu.memory_space<vmem_shared>>
        tpu.wait_dma2 semaphore(%run_scoped3A_187 : memref<!tpu.dma_semaphore, #tpu.memory_space<semaphore_mem>>) src(%dma_wait3A_195 : memref<632xf32, #tpu.memory_space<vmem_shared>>) dst(%dma_wait3A_193 : memref<632xf32, #tpu.memory_space<hbm>>)
        tpu.yield
      }) : () -> ()
      %run_scoped3A_185 = arith.constant 1 : i32
      "tpu.region"() ({
        %run_scoped3A_187 = tpu.sem_alloc : memref<!tpu.dma_semaphore, #tpu.memory_space<semaphore_mem>>
        %dma_start3A = arith.constant 1264 : i32
        %dma_start3A_188 = tpu.memref_slice %arg6[%arg0, %run_scoped3A_185, %dma_start3A] : memref<2x3x10000xf32, #tpu.memory_space<hbm>> -> memref<1x1x632xf32, #tpu.memory_space<hbm>>
        %dma_start3A_189 = tpu.memref_squeeze %dma_start3A_188 : memref<1x1x632xf32, #tpu.memory_space<hbm>> -> memref<632xf32, #tpu.memory_space<hbm>>
        %dma_start3A_190 = arith.constant 1264 : i32
        %dma_start3A_191 = tpu.memref_slice %arg9[%dma_start3A_190] : memref<10000xf32, #tpu.memory_space<vmem_shared>> -> memref<632xf32, #tpu.memory_space<vmem_shared>>
        tpu.enqueue_dma source(%dma_start3A_191 : memref<632xf32, #tpu.memory_space<vmem_shared>>) target(%dma_start3A_189 : memref<632xf32, #tpu.memory_space<hbm>>) target_semaphore(%run_scoped3A_187 : memref<!tpu.dma_semaphore, #tpu.memory_space<semaphore_mem>>)
        %dma_wait3A = arith.constant 1264 : i32
        %dma_wait3A_192 = tpu.memref_slice %arg6[%arg0, %run_scoped3A_185, %dma_wait3A] : memref<2x3x10000xf32, #tpu.memory_space<hbm>> -> memref<1x1x632xf32, #tpu.memory_space<hbm>>
        %dma_wait3A_193 = tpu.memref_squeeze %dma_wait3A_192 : memref<1x1x632xf32, #tpu.memory_space<hbm>> -> memref<632xf32, #tpu.memory_space<hbm>>
        %dma_wait3A_194 = arith.constant 1264 : i32
        %dma_wait3A_195 = tpu.memref_slice %arg9[%dma_wait3A_194] : memref<10000xf32, #tpu.memory_space<vmem_shared>> -> memref<632xf32, #tpu.memory_space<vmem_shared>>
        tpu.wait_dma2 semaphore(%run_scoped3A_187 : memref<!tpu.dma_semaphore, #tpu.memory_space<semaphore_mem>>) src(%dma_wait3A_195 : memref<632xf32, #tpu.memory_space<vmem_shared>>) dst(%dma_wait3A_193 : memref<632xf32, #tpu.memory_space<hbm>>)
        tpu.yield
      }) : () -> ()
      %run_scoped3A_186 = arith.constant 2 : i32
      "tpu.region"() ({
        %run_scoped3A_187 = tpu.sem_alloc : memref<!tpu.dma_semaphore, #tpu.memory_space<semaphore_mem>>
        %dma_start3A = arith.constant 1264 : i32
        %dma_start3A_188 = tpu.memref_slice %arg6[%arg0, %run_scoped3A_186, %dma_start3A] : memref<2x3x10000xf32, #tpu.memory_space<hbm>> -> memref<1x1x632xf32, #tpu.memory_space<hbm>>
        %dma_start3A_189 = tpu.memref_squeeze %dma_start3A_188 : memref<1x1x632xf32, #tpu.memory_space<hbm>> -> memref<632xf32, #tpu.memory_space<hbm>>
        %dma_start3A_190 = arith.constant 1264 : i32
        %dma_start3A_191 = tpu.memref_slice %arg10[%dma_start3A_190] : memref<10000xf32, #tpu.memory_space<vmem_shared>> -> memref<632xf32, #tpu.memory_space<vmem_shared>>
        tpu.enqueue_dma source(%dma_start3A_191 : memref<632xf32, #tpu.memory_space<vmem_shared>>) target(%dma_start3A_189 : memref<632xf32, #tpu.memory_space<hbm>>) target_semaphore(%run_scoped3A_187 : memref<!tpu.dma_semaphore, #tpu.memory_space<semaphore_mem>>)
        %dma_wait3A = arith.constant 1264 : i32
        %dma_wait3A_192 = tpu.memref_slice %arg6[%arg0, %run_scoped3A_186, %dma_wait3A] : memref<2x3x10000xf32, #tpu.memory_space<hbm>> -> memref<1x1x632xf32, #tpu.memory_space<hbm>>
        %dma_wait3A_193 = tpu.memref_squeeze %dma_wait3A_192 : memref<1x1x632xf32, #tpu.memory_space<hbm>> -> memref<632xf32, #tpu.memory_space<hbm>>
        %dma_wait3A_194 = arith.constant 1264 : i32
        %dma_wait3A_195 = tpu.memref_slice %arg10[%dma_wait3A_194] : memref<10000xf32, #tpu.memory_space<vmem_shared>> -> memref<632xf32, #tpu.memory_space<vmem_shared>>
        tpu.wait_dma2 semaphore(%run_scoped3A_187 : memref<!tpu.dma_semaphore, #tpu.memory_space<semaphore_mem>>) src(%dma_wait3A_195 : memref<632xf32, #tpu.memory_space<vmem_shared>>) dst(%dma_wait3A_193 : memref<632xf32, #tpu.memory_space<hbm>>)
        tpu.yield
      }) : () -> ()
    } else {
    }
    %eq3A_120 = arith.constant 3 : i32
    %eq3A_121 = arith.cmpi eq, %arg1, %eq3A_120 : i32
    %convert_element_type3A_122 = arith.extui %eq3A_121 : i1 to i32
    %cond3A_123 = arith.constant 0 : i32
    %cond3A_124 = arith.cmpi ne, %convert_element_type3A_122, %cond3A_123 : i32
    scf.if %cond3A_124 {
      %run_scoped3A = arith.constant 0 : i32
      "tpu.region"() ({
        %run_scoped3A_187 = tpu.sem_alloc : memref<!tpu.dma_semaphore, #tpu.memory_space<semaphore_mem>>
        %dma_start3A = arith.constant 1896 : i32
        %dma_start3A_188 = tpu.memref_slice %arg6[%arg0, %run_scoped3A, %dma_start3A] : memref<2x3x10000xf32, #tpu.memory_space<hbm>> -> memref<1x1x632xf32, #tpu.memory_space<hbm>>
        %dma_start3A_189 = tpu.memref_squeeze %dma_start3A_188 : memref<1x1x632xf32, #tpu.memory_space<hbm>> -> memref<632xf32, #tpu.memory_space<hbm>>
        %dma_start3A_190 = arith.constant 1896 : i32
        %dma_start3A_191 = tpu.memref_slice %arg8[%dma_start3A_190] : memref<10000xf32, #tpu.memory_space<vmem_shared>> -> memref<632xf32, #tpu.memory_space<vmem_shared>>
        tpu.enqueue_dma source(%dma_start3A_191 : memref<632xf32, #tpu.memory_space<vmem_shared>>) target(%dma_start3A_189 : memref<632xf32, #tpu.memory_space<hbm>>) target_semaphore(%run_scoped3A_187 : memref<!tpu.dma_semaphore, #tpu.memory_space<semaphore_mem>>)
        %dma_wait3A = arith.constant 1896 : i32
        %dma_wait3A_192 = tpu.memref_slice %arg6[%arg0, %run_scoped3A, %dma_wait3A] : memref<2x3x10000xf32, #tpu.memory_space<hbm>> -> memref<1x1x632xf32, #tpu.memory_space<hbm>>
        %dma_wait3A_193 = tpu.memref_squeeze %dma_wait3A_192 : memref<1x1x632xf32, #tpu.memory_space<hbm>> -> memref<632xf32, #tpu.memory_space<hbm>>
        %dma_wait3A_194 = arith.constant 1896 : i32
        %dma_wait3A_195 = tpu.memref_slice %arg8[%dma_wait3A_194] : memref<10000xf32, #tpu.memory_space<vmem_shared>> -> memref<632xf32, #tpu.memory_space<vmem_shared>>
        tpu.wait_dma2 semaphore(%run_scoped3A_187 : memref<!tpu.dma_semaphore, #tpu.memory_space<semaphore_mem>>) src(%dma_wait3A_195 : memref<632xf32, #tpu.memory_space<vmem_shared>>) dst(%dma_wait3A_193 : memref<632xf32, #tpu.memory_space<hbm>>)
        tpu.yield
      }) : () -> ()
      %run_scoped3A_185 = arith.constant 1 : i32
      "tpu.region"() ({
        %run_scoped3A_187 = tpu.sem_alloc : memref<!tpu.dma_semaphore, #tpu.memory_space<semaphore_mem>>
        %dma_start3A = arith.constant 1896 : i32
        %dma_start3A_188 = tpu.memref_slice %arg6[%arg0, %run_scoped3A_185, %dma_start3A] : memref<2x3x10000xf32, #tpu.memory_space<hbm>> -> memref<1x1x632xf32, #tpu.memory_space<hbm>>
        %dma_start3A_189 = tpu.memref_squeeze %dma_start3A_188 : memref<1x1x632xf32, #tpu.memory_space<hbm>> -> memref<632xf32, #tpu.memory_space<hbm>>
        %dma_start3A_190 = arith.constant 1896 : i32
        %dma_start3A_191 = tpu.memref_slice %arg9[%dma_start3A_190] : memref<10000xf32, #tpu.memory_space<vmem_shared>> -> memref<632xf32, #tpu.memory_space<vmem_shared>>
        tpu.enqueue_dma source(%dma_start3A_191 : memref<632xf32, #tpu.memory_space<vmem_shared>>) target(%dma_start3A_189 : memref<632xf32, #tpu.memory_space<hbm>>) target_semaphore(%run_scoped3A_187 : memref<!tpu.dma_semaphore, #tpu.memory_space<semaphore_mem>>)
        %dma_wait3A = arith.constant 1896 : i32
        %dma_wait3A_192 = tpu.memref_slice %arg6[%arg0, %run_scoped3A_185, %dma_wait3A] : memref<2x3x10000xf32, #tpu.memory_space<hbm>> -> memref<1x1x632xf32, #tpu.memory_space<hbm>>
        %dma_wait3A_193 = tpu.memref_squeeze %dma_wait3A_192 : memref<1x1x632xf32, #tpu.memory_space<hbm>> -> memref<632xf32, #tpu.memory_space<hbm>>
        %dma_wait3A_194 = arith.constant 1896 : i32
        %dma_wait3A_195 = tpu.memref_slice %arg9[%dma_wait3A_194] : memref<10000xf32, #tpu.memory_space<vmem_shared>> -> memref<632xf32, #tpu.memory_space<vmem_shared>>
        tpu.wait_dma2 semaphore(%run_scoped3A_187 : memref<!tpu.dma_semaphore, #tpu.memory_space<semaphore_mem>>) src(%dma_wait3A_195 : memref<632xf32, #tpu.memory_space<vmem_shared>>) dst(%dma_wait3A_193 : memref<632xf32, #tpu.memory_space<hbm>>)
        tpu.yield
      }) : () -> ()
      %run_scoped3A_186 = arith.constant 2 : i32
      "tpu.region"() ({
        %run_scoped3A_187 = tpu.sem_alloc : memref<!tpu.dma_semaphore, #tpu.memory_space<semaphore_mem>>
        %dma_start3A = arith.constant 1896 : i32
        %dma_start3A_188 = tpu.memref_slice %arg6[%arg0, %run_scoped3A_186, %dma_start3A] : memref<2x3x10000xf32, #tpu.memory_space<hbm>> -> memref<1x1x632xf32, #tpu.memory_space<hbm>>
        %dma_start3A_189 = tpu.memref_squeeze %dma_start3A_188 : memref<1x1x632xf32, #tpu.memory_space<hbm>> -> memref<632xf32, #tpu.memory_space<hbm>>
        %dma_start3A_190 = arith.constant 1896 : i32
        %dma_start3A_191 = tpu.memref_slice %arg10[%dma_start3A_190] : memref<10000xf32, #tpu.memory_space<vmem_shared>> -> memref<632xf32, #tpu.memory_space<vmem_shared>>
        tpu.enqueue_dma source(%dma_start3A_191 : memref<632xf32, #tpu.memory_space<vmem_shared>>) target(%dma_start3A_189 : memref<632xf32, #tpu.memory_space<hbm>>) target_semaphore(%run_scoped3A_187 : memref<!tpu.dma_semaphore, #tpu.memory_space<semaphore_mem>>)
        %dma_wait3A = arith.constant 1896 : i32
        %dma_wait3A_192 = tpu.memref_slice %arg6[%arg0, %run_scoped3A_186, %dma_wait3A] : memref<2x3x10000xf32, #tpu.memory_space<hbm>> -> memref<1x1x632xf32, #tpu.memory_space<hbm>>
        %dma_wait3A_193 = tpu.memref_squeeze %dma_wait3A_192 : memref<1x1x632xf32, #tpu.memory_space<hbm>> -> memref<632xf32, #tpu.memory_space<hbm>>
        %dma_wait3A_194 = arith.constant 1896 : i32
        %dma_wait3A_195 = tpu.memref_slice %arg10[%dma_wait3A_194] : memref<10000xf32, #tpu.memory_space<vmem_shared>> -> memref<632xf32, #tpu.memory_space<vmem_shared>>
        tpu.wait_dma2 semaphore(%run_scoped3A_187 : memref<!tpu.dma_semaphore, #tpu.memory_space<semaphore_mem>>) src(%dma_wait3A_195 : memref<632xf32, #tpu.memory_space<vmem_shared>>) dst(%dma_wait3A_193 : memref<632xf32, #tpu.memory_space<hbm>>)
        tpu.yield
      }) : () -> ()
    } else {
    }
    %eq3A_125 = arith.constant 4 : i32
    %eq3A_126 = arith.cmpi eq, %arg1, %eq3A_125 : i32
    %convert_element_type3A_127 = arith.extui %eq3A_126 : i1 to i32
    %cond3A_128 = arith.constant 0 : i32
    %cond3A_129 = arith.cmpi ne, %convert_element_type3A_127, %cond3A_128 : i32
    scf.if %cond3A_129 {
      %run_scoped3A = arith.constant 0 : i32
      "tpu.region"() ({
        %run_scoped3A_187 = tpu.sem_alloc : memref<!tpu.dma_semaphore, #tpu.memory_space<semaphore_mem>>
        %dma_start3A = arith.constant 2528 : i32
        %dma_start3A_188 = tpu.memref_slice %arg6[%arg0, %run_scoped3A, %dma_start3A] : memref<2x3x10000xf32, #tpu.memory_space<hbm>> -> memref<1x1x632xf32, #tpu.memory_space<hbm>>
        %dma_start3A_189 = tpu.memref_squeeze %dma_start3A_188 : memref<1x1x632xf32, #tpu.memory_space<hbm>> -> memref<632xf32, #tpu.memory_space<hbm>>
        %dma_start3A_190 = arith.constant 2528 : i32
        %dma_start3A_191 = tpu.memref_slice %arg8[%dma_start3A_190] : memref<10000xf32, #tpu.memory_space<vmem_shared>> -> memref<632xf32, #tpu.memory_space<vmem_shared>>
        tpu.enqueue_dma source(%dma_start3A_191 : memref<632xf32, #tpu.memory_space<vmem_shared>>) target(%dma_start3A_189 : memref<632xf32, #tpu.memory_space<hbm>>) target_semaphore(%run_scoped3A_187 : memref<!tpu.dma_semaphore, #tpu.memory_space<semaphore_mem>>)
        %dma_wait3A = arith.constant 2528 : i32
        %dma_wait3A_192 = tpu.memref_slice %arg6[%arg0, %run_scoped3A, %dma_wait3A] : memref<2x3x10000xf32, #tpu.memory_space<hbm>> -> memref<1x1x632xf32, #tpu.memory_space<hbm>>
        %dma_wait3A_193 = tpu.memref_squeeze %dma_wait3A_192 : memref<1x1x632xf32, #tpu.memory_space<hbm>> -> memref<632xf32, #tpu.memory_space<hbm>>
        %dma_wait3A_194 = arith.constant 2528 : i32
        %dma_wait3A_195 = tpu.memref_slice %arg8[%dma_wait3A_194] : memref<10000xf32, #tpu.memory_space<vmem_shared>> -> memref<632xf32, #tpu.memory_space<vmem_shared>>
        tpu.wait_dma2 semaphore(%run_scoped3A_187 : memref<!tpu.dma_semaphore, #tpu.memory_space<semaphore_mem>>) src(%dma_wait3A_195 : memref<632xf32, #tpu.memory_space<vmem_shared>>) dst(%dma_wait3A_193 : memref<632xf32, #tpu.memory_space<hbm>>)
        tpu.yield
      }) : () -> ()
      %run_scoped3A_185 = arith.constant 1 : i32
      "tpu.region"() ({
        %run_scoped3A_187 = tpu.sem_alloc : memref<!tpu.dma_semaphore, #tpu.memory_space<semaphore_mem>>
        %dma_start3A = arith.constant 2528 : i32
        %dma_start3A_188 = tpu.memref_slice %arg6[%arg0, %run_scoped3A_185, %dma_start3A] : memref<2x3x10000xf32, #tpu.memory_space<hbm>> -> memref<1x1x632xf32, #tpu.memory_space<hbm>>
        %dma_start3A_189 = tpu.memref_squeeze %dma_start3A_188 : memref<1x1x632xf32, #tpu.memory_space<hbm>> -> memref<632xf32, #tpu.memory_space<hbm>>
        %dma_start3A_190 = arith.constant 2528 : i32
        %dma_start3A_191 = tpu.memref_slice %arg9[%dma_start3A_190] : memref<10000xf32, #tpu.memory_space<vmem_shared>> -> memref<632xf32, #tpu.memory_space<vmem_shared>>
        tpu.enqueue_dma source(%dma_start3A_191 : memref<632xf32, #tpu.memory_space<vmem_shared>>) target(%dma_start3A_189 : memref<632xf32, #tpu.memory_space<hbm>>) target_semaphore(%run_scoped3A_187 : memref<!tpu.dma_semaphore, #tpu.memory_space<semaphore_mem>>)
        %dma_wait3A = arith.constant 2528 : i32
        %dma_wait3A_192 = tpu.memref_slice %arg6[%arg0, %run_scoped3A_185, %dma_wait3A] : memref<2x3x10000xf32, #tpu.memory_space<hbm>> -> memref<1x1x632xf32, #tpu.memory_space<hbm>>
        %dma_wait3A_193 = tpu.memref_squeeze %dma_wait3A_192 : memref<1x1x632xf32, #tpu.memory_space<hbm>> -> memref<632xf32, #tpu.memory_space<hbm>>
        %dma_wait3A_194 = arith.constant 2528 : i32
        %dma_wait3A_195 = tpu.memref_slice %arg9[%dma_wait3A_194] : memref<10000xf32, #tpu.memory_space<vmem_shared>> -> memref<632xf32, #tpu.memory_space<vmem_shared>>
        tpu.wait_dma2 semaphore(%run_scoped3A_187 : memref<!tpu.dma_semaphore, #tpu.memory_space<semaphore_mem>>) src(%dma_wait3A_195 : memref<632xf32, #tpu.memory_space<vmem_shared>>) dst(%dma_wait3A_193 : memref<632xf32, #tpu.memory_space<hbm>>)
        tpu.yield
      }) : () -> ()
      %run_scoped3A_186 = arith.constant 2 : i32
      "tpu.region"() ({
        %run_scoped3A_187 = tpu.sem_alloc : memref<!tpu.dma_semaphore, #tpu.memory_space<semaphore_mem>>
        %dma_start3A = arith.constant 2528 : i32
        %dma_start3A_188 = tpu.memref_slice %arg6[%arg0, %run_scoped3A_186, %dma_start3A] : memref<2x3x10000xf32, #tpu.memory_space<hbm>> -> memref<1x1x632xf32, #tpu.memory_space<hbm>>
        %dma_start3A_189 = tpu.memref_squeeze %dma_start3A_188 : memref<1x1x632xf32, #tpu.memory_space<hbm>> -> memref<632xf32, #tpu.memory_space<hbm>>
        %dma_start3A_190 = arith.constant 2528 : i32
        %dma_start3A_191 = tpu.memref_slice %arg10[%dma_start3A_190] : memref<10000xf32, #tpu.memory_space<vmem_shared>> -> memref<632xf32, #tpu.memory_space<vmem_shared>>
        tpu.enqueue_dma source(%dma_start3A_191 : memref<632xf32, #tpu.memory_space<vmem_shared>>) target(%dma_start3A_189 : memref<632xf32, #tpu.memory_space<hbm>>) target_semaphore(%run_scoped3A_187 : memref<!tpu.dma_semaphore, #tpu.memory_space<semaphore_mem>>)
        %dma_wait3A = arith.constant 2528 : i32
        %dma_wait3A_192 = tpu.memref_slice %arg6[%arg0, %run_scoped3A_186, %dma_wait3A] : memref<2x3x10000xf32, #tpu.memory_space<hbm>> -> memref<1x1x632xf32, #tpu.memory_space<hbm>>
        %dma_wait3A_193 = tpu.memref_squeeze %dma_wait3A_192 : memref<1x1x632xf32, #tpu.memory_space<hbm>> -> memref<632xf32, #tpu.memory_space<hbm>>
        %dma_wait3A_194 = arith.constant 2528 : i32
        %dma_wait3A_195 = tpu.memref_slice %arg10[%dma_wait3A_194] : memref<10000xf32, #tpu.memory_space<vmem_shared>> -> memref<632xf32, #tpu.memory_space<vmem_shared>>
        tpu.wait_dma2 semaphore(%run_scoped3A_187 : memref<!tpu.dma_semaphore, #tpu.memory_space<semaphore_mem>>) src(%dma_wait3A_195 : memref<632xf32, #tpu.memory_space<vmem_shared>>) dst(%dma_wait3A_193 : memref<632xf32, #tpu.memory_space<hbm>>)
        tpu.yield
      }) : () -> ()
    } else {
    }
    %eq3A_130 = arith.constant 5 : i32
    %eq3A_131 = arith.cmpi eq, %arg1, %eq3A_130 : i32
    %convert_element_type3A_132 = arith.extui %eq3A_131 : i1 to i32
    %cond3A_133 = arith.constant 0 : i32
    %cond3A_134 = arith.cmpi ne, %convert_element_type3A_132, %cond3A_133 : i32
    scf.if %cond3A_134 {
      %run_scoped3A = arith.constant 0 : i32
      "tpu.region"() ({
        %run_scoped3A_187 = tpu.sem_alloc : memref<!tpu.dma_semaphore, #tpu.memory_space<semaphore_mem>>
        %dma_start3A = arith.constant 3160 : i32
        %dma_start3A_188 = tpu.memref_slice %arg6[%arg0, %run_scoped3A, %dma_start3A] : memref<2x3x10000xf32, #tpu.memory_space<hbm>> -> memref<1x1x632xf32, #tpu.memory_space<hbm>>
        %dma_start3A_189 = tpu.memref_squeeze %dma_start3A_188 : memref<1x1x632xf32, #tpu.memory_space<hbm>> -> memref<632xf32, #tpu.memory_space<hbm>>
        %dma_start3A_190 = arith.constant 3160 : i32
        %dma_start3A_191 = tpu.memref_slice %arg8[%dma_start3A_190] : memref<10000xf32, #tpu.memory_space<vmem_shared>> -> memref<632xf32, #tpu.memory_space<vmem_shared>>
        tpu.enqueue_dma source(%dma_start3A_191 : memref<632xf32, #tpu.memory_space<vmem_shared>>) target(%dma_start3A_189 : memref<632xf32, #tpu.memory_space<hbm>>) target_semaphore(%run_scoped3A_187 : memref<!tpu.dma_semaphore, #tpu.memory_space<semaphore_mem>>)
        %dma_wait3A = arith.constant 3160 : i32
        %dma_wait3A_192 = tpu.memref_slice %arg6[%arg0, %run_scoped3A, %dma_wait3A] : memref<2x3x10000xf32, #tpu.memory_space<hbm>> -> memref<1x1x632xf32, #tpu.memory_space<hbm>>
        %dma_wait3A_193 = tpu.memref_squeeze %dma_wait3A_192 : memref<1x1x632xf32, #tpu.memory_space<hbm>> -> memref<632xf32, #tpu.memory_space<hbm>>
        %dma_wait3A_194 = arith.constant 3160 : i32
        %dma_wait3A_195 = tpu.memref_slice %arg8[%dma_wait3A_194] : memref<10000xf32, #tpu.memory_space<vmem_shared>> -> memref<632xf32, #tpu.memory_space<vmem_shared>>
        tpu.wait_dma2 semaphore(%run_scoped3A_187 : memref<!tpu.dma_semaphore, #tpu.memory_space<semaphore_mem>>) src(%dma_wait3A_195 : memref<632xf32, #tpu.memory_space<vmem_shared>>) dst(%dma_wait3A_193 : memref<632xf32, #tpu.memory_space<hbm>>)
        tpu.yield
      }) : () -> ()
      %run_scoped3A_185 = arith.constant 1 : i32
      "tpu.region"() ({
        %run_scoped3A_187 = tpu.sem_alloc : memref<!tpu.dma_semaphore, #tpu.memory_space<semaphore_mem>>
        %dma_start3A = arith.constant 3160 : i32
        %dma_start3A_188 = tpu.memref_slice %arg6[%arg0, %run_scoped3A_185, %dma_start3A] : memref<2x3x10000xf32, #tpu.memory_space<hbm>> -> memref<1x1x632xf32, #tpu.memory_space<hbm>>
        %dma_start3A_189 = tpu.memref_squeeze %dma_start3A_188 : memref<1x1x632xf32, #tpu.memory_space<hbm>> -> memref<632xf32, #tpu.memory_space<hbm>>
        %dma_start3A_190 = arith.constant 3160 : i32
        %dma_start3A_191 = tpu.memref_slice %arg9[%dma_start3A_190] : memref<10000xf32, #tpu.memory_space<vmem_shared>> -> memref<632xf32, #tpu.memory_space<vmem_shared>>
        tpu.enqueue_dma source(%dma_start3A_191 : memref<632xf32, #tpu.memory_space<vmem_shared>>) target(%dma_start3A_189 : memref<632xf32, #tpu.memory_space<hbm>>) target_semaphore(%run_scoped3A_187 : memref<!tpu.dma_semaphore, #tpu.memory_space<semaphore_mem>>)
        %dma_wait3A = arith.constant 3160 : i32
        %dma_wait3A_192 = tpu.memref_slice %arg6[%arg0, %run_scoped3A_185, %dma_wait3A] : memref<2x3x10000xf32, #tpu.memory_space<hbm>> -> memref<1x1x632xf32, #tpu.memory_space<hbm>>
        %dma_wait3A_193 = tpu.memref_squeeze %dma_wait3A_192 : memref<1x1x632xf32, #tpu.memory_space<hbm>> -> memref<632xf32, #tpu.memory_space<hbm>>
        %dma_wait3A_194 = arith.constant 3160 : i32
        %dma_wait3A_195 = tpu.memref_slice %arg9[%dma_wait3A_194] : memref<10000xf32, #tpu.memory_space<vmem_shared>> -> memref<632xf32, #tpu.memory_space<vmem_shared>>
        tpu.wait_dma2 semaphore(%run_scoped3A_187 : memref<!tpu.dma_semaphore, #tpu.memory_space<semaphore_mem>>) src(%dma_wait3A_195 : memref<632xf32, #tpu.memory_space<vmem_shared>>) dst(%dma_wait3A_193 : memref<632xf32, #tpu.memory_space<hbm>>)
        tpu.yield
      }) : () -> ()
      %run_scoped3A_186 = arith.constant 2 : i32
      "tpu.region"() ({
        %run_scoped3A_187 = tpu.sem_alloc : memref<!tpu.dma_semaphore, #tpu.memory_space<semaphore_mem>>
        %dma_start3A = arith.constant 3160 : i32
        %dma_start3A_188 = tpu.memref_slice %arg6[%arg0, %run_scoped3A_186, %dma_start3A] : memref<2x3x10000xf32, #tpu.memory_space<hbm>> -> memref<1x1x632xf32, #tpu.memory_space<hbm>>
        %dma_start3A_189 = tpu.memref_squeeze %dma_start3A_188 : memref<1x1x632xf32, #tpu.memory_space<hbm>> -> memref<632xf32, #tpu.memory_space<hbm>>
        %dma_start3A_190 = arith.constant 3160 : i32
        %dma_start3A_191 = tpu.memref_slice %arg10[%dma_start3A_190] : memref<10000xf32, #tpu.memory_space<vmem_shared>> -> memref<632xf32, #tpu.memory_space<vmem_shared>>
        tpu.enqueue_dma source(%dma_start3A_191 : memref<632xf32, #tpu.memory_space<vmem_shared>>) target(%dma_start3A_189 : memref<632xf32, #tpu.memory_space<hbm>>) target_semaphore(%run_scoped3A_187 : memref<!tpu.dma_semaphore, #tpu.memory_space<semaphore_mem>>)
        %dma_wait3A = arith.constant 3160 : i32
        %dma_wait3A_192 = tpu.memref_slice %arg6[%arg0, %run_scoped3A_186, %dma_wait3A] : memref<2x3x10000xf32, #tpu.memory_space<hbm>> -> memref<1x1x632xf32, #tpu.memory_space<hbm>>
        %dma_wait3A_193 = tpu.memref_squeeze %dma_wait3A_192 : memref<1x1x632xf32, #tpu.memory_space<hbm>> -> memref<632xf32, #tpu.memory_space<hbm>>
        %dma_wait3A_194 = arith.constant 3160 : i32
        %dma_wait3A_195 = tpu.memref_slice %arg10[%dma_wait3A_194] : memref<10000xf32, #tpu.memory_space<vmem_shared>> -> memref<632xf32, #tpu.memory_space<vmem_shared>>
        tpu.wait_dma2 semaphore(%run_scoped3A_187 : memref<!tpu.dma_semaphore, #tpu.memory_space<semaphore_mem>>) src(%dma_wait3A_195 : memref<632xf32, #tpu.memory_space<vmem_shared>>) dst(%dma_wait3A_193 : memref<632xf32, #tpu.memory_space<hbm>>)
        tpu.yield
      }) : () -> ()
    } else {
    }
    %eq3A_135 = arith.constant 6 : i32
    %eq3A_136 = arith.cmpi eq, %arg1, %eq3A_135 : i32
    %convert_element_type3A_137 = arith.extui %eq3A_136 : i1 to i32
    %cond3A_138 = arith.constant 0 : i32
    %cond3A_139 = arith.cmpi ne, %convert_element_type3A_137, %cond3A_138 : i32
    scf.if %cond3A_139 {
      %run_scoped3A = arith.constant 0 : i32
      "tpu.region"() ({
        %run_scoped3A_187 = tpu.sem_alloc : memref<!tpu.dma_semaphore, #tpu.memory_space<semaphore_mem>>
        %dma_start3A = arith.constant 3792 : i32
        %dma_start3A_188 = tpu.memref_slice %arg6[%arg0, %run_scoped3A, %dma_start3A] : memref<2x3x10000xf32, #tpu.memory_space<hbm>> -> memref<1x1x632xf32, #tpu.memory_space<hbm>>
        %dma_start3A_189 = tpu.memref_squeeze %dma_start3A_188 : memref<1x1x632xf32, #tpu.memory_space<hbm>> -> memref<632xf32, #tpu.memory_space<hbm>>
        %dma_start3A_190 = arith.constant 3792 : i32
        %dma_start3A_191 = tpu.memref_slice %arg8[%dma_start3A_190] : memref<10000xf32, #tpu.memory_space<vmem_shared>> -> memref<632xf32, #tpu.memory_space<vmem_shared>>
        tpu.enqueue_dma source(%dma_start3A_191 : memref<632xf32, #tpu.memory_space<vmem_shared>>) target(%dma_start3A_189 : memref<632xf32, #tpu.memory_space<hbm>>) target_semaphore(%run_scoped3A_187 : memref<!tpu.dma_semaphore, #tpu.memory_space<semaphore_mem>>)
        %dma_wait3A = arith.constant 3792 : i32
        %dma_wait3A_192 = tpu.memref_slice %arg6[%arg0, %run_scoped3A, %dma_wait3A] : memref<2x3x10000xf32, #tpu.memory_space<hbm>> -> memref<1x1x632xf32, #tpu.memory_space<hbm>>
        %dma_wait3A_193 = tpu.memref_squeeze %dma_wait3A_192 : memref<1x1x632xf32, #tpu.memory_space<hbm>> -> memref<632xf32, #tpu.memory_space<hbm>>
        %dma_wait3A_194 = arith.constant 3792 : i32
        %dma_wait3A_195 = tpu.memref_slice %arg8[%dma_wait3A_194] : memref<10000xf32, #tpu.memory_space<vmem_shared>> -> memref<632xf32, #tpu.memory_space<vmem_shared>>
        tpu.wait_dma2 semaphore(%run_scoped3A_187 : memref<!tpu.dma_semaphore, #tpu.memory_space<semaphore_mem>>) src(%dma_wait3A_195 : memref<632xf32, #tpu.memory_space<vmem_shared>>) dst(%dma_wait3A_193 : memref<632xf32, #tpu.memory_space<hbm>>)
        tpu.yield
      }) : () -> ()
      %run_scoped3A_185 = arith.constant 1 : i32
      "tpu.region"() ({
        %run_scoped3A_187 = tpu.sem_alloc : memref<!tpu.dma_semaphore, #tpu.memory_space<semaphore_mem>>
        %dma_start3A = arith.constant 3792 : i32
        %dma_start3A_188 = tpu.memref_slice %arg6[%arg0, %run_scoped3A_185, %dma_start3A] : memref<2x3x10000xf32, #tpu.memory_space<hbm>> -> memref<1x1x632xf32, #tpu.memory_space<hbm>>
        %dma_start3A_189 = tpu.memref_squeeze %dma_start3A_188 : memref<1x1x632xf32, #tpu.memory_space<hbm>> -> memref<632xf32, #tpu.memory_space<hbm>>
        %dma_start3A_190 = arith.constant 3792 : i32
        %dma_start3A_191 = tpu.memref_slice %arg9[%dma_start3A_190] : memref<10000xf32, #tpu.memory_space<vmem_shared>> -> memref<632xf32, #tpu.memory_space<vmem_shared>>
        tpu.enqueue_dma source(%dma_start3A_191 : memref<632xf32, #tpu.memory_space<vmem_shared>>) target(%dma_start3A_189 : memref<632xf32, #tpu.memory_space<hbm>>) target_semaphore(%run_scoped3A_187 : memref<!tpu.dma_semaphore, #tpu.memory_space<semaphore_mem>>)
        %dma_wait3A = arith.constant 3792 : i32
        %dma_wait3A_192 = tpu.memref_slice %arg6[%arg0, %run_scoped3A_185, %dma_wait3A] : memref<2x3x10000xf32, #tpu.memory_space<hbm>> -> memref<1x1x632xf32, #tpu.memory_space<hbm>>
        %dma_wait3A_193 = tpu.memref_squeeze %dma_wait3A_192 : memref<1x1x632xf32, #tpu.memory_space<hbm>> -> memref<632xf32, #tpu.memory_space<hbm>>
        %dma_wait3A_194 = arith.constant 3792 : i32
        %dma_wait3A_195 = tpu.memref_slice %arg9[%dma_wait3A_194] : memref<10000xf32, #tpu.memory_space<vmem_shared>> -> memref<632xf32, #tpu.memory_space<vmem_shared>>
        tpu.wait_dma2 semaphore(%run_scoped3A_187 : memref<!tpu.dma_semaphore, #tpu.memory_space<semaphore_mem>>) src(%dma_wait3A_195 : memref<632xf32, #tpu.memory_space<vmem_shared>>) dst(%dma_wait3A_193 : memref<632xf32, #tpu.memory_space<hbm>>)
        tpu.yield
      }) : () -> ()
      %run_scoped3A_186 = arith.constant 2 : i32
      "tpu.region"() ({
        %run_scoped3A_187 = tpu.sem_alloc : memref<!tpu.dma_semaphore, #tpu.memory_space<semaphore_mem>>
        %dma_start3A = arith.constant 3792 : i32
        %dma_start3A_188 = tpu.memref_slice %arg6[%arg0, %run_scoped3A_186, %dma_start3A] : memref<2x3x10000xf32, #tpu.memory_space<hbm>> -> memref<1x1x632xf32, #tpu.memory_space<hbm>>
        %dma_start3A_189 = tpu.memref_squeeze %dma_start3A_188 : memref<1x1x632xf32, #tpu.memory_space<hbm>> -> memref<632xf32, #tpu.memory_space<hbm>>
        %dma_start3A_190 = arith.constant 3792 : i32
        %dma_start3A_191 = tpu.memref_slice %arg10[%dma_start3A_190] : memref<10000xf32, #tpu.memory_space<vmem_shared>> -> memref<632xf32, #tpu.memory_space<vmem_shared>>
        tpu.enqueue_dma source(%dma_start3A_191 : memref<632xf32, #tpu.memory_space<vmem_shared>>) target(%dma_start3A_189 : memref<632xf32, #tpu.memory_space<hbm>>) target_semaphore(%run_scoped3A_187 : memref<!tpu.dma_semaphore, #tpu.memory_space<semaphore_mem>>)
        %dma_wait3A = arith.constant 3792 : i32
        %dma_wait3A_192 = tpu.memref_slice %arg6[%arg0, %run_scoped3A_186, %dma_wait3A] : memref<2x3x10000xf32, #tpu.memory_space<hbm>> -> memref<1x1x632xf32, #tpu.memory_space<hbm>>
        %dma_wait3A_193 = tpu.memref_squeeze %dma_wait3A_192 : memref<1x1x632xf32, #tpu.memory_space<hbm>> -> memref<632xf32, #tpu.memory_space<hbm>>
        %dma_wait3A_194 = arith.constant 3792 : i32
        %dma_wait3A_195 = tpu.memref_slice %arg10[%dma_wait3A_194] : memref<10000xf32, #tpu.memory_space<vmem_shared>> -> memref<632xf32, #tpu.memory_space<vmem_shared>>
        tpu.wait_dma2 semaphore(%run_scoped3A_187 : memref<!tpu.dma_semaphore, #tpu.memory_space<semaphore_mem>>) src(%dma_wait3A_195 : memref<632xf32, #tpu.memory_space<vmem_shared>>) dst(%dma_wait3A_193 : memref<632xf32, #tpu.memory_space<hbm>>)
        tpu.yield
      }) : () -> ()
    } else {
    }
    %eq3A_140 = arith.constant 7 : i32
    %eq3A_141 = arith.cmpi eq, %arg1, %eq3A_140 : i32
    %convert_element_type3A_142 = arith.extui %eq3A_141 : i1 to i32
    %cond3A_143 = arith.constant 0 : i32
    %cond3A_144 = arith.cmpi ne, %convert_element_type3A_142, %cond3A_143 : i32
    scf.if %cond3A_144 {
      %run_scoped3A = arith.constant 0 : i32
      "tpu.region"() ({
        %run_scoped3A_187 = tpu.sem_alloc : memref<!tpu.dma_semaphore, #tpu.memory_space<semaphore_mem>>
        %dma_start3A = arith.constant 4424 : i32
        %dma_start3A_188 = tpu.memref_slice %arg6[%arg0, %run_scoped3A, %dma_start3A] : memref<2x3x10000xf32, #tpu.memory_space<hbm>> -> memref<1x1x632xf32, #tpu.memory_space<hbm>>
        %dma_start3A_189 = tpu.memref_squeeze %dma_start3A_188 : memref<1x1x632xf32, #tpu.memory_space<hbm>> -> memref<632xf32, #tpu.memory_space<hbm>>
        %dma_start3A_190 = arith.constant 4424 : i32
        %dma_start3A_191 = tpu.memref_slice %arg8[%dma_start3A_190] : memref<10000xf32, #tpu.memory_space<vmem_shared>> -> memref<632xf32, #tpu.memory_space<vmem_shared>>
        tpu.enqueue_dma source(%dma_start3A_191 : memref<632xf32, #tpu.memory_space<vmem_shared>>) target(%dma_start3A_189 : memref<632xf32, #tpu.memory_space<hbm>>) target_semaphore(%run_scoped3A_187 : memref<!tpu.dma_semaphore, #tpu.memory_space<semaphore_mem>>)
        %dma_wait3A = arith.constant 4424 : i32
        %dma_wait3A_192 = tpu.memref_slice %arg6[%arg0, %run_scoped3A, %dma_wait3A] : memref<2x3x10000xf32, #tpu.memory_space<hbm>> -> memref<1x1x632xf32, #tpu.memory_space<hbm>>
        %dma_wait3A_193 = tpu.memref_squeeze %dma_wait3A_192 : memref<1x1x632xf32, #tpu.memory_space<hbm>> -> memref<632xf32, #tpu.memory_space<hbm>>
        %dma_wait3A_194 = arith.constant 4424 : i32
        %dma_wait3A_195 = tpu.memref_slice %arg8[%dma_wait3A_194] : memref<10000xf32, #tpu.memory_space<vmem_shared>> -> memref<632xf32, #tpu.memory_space<vmem_shared>>
        tpu.wait_dma2 semaphore(%run_scoped3A_187 : memref<!tpu.dma_semaphore, #tpu.memory_space<semaphore_mem>>) src(%dma_wait3A_195 : memref<632xf32, #tpu.memory_space<vmem_shared>>) dst(%dma_wait3A_193 : memref<632xf32, #tpu.memory_space<hbm>>)
        tpu.yield
      }) : () -> ()
      %run_scoped3A_185 = arith.constant 1 : i32
      "tpu.region"() ({
        %run_scoped3A_187 = tpu.sem_alloc : memref<!tpu.dma_semaphore, #tpu.memory_space<semaphore_mem>>
        %dma_start3A = arith.constant 4424 : i32
        %dma_start3A_188 = tpu.memref_slice %arg6[%arg0, %run_scoped3A_185, %dma_start3A] : memref<2x3x10000xf32, #tpu.memory_space<hbm>> -> memref<1x1x632xf32, #tpu.memory_space<hbm>>
        %dma_start3A_189 = tpu.memref_squeeze %dma_start3A_188 : memref<1x1x632xf32, #tpu.memory_space<hbm>> -> memref<632xf32, #tpu.memory_space<hbm>>
        %dma_start3A_190 = arith.constant 4424 : i32
        %dma_start3A_191 = tpu.memref_slice %arg9[%dma_start3A_190] : memref<10000xf32, #tpu.memory_space<vmem_shared>> -> memref<632xf32, #tpu.memory_space<vmem_shared>>
        tpu.enqueue_dma source(%dma_start3A_191 : memref<632xf32, #tpu.memory_space<vmem_shared>>) target(%dma_start3A_189 : memref<632xf32, #tpu.memory_space<hbm>>) target_semaphore(%run_scoped3A_187 : memref<!tpu.dma_semaphore, #tpu.memory_space<semaphore_mem>>)
        %dma_wait3A = arith.constant 4424 : i32
        %dma_wait3A_192 = tpu.memref_slice %arg6[%arg0, %run_scoped3A_185, %dma_wait3A] : memref<2x3x10000xf32, #tpu.memory_space<hbm>> -> memref<1x1x632xf32, #tpu.memory_space<hbm>>
        %dma_wait3A_193 = tpu.memref_squeeze %dma_wait3A_192 : memref<1x1x632xf32, #tpu.memory_space<hbm>> -> memref<632xf32, #tpu.memory_space<hbm>>
        %dma_wait3A_194 = arith.constant 4424 : i32
        %dma_wait3A_195 = tpu.memref_slice %arg9[%dma_wait3A_194] : memref<10000xf32, #tpu.memory_space<vmem_shared>> -> memref<632xf32, #tpu.memory_space<vmem_shared>>
        tpu.wait_dma2 semaphore(%run_scoped3A_187 : memref<!tpu.dma_semaphore, #tpu.memory_space<semaphore_mem>>) src(%dma_wait3A_195 : memref<632xf32, #tpu.memory_space<vmem_shared>>) dst(%dma_wait3A_193 : memref<632xf32, #tpu.memory_space<hbm>>)
        tpu.yield
      }) : () -> ()
      %run_scoped3A_186 = arith.constant 2 : i32
      "tpu.region"() ({
        %run_scoped3A_187 = tpu.sem_alloc : memref<!tpu.dma_semaphore, #tpu.memory_space<semaphore_mem>>
        %dma_start3A = arith.constant 4424 : i32
        %dma_start3A_188 = tpu.memref_slice %arg6[%arg0, %run_scoped3A_186, %dma_start3A] : memref<2x3x10000xf32, #tpu.memory_space<hbm>> -> memref<1x1x632xf32, #tpu.memory_space<hbm>>
        %dma_start3A_189 = tpu.memref_squeeze %dma_start3A_188 : memref<1x1x632xf32, #tpu.memory_space<hbm>> -> memref<632xf32, #tpu.memory_space<hbm>>
        %dma_start3A_190 = arith.constant 4424 : i32
        %dma_start3A_191 = tpu.memref_slice %arg10[%dma_start3A_190] : memref<10000xf32, #tpu.memory_space<vmem_shared>> -> memref<632xf32, #tpu.memory_space<vmem_shared>>
        tpu.enqueue_dma source(%dma_start3A_191 : memref<632xf32, #tpu.memory_space<vmem_shared>>) target(%dma_start3A_189 : memref<632xf32, #tpu.memory_space<hbm>>) target_semaphore(%run_scoped3A_187 : memref<!tpu.dma_semaphore, #tpu.memory_space<semaphore_mem>>)
        %dma_wait3A = arith.constant 4424 : i32
        %dma_wait3A_192 = tpu.memref_slice %arg6[%arg0, %run_scoped3A_186, %dma_wait3A] : memref<2x3x10000xf32, #tpu.memory_space<hbm>> -> memref<1x1x632xf32, #tpu.memory_space<hbm>>
        %dma_wait3A_193 = tpu.memref_squeeze %dma_wait3A_192 : memref<1x1x632xf32, #tpu.memory_space<hbm>> -> memref<632xf32, #tpu.memory_space<hbm>>
        %dma_wait3A_194 = arith.constant 4424 : i32
        %dma_wait3A_195 = tpu.memref_slice %arg10[%dma_wait3A_194] : memref<10000xf32, #tpu.memory_space<vmem_shared>> -> memref<632xf32, #tpu.memory_space<vmem_shared>>
        tpu.wait_dma2 semaphore(%run_scoped3A_187 : memref<!tpu.dma_semaphore, #tpu.memory_space<semaphore_mem>>) src(%dma_wait3A_195 : memref<632xf32, #tpu.memory_space<vmem_shared>>) dst(%dma_wait3A_193 : memref<632xf32, #tpu.memory_space<hbm>>)
        tpu.yield
      }) : () -> ()
    } else {
    }
    %eq3A_145 = arith.constant 8 : i32
    %eq3A_146 = arith.cmpi eq, %arg1, %eq3A_145 : i32
    %convert_element_type3A_147 = arith.extui %eq3A_146 : i1 to i32
    %cond3A_148 = arith.constant 0 : i32
    %cond3A_149 = arith.cmpi ne, %convert_element_type3A_147, %cond3A_148 : i32
    scf.if %cond3A_149 {
      %run_scoped3A = arith.constant 0 : i32
      "tpu.region"() ({
        %run_scoped3A_187 = tpu.sem_alloc : memref<!tpu.dma_semaphore, #tpu.memory_space<semaphore_mem>>
        %dma_start3A = arith.constant 5056 : i32
        %dma_start3A_188 = tpu.memref_slice %arg6[%arg0, %run_scoped3A, %dma_start3A] : memref<2x3x10000xf32, #tpu.memory_space<hbm>> -> memref<1x1x632xf32, #tpu.memory_space<hbm>>
        %dma_start3A_189 = tpu.memref_squeeze %dma_start3A_188 : memref<1x1x632xf32, #tpu.memory_space<hbm>> -> memref<632xf32, #tpu.memory_space<hbm>>
        %dma_start3A_190 = arith.constant 5056 : i32
        %dma_start3A_191 = tpu.memref_slice %arg8[%dma_start3A_190] : memref<10000xf32, #tpu.memory_space<vmem_shared>> -> memref<632xf32, #tpu.memory_space<vmem_shared>>
        tpu.enqueue_dma source(%dma_start3A_191 : memref<632xf32, #tpu.memory_space<vmem_shared>>) target(%dma_start3A_189 : memref<632xf32, #tpu.memory_space<hbm>>) target_semaphore(%run_scoped3A_187 : memref<!tpu.dma_semaphore, #tpu.memory_space<semaphore_mem>>)
        %dma_wait3A = arith.constant 5056 : i32
        %dma_wait3A_192 = tpu.memref_slice %arg6[%arg0, %run_scoped3A, %dma_wait3A] : memref<2x3x10000xf32, #tpu.memory_space<hbm>> -> memref<1x1x632xf32, #tpu.memory_space<hbm>>
        %dma_wait3A_193 = tpu.memref_squeeze %dma_wait3A_192 : memref<1x1x632xf32, #tpu.memory_space<hbm>> -> memref<632xf32, #tpu.memory_space<hbm>>
        %dma_wait3A_194 = arith.constant 5056 : i32
        %dma_wait3A_195 = tpu.memref_slice %arg8[%dma_wait3A_194] : memref<10000xf32, #tpu.memory_space<vmem_shared>> -> memref<632xf32, #tpu.memory_space<vmem_shared>>
        tpu.wait_dma2 semaphore(%run_scoped3A_187 : memref<!tpu.dma_semaphore, #tpu.memory_space<semaphore_mem>>) src(%dma_wait3A_195 : memref<632xf32, #tpu.memory_space<vmem_shared>>) dst(%dma_wait3A_193 : memref<632xf32, #tpu.memory_space<hbm>>)
        tpu.yield
      }) : () -> ()
      %run_scoped3A_185 = arith.constant 1 : i32
      "tpu.region"() ({
        %run_scoped3A_187 = tpu.sem_alloc : memref<!tpu.dma_semaphore, #tpu.memory_space<semaphore_mem>>
        %dma_start3A = arith.constant 5056 : i32
        %dma_start3A_188 = tpu.memref_slice %arg6[%arg0, %run_scoped3A_185, %dma_start3A] : memref<2x3x10000xf32, #tpu.memory_space<hbm>> -> memref<1x1x632xf32, #tpu.memory_space<hbm>>
        %dma_start3A_189 = tpu.memref_squeeze %dma_start3A_188 : memref<1x1x632xf32, #tpu.memory_space<hbm>> -> memref<632xf32, #tpu.memory_space<hbm>>
        %dma_start3A_190 = arith.constant 5056 : i32
        %dma_start3A_191 = tpu.memref_slice %arg9[%dma_start3A_190] : memref<10000xf32, #tpu.memory_space<vmem_shared>> -> memref<632xf32, #tpu.memory_space<vmem_shared>>
        tpu.enqueue_dma source(%dma_start3A_191 : memref<632xf32, #tpu.memory_space<vmem_shared>>) target(%dma_start3A_189 : memref<632xf32, #tpu.memory_space<hbm>>) target_semaphore(%run_scoped3A_187 : memref<!tpu.dma_semaphore, #tpu.memory_space<semaphore_mem>>)
        %dma_wait3A = arith.constant 5056 : i32
        %dma_wait3A_192 = tpu.memref_slice %arg6[%arg0, %run_scoped3A_185, %dma_wait3A] : memref<2x3x10000xf32, #tpu.memory_space<hbm>> -> memref<1x1x632xf32, #tpu.memory_space<hbm>>
        %dma_wait3A_193 = tpu.memref_squeeze %dma_wait3A_192 : memref<1x1x632xf32, #tpu.memory_space<hbm>> -> memref<632xf32, #tpu.memory_space<hbm>>
        %dma_wait3A_194 = arith.constant 5056 : i32
        %dma_wait3A_195 = tpu.memref_slice %arg9[%dma_wait3A_194] : memref<10000xf32, #tpu.memory_space<vmem_shared>> -> memref<632xf32, #tpu.memory_space<vmem_shared>>
        tpu.wait_dma2 semaphore(%run_scoped3A_187 : memref<!tpu.dma_semaphore, #tpu.memory_space<semaphore_mem>>) src(%dma_wait3A_195 : memref<632xf32, #tpu.memory_space<vmem_shared>>) dst(%dma_wait3A_193 : memref<632xf32, #tpu.memory_space<hbm>>)
        tpu.yield
      }) : () -> ()
      %run_scoped3A_186 = arith.constant 2 : i32
      "tpu.region"() ({
        %run_scoped3A_187 = tpu.sem_alloc : memref<!tpu.dma_semaphore, #tpu.memory_space<semaphore_mem>>
        %dma_start3A = arith.constant 5056 : i32
        %dma_start3A_188 = tpu.memref_slice %arg6[%arg0, %run_scoped3A_186, %dma_start3A] : memref<2x3x10000xf32, #tpu.memory_space<hbm>> -> memref<1x1x632xf32, #tpu.memory_space<hbm>>
        %dma_start3A_189 = tpu.memref_squeeze %dma_start3A_188 : memref<1x1x632xf32, #tpu.memory_space<hbm>> -> memref<632xf32, #tpu.memory_space<hbm>>
        %dma_start3A_190 = arith.constant 5056 : i32
        %dma_start3A_191 = tpu.memref_slice %arg10[%dma_start3A_190] : memref<10000xf32, #tpu.memory_space<vmem_shared>> -> memref<632xf32, #tpu.memory_space<vmem_shared>>
        tpu.enqueue_dma source(%dma_start3A_191 : memref<632xf32, #tpu.memory_space<vmem_shared>>) target(%dma_start3A_189 : memref<632xf32, #tpu.memory_space<hbm>>) target_semaphore(%run_scoped3A_187 : memref<!tpu.dma_semaphore, #tpu.memory_space<semaphore_mem>>)
        %dma_wait3A = arith.constant 5056 : i32
        %dma_wait3A_192 = tpu.memref_slice %arg6[%arg0, %run_scoped3A_186, %dma_wait3A] : memref<2x3x10000xf32, #tpu.memory_space<hbm>> -> memref<1x1x632xf32, #tpu.memory_space<hbm>>
        %dma_wait3A_193 = tpu.memref_squeeze %dma_wait3A_192 : memref<1x1x632xf32, #tpu.memory_space<hbm>> -> memref<632xf32, #tpu.memory_space<hbm>>
        %dma_wait3A_194 = arith.constant 5056 : i32
        %dma_wait3A_195 = tpu.memref_slice %arg10[%dma_wait3A_194] : memref<10000xf32, #tpu.memory_space<vmem_shared>> -> memref<632xf32, #tpu.memory_space<vmem_shared>>
        tpu.wait_dma2 semaphore(%run_scoped3A_187 : memref<!tpu.dma_semaphore, #tpu.memory_space<semaphore_mem>>) src(%dma_wait3A_195 : memref<632xf32, #tpu.memory_space<vmem_shared>>) dst(%dma_wait3A_193 : memref<632xf32, #tpu.memory_space<hbm>>)
        tpu.yield
      }) : () -> ()
    } else {
    }
    %eq3A_150 = arith.constant 9 : i32
    %eq3A_151 = arith.cmpi eq, %arg1, %eq3A_150 : i32
    %convert_element_type3A_152 = arith.extui %eq3A_151 : i1 to i32
    %cond3A_153 = arith.constant 0 : i32
    %cond3A_154 = arith.cmpi ne, %convert_element_type3A_152, %cond3A_153 : i32
    scf.if %cond3A_154 {
      %run_scoped3A = arith.constant 0 : i32
      "tpu.region"() ({
        %run_scoped3A_187 = tpu.sem_alloc : memref<!tpu.dma_semaphore, #tpu.memory_space<semaphore_mem>>
        %dma_start3A = arith.constant 5688 : i32
        %dma_start3A_188 = tpu.memref_slice %arg6[%arg0, %run_scoped3A, %dma_start3A] : memref<2x3x10000xf32, #tpu.memory_space<hbm>> -> memref<1x1x632xf32, #tpu.memory_space<hbm>>
        %dma_start3A_189 = tpu.memref_squeeze %dma_start3A_188 : memref<1x1x632xf32, #tpu.memory_space<hbm>> -> memref<632xf32, #tpu.memory_space<hbm>>
        %dma_start3A_190 = arith.constant 5688 : i32
        %dma_start3A_191 = tpu.memref_slice %arg8[%dma_start3A_190] : memref<10000xf32, #tpu.memory_space<vmem_shared>> -> memref<632xf32, #tpu.memory_space<vmem_shared>>
        tpu.enqueue_dma source(%dma_start3A_191 : memref<632xf32, #tpu.memory_space<vmem_shared>>) target(%dma_start3A_189 : memref<632xf32, #tpu.memory_space<hbm>>) target_semaphore(%run_scoped3A_187 : memref<!tpu.dma_semaphore, #tpu.memory_space<semaphore_mem>>)
        %dma_wait3A = arith.constant 5688 : i32
        %dma_wait3A_192 = tpu.memref_slice %arg6[%arg0, %run_scoped3A, %dma_wait3A] : memref<2x3x10000xf32, #tpu.memory_space<hbm>> -> memref<1x1x632xf32, #tpu.memory_space<hbm>>
        %dma_wait3A_193 = tpu.memref_squeeze %dma_wait3A_192 : memref<1x1x632xf32, #tpu.memory_space<hbm>> -> memref<632xf32, #tpu.memory_space<hbm>>
        %dma_wait3A_194 = arith.constant 5688 : i32
        %dma_wait3A_195 = tpu.memref_slice %arg8[%dma_wait3A_194] : memref<10000xf32, #tpu.memory_space<vmem_shared>> -> memref<632xf32, #tpu.memory_space<vmem_shared>>
        tpu.wait_dma2 semaphore(%run_scoped3A_187 : memref<!tpu.dma_semaphore, #tpu.memory_space<semaphore_mem>>) src(%dma_wait3A_195 : memref<632xf32, #tpu.memory_space<vmem_shared>>) dst(%dma_wait3A_193 : memref<632xf32, #tpu.memory_space<hbm>>)
        tpu.yield
      }) : () -> ()
      %run_scoped3A_185 = arith.constant 1 : i32
      "tpu.region"() ({
        %run_scoped3A_187 = tpu.sem_alloc : memref<!tpu.dma_semaphore, #tpu.memory_space<semaphore_mem>>
        %dma_start3A = arith.constant 5688 : i32
        %dma_start3A_188 = tpu.memref_slice %arg6[%arg0, %run_scoped3A_185, %dma_start3A] : memref<2x3x10000xf32, #tpu.memory_space<hbm>> -> memref<1x1x632xf32, #tpu.memory_space<hbm>>
        %dma_start3A_189 = tpu.memref_squeeze %dma_start3A_188 : memref<1x1x632xf32, #tpu.memory_space<hbm>> -> memref<632xf32, #tpu.memory_space<hbm>>
        %dma_start3A_190 = arith.constant 5688 : i32
        %dma_start3A_191 = tpu.memref_slice %arg9[%dma_start3A_190] : memref<10000xf32, #tpu.memory_space<vmem_shared>> -> memref<632xf32, #tpu.memory_space<vmem_shared>>
        tpu.enqueue_dma source(%dma_start3A_191 : memref<632xf32, #tpu.memory_space<vmem_shared>>) target(%dma_start3A_189 : memref<632xf32, #tpu.memory_space<hbm>>) target_semaphore(%run_scoped3A_187 : memref<!tpu.dma_semaphore, #tpu.memory_space<semaphore_mem>>)
        %dma_wait3A = arith.constant 5688 : i32
        %dma_wait3A_192 = tpu.memref_slice %arg6[%arg0, %run_scoped3A_185, %dma_wait3A] : memref<2x3x10000xf32, #tpu.memory_space<hbm>> -> memref<1x1x632xf32, #tpu.memory_space<hbm>>
        %dma_wait3A_193 = tpu.memref_squeeze %dma_wait3A_192 : memref<1x1x632xf32, #tpu.memory_space<hbm>> -> memref<632xf32, #tpu.memory_space<hbm>>
        %dma_wait3A_194 = arith.constant 5688 : i32
        %dma_wait3A_195 = tpu.memref_slice %arg9[%dma_wait3A_194] : memref<10000xf32, #tpu.memory_space<vmem_shared>> -> memref<632xf32, #tpu.memory_space<vmem_shared>>
        tpu.wait_dma2 semaphore(%run_scoped3A_187 : memref<!tpu.dma_semaphore, #tpu.memory_space<semaphore_mem>>) src(%dma_wait3A_195 : memref<632xf32, #tpu.memory_space<vmem_shared>>) dst(%dma_wait3A_193 : memref<632xf32, #tpu.memory_space<hbm>>)
        tpu.yield
      }) : () -> ()
      %run_scoped3A_186 = arith.constant 2 : i32
      "tpu.region"() ({
        %run_scoped3A_187 = tpu.sem_alloc : memref<!tpu.dma_semaphore, #tpu.memory_space<semaphore_mem>>
        %dma_start3A = arith.constant 5688 : i32
        %dma_start3A_188 = tpu.memref_slice %arg6[%arg0, %run_scoped3A_186, %dma_start3A] : memref<2x3x10000xf32, #tpu.memory_space<hbm>> -> memref<1x1x632xf32, #tpu.memory_space<hbm>>
        %dma_start3A_189 = tpu.memref_squeeze %dma_start3A_188 : memref<1x1x632xf32, #tpu.memory_space<hbm>> -> memref<632xf32, #tpu.memory_space<hbm>>
        %dma_start3A_190 = arith.constant 5688 : i32
        %dma_start3A_191 = tpu.memref_slice %arg10[%dma_start3A_190] : memref<10000xf32, #tpu.memory_space<vmem_shared>> -> memref<632xf32, #tpu.memory_space<vmem_shared>>
        tpu.enqueue_dma source(%dma_start3A_191 : memref<632xf32, #tpu.memory_space<vmem_shared>>) target(%dma_start3A_189 : memref<632xf32, #tpu.memory_space<hbm>>) target_semaphore(%run_scoped3A_187 : memref<!tpu.dma_semaphore, #tpu.memory_space<semaphore_mem>>)
        %dma_wait3A = arith.constant 5688 : i32
        %dma_wait3A_192 = tpu.memref_slice %arg6[%arg0, %run_scoped3A_186, %dma_wait3A] : memref<2x3x10000xf32, #tpu.memory_space<hbm>> -> memref<1x1x632xf32, #tpu.memory_space<hbm>>
        %dma_wait3A_193 = tpu.memref_squeeze %dma_wait3A_192 : memref<1x1x632xf32, #tpu.memory_space<hbm>> -> memref<632xf32, #tpu.memory_space<hbm>>
        %dma_wait3A_194 = arith.constant 5688 : i32
        %dma_wait3A_195 = tpu.memref_slice %arg10[%dma_wait3A_194] : memref<10000xf32, #tpu.memory_space<vmem_shared>> -> memref<632xf32, #tpu.memory_space<vmem_shared>>
        tpu.wait_dma2 semaphore(%run_scoped3A_187 : memref<!tpu.dma_semaphore, #tpu.memory_space<semaphore_mem>>) src(%dma_wait3A_195 : memref<632xf32, #tpu.memory_space<vmem_shared>>) dst(%dma_wait3A_193 : memref<632xf32, #tpu.memory_space<hbm>>)
        tpu.yield
      }) : () -> ()
    } else {
    }
    %eq3A_155 = arith.constant 10 : i32
    %eq3A_156 = arith.cmpi eq, %arg1, %eq3A_155 : i32
    %convert_element_type3A_157 = arith.extui %eq3A_156 : i1 to i32
    %cond3A_158 = arith.constant 0 : i32
    %cond3A_159 = arith.cmpi ne, %convert_element_type3A_157, %cond3A_158 : i32
    scf.if %cond3A_159 {
      %run_scoped3A = arith.constant 0 : i32
      "tpu.region"() ({
        %run_scoped3A_187 = tpu.sem_alloc : memref<!tpu.dma_semaphore, #tpu.memory_space<semaphore_mem>>
        %dma_start3A = arith.constant 6320 : i32
        %dma_start3A_188 = tpu.memref_slice %arg6[%arg0, %run_scoped3A, %dma_start3A] : memref<2x3x10000xf32, #tpu.memory_space<hbm>> -> memref<1x1x632xf32, #tpu.memory_space<hbm>>
        %dma_start3A_189 = tpu.memref_squeeze %dma_start3A_188 : memref<1x1x632xf32, #tpu.memory_space<hbm>> -> memref<632xf32, #tpu.memory_space<hbm>>
        %dma_start3A_190 = arith.constant 6320 : i32
        %dma_start3A_191 = tpu.memref_slice %arg8[%dma_start3A_190] : memref<10000xf32, #tpu.memory_space<vmem_shared>> -> memref<632xf32, #tpu.memory_space<vmem_shared>>
        tpu.enqueue_dma source(%dma_start3A_191 : memref<632xf32, #tpu.memory_space<vmem_shared>>) target(%dma_start3A_189 : memref<632xf32, #tpu.memory_space<hbm>>) target_semaphore(%run_scoped3A_187 : memref<!tpu.dma_semaphore, #tpu.memory_space<semaphore_mem>>)
        %dma_wait3A = arith.constant 6320 : i32
        %dma_wait3A_192 = tpu.memref_slice %arg6[%arg0, %run_scoped3A, %dma_wait3A] : memref<2x3x10000xf32, #tpu.memory_space<hbm>> -> memref<1x1x632xf32, #tpu.memory_space<hbm>>
        %dma_wait3A_193 = tpu.memref_squeeze %dma_wait3A_192 : memref<1x1x632xf32, #tpu.memory_space<hbm>> -> memref<632xf32, #tpu.memory_space<hbm>>
        %dma_wait3A_194 = arith.constant 6320 : i32
        %dma_wait3A_195 = tpu.memref_slice %arg8[%dma_wait3A_194] : memref<10000xf32, #tpu.memory_space<vmem_shared>> -> memref<632xf32, #tpu.memory_space<vmem_shared>>
        tpu.wait_dma2 semaphore(%run_scoped3A_187 : memref<!tpu.dma_semaphore, #tpu.memory_space<semaphore_mem>>) src(%dma_wait3A_195 : memref<632xf32, #tpu.memory_space<vmem_shared>>) dst(%dma_wait3A_193 : memref<632xf32, #tpu.memory_space<hbm>>)
        tpu.yield
      }) : () -> ()
      %run_scoped3A_185 = arith.constant 1 : i32
      "tpu.region"() ({
        %run_scoped3A_187 = tpu.sem_alloc : memref<!tpu.dma_semaphore, #tpu.memory_space<semaphore_mem>>
        %dma_start3A = arith.constant 6320 : i32
        %dma_start3A_188 = tpu.memref_slice %arg6[%arg0, %run_scoped3A_185, %dma_start3A] : memref<2x3x10000xf32, #tpu.memory_space<hbm>> -> memref<1x1x632xf32, #tpu.memory_space<hbm>>
        %dma_start3A_189 = tpu.memref_squeeze %dma_start3A_188 : memref<1x1x632xf32, #tpu.memory_space<hbm>> -> memref<632xf32, #tpu.memory_space<hbm>>
        %dma_start3A_190 = arith.constant 6320 : i32
        %dma_start3A_191 = tpu.memref_slice %arg9[%dma_start3A_190] : memref<10000xf32, #tpu.memory_space<vmem_shared>> -> memref<632xf32, #tpu.memory_space<vmem_shared>>
        tpu.enqueue_dma source(%dma_start3A_191 : memref<632xf32, #tpu.memory_space<vmem_shared>>) target(%dma_start3A_189 : memref<632xf32, #tpu.memory_space<hbm>>) target_semaphore(%run_scoped3A_187 : memref<!tpu.dma_semaphore, #tpu.memory_space<semaphore_mem>>)
        %dma_wait3A = arith.constant 6320 : i32
        %dma_wait3A_192 = tpu.memref_slice %arg6[%arg0, %run_scoped3A_185, %dma_wait3A] : memref<2x3x10000xf32, #tpu.memory_space<hbm>> -> memref<1x1x632xf32, #tpu.memory_space<hbm>>
        %dma_wait3A_193 = tpu.memref_squeeze %dma_wait3A_192 : memref<1x1x632xf32, #tpu.memory_space<hbm>> -> memref<632xf32, #tpu.memory_space<hbm>>
        %dma_wait3A_194 = arith.constant 6320 : i32
        %dma_wait3A_195 = tpu.memref_slice %arg9[%dma_wait3A_194] : memref<10000xf32, #tpu.memory_space<vmem_shared>> -> memref<632xf32, #tpu.memory_space<vmem_shared>>
        tpu.wait_dma2 semaphore(%run_scoped3A_187 : memref<!tpu.dma_semaphore, #tpu.memory_space<semaphore_mem>>) src(%dma_wait3A_195 : memref<632xf32, #tpu.memory_space<vmem_shared>>) dst(%dma_wait3A_193 : memref<632xf32, #tpu.memory_space<hbm>>)
        tpu.yield
      }) : () -> ()
      %run_scoped3A_186 = arith.constant 2 : i32
      "tpu.region"() ({
        %run_scoped3A_187 = tpu.sem_alloc : memref<!tpu.dma_semaphore, #tpu.memory_space<semaphore_mem>>
        %dma_start3A = arith.constant 6320 : i32
        %dma_start3A_188 = tpu.memref_slice %arg6[%arg0, %run_scoped3A_186, %dma_start3A] : memref<2x3x10000xf32, #tpu.memory_space<hbm>> -> memref<1x1x632xf32, #tpu.memory_space<hbm>>
        %dma_start3A_189 = tpu.memref_squeeze %dma_start3A_188 : memref<1x1x632xf32, #tpu.memory_space<hbm>> -> memref<632xf32, #tpu.memory_space<hbm>>
        %dma_start3A_190 = arith.constant 6320 : i32
        %dma_start3A_191 = tpu.memref_slice %arg10[%dma_start3A_190] : memref<10000xf32, #tpu.memory_space<vmem_shared>> -> memref<632xf32, #tpu.memory_space<vmem_shared>>
        tpu.enqueue_dma source(%dma_start3A_191 : memref<632xf32, #tpu.memory_space<vmem_shared>>) target(%dma_start3A_189 : memref<632xf32, #tpu.memory_space<hbm>>) target_semaphore(%run_scoped3A_187 : memref<!tpu.dma_semaphore, #tpu.memory_space<semaphore_mem>>)
        %dma_wait3A = arith.constant 6320 : i32
        %dma_wait3A_192 = tpu.memref_slice %arg6[%arg0, %run_scoped3A_186, %dma_wait3A] : memref<2x3x10000xf32, #tpu.memory_space<hbm>> -> memref<1x1x632xf32, #tpu.memory_space<hbm>>
        %dma_wait3A_193 = tpu.memref_squeeze %dma_wait3A_192 : memref<1x1x632xf32, #tpu.memory_space<hbm>> -> memref<632xf32, #tpu.memory_space<hbm>>
        %dma_wait3A_194 = arith.constant 6320 : i32
        %dma_wait3A_195 = tpu.memref_slice %arg10[%dma_wait3A_194] : memref<10000xf32, #tpu.memory_space<vmem_shared>> -> memref<632xf32, #tpu.memory_space<vmem_shared>>
        tpu.wait_dma2 semaphore(%run_scoped3A_187 : memref<!tpu.dma_semaphore, #tpu.memory_space<semaphore_mem>>) src(%dma_wait3A_195 : memref<632xf32, #tpu.memory_space<vmem_shared>>) dst(%dma_wait3A_193 : memref<632xf32, #tpu.memory_space<hbm>>)
        tpu.yield
      }) : () -> ()
    } else {
    }
    %eq3A_160 = arith.constant 11 : i32
    %eq3A_161 = arith.cmpi eq, %arg1, %eq3A_160 : i32
    %convert_element_type3A_162 = arith.extui %eq3A_161 : i1 to i32
    %cond3A_163 = arith.constant 0 : i32
    %cond3A_164 = arith.cmpi ne, %convert_element_type3A_162, %cond3A_163 : i32
    scf.if %cond3A_164 {
      %run_scoped3A = arith.constant 0 : i32
      "tpu.region"() ({
        %run_scoped3A_187 = tpu.sem_alloc : memref<!tpu.dma_semaphore, #tpu.memory_space<semaphore_mem>>
        %dma_start3A = arith.constant 6952 : i32
        %dma_start3A_188 = tpu.memref_slice %arg6[%arg0, %run_scoped3A, %dma_start3A] : memref<2x3x10000xf32, #tpu.memory_space<hbm>> -> memref<1x1x632xf32, #tpu.memory_space<hbm>>
        %dma_start3A_189 = tpu.memref_squeeze %dma_start3A_188 : memref<1x1x632xf32, #tpu.memory_space<hbm>> -> memref<632xf32, #tpu.memory_space<hbm>>
        %dma_start3A_190 = arith.constant 6952 : i32
        %dma_start3A_191 = tpu.memref_slice %arg8[%dma_start3A_190] : memref<10000xf32, #tpu.memory_space<vmem_shared>> -> memref<632xf32, #tpu.memory_space<vmem_shared>>
        tpu.enqueue_dma source(%dma_start3A_191 : memref<632xf32, #tpu.memory_space<vmem_shared>>) target(%dma_start3A_189 : memref<632xf32, #tpu.memory_space<hbm>>) target_semaphore(%run_scoped3A_187 : memref<!tpu.dma_semaphore, #tpu.memory_space<semaphore_mem>>)
        %dma_wait3A = arith.constant 6952 : i32
        %dma_wait3A_192 = tpu.memref_slice %arg6[%arg0, %run_scoped3A, %dma_wait3A] : memref<2x3x10000xf32, #tpu.memory_space<hbm>> -> memref<1x1x632xf32, #tpu.memory_space<hbm>>
        %dma_wait3A_193 = tpu.memref_squeeze %dma_wait3A_192 : memref<1x1x632xf32, #tpu.memory_space<hbm>> -> memref<632xf32, #tpu.memory_space<hbm>>
        %dma_wait3A_194 = arith.constant 6952 : i32
        %dma_wait3A_195 = tpu.memref_slice %arg8[%dma_wait3A_194] : memref<10000xf32, #tpu.memory_space<vmem_shared>> -> memref<632xf32, #tpu.memory_space<vmem_shared>>
        tpu.wait_dma2 semaphore(%run_scoped3A_187 : memref<!tpu.dma_semaphore, #tpu.memory_space<semaphore_mem>>) src(%dma_wait3A_195 : memref<632xf32, #tpu.memory_space<vmem_shared>>) dst(%dma_wait3A_193 : memref<632xf32, #tpu.memory_space<hbm>>)
        tpu.yield
      }) : () -> ()
      %run_scoped3A_185 = arith.constant 1 : i32
      "tpu.region"() ({
        %run_scoped3A_187 = tpu.sem_alloc : memref<!tpu.dma_semaphore, #tpu.memory_space<semaphore_mem>>
        %dma_start3A = arith.constant 6952 : i32
        %dma_start3A_188 = tpu.memref_slice %arg6[%arg0, %run_scoped3A_185, %dma_start3A] : memref<2x3x10000xf32, #tpu.memory_space<hbm>> -> memref<1x1x632xf32, #tpu.memory_space<hbm>>
        %dma_start3A_189 = tpu.memref_squeeze %dma_start3A_188 : memref<1x1x632xf32, #tpu.memory_space<hbm>> -> memref<632xf32, #tpu.memory_space<hbm>>
        %dma_start3A_190 = arith.constant 6952 : i32
        %dma_start3A_191 = tpu.memref_slice %arg9[%dma_start3A_190] : memref<10000xf32, #tpu.memory_space<vmem_shared>> -> memref<632xf32, #tpu.memory_space<vmem_shared>>
        tpu.enqueue_dma source(%dma_start3A_191 : memref<632xf32, #tpu.memory_space<vmem_shared>>) target(%dma_start3A_189 : memref<632xf32, #tpu.memory_space<hbm>>) target_semaphore(%run_scoped3A_187 : memref<!tpu.dma_semaphore, #tpu.memory_space<semaphore_mem>>)
        %dma_wait3A = arith.constant 6952 : i32
        %dma_wait3A_192 = tpu.memref_slice %arg6[%arg0, %run_scoped3A_185, %dma_wait3A] : memref<2x3x10000xf32, #tpu.memory_space<hbm>> -> memref<1x1x632xf32, #tpu.memory_space<hbm>>
        %dma_wait3A_193 = tpu.memref_squeeze %dma_wait3A_192 : memref<1x1x632xf32, #tpu.memory_space<hbm>> -> memref<632xf32, #tpu.memory_space<hbm>>
        %dma_wait3A_194 = arith.constant 6952 : i32
        %dma_wait3A_195 = tpu.memref_slice %arg9[%dma_wait3A_194] : memref<10000xf32, #tpu.memory_space<vmem_shared>> -> memref<632xf32, #tpu.memory_space<vmem_shared>>
        tpu.wait_dma2 semaphore(%run_scoped3A_187 : memref<!tpu.dma_semaphore, #tpu.memory_space<semaphore_mem>>) src(%dma_wait3A_195 : memref<632xf32, #tpu.memory_space<vmem_shared>>) dst(%dma_wait3A_193 : memref<632xf32, #tpu.memory_space<hbm>>)
        tpu.yield
      }) : () -> ()
      %run_scoped3A_186 = arith.constant 2 : i32
      "tpu.region"() ({
        %run_scoped3A_187 = tpu.sem_alloc : memref<!tpu.dma_semaphore, #tpu.memory_space<semaphore_mem>>
        %dma_start3A = arith.constant 6952 : i32
        %dma_start3A_188 = tpu.memref_slice %arg6[%arg0, %run_scoped3A_186, %dma_start3A] : memref<2x3x10000xf32, #tpu.memory_space<hbm>> -> memref<1x1x632xf32, #tpu.memory_space<hbm>>
        %dma_start3A_189 = tpu.memref_squeeze %dma_start3A_188 : memref<1x1x632xf32, #tpu.memory_space<hbm>> -> memref<632xf32, #tpu.memory_space<hbm>>
        %dma_start3A_190 = arith.constant 6952 : i32
        %dma_start3A_191 = tpu.memref_slice %arg10[%dma_start3A_190] : memref<10000xf32, #tpu.memory_space<vmem_shared>> -> memref<632xf32, #tpu.memory_space<vmem_shared>>
        tpu.enqueue_dma source(%dma_start3A_191 : memref<632xf32, #tpu.memory_space<vmem_shared>>) target(%dma_start3A_189 : memref<632xf32, #tpu.memory_space<hbm>>) target_semaphore(%run_scoped3A_187 : memref<!tpu.dma_semaphore, #tpu.memory_space<semaphore_mem>>)
        %dma_wait3A = arith.constant 6952 : i32
        %dma_wait3A_192 = tpu.memref_slice %arg6[%arg0, %run_scoped3A_186, %dma_wait3A] : memref<2x3x10000xf32, #tpu.memory_space<hbm>> -> memref<1x1x632xf32, #tpu.memory_space<hbm>>
        %dma_wait3A_193 = tpu.memref_squeeze %dma_wait3A_192 : memref<1x1x632xf32, #tpu.memory_space<hbm>> -> memref<632xf32, #tpu.memory_space<hbm>>
        %dma_wait3A_194 = arith.constant 6952 : i32
        %dma_wait3A_195 = tpu.memref_slice %arg10[%dma_wait3A_194] : memref<10000xf32, #tpu.memory_space<vmem_shared>> -> memref<632xf32, #tpu.memory_space<vmem_shared>>
        tpu.wait_dma2 semaphore(%run_scoped3A_187 : memref<!tpu.dma_semaphore, #tpu.memory_space<semaphore_mem>>) src(%dma_wait3A_195 : memref<632xf32, #tpu.memory_space<vmem_shared>>) dst(%dma_wait3A_193 : memref<632xf32, #tpu.memory_space<hbm>>)
        tpu.yield
      }) : () -> ()
    } else {
    }
    %eq3A_165 = arith.constant 12 : i32
    %eq3A_166 = arith.cmpi eq, %arg1, %eq3A_165 : i32
    %convert_element_type3A_167 = arith.extui %eq3A_166 : i1 to i32
    %cond3A_168 = arith.constant 0 : i32
    %cond3A_169 = arith.cmpi ne, %convert_element_type3A_167, %cond3A_168 : i32
    scf.if %cond3A_169 {
      %run_scoped3A = arith.constant 0 : i32
      "tpu.region"() ({
        %run_scoped3A_187 = tpu.sem_alloc : memref<!tpu.dma_semaphore, #tpu.memory_space<semaphore_mem>>
        %dma_start3A = arith.constant 7584 : i32
        %dma_start3A_188 = tpu.memref_slice %arg6[%arg0, %run_scoped3A, %dma_start3A] : memref<2x3x10000xf32, #tpu.memory_space<hbm>> -> memref<1x1x632xf32, #tpu.memory_space<hbm>>
        %dma_start3A_189 = tpu.memref_squeeze %dma_start3A_188 : memref<1x1x632xf32, #tpu.memory_space<hbm>> -> memref<632xf32, #tpu.memory_space<hbm>>
        %dma_start3A_190 = arith.constant 7584 : i32
        %dma_start3A_191 = tpu.memref_slice %arg8[%dma_start3A_190] : memref<10000xf32, #tpu.memory_space<vmem_shared>> -> memref<632xf32, #tpu.memory_space<vmem_shared>>
        tpu.enqueue_dma source(%dma_start3A_191 : memref<632xf32, #tpu.memory_space<vmem_shared>>) target(%dma_start3A_189 : memref<632xf32, #tpu.memory_space<hbm>>) target_semaphore(%run_scoped3A_187 : memref<!tpu.dma_semaphore, #tpu.memory_space<semaphore_mem>>)
        %dma_wait3A = arith.constant 7584 : i32
        %dma_wait3A_192 = tpu.memref_slice %arg6[%arg0, %run_scoped3A, %dma_wait3A] : memref<2x3x10000xf32, #tpu.memory_space<hbm>> -> memref<1x1x632xf32, #tpu.memory_space<hbm>>
        %dma_wait3A_193 = tpu.memref_squeeze %dma_wait3A_192 : memref<1x1x632xf32, #tpu.memory_space<hbm>> -> memref<632xf32, #tpu.memory_space<hbm>>
        %dma_wait3A_194 = arith.constant 7584 : i32
        %dma_wait3A_195 = tpu.memref_slice %arg8[%dma_wait3A_194] : memref<10000xf32, #tpu.memory_space<vmem_shared>> -> memref<632xf32, #tpu.memory_space<vmem_shared>>
        tpu.wait_dma2 semaphore(%run_scoped3A_187 : memref<!tpu.dma_semaphore, #tpu.memory_space<semaphore_mem>>) src(%dma_wait3A_195 : memref<632xf32, #tpu.memory_space<vmem_shared>>) dst(%dma_wait3A_193 : memref<632xf32, #tpu.memory_space<hbm>>)
        tpu.yield
      }) : () -> ()
      %run_scoped3A_185 = arith.constant 1 : i32
      "tpu.region"() ({
        %run_scoped3A_187 = tpu.sem_alloc : memref<!tpu.dma_semaphore, #tpu.memory_space<semaphore_mem>>
        %dma_start3A = arith.constant 7584 : i32
        %dma_start3A_188 = tpu.memref_slice %arg6[%arg0, %run_scoped3A_185, %dma_start3A] : memref<2x3x10000xf32, #tpu.memory_space<hbm>> -> memref<1x1x632xf32, #tpu.memory_space<hbm>>
        %dma_start3A_189 = tpu.memref_squeeze %dma_start3A_188 : memref<1x1x632xf32, #tpu.memory_space<hbm>> -> memref<632xf32, #tpu.memory_space<hbm>>
        %dma_start3A_190 = arith.constant 7584 : i32
        %dma_start3A_191 = tpu.memref_slice %arg9[%dma_start3A_190] : memref<10000xf32, #tpu.memory_space<vmem_shared>> -> memref<632xf32, #tpu.memory_space<vmem_shared>>
        tpu.enqueue_dma source(%dma_start3A_191 : memref<632xf32, #tpu.memory_space<vmem_shared>>) target(%dma_start3A_189 : memref<632xf32, #tpu.memory_space<hbm>>) target_semaphore(%run_scoped3A_187 : memref<!tpu.dma_semaphore, #tpu.memory_space<semaphore_mem>>)
        %dma_wait3A = arith.constant 7584 : i32
        %dma_wait3A_192 = tpu.memref_slice %arg6[%arg0, %run_scoped3A_185, %dma_wait3A] : memref<2x3x10000xf32, #tpu.memory_space<hbm>> -> memref<1x1x632xf32, #tpu.memory_space<hbm>>
        %dma_wait3A_193 = tpu.memref_squeeze %dma_wait3A_192 : memref<1x1x632xf32, #tpu.memory_space<hbm>> -> memref<632xf32, #tpu.memory_space<hbm>>
        %dma_wait3A_194 = arith.constant 7584 : i32
        %dma_wait3A_195 = tpu.memref_slice %arg9[%dma_wait3A_194] : memref<10000xf32, #tpu.memory_space<vmem_shared>> -> memref<632xf32, #tpu.memory_space<vmem_shared>>
        tpu.wait_dma2 semaphore(%run_scoped3A_187 : memref<!tpu.dma_semaphore, #tpu.memory_space<semaphore_mem>>) src(%dma_wait3A_195 : memref<632xf32, #tpu.memory_space<vmem_shared>>) dst(%dma_wait3A_193 : memref<632xf32, #tpu.memory_space<hbm>>)
        tpu.yield
      }) : () -> ()
      %run_scoped3A_186 = arith.constant 2 : i32
      "tpu.region"() ({
        %run_scoped3A_187 = tpu.sem_alloc : memref<!tpu.dma_semaphore, #tpu.memory_space<semaphore_mem>>
        %dma_start3A = arith.constant 7584 : i32
        %dma_start3A_188 = tpu.memref_slice %arg6[%arg0, %run_scoped3A_186, %dma_start3A] : memref<2x3x10000xf32, #tpu.memory_space<hbm>> -> memref<1x1x632xf32, #tpu.memory_space<hbm>>
        %dma_start3A_189 = tpu.memref_squeeze %dma_start3A_188 : memref<1x1x632xf32, #tpu.memory_space<hbm>> -> memref<632xf32, #tpu.memory_space<hbm>>
        %dma_start3A_190 = arith.constant 7584 : i32
        %dma_start3A_191 = tpu.memref_slice %arg10[%dma_start3A_190] : memref<10000xf32, #tpu.memory_space<vmem_shared>> -> memref<632xf32, #tpu.memory_space<vmem_shared>>
        tpu.enqueue_dma source(%dma_start3A_191 : memref<632xf32, #tpu.memory_space<vmem_shared>>) target(%dma_start3A_189 : memref<632xf32, #tpu.memory_space<hbm>>) target_semaphore(%run_scoped3A_187 : memref<!tpu.dma_semaphore, #tpu.memory_space<semaphore_mem>>)
        %dma_wait3A = arith.constant 7584 : i32
        %dma_wait3A_192 = tpu.memref_slice %arg6[%arg0, %run_scoped3A_186, %dma_wait3A] : memref<2x3x10000xf32, #tpu.memory_space<hbm>> -> memref<1x1x632xf32, #tpu.memory_space<hbm>>
        %dma_wait3A_193 = tpu.memref_squeeze %dma_wait3A_192 : memref<1x1x632xf32, #tpu.memory_space<hbm>> -> memref<632xf32, #tpu.memory_space<hbm>>
        %dma_wait3A_194 = arith.constant 7584 : i32
        %dma_wait3A_195 = tpu.memref_slice %arg10[%dma_wait3A_194] : memref<10000xf32, #tpu.memory_space<vmem_shared>> -> memref<632xf32, #tpu.memory_space<vmem_shared>>
        tpu.wait_dma2 semaphore(%run_scoped3A_187 : memref<!tpu.dma_semaphore, #tpu.memory_space<semaphore_mem>>) src(%dma_wait3A_195 : memref<632xf32, #tpu.memory_space<vmem_shared>>) dst(%dma_wait3A_193 : memref<632xf32, #tpu.memory_space<hbm>>)
        tpu.yield
      }) : () -> ()
    } else {
    }
    %eq3A_170 = arith.constant 13 : i32
    %eq3A_171 = arith.cmpi eq, %arg1, %eq3A_170 : i32
    %convert_element_type3A_172 = arith.extui %eq3A_171 : i1 to i32
    %cond3A_173 = arith.constant 0 : i32
    %cond3A_174 = arith.cmpi ne, %convert_element_type3A_172, %cond3A_173 : i32
    scf.if %cond3A_174 {
      %run_scoped3A = arith.constant 0 : i32
      "tpu.region"() ({
        %run_scoped3A_187 = tpu.sem_alloc : memref<!tpu.dma_semaphore, #tpu.memory_space<semaphore_mem>>
        %dma_start3A = arith.constant 8216 : i32
        %dma_start3A_188 = tpu.memref_slice %arg6[%arg0, %run_scoped3A, %dma_start3A] : memref<2x3x10000xf32, #tpu.memory_space<hbm>> -> memref<1x1x632xf32, #tpu.memory_space<hbm>>
        %dma_start3A_189 = tpu.memref_squeeze %dma_start3A_188 : memref<1x1x632xf32, #tpu.memory_space<hbm>> -> memref<632xf32, #tpu.memory_space<hbm>>
        %dma_start3A_190 = arith.constant 8216 : i32
        %dma_start3A_191 = tpu.memref_slice %arg8[%dma_start3A_190] : memref<10000xf32, #tpu.memory_space<vmem_shared>> -> memref<632xf32, #tpu.memory_space<vmem_shared>>
        tpu.enqueue_dma source(%dma_start3A_191 : memref<632xf32, #tpu.memory_space<vmem_shared>>) target(%dma_start3A_189 : memref<632xf32, #tpu.memory_space<hbm>>) target_semaphore(%run_scoped3A_187 : memref<!tpu.dma_semaphore, #tpu.memory_space<semaphore_mem>>)
        %dma_wait3A = arith.constant 8216 : i32
        %dma_wait3A_192 = tpu.memref_slice %arg6[%arg0, %run_scoped3A, %dma_wait3A] : memref<2x3x10000xf32, #tpu.memory_space<hbm>> -> memref<1x1x632xf32, #tpu.memory_space<hbm>>
        %dma_wait3A_193 = tpu.memref_squeeze %dma_wait3A_192 : memref<1x1x632xf32, #tpu.memory_space<hbm>> -> memref<632xf32, #tpu.memory_space<hbm>>
        %dma_wait3A_194 = arith.constant 8216 : i32
        %dma_wait3A_195 = tpu.memref_slice %arg8[%dma_wait3A_194] : memref<10000xf32, #tpu.memory_space<vmem_shared>> -> memref<632xf32, #tpu.memory_space<vmem_shared>>
        tpu.wait_dma2 semaphore(%run_scoped3A_187 : memref<!tpu.dma_semaphore, #tpu.memory_space<semaphore_mem>>) src(%dma_wait3A_195 : memref<632xf32, #tpu.memory_space<vmem_shared>>) dst(%dma_wait3A_193 : memref<632xf32, #tpu.memory_space<hbm>>)
        tpu.yield
      }) : () -> ()
      %run_scoped3A_185 = arith.constant 1 : i32
      "tpu.region"() ({
        %run_scoped3A_187 = tpu.sem_alloc : memref<!tpu.dma_semaphore, #tpu.memory_space<semaphore_mem>>
        %dma_start3A = arith.constant 8216 : i32
        %dma_start3A_188 = tpu.memref_slice %arg6[%arg0, %run_scoped3A_185, %dma_start3A] : memref<2x3x10000xf32, #tpu.memory_space<hbm>> -> memref<1x1x632xf32, #tpu.memory_space<hbm>>
        %dma_start3A_189 = tpu.memref_squeeze %dma_start3A_188 : memref<1x1x632xf32, #tpu.memory_space<hbm>> -> memref<632xf32, #tpu.memory_space<hbm>>
        %dma_start3A_190 = arith.constant 8216 : i32
        %dma_start3A_191 = tpu.memref_slice %arg9[%dma_start3A_190] : memref<10000xf32, #tpu.memory_space<vmem_shared>> -> memref<632xf32, #tpu.memory_space<vmem_shared>>
        tpu.enqueue_dma source(%dma_start3A_191 : memref<632xf32, #tpu.memory_space<vmem_shared>>) target(%dma_start3A_189 : memref<632xf32, #tpu.memory_space<hbm>>) target_semaphore(%run_scoped3A_187 : memref<!tpu.dma_semaphore, #tpu.memory_space<semaphore_mem>>)
        %dma_wait3A = arith.constant 8216 : i32
        %dma_wait3A_192 = tpu.memref_slice %arg6[%arg0, %run_scoped3A_185, %dma_wait3A] : memref<2x3x10000xf32, #tpu.memory_space<hbm>> -> memref<1x1x632xf32, #tpu.memory_space<hbm>>
        %dma_wait3A_193 = tpu.memref_squeeze %dma_wait3A_192 : memref<1x1x632xf32, #tpu.memory_space<hbm>> -> memref<632xf32, #tpu.memory_space<hbm>>
        %dma_wait3A_194 = arith.constant 8216 : i32
        %dma_wait3A_195 = tpu.memref_slice %arg9[%dma_wait3A_194] : memref<10000xf32, #tpu.memory_space<vmem_shared>> -> memref<632xf32, #tpu.memory_space<vmem_shared>>
        tpu.wait_dma2 semaphore(%run_scoped3A_187 : memref<!tpu.dma_semaphore, #tpu.memory_space<semaphore_mem>>) src(%dma_wait3A_195 : memref<632xf32, #tpu.memory_space<vmem_shared>>) dst(%dma_wait3A_193 : memref<632xf32, #tpu.memory_space<hbm>>)
        tpu.yield
      }) : () -> ()
      %run_scoped3A_186 = arith.constant 2 : i32
      "tpu.region"() ({
        %run_scoped3A_187 = tpu.sem_alloc : memref<!tpu.dma_semaphore, #tpu.memory_space<semaphore_mem>>
        %dma_start3A = arith.constant 8216 : i32
        %dma_start3A_188 = tpu.memref_slice %arg6[%arg0, %run_scoped3A_186, %dma_start3A] : memref<2x3x10000xf32, #tpu.memory_space<hbm>> -> memref<1x1x632xf32, #tpu.memory_space<hbm>>
        %dma_start3A_189 = tpu.memref_squeeze %dma_start3A_188 : memref<1x1x632xf32, #tpu.memory_space<hbm>> -> memref<632xf32, #tpu.memory_space<hbm>>
        %dma_start3A_190 = arith.constant 8216 : i32
        %dma_start3A_191 = tpu.memref_slice %arg10[%dma_start3A_190] : memref<10000xf32, #tpu.memory_space<vmem_shared>> -> memref<632xf32, #tpu.memory_space<vmem_shared>>
        tpu.enqueue_dma source(%dma_start3A_191 : memref<632xf32, #tpu.memory_space<vmem_shared>>) target(%dma_start3A_189 : memref<632xf32, #tpu.memory_space<hbm>>) target_semaphore(%run_scoped3A_187 : memref<!tpu.dma_semaphore, #tpu.memory_space<semaphore_mem>>)
        %dma_wait3A = arith.constant 8216 : i32
        %dma_wait3A_192 = tpu.memref_slice %arg6[%arg0, %run_scoped3A_186, %dma_wait3A] : memref<2x3x10000xf32, #tpu.memory_space<hbm>> -> memref<1x1x632xf32, #tpu.memory_space<hbm>>
        %dma_wait3A_193 = tpu.memref_squeeze %dma_wait3A_192 : memref<1x1x632xf32, #tpu.memory_space<hbm>> -> memref<632xf32, #tpu.memory_space<hbm>>
        %dma_wait3A_194 = arith.constant 8216 : i32
        %dma_wait3A_195 = tpu.memref_slice %arg10[%dma_wait3A_194] : memref<10000xf32, #tpu.memory_space<vmem_shared>> -> memref<632xf32, #tpu.memory_space<vmem_shared>>
        tpu.wait_dma2 semaphore(%run_scoped3A_187 : memref<!tpu.dma_semaphore, #tpu.memory_space<semaphore_mem>>) src(%dma_wait3A_195 : memref<632xf32, #tpu.memory_space<vmem_shared>>) dst(%dma_wait3A_193 : memref<632xf32, #tpu.memory_space<hbm>>)
        tpu.yield
      }) : () -> ()
    } else {
    }
    %eq3A_175 = arith.constant 14 : i32
    %eq3A_176 = arith.cmpi eq, %arg1, %eq3A_175 : i32
    %convert_element_type3A_177 = arith.extui %eq3A_176 : i1 to i32
    %cond3A_178 = arith.constant 0 : i32
    %cond3A_179 = arith.cmpi ne, %convert_element_type3A_177, %cond3A_178 : i32
    scf.if %cond3A_179 {
      %run_scoped3A = arith.constant 0 : i32
      "tpu.region"() ({
        %run_scoped3A_187 = tpu.sem_alloc : memref<!tpu.dma_semaphore, #tpu.memory_space<semaphore_mem>>
        %dma_start3A = arith.constant 8848 : i32
        %dma_start3A_188 = tpu.memref_slice %arg6[%arg0, %run_scoped3A, %dma_start3A] : memref<2x3x10000xf32, #tpu.memory_space<hbm>> -> memref<1x1x632xf32, #tpu.memory_space<hbm>>
        %dma_start3A_189 = tpu.memref_squeeze %dma_start3A_188 : memref<1x1x632xf32, #tpu.memory_space<hbm>> -> memref<632xf32, #tpu.memory_space<hbm>>
        %dma_start3A_190 = arith.constant 8848 : i32
        %dma_start3A_191 = tpu.memref_slice %arg8[%dma_start3A_190] : memref<10000xf32, #tpu.memory_space<vmem_shared>> -> memref<632xf32, #tpu.memory_space<vmem_shared>>
        tpu.enqueue_dma source(%dma_start3A_191 : memref<632xf32, #tpu.memory_space<vmem_shared>>) target(%dma_start3A_189 : memref<632xf32, #tpu.memory_space<hbm>>) target_semaphore(%run_scoped3A_187 : memref<!tpu.dma_semaphore, #tpu.memory_space<semaphore_mem>>)
        %dma_wait3A = arith.constant 8848 : i32
        %dma_wait3A_192 = tpu.memref_slice %arg6[%arg0, %run_scoped3A, %dma_wait3A] : memref<2x3x10000xf32, #tpu.memory_space<hbm>> -> memref<1x1x632xf32, #tpu.memory_space<hbm>>
        %dma_wait3A_193 = tpu.memref_squeeze %dma_wait3A_192 : memref<1x1x632xf32, #tpu.memory_space<hbm>> -> memref<632xf32, #tpu.memory_space<hbm>>
        %dma_wait3A_194 = arith.constant 8848 : i32
        %dma_wait3A_195 = tpu.memref_slice %arg8[%dma_wait3A_194] : memref<10000xf32, #tpu.memory_space<vmem_shared>> -> memref<632xf32, #tpu.memory_space<vmem_shared>>
        tpu.wait_dma2 semaphore(%run_scoped3A_187 : memref<!tpu.dma_semaphore, #tpu.memory_space<semaphore_mem>>) src(%dma_wait3A_195 : memref<632xf32, #tpu.memory_space<vmem_shared>>) dst(%dma_wait3A_193 : memref<632xf32, #tpu.memory_space<hbm>>)
        tpu.yield
      }) : () -> ()
      %run_scoped3A_185 = arith.constant 1 : i32
      "tpu.region"() ({
        %run_scoped3A_187 = tpu.sem_alloc : memref<!tpu.dma_semaphore, #tpu.memory_space<semaphore_mem>>
        %dma_start3A = arith.constant 8848 : i32
        %dma_start3A_188 = tpu.memref_slice %arg6[%arg0, %run_scoped3A_185, %dma_start3A] : memref<2x3x10000xf32, #tpu.memory_space<hbm>> -> memref<1x1x632xf32, #tpu.memory_space<hbm>>
        %dma_start3A_189 = tpu.memref_squeeze %dma_start3A_188 : memref<1x1x632xf32, #tpu.memory_space<hbm>> -> memref<632xf32, #tpu.memory_space<hbm>>
        %dma_start3A_190 = arith.constant 8848 : i32
        %dma_start3A_191 = tpu.memref_slice %arg9[%dma_start3A_190] : memref<10000xf32, #tpu.memory_space<vmem_shared>> -> memref<632xf32, #tpu.memory_space<vmem_shared>>
        tpu.enqueue_dma source(%dma_start3A_191 : memref<632xf32, #tpu.memory_space<vmem_shared>>) target(%dma_start3A_189 : memref<632xf32, #tpu.memory_space<hbm>>) target_semaphore(%run_scoped3A_187 : memref<!tpu.dma_semaphore, #tpu.memory_space<semaphore_mem>>)
        %dma_wait3A = arith.constant 8848 : i32
        %dma_wait3A_192 = tpu.memref_slice %arg6[%arg0, %run_scoped3A_185, %dma_wait3A] : memref<2x3x10000xf32, #tpu.memory_space<hbm>> -> memref<1x1x632xf32, #tpu.memory_space<hbm>>
        %dma_wait3A_193 = tpu.memref_squeeze %dma_wait3A_192 : memref<1x1x632xf32, #tpu.memory_space<hbm>> -> memref<632xf32, #tpu.memory_space<hbm>>
        %dma_wait3A_194 = arith.constant 8848 : i32
        %dma_wait3A_195 = tpu.memref_slice %arg9[%dma_wait3A_194] : memref<10000xf32, #tpu.memory_space<vmem_shared>> -> memref<632xf32, #tpu.memory_space<vmem_shared>>
        tpu.wait_dma2 semaphore(%run_scoped3A_187 : memref<!tpu.dma_semaphore, #tpu.memory_space<semaphore_mem>>) src(%dma_wait3A_195 : memref<632xf32, #tpu.memory_space<vmem_shared>>) dst(%dma_wait3A_193 : memref<632xf32, #tpu.memory_space<hbm>>)
        tpu.yield
      }) : () -> ()
      %run_scoped3A_186 = arith.constant 2 : i32
      "tpu.region"() ({
        %run_scoped3A_187 = tpu.sem_alloc : memref<!tpu.dma_semaphore, #tpu.memory_space<semaphore_mem>>
        %dma_start3A = arith.constant 8848 : i32
        %dma_start3A_188 = tpu.memref_slice %arg6[%arg0, %run_scoped3A_186, %dma_start3A] : memref<2x3x10000xf32, #tpu.memory_space<hbm>> -> memref<1x1x632xf32, #tpu.memory_space<hbm>>
        %dma_start3A_189 = tpu.memref_squeeze %dma_start3A_188 : memref<1x1x632xf32, #tpu.memory_space<hbm>> -> memref<632xf32, #tpu.memory_space<hbm>>
        %dma_start3A_190 = arith.constant 8848 : i32
        %dma_start3A_191 = tpu.memref_slice %arg10[%dma_start3A_190] : memref<10000xf32, #tpu.memory_space<vmem_shared>> -> memref<632xf32, #tpu.memory_space<vmem_shared>>
        tpu.enqueue_dma source(%dma_start3A_191 : memref<632xf32, #tpu.memory_space<vmem_shared>>) target(%dma_start3A_189 : memref<632xf32, #tpu.memory_space<hbm>>) target_semaphore(%run_scoped3A_187 : memref<!tpu.dma_semaphore, #tpu.memory_space<semaphore_mem>>)
        %dma_wait3A = arith.constant 8848 : i32
        %dma_wait3A_192 = tpu.memref_slice %arg6[%arg0, %run_scoped3A_186, %dma_wait3A] : memref<2x3x10000xf32, #tpu.memory_space<hbm>> -> memref<1x1x632xf32, #tpu.memory_space<hbm>>
        %dma_wait3A_193 = tpu.memref_squeeze %dma_wait3A_192 : memref<1x1x632xf32, #tpu.memory_space<hbm>> -> memref<632xf32, #tpu.memory_space<hbm>>
        %dma_wait3A_194 = arith.constant 8848 : i32
        %dma_wait3A_195 = tpu.memref_slice %arg10[%dma_wait3A_194] : memref<10000xf32, #tpu.memory_space<vmem_shared>> -> memref<632xf32, #tpu.memory_space<vmem_shared>>
        tpu.wait_dma2 semaphore(%run_scoped3A_187 : memref<!tpu.dma_semaphore, #tpu.memory_space<semaphore_mem>>) src(%dma_wait3A_195 : memref<632xf32, #tpu.memory_space<vmem_shared>>) dst(%dma_wait3A_193 : memref<632xf32, #tpu.memory_space<hbm>>)
        tpu.yield
      }) : () -> ()
    } else {
    }
    %eq3A_180 = arith.constant 15 : i32
    %eq3A_181 = arith.cmpi eq, %arg1, %eq3A_180 : i32
    %convert_element_type3A_182 = arith.extui %eq3A_181 : i1 to i32
    %cond3A_183 = arith.constant 0 : i32
    %cond3A_184 = arith.cmpi ne, %convert_element_type3A_182, %cond3A_183 : i32
    scf.if %cond3A_184 {
      %run_scoped3A = arith.constant 0 : i32
      "tpu.region"() ({
        %run_scoped3A_187 = tpu.sem_alloc : memref<!tpu.dma_semaphore, #tpu.memory_space<semaphore_mem>>
        %dma_start3A = arith.constant 9480 : i32
        %dma_start3A_188 = tpu.memref_slice %arg6[%arg0, %run_scoped3A, %dma_start3A] : memref<2x3x10000xf32, #tpu.memory_space<hbm>> -> memref<1x1x520xf32, #tpu.memory_space<hbm>>
        %dma_start3A_189 = tpu.memref_squeeze %dma_start3A_188 : memref<1x1x520xf32, #tpu.memory_space<hbm>> -> memref<520xf32, #tpu.memory_space<hbm>>
        %dma_start3A_190 = arith.constant 9480 : i32
        %dma_start3A_191 = tpu.memref_slice %arg8[%dma_start3A_190] : memref<10000xf32, #tpu.memory_space<vmem_shared>> -> memref<520xf32, #tpu.memory_space<vmem_shared>>
        tpu.enqueue_dma source(%dma_start3A_191 : memref<520xf32, #tpu.memory_space<vmem_shared>>) target(%dma_start3A_189 : memref<520xf32, #tpu.memory_space<hbm>>) target_semaphore(%run_scoped3A_187 : memref<!tpu.dma_semaphore, #tpu.memory_space<semaphore_mem>>)
        %dma_wait3A = arith.constant 9480 : i32
        %dma_wait3A_192 = tpu.memref_slice %arg6[%arg0, %run_scoped3A, %dma_wait3A] : memref<2x3x10000xf32, #tpu.memory_space<hbm>> -> memref<1x1x520xf32, #tpu.memory_space<hbm>>
        %dma_wait3A_193 = tpu.memref_squeeze %dma_wait3A_192 : memref<1x1x520xf32, #tpu.memory_space<hbm>> -> memref<520xf32, #tpu.memory_space<hbm>>
        %dma_wait3A_194 = arith.constant 9480 : i32
        %dma_wait3A_195 = tpu.memref_slice %arg8[%dma_wait3A_194] : memref<10000xf32, #tpu.memory_space<vmem_shared>> -> memref<520xf32, #tpu.memory_space<vmem_shared>>
        tpu.wait_dma2 semaphore(%run_scoped3A_187 : memref<!tpu.dma_semaphore, #tpu.memory_space<semaphore_mem>>) src(%dma_wait3A_195 : memref<520xf32, #tpu.memory_space<vmem_shared>>) dst(%dma_wait3A_193 : memref<520xf32, #tpu.memory_space<hbm>>)
        tpu.yield
      }) : () -> ()
      %run_scoped3A_185 = arith.constant 1 : i32
      "tpu.region"() ({
        %run_scoped3A_187 = tpu.sem_alloc : memref<!tpu.dma_semaphore, #tpu.memory_space<semaphore_mem>>
        %dma_start3A = arith.constant 9480 : i32
        %dma_start3A_188 = tpu.memref_slice %arg6[%arg0, %run_scoped3A_185, %dma_start3A] : memref<2x3x10000xf32, #tpu.memory_space<hbm>> -> memref<1x1x520xf32, #tpu.memory_space<hbm>>
        %dma_start3A_189 = tpu.memref_squeeze %dma_start3A_188 : memref<1x1x520xf32, #tpu.memory_space<hbm>> -> memref<520xf32, #tpu.memory_space<hbm>>
        %dma_start3A_190 = arith.constant 9480 : i32
        %dma_start3A_191 = tpu.memref_slice %arg9[%dma_start3A_190] : memref<10000xf32, #tpu.memory_space<vmem_shared>> -> memref<520xf32, #tpu.memory_space<vmem_shared>>
        tpu.enqueue_dma source(%dma_start3A_191 : memref<520xf32, #tpu.memory_space<vmem_shared>>) target(%dma_start3A_189 : memref<520xf32, #tpu.memory_space<hbm>>) target_semaphore(%run_scoped3A_187 : memref<!tpu.dma_semaphore, #tpu.memory_space<semaphore_mem>>)
        %dma_wait3A = arith.constant 9480 : i32
        %dma_wait3A_192 = tpu.memref_slice %arg6[%arg0, %run_scoped3A_185, %dma_wait3A] : memref<2x3x10000xf32, #tpu.memory_space<hbm>> -> memref<1x1x520xf32, #tpu.memory_space<hbm>>
        %dma_wait3A_193 = tpu.memref_squeeze %dma_wait3A_192 : memref<1x1x520xf32, #tpu.memory_space<hbm>> -> memref<520xf32, #tpu.memory_space<hbm>>
        %dma_wait3A_194 = arith.constant 9480 : i32
        %dma_wait3A_195 = tpu.memref_slice %arg9[%dma_wait3A_194] : memref<10000xf32, #tpu.memory_space<vmem_shared>> -> memref<520xf32, #tpu.memory_space<vmem_shared>>
        tpu.wait_dma2 semaphore(%run_scoped3A_187 : memref<!tpu.dma_semaphore, #tpu.memory_space<semaphore_mem>>) src(%dma_wait3A_195 : memref<520xf32, #tpu.memory_space<vmem_shared>>) dst(%dma_wait3A_193 : memref<520xf32, #tpu.memory_space<hbm>>)
        tpu.yield
      }) : () -> ()
      %run_scoped3A_186 = arith.constant 2 : i32
      "tpu.region"() ({
        %run_scoped3A_187 = tpu.sem_alloc : memref<!tpu.dma_semaphore, #tpu.memory_space<semaphore_mem>>
        %dma_start3A = arith.constant 9480 : i32
        %dma_start3A_188 = tpu.memref_slice %arg6[%arg0, %run_scoped3A_186, %dma_start3A] : memref<2x3x10000xf32, #tpu.memory_space<hbm>> -> memref<1x1x520xf32, #tpu.memory_space<hbm>>
        %dma_start3A_189 = tpu.memref_squeeze %dma_start3A_188 : memref<1x1x520xf32, #tpu.memory_space<hbm>> -> memref<520xf32, #tpu.memory_space<hbm>>
        %dma_start3A_190 = arith.constant 9480 : i32
        %dma_start3A_191 = tpu.memref_slice %arg10[%dma_start3A_190] : memref<10000xf32, #tpu.memory_space<vmem_shared>> -> memref<520xf32, #tpu.memory_space<vmem_shared>>
        tpu.enqueue_dma source(%dma_start3A_191 : memref<520xf32, #tpu.memory_space<vmem_shared>>) target(%dma_start3A_189 : memref<520xf32, #tpu.memory_space<hbm>>) target_semaphore(%run_scoped3A_187 : memref<!tpu.dma_semaphore, #tpu.memory_space<semaphore_mem>>)
        %dma_wait3A = arith.constant 9480 : i32
        %dma_wait3A_192 = tpu.memref_slice %arg6[%arg0, %run_scoped3A_186, %dma_wait3A] : memref<2x3x10000xf32, #tpu.memory_space<hbm>> -> memref<1x1x520xf32, #tpu.memory_space<hbm>>
        %dma_wait3A_193 = tpu.memref_squeeze %dma_wait3A_192 : memref<1x1x520xf32, #tpu.memory_space<hbm>> -> memref<520xf32, #tpu.memory_space<hbm>>
        %dma_wait3A_194 = arith.constant 9480 : i32
        %dma_wait3A_195 = tpu.memref_slice %arg10[%dma_wait3A_194] : memref<10000xf32, #tpu.memory_space<vmem_shared>> -> memref<520xf32, #tpu.memory_space<vmem_shared>>
        tpu.wait_dma2 semaphore(%run_scoped3A_187 : memref<!tpu.dma_semaphore, #tpu.memory_space<semaphore_mem>>) src(%dma_wait3A_195 : memref<520xf32, #tpu.memory_space<vmem_shared>>) dst(%dma_wait3A_193 : memref<520xf32, #tpu.memory_space<hbm>>)
        tpu.yield
      }) : () -> ()
    } else {
    }
    return
  }
}

module attributes {stable_mosaic.version = 14 : i64} {
  func.func @_tables_body(%arg0: i32, %arg1: i32, %arg2: memref<1000x128xf32, #tpu.memory_space<vmem>>, %arg3: memref<1000x128xf32, #tpu.memory_space<vmem>>, %arg4: memref<1x128x64xf32, #tpu.memory_space<vmem>>, %arg5: memref<2x1x1000x1xf32, #tpu.memory_space<vmem>>, %arg6: memref<2x1x1000x64xf32, #tpu.memory_space<vmem>>, %arg7: memref<1x1000x1xf32, #tpu.memory_space<vmem>>) attributes {dimension_semantics = [#tpu.dimension_semantics<arbitrary>, #tpu.dimension_semantics<arbitrary>], iteration_bounds = array<i64: 3, 10>, scalar_prefetch = 0 : i64, scratch_operands = 0 : i64, tpu.core_type = #tpu.core_type<tc>, window_params = [{transform_indices = @transform_0, window_bounds = array<i64: 1000, 128>}, {transform_indices = @transform_1, window_bounds = array<i64: 1000, 128>}, {transform_indices = @transform_2, window_bounds = array<i64: 1, 128, 64>}, {transform_indices = @transform_3, window_bounds = array<i64: 2, 1, 1000, 1>}, {transform_indices = @transform_4, window_bounds = array<i64: 2, 1, 1000, 64>}, {transform_indices = @transform_5, window_bounds = array<i64: 1, 1000, 1>}]} {
    %get3A = arith.constant 0 : index
    %get3A_0 = arith.constant 0 : index
    %get3A_1 = arith.constant 0 : index
    %get3A_2 = arith.constant 0 : index
    %get3A_3 = vector.load %arg5[%get3A, %get3A_0, %get3A_1, %get3A_2] : memref<2x1x1000x1xf32, #tpu.memory_space<vmem>>, vector<1x1x1000x1xf32>
    %get3A_4 = vector.shape_cast %get3A_3 : vector<1x1x1000x1xf32> to vector<1000xf32>
    %get3A_5 = arith.constant 1 : index
    %get3A_6 = arith.constant 0 : index
    %get3A_7 = arith.constant 0 : index
    %get3A_8 = arith.constant 0 : index
    %get3A_9 = vector.load %arg5[%get3A_5, %get3A_6, %get3A_7, %get3A_8] : memref<2x1x1000x1xf32, #tpu.memory_space<vmem>>, vector<1x1x1000x1xf32>
    %get3A_10 = vector.shape_cast %get3A_9 : vector<1x1x1000x1xf32> to vector<1000xf32>
    %add3A = arith.addf %get3A_4, %get3A_10 : vector<1000xf32>
    %add3A_11 = arith.constant 1.000000e+00 : f32
    %add3A_12 = vector.broadcast %add3A_11 : f32 to vector<1000xf32>
    %add3A_13 = arith.addf %add3A, %add3A_12 : vector<1000xf32>
    %rsqrt3A = math.rsqrt %add3A_13 : vector<1000xf32>
    %reshape3A = vector.shape_cast %rsqrt3A : vector<1000xf32> to vector<1000x1xf32>
    %get3A_14 = arith.constant 0 : index
    %get3A_15 = arith.constant 0 : index
    %get3A_16 = arith.constant 0 : index
    %get3A_17 = vector.load %arg4[%get3A_14, %get3A_15, %get3A_16] : memref<1x128x64xf32, #tpu.memory_space<vmem>>, vector<1x128x64xf32>
    %get3A_18 = vector.shape_cast %get3A_17 : vector<1x128x64xf32> to vector<128x64xf32>
    %get3A_19 = arith.constant 0 : index
    %get3A_20 = arith.constant 0 : index
    %get3A_21 = vector.load %arg2[%get3A_19, %get3A_20] : memref<1000x128xf32, #tpu.memory_space<vmem>>, vector<1000x128xf32>
    %dot_general3A = arith.constant dense<0.000000e+00> : vector<1000x64xf32>
    %dot_general3A_22 = tpu.matmul %get3A_21, %get3A_18, %dot_general3A {dimension_numbers = #tpu.dot_dimension_numbers<[1], [0], [0], [1], [0, 0, 1, 1], [], []>, precision = #tpu.contract_precision<fp32>, transpose_lhs_hint = false} : vector<1000x128xf32>, vector<128x64xf32>, vector<1000x64xf32> -> vector<1000x64xf32>
    %get3A_23 = arith.constant 0 : index
    %get3A_24 = arith.constant 0 : index
    %get3A_25 = vector.load %arg3[%get3A_23, %get3A_24] : memref<1000x128xf32, #tpu.memory_space<vmem>>, vector<1000x128xf32>
    %dot_general3A_26 = arith.constant dense<0.000000e+00> : vector<1000x64xf32>
    %dot_general3A_27 = tpu.matmul %get3A_25, %get3A_18, %dot_general3A_26 {dimension_numbers = #tpu.dot_dimension_numbers<[1], [0], [0], [1], [0, 0, 1, 1], [], []>, precision = #tpu.contract_precision<fp32>, transpose_lhs_hint = false} : vector<1000x128xf32>, vector<128x64xf32>, vector<1000x64xf32> -> vector<1000x64xf32>
    %mul3A = vector.broadcast %reshape3A : vector<1000x1xf32> to vector<1000x64xf32>
    %mul3A_28 = arith.mulf %mul3A, %dot_general3A_22 : vector<1000x64xf32>
    %swap3A = arith.constant 0 : index
    %swap3A_29 = arith.constant 0 : index
    %swap3A_30 = arith.constant 0 : index
    %swap3A_31 = arith.constant 0 : index
    %swap3A_32 = vector.load %arg6[%swap3A, %swap3A_29, %swap3A_30, %swap3A_31] : memref<2x1x1000x64xf32, #tpu.memory_space<vmem>>, vector<1x1x1000x64xf32>
    %swap3A_33 = vector.shape_cast %swap3A_32 : vector<1x1x1000x64xf32> to vector<1000x64xf32>
    %swap3A_34 = vector.shape_cast %mul3A_28 : vector<1000x64xf32> to vector<1x1x1000x64xf32>
    tpu.vector_store %arg6[%swap3A, %swap3A_29, %swap3A_30, %swap3A_31], %swap3A_34 {strides = array<i32>} : memref<2x1x1000x64xf32, #tpu.memory_space<vmem>>, vector<1x1x1000x64xf32>,
    %mul3A_35 = vector.broadcast %reshape3A : vector<1000x1xf32> to vector<1000x64xf32>
    %mul3A_36 = arith.mulf %mul3A_35, %dot_general3A_27 : vector<1000x64xf32>
    %swap3A_37 = arith.constant 1 : index
    %swap3A_38 = arith.constant 0 : index
    %swap3A_39 = arith.constant 0 : index
    %swap3A_40 = arith.constant 0 : index
    %swap3A_41 = vector.load %arg6[%swap3A_37, %swap3A_38, %swap3A_39, %swap3A_40] : memref<2x1x1000x64xf32, #tpu.memory_space<vmem>>, vector<1x1x1000x64xf32>
    %swap3A_42 = vector.shape_cast %swap3A_41 : vector<1x1x1000x64xf32> to vector<1000x64xf32>
    %swap3A_43 = vector.shape_cast %mul3A_36 : vector<1000x64xf32> to vector<1x1x1000x64xf32>
    tpu.vector_store %arg6[%swap3A_37, %swap3A_38, %swap3A_39, %swap3A_40], %swap3A_43 {strides = array<i32>} : memref<2x1x1000x64xf32, #tpu.memory_space<vmem>>, vector<1x1x1000x64xf32>,
    %swap3A_44 = arith.constant 0 : index
    %swap3A_45 = arith.constant 0 : index
    %swap3A_46 = arith.constant 0 : index
    %swap3A_47 = vector.load %arg7[%swap3A_44, %swap3A_45, %swap3A_46] : memref<1x1000x1xf32, #tpu.memory_space<vmem>>, vector<1x1000x1xf32>
    %swap3A_48 = vector.shape_cast %swap3A_47 : vector<1x1000x1xf32> to vector<1000x1xf32>
    %swap3A_49 = vector.shape_cast %reshape3A : vector<1000x1xf32> to vector<1x1000x1xf32>
    tpu.vector_store %arg7[%swap3A_44, %swap3A_45, %swap3A_46], %swap3A_49 {strides = array<i32>} : memref<1x1000x1xf32, #tpu.memory_space<vmem>>, vector<1x1000x1xf32>,
    return
  }
  func.func @transform_0(%arg0: i32, %arg1: i32) -> (i32, i32) {
    %c0_i32 = arith.constant 0 : i32
    %c0_i32_0 = arith.constant 0 : i32
    return %arg1, %c0_i32 : i32, i32
  }
  func.func @transform_1(%arg0: i32, %arg1: i32) -> (i32, i32) {
    %c0_i32 = arith.constant 0 : i32
    %c0_i32_0 = arith.constant 0 : i32
    return %arg1, %c0_i32 : i32, i32
  }
  func.func @transform_2(%arg0: i32, %arg1: i32) -> (i32, i32, i32) {
    %c0_i32 = arith.constant 0 : i32
    %c0_i32_0 = arith.constant 0 : i32
    %c0_i32_1 = arith.constant 0 : i32
    return %arg0, %c0_i32, %c0_i32_0 : i32, i32, i32
  }
  func.func @transform_3(%arg0: i32, %arg1: i32) -> (i32, i32, i32, i32) {
    %c0_i32 = arith.constant 0 : i32
    %c0_i32_0 = arith.constant 0 : i32
    %c0_i32_1 = arith.constant 0 : i32
    return %c0_i32, %arg0, %arg1, %c0_i32_0 : i32, i32, i32, i32
  }
  func.func @transform_4(%arg0: i32, %arg1: i32) -> (i32, i32, i32, i32) {
    %c0_i32 = arith.constant 0 : i32
    %c0_i32_0 = arith.constant 0 : i32
    %c0_i32_1 = arith.constant 0 : i32
    return %c0_i32, %arg0, %arg1, %c0_i32_0 : i32, i32, i32, i32
  }
  func.func @transform_5(%arg0: i32, %arg1: i32) -> (i32, i32, i32) {
    %c0_i32 = arith.constant 0 : i32
    %c0_i32_0 = arith.constant 0 : i32
    return %arg0, %arg1, %c0_i32 : i32, i32, i32
  }
}

module attributes {stable_mosaic.version = 14 : i64} {
  func.func @_final_body(%arg0: i32, %arg1: i32, %arg2: memref<2x1x1000x64xf32, #tpu.memory_space<vmem>>, %arg3: memref<2x1x1000x64xf32, #tpu.memory_space<vmem>>, %arg4: memref<1x1000x1xf32, #tpu.memory_space<vmem>>, %arg5: memref<1x1x64xf32, #tpu.memory_space<vmem>>, %arg6: memref<1x1000x64xf32, #tpu.memory_space<vmem>>, %arg7: memref<1x1000x64xf32, #tpu.memory_space<vmem>>, %arg8: memref<1x1x64xf32, #tpu.memory_space<vmem>>) attributes {dimension_semantics = [#tpu.dimension_semantics<arbitrary>, #tpu.dimension_semantics<arbitrary>], iteration_bounds = array<i64: 3, 10>, scalar_prefetch = 0 : i64, scratch_operands = 0 : i64, tpu.core_type = #tpu.core_type<tc>, window_params = [{transform_indices = @transform_0, window_bounds = array<i64: 2, 1, 1000, 64>}, {transform_indices = @transform_1, window_bounds = array<i64: 2, 1, 1000, 64>}, {transform_indices = @transform_2, window_bounds = array<i64: 1, 1000, 1>}, {transform_indices = @transform_3, window_bounds = array<i64: 1, 1, 64>}, {transform_indices = @transform_4, window_bounds = array<i64: 1, 1000, 64>}, {transform_indices = @transform_5, window_bounds = array<i64: 1, 1000, 64>}, {transform_indices = @transform_6, window_bounds = array<i64: 1, 1, 64>}]} {
    %get3A = arith.constant 0 : index
    %get3A_0 = arith.constant 0 : index
    %get3A_1 = arith.constant 0 : index
    %get3A_2 = vector.load %arg4[%get3A, %get3A_0, %get3A_1] : memref<1x1000x1xf32, #tpu.memory_space<vmem>>, vector<1x1000x1xf32>
    %get3A_3 = vector.shape_cast %get3A_2 : vector<1x1000x1xf32> to vector<1000x1xf32>
    %get3A_4 = arith.constant 0 : index
    %get3A_5 = arith.constant 0 : index
    %get3A_6 = arith.constant 0 : index
    %get3A_7 = vector.load %arg5[%get3A_4, %get3A_5, %get3A_6] : memref<1x1x64xf32, #tpu.memory_space<vmem>>, vector<1x1x64xf32>
    %get3A_8 = vector.shape_cast %get3A_7 : vector<1x1x64xf32> to vector<64xf32>
    %get3A_9 = arith.constant 0 : index
    %get3A_10 = arith.constant 0 : index
    %get3A_11 = arith.constant 0 : index
    %get3A_12 = arith.constant 0 : index
    %get3A_13 = vector.load %arg2[%get3A_9, %get3A_10, %get3A_11, %get3A_12] : memref<2x1x1000x64xf32, #tpu.memory_space<vmem>>, vector<1x1x1000x64xf32>
    %get3A_14 = vector.shape_cast %get3A_13 : vector<1x1x1000x64xf32> to vector<1000x64xf32>
    %get3A_15 = arith.constant 0 : index
    %get3A_16 = arith.constant 0 : index
    %get3A_17 = arith.constant 0 : index
    %get3A_18 = arith.constant 0 : index
    %get3A_19 = vector.load %arg3[%get3A_15, %get3A_16, %get3A_17, %get3A_18] : memref<2x1x1000x64xf32, #tpu.memory_space<vmem>>, vector<1x1x1000x64xf32>
    %get3A_20 = vector.shape_cast %get3A_19 : vector<1x1x1000x64xf32> to vector<1000x64xf32>
    %add3A = arith.addf %get3A_14, %get3A_20 : vector<1000x64xf32>
    %mul3A = vector.broadcast %get3A_3 : vector<1000x1xf32> to vector<1000x64xf32>
    %mul3A_21 = arith.mulf %mul3A, %add3A : vector<1000x64xf32>
    %broadcast_in_dim3A = vector.shape_cast %get3A_8 : vector<64xf32> to vector<1x64xf32>
    %add3A_22 = vector.broadcast %broadcast_in_dim3A : vector<1x64xf32> to vector<1000x64xf32>
    %add3A_23 = arith.addf %mul3A_21, %add3A_22 : vector<1000x64xf32>
    %max3A = arith.constant 0.000000e+00 : f32
    %max3A_24 = vector.broadcast %max3A : f32 to vector<1000x64xf32>
    %max3A_25 = arith.maximumf %add3A_23, %max3A_24 : vector<1000x64xf32>
    %get3A_26 = arith.constant 1 : index
    %get3A_27 = arith.constant 0 : index
    %get3A_28 = arith.constant 0 : index
    %get3A_29 = arith.constant 0 : index
    %get3A_30 = vector.load %arg2[%get3A_26, %get3A_27, %get3A_28, %get3A_29] : memref<2x1x1000x64xf32, #tpu.memory_space<vmem>>, vector<1x1x1000x64xf32>
    %get3A_31 = vector.shape_cast %get3A_30 : vector<1x1x1000x64xf32> to vector<1000x64xf32>
    %get3A_32 = arith.constant 1 : index
    %get3A_33 = arith.constant 0 : index
    %get3A_34 = arith.constant 0 : index
    %get3A_35 = arith.constant 0 : index
    %get3A_36 = vector.load %arg3[%get3A_32, %get3A_33, %get3A_34, %get3A_35] : memref<2x1x1000x64xf32, #tpu.memory_space<vmem>>, vector<1x1x1000x64xf32>
    %get3A_37 = vector.shape_cast %get3A_36 : vector<1x1x1000x64xf32> to vector<1000x64xf32>
    %add3A_38 = arith.addf %get3A_31, %get3A_37 : vector<1000x64xf32>
    %mul3A_39 = vector.broadcast %get3A_3 : vector<1000x1xf32> to vector<1000x64xf32>
    %mul3A_40 = arith.mulf %mul3A_39, %add3A_38 : vector<1000x64xf32>
    %broadcast_in_dim3A_41 = vector.shape_cast %get3A_8 : vector<64xf32> to vector<1x64xf32>
    %add3A_42 = vector.broadcast %broadcast_in_dim3A_41 : vector<1x64xf32> to vector<1000x64xf32>
    %add3A_43 = arith.addf %mul3A_40, %add3A_42 : vector<1000x64xf32>
    %max3A_44 = arith.constant 0.000000e+00 : f32
    %max3A_45 = vector.broadcast %max3A_44 : f32 to vector<1000x64xf32>
    %max3A_46 = arith.maximumf %add3A_43, %max3A_45 : vector<1000x64xf32>
    %swap3A = arith.constant 0 : index
    %swap3A_47 = arith.constant 0 : index
    %swap3A_48 = arith.constant 0 : index
    %swap3A_49 = vector.load %arg6[%swap3A, %swap3A_47, %swap3A_48] : memref<1x1000x64xf32, #tpu.memory_space<vmem>>, vector<1x1000x64xf32>
    %swap3A_50 = vector.shape_cast %swap3A_49 : vector<1x1000x64xf32> to vector<1000x64xf32>
    %swap3A_51 = vector.shape_cast %max3A_25 : vector<1000x64xf32> to vector<1x1000x64xf32>
    tpu.vector_store %arg6[%swap3A, %swap3A_47, %swap3A_48], %swap3A_51 {strides = array<i32>} : memref<1x1000x64xf32, #tpu.memory_space<vmem>>, vector<1x1000x64xf32>,
    %swap3A_52 = arith.constant 0 : index
    %swap3A_53 = arith.constant 0 : index
    %swap3A_54 = arith.constant 0 : index
    %swap3A_55 = vector.load %arg7[%swap3A_52, %swap3A_53, %swap3A_54] : memref<1x1000x64xf32, #tpu.memory_space<vmem>>, vector<1x1000x64xf32>
    %swap3A_56 = vector.shape_cast %swap3A_55 : vector<1x1000x64xf32> to vector<1000x64xf32>
    %swap3A_57 = vector.shape_cast %max3A_46 : vector<1000x64xf32> to vector<1x1000x64xf32>
    tpu.vector_store %arg7[%swap3A_52, %swap3A_53, %swap3A_54], %swap3A_57 {strides = array<i32>} : memref<1x1000x64xf32, #tpu.memory_space<vmem>>, vector<1x1000x64xf32>,
    %reduce_sum3A = arith.constant dense<0.000000e+00> : vector<64xf32>
    %reduce_sum3A_58 = vector.multi_reduction <add>, %max3A_25, %reduce_sum3A [0] : vector<1000x64xf32> to vector<64xf32>
    %mul3A_59 = arith.constant 9.99999974E-5 : f32
    %mul3A_60 = vector.broadcast %mul3A_59 : f32 to vector<64xf32>
    %mul3A_61 = arith.mulf %reduce_sum3A_58, %mul3A_60 : vector<64xf32>
    %reshape3A = vector.shape_cast %mul3A_61 : vector<64xf32> to vector<1x1x64xf32>
    %eq3A = arith.constant 0 : i32
    %eq3A_62 = arith.cmpi eq, %arg1, %eq3A : i32
    %convert_element_type3A = arith.extui %eq3A_62 : i1 to i32
    %cond3A = arith.constant 0 : i32
    %cond3A_63 = arith.cmpi ne, %convert_element_type3A, %cond3A : i32
    scf.if %cond3A_63 {
      %swap3A_68 = arith.constant 0 : index
      %swap3A_69 = arith.constant 0 : index
      %swap3A_70 = arith.constant 0 : index
      %swap3A_71 = vector.load %arg8[%swap3A_68, %swap3A_69, %swap3A_70] : memref<1x1x64xf32, #tpu.memory_space<vmem>>, vector<1x1x64xf32>
      tpu.vector_store %arg8[%swap3A_68, %swap3A_69, %swap3A_70], %reshape3A {strides = array<i32>} : memref<1x1x64xf32, #tpu.memory_space<vmem>>, vector<1x1x64xf32>,
    } else {
    }
    %gt3A = arith.constant 0 : i32
    %gt3A_64 = arith.cmpi sgt, %arg1, %gt3A : i32
    %convert_element_type3A_65 = arith.extui %gt3A_64 : i1 to i32
    %cond3A_66 = arith.constant 0 : i32
    %cond3A_67 = arith.cmpi ne, %convert_element_type3A_65, %cond3A_66 : i32
    scf.if %cond3A_67 {
      %get3A_68 = arith.constant 0 : index
      %get3A_69 = arith.constant 0 : index
      %get3A_70 = arith.constant 0 : index
      %get3A_71 = vector.load %arg8[%get3A_68, %get3A_69, %get3A_70] : memref<1x1x64xf32, #tpu.memory_space<vmem>>, vector<1x1x64xf32>
      %add3A_72 = arith.addf %get3A_71, %reshape3A : vector<1x1x64xf32>
      %swap3A_73 = arith.constant 0 : index
      %swap3A_74 = arith.constant 0 : index
      %swap3A_75 = arith.constant 0 : index
      %swap3A_76 = vector.load %arg8[%swap3A_73, %swap3A_74, %swap3A_75] : memref<1x1x64xf32, #tpu.memory_space<vmem>>, vector<1x1x64xf32>
      tpu.vector_store %arg8[%swap3A_73, %swap3A_74, %swap3A_75], %add3A_72 {strides = array<i32>} : memref<1x1x64xf32, #tpu.memory_space<vmem>>, vector<1x1x64xf32>,
    } else {
    }
    return
  }
  func.func @transform_0(%arg0: i32, %arg1: i32) -> (i32, i32, i32, i32) {
    %c0_i32 = arith.constant 0 : i32
    %c0_i32_0 = arith.constant 0 : i32
    %c0_i32_1 = arith.constant 0 : i32
    return %c0_i32, %arg0, %arg1, %c0_i32_0 : i32, i32, i32, i32
  }
  func.func @transform_1(%arg0: i32, %arg1: i32) -> (i32, i32, i32, i32) {
    %c0_i32 = arith.constant 0 : i32
    %c0_i32_0 = arith.constant 0 : i32
    %c0_i32_1 = arith.constant 0 : i32
    return %c0_i32, %arg0, %arg1, %c0_i32_0 : i32, i32, i32, i32
  }
  func.func @transform_2(%arg0: i32, %arg1: i32) -> (i32, i32, i32) {
    %c0_i32 = arith.constant 0 : i32
    %c0_i32_0 = arith.constant 0 : i32
    return %arg0, %arg1, %c0_i32 : i32, i32, i32
  }
  func.func @transform_3(%arg0: i32, %arg1: i32) -> (i32, i32, i32) {
    %c0_i32 = arith.constant 0 : i32
    %c0_i32_0 = arith.constant 0 : i32
    %c0_i32_1 = arith.constant 0 : i32
    return %arg0, %c0_i32, %c0_i32_0 : i32, i32, i32
  }
  func.func @transform_4(%arg0: i32, %arg1: i32) -> (i32, i32, i32) {
    %c0_i32 = arith.constant 0 : i32
    %c0_i32_0 = arith.constant 0 : i32
    return %arg0, %arg1, %c0_i32 : i32, i32, i32
  }
  func.func @transform_5(%arg0: i32, %arg1: i32) -> (i32, i32, i32) {
    %c0_i32 = arith.constant 0 : i32
    %c0_i32_0 = arith.constant 0 : i32
    return %arg0, %arg1, %c0_i32 : i32, i32, i32
  }
  func.func @transform_6(%arg0: i32, %arg1: i32) -> (i32, i32, i32) {
    %c0_i32 = arith.constant 0 : i32
    %c0_i32_0 = arith.constant 0 : i32
    %c0_i32_1 = arith.constant 0 : i32
    return %arg0, %c0_i32, %c0_i32_0 : i32, i32, i32
  }
}

</mosaic_0001>

<sc_bundles>
// kernel: kernel.6.cloned.1.call-start
scs
__scs_entry_jumppad:
0x0: {  	(pc) =	sbr.rel $0x88, $3  }
0x1: {  	(tag) =	ssettag $0x0;
	lr =	simm.s32 $0x1  }
0x2: {  	[smem:$0x3F9D] =	sst lr;
	_ =	strace $0xD0000000  }
0x3: {  	_ = 	snop  }
0x4: {  	_ = 	snop  }
0x5: {  	_ = 	snop  }
0x6: {  	_ = 	snop  }
0x7: {  	_ = 	snop  }
__scs_overlays_trampoline_lowered:
0x8: {  	[smem:$0x3FAC] =	sst s0  }
0x9: {  	[smem:$0x3FAD] =	sst s1  }
0xa: {  	[smem:$0x3FAE] =	sst s2  }
0xb: {  	[smem:$0x3FAF] =	sst s3  }
0xc: {  	[smem:$0x3FB0] =	sst s4  }
0xd: {  	[smem:$0x3FB1] =	sst s5  }
0xe: {  	[smem:$0x3FB2] =	sst s6  }
0xf: {  	[smem:$0x3FB3] =	sst s7  }
0x10: {  	[smem:$0x3FB4] =	sst s8  }
0x11: {  	[smem:$0x3FB5] =	sst s9;
	s0 =	simm.s32 @!p0 $0x0  }
0x12: {  	s1 =	sld [smem:$0x3F9B];
	s0 =	simm.s32 @p0 $0x1  }
0x13: {  	[smem:$0x3FB6] =	sst s0;
	s0 =	simm.s32 @!p1 $0x0  }
0x14: {  	s2 =	sld [smem:$0x3F9A];
	s0 =	simm.s32 @p1 $0x1  }
0x15: {  	[smem:$0x3FB7] =	sst s0;
	s0 =	simm.s32 @!p2 $0x0  }
0x16: {  	s3 =	sld [smem:$0x3FDB];
	s0 =	simm.s32 @p2 $0x1  }
0x17: {  	s4 =	simm.s32 $0x1BF5;
	[smem:$0x3FB9] =	sst s0  }
0x18: {  	s0 =	sld [smem:$0x3F9C];
	_ =	swait.ge [sflag:s4], $0x0  }
0x19: {  	s7 =	sld [smem:$0x3F9D]  }
0x1a: {  	s8 =	sadd.s32 $0xFFFFE003, lr  }
0x1b: {  	s9 =	sadd.s32 $0xFFFFFEF7, lr;
	s5 =	simm.s32 $0xFFFFFFFF;
	p2 =	slt.u32 s8, $0xFFFFF086  }
0x1c: {  	p1 =	slt.u32 s9, $0xF7A;
	s5 =	simm.s32 @!p2 $0x0  }
0x1d: {  	s5 =	simm.s32 @p1 $0x1;
	p0 =	seq.s32 s7, s2  }
0x1e: {  	s7 =	smul.u32 @!p0 $0xF7A, s2;
	p2 =	seq.s32 @!p0 s5, $0x0  }
0x1f: {  	s9 =	smul.u32 $0xF7A, s1;
	s8 =	simm.s32 @!p0 $0x1BF5;
	p2 =	por !p2, p0  }
0x20: {  	[sflag:s8] =	ssyncset.s32 @!p0 $0xFFFFF086;
	s6 =	sadd.s32 @!p0 s3, s7;
	s7 =	simm.s32 @!p0 $0x108  }
0x21: {  	s3 =	sadd.s32 s3, s9;
	s6 =	sadd.s32 @!p0 $0x88, s6;
	s7 =	simm.s32 @p2 $0x1082  }
0x22: {  	[simem:s7], [sflag:s8] =	dma.local @!p0 [hbm:s6], $0xF7A  }
0x23: {  	s9 =	sor.u32 $0xD0000000, s2;
	s6 =	simm.s32 $0x108;
	_ =	swait.ge @!p0 [sflag:s8], $0x0  }
0x24: {  	s3 =	sadd.s32 $0x88, s3;
	s6 =	simm.s32 @!p1 $0x1082;
	[sflag:s4] =	ssyncset.s32 $0xFFFFF086  }
0x25: {  	[simem:s6], [sflag:s4] =	dma.local [hbm:s3], $0xF7A  }
0x26: {  	[smem:$0x3F9D] =	sst s1;
	(tag) =	ssettag s2;
	_ =	strace s9  }
0x27: {  	s1 =	sld [smem:$0x3FAD]  }
0x28: {  	s2 =	sld [smem:$0x3FAE]  }
0x29: {  	s4 =	sld [smem:$0x3FB0]  }
0x2a: {  	p0 =	seq.s32 s5, $0x0;
	s5 =	sld [smem:$0x3FB1]  }
0x2b: {  	s6 =	sld [smem:$0x3FB2]  }
0x2c: {  	s7 =	sld [smem:$0x3FB3]  }
0x2d: {  	s3 =	simm.s32 $0x108;
	s8 =	sld [smem:$0x3FB4]  }
0x2e: {  	s3 =	simm.s32 @!p0 $0x1082;
	s9 =	sld [smem:$0x3FB5]  }
0x2f: {  	lr =	sadd.s32 s0, s3;
	s0 =	sld [smem:$0x3FAC]  }
0x30: {  	s3 =	sld [smem:$0x3FAF]  }
0x31: {  	[smem:$0x3FB8] =	sst s10  }
0x32: {  	s10 =	sld [smem:$0x3FB6];
	_ =	sdelay $0x3  }
0x33: {  	p0 =	seq.s32 s10, $0x1;
	s10 =	sld [smem:$0x3FB8];
	_ =	sdelay $0x3  }
0x34: {  	[smem:$0x3FB8] =	sst s10  }
0x35: {  	s10 =	sld [smem:$0x3FB7];
	_ =	sdelay $0x3  }
0x36: {  	p1 =	seq.s32 s10, $0x1;
	s10 =	sld [smem:$0x3FB8];
	_ =	sdelay $0x3  }
0x37: {  	[smem:$0x3FB8] =	sst s10  }
0x38: {  	s10 =	sld [smem:$0x3FB9]  }
0x39: {  	_ = 	snop;
	(pc) =	sbr.ind lr, $3  }
0x3a: {  	_ = 	snop  }
0x3b: {  	_ = 	snop  }
0x3c: {  	p2 =	seq.s32 s10, $0x1;
	s10 =	sld [smem:$0x3FB8]  }
0x3d: {  	_ =	shalt  }
0x3e: {  	_ =	shalt  }
0x3f: {  	_ =	shalt  }
0x40: {  	_ =	shalt  }
0x41: {  	_ =	shalt  }
0x42: {  	_ =	shalt  }
0x43: {  	_ =	shalt  }
0x44: {  	_ =	shalt  }
0x45: {  	_ =	shalt  }
0x46: {  	_ =	shalt  }
0x47: {  	_ =	shalt  }
0x48: {  	_ =	shalt  }
0x49: {  	_ =	shalt  }
0x4a: {  	_ =	shalt  }
0x4b: {  	_ =	shalt  }
0x4c: {  	_ =	shalt  }
0x4d: {  	_ =	shalt  }
0x4e: {  	_ =	shalt  }
0x4f: {  	_ =	shalt  }
0x50: {  	_ =	shalt  }
0x51: {  	_ =	shalt  }
0x52: {  	_ =	shalt  }
0x53: {  	_ =	shalt  }
0x54: {  	_ =	shalt  }
0x55: {  	_ =	shalt  }
0x56: {  	_ =	shalt  }
0x57: {  	_ =	shalt  }
0x58: {  	_ =	shalt  }
0x59: {  	_ =	shalt  }
0x5a: {  	_ =	shalt  }
0x5b: {  	_ =	shalt  }
0x5c: {  	_ =	shalt  }
0x5d: {  	_ =	shalt  }
0x5e: {  	_ =	shalt  }
0x5f: {  	_ =	shalt  }
0x60: {  	_ =	shalt  }
0x61: {  	_ =	shalt  }
0x62: {  	_ =	shalt  }
0x63: {  	_ =	shalt  }
0x64: {  	_ =	shalt  }
0x65: {  	_ =	shalt  }
0x66: {  	_ =	shalt  }
0x67: {  	_ =	shalt  }
0x68: {  	_ =	shalt  }
0x69: {  	_ =	shalt  }
0x6a: {  	_ =	shalt  }
0x6b: {  	_ =	shalt  }
0x6c: {  	_ =	shalt  }
0x6d: {  	_ =	shalt  }
0x6e: {  	_ =	shalt  }
0x6f: {  	_ =	shalt  }
0x70: {  	_ =	shalt  }
0x71: {  	_ =	shalt  }
0x72: {  	_ =	shalt  }
0x73: {  	_ =	shalt  }
0x74: {  	_ =	shalt  }
0x75: {  	_ =	shalt  }
0x76: {  	_ =	shalt  }
0x77: {  	_ =	shalt  }
0x78: {  	_ =	shalt  }
0x79: {  	_ =	shalt  }
0x7a: {  	_ =	shalt  }
0x7b: {  	_ =	shalt  }
0x7c: {  	_ =	shalt  }
0x7d: {  	_ =	shalt  }
0x7e: {  	_ =	shalt  }
0x7f: {  	_ =	shalt  }
0x80: {  	_ =	shalt  }
0x81: {  	_ =	shalt  }
0x82: {  	_ =	shalt  }
0x83: {  	_ =	shalt  }
0x84: {  	_ =	shalt  }
0x85: {  	_ =	shalt  }
0x86: {  	_ =	shalt  }
0x87: {  	_ =	shalt  }
.Lfunc_end0:
.L_simem_size_0:
called_computation_lowered:
.L_overlay_start_0:
0x88: {  	s2 =	sld [smem:$0x3FD9]  }
0x89: {  	s3 =	sld [smem:$0x3FFE];
	_ =	sdelay $0x1  }
0x8a: {  	s1 =	srdreg.scid  }
0x8b: {  	s0 =	sand.u32 $0x1, s1  }
0x8c: {  	s14 =	sshll.u32 s0, $0xA;
	s2 =	sadd.s32 s3, s2  }
0x8d: {  	s2 =	sadd.s32 s2, s14  }
0x8e: {  	[smem:$0x3FC4] =	sst s2  }
0x8f: {  	_ = 	snop  }
0x90: {  	s2 =	sld [smem:$0x3FD0];
	_ =	sdelay $0x2  }
0x91: {  	s4 =	simm.s32 $0xA;
	s5 =	simm.s32 $0x10;
	s15 =	sld [smem:$0x3FC9]  }
0x92: {  	[smem:s5], [sflag:s4] =	dma.local [hbm:s2], $0x1  }
0x93: {  	_ =	swait.eq [sflag:s4], $0x1  }
0x94: {  	[sflag:s4] =	ssyncset.done $0x0  }
0x95: {  	[sflag:s4] =	ssyncadd.s32 $0xFFFFFFFF  }
0x96: {  	s16 =	sld [smem:$0x11];
	(tm) =	ssettm $0x1  }
0x97: {  	s17 =	sld [smem:$0x3FFB];
	_ =	sdelay $0x3  }
0x98: {  	_ =	strace s17  }
0x99: {  	s4 =	sld [smem:$0x3FFC];
	_ =	sdelay $0x3  }
0x9a: {  	_ =	strace s4  }
0x9b: {  	s4 =	sld [smem:$0x3FFD];
	_ =	sdelay $0x3  }
0x9c: {  	_ =	strace s4  }
0x9d: {  	_ =	strace $0x8FFFFFFF  }
0x9e: {  	s18 =	sld [smem:$0x3FDB];
	_ =	sdelay $0x1  }
0x9f: {  	s19 =	simm.s32 $_scs_section_size  }
0xa0: {  	s6 =	simm.s32 $_size__tile_overlayer_lowered;
	s7 =	simm.s32 $_tile_overlayer_lowered  }
0xa1: {  	s22 =	simm.s32 $0x1BFF;
	s21 =	sshll.u32 s7, $0x1;
	s4 =	sadd.s32 s19, s18  }
0xa2: {  	s8 =	simm.s32 $0x0;
	s20 =	sshll.u32 s6, $0x1;
	s6 =	sadd.s32 s21, s4  }
0xa3: {  	[timem:s8], [sflag:s22] =	dma.local [hbm:s6], s20  }
0xa4: {  	_ =	swait.ge [sflag:s22], s20  }
0xa5: {  	s5 =	ssub.s32 $0x0, s20;
	[sflag:s22] =	ssyncset.done $0x0  }
0xa6: {  	[sflag:s22] =	ssyncadd.s32 s5;
	_ =	sdelay $0x1  }
0xa7: {  	s23 =	simm.s32 $0x1B8B  }
0xa8: {  	_ =	swait.ge [sflag:s23], $0x1  }
0xa9: {  	[sflag:s23] =	ssyncset.done $0x0  }
0xaa: {  	s25 =	simm.s32 $0x1B8E;
	s24 =	sld [smem:$0x3FFE];
	[sflag:s23] =	ssyncadd.s32 $0xFFFFFFFF  }
0xab: {  	s26 =	simm.s32 $execute0_lowered;
	[smem:$0x3FD2] =	sst s25  }
0xac: {  	s6 =	sshll.u32 s26, $0x1;
	_ =	strace $0x80000046;
	[dreg:$0x1] =	wrdreg $0xFFFFFFFF  }
0xad: {  	s28 =	simm.s32 $_size_execute0_lowered;
	s4 =	sadd.s32 s4, s6;
	[dreg:$0x0] =	wrdreg $0x0  }
0xae: {  	s6 =	sshll.u32 s28, $0x1;
	[dreg:$0x2] =	wrdreg s4  }
0xaf: {  	[dreg:$0x3] =	wrdreg s6  }
0xb0: {  	[dreg:$0x4] =	wrdreg $0xC0  }
0xb1: {  	_ =	task [dreg:s8], $0x5FFFF  }
0xb2: {  	[dreg:$0x1] =	wrdreg $0xFFFFFFFF  }
0xb3: {  	[dreg:$0x0] =	wrdreg $0x60  }
0xb4: {  	[dreg:$0x2] =	wrdreg s24  }
0xb5: {  	[dreg:$0x3] =	wrdreg s15  }
0xb6: {  	[dreg:$0x4] =	wrdreg s16  }
0xb7: {  	[dreg:$0x5] =	wrdreg $0x0  }
0xb8: {  	[dreg:$0x6] =	wrdreg $0x2780  }
0xb9: {  	[dreg:$0x7] =	wrdreg $0x4F00  }
0xba: {  	[dreg:$0x8] =	wrdreg $0x9  }
0xbb: {  	_ =	task.clear_ibuf [dreg:s8], $0x9FFFF;
	_ =	strace $0x90000046  }
0xbc: {  	s29 =	simm.s32 $0x9;
	_ =	strace $0x80000048  }
0xbd: {  	_ =	swait.ge [sflag:s29], $0x1  }
0xbe: {  	[sflag:s29] =	ssyncadd.s32 $0xFFFFFFFF  }
0xbf: {  	_ =	strace $0x90000048  }
0xc0: {  	_ =	sfence  }
0xc1: {  	s30 =	sld [smem:$0x0];
	_ =	sdelay $0x2  }
0xc2: {  	s31 =	sshll.u32 s1, $0xD;
	s1 =	sshrl.u32 s1, $0x2  }
0xc3: {  	s3 =	sand.u32 $0x4000, s31;
	s1 =	sadd.s32 s1, s30  }
0xc4: {  	s0 =	sor.u32 s3, s0;
	s1 =	sshll.u32 s1, $0x11  }
0xc5: {  	s0 =	sor.u32 s1, s0  }
0xc6: {  	s0 =	sadd.s32 $0x8F2B, s0  }
0xc7: {  	[sflag:s0] =	ssyncadd.remote.s32 $0x1  }
0xc8: {  	_ =	sfence.sel $0xFFFF  }
0xc9: {  	[dreg:$0x0] =	wrdreg $0xFFFFFFFF;
	(pc) =	sbr.abs _section_cstart, $3  }
0xca: {  	[dreg:$0x1] =	wrdreg $0xFFFFFFFF  }
0xcb: {  	_ =	task.clear_ibuf [dreg:s8], $0x2FFFF;
	_ =	strace $0x9FFFFFFF  }
0xcc: {  	(tm) =	ssettm $0x7FFFFFFF  }
0xcd: {  	_ =	shalt  }
tec
execute0_lowered:
.L_overlay_start_1:
0x0: {  	(tag) =	ssettag $0x1  }
0x1: {  	s0 =	srdreg.scid;
	s4 =	rddreg [dreg:$0x2]  }
0x2: {  	s1 =	stileid.u32;
	s28 =	rddreg [dreg:$0x3]  }
0x3: {  	s31 =	rddreg [dreg:$0x4];
	s5 =	sand.u32 $0x1, s0;
	s8 =	smul.u32 $0x2710, s1  }
0x4: {  	s0 =	sshll.u32 s5, $0x4;
	s9 =	ssub.s32 $0x2, s5;
	[dreg:$0x7] =	wrdreg s5  }
0x5: {  	s7 =	smul.u32 $0x7530, s5;
	s2 =	sor.u32 s1, s0;
	s0 =	rddreg [dreg:$0x0]  }
0x6: {  	s30 =	sshrl.u32 s9, $0x1;
	s4 =	sadd.s32 s4, s8;
	s3 =	smul.u32 $0x2710, s2  }
0x7: {  	s2 =	simm.s32 $0x0;
	s6 =	sadd.s32 $0x1EC00, s0;
	[dreg:$0x8] =	wrdreg s4  }
0x8: {  	s10 =	sshrl.u32 s7, $0x3;
	s11 =	sadd.s32 $0x278, s7;
	s12 =	sadd.s32 $0x2988, s7  }
0x9: {  	s15 =	sadd.s32 $0x768, s7;
	s16 =	sadd.s32 $0x2E78, s7;
	s17 =	sadd.s32 $0x5588, s7  }
0xa: {  	s20 =	sadd.s32 $0xC58, s7;
	s21 =	sadd.s32 $0x3368, s7;
	s22 =	sadd.s32 $0x5A78, s7  }
0xb: {  	s25 =	sadd.s32 $0x1148, s7;
	s26 =	sadd.s32 $0x3858, s7;
	s29 =	sadd.s32 $0x5F68, s7  }
0xc: {  	[smem:$0x7FF] =	sst s2;
	s4 =	sadd.s32 s6, s10;
	s8 =	sshrl.u32 s11, $0x3  }
0xd: {  	s10 =	sadd.s32 $0x5098, s7;
	s19 =	sshrl.u32 s17, $0x3;
	s24 =	sshrl.u32 s22, $0x3  }
0xe: {  	s11 =	sadd.s32 $0x3D48, s7;
	s17 =	sadd.s32 $0x6948, s7;
	s22 =	sadd.s32 $0x6E38, s7  }
0xf: {  	s5 =	sshrl.u32 s3, $0x3;
	s3 =	ssub.s32 s9, s30;
	s9 =	sshrl.u32 s12, $0x3  }
0x10: {  	s8 =	sadd.s32 s6, s8;
	s14 =	sshrl.u32 s10, $0x3;
	s10 =	sadd.s32 $0x1638, s7  }
0x11: {  	s12 =	sadd.s32 $0x6458, s7;
	[dreg:$0x9] =	wrdreg s8;
	s13 =	sadd.s32 s6, s9  }
0x12: {  	s8 =	sadd.s32 s6, s14;
	s9 =	sshrl.u32 s16, $0x3;
	[dreg:$0xa] =	wrdreg s13  }
0x13: {  	s14 =	sshrl.u32 s12, $0x3;
	s16 =	sadd.s32 $0x4238, s7;
	[dreg:$0xb] =	wrdreg s8  }
0x14: {  	s8 =	sshrl.u32 s15, $0x3;
	s18 =	sadd.s32 s6, s9;
	s9 =	sshrl.u32 s21, $0x3  }
0x15: {  	s15 =	sadd.s32 $0x1B28, s7;
	s8 =	sadd.s32 s6, s8;
	[dreg:$0xd] =	wrdreg s18  }
0x16: {  	s23 =	sadd.s32 s6, s9;
	[dreg:$0xc] =	wrdreg s8;
	s8 =	sadd.s32 s6, s19  }
0x17: {  	s9 =	sshrl.u32 s26, $0x3;
	[dreg:$0xe] =	wrdreg s8;
	s8 =	sshrl.u32 s20, $0x3  }
0x18: {  	s26 =	sadd.s32 $0x4C18, s7;
	[dreg:$0x10] =	wrdreg s23;
	s8 =	sadd.s32 s6, s8  }
0x19: {  	s30 =	sadd.s32 s6, s9;
	[dreg:$0xf] =	wrdreg s8;
	s8 =	sadd.s32 s6, s24  }
0x1a: {  	s9 =	sshrl.u32 s29, $0x3;
	[dreg:$0x11] =	wrdreg s8;
	s8 =	sshrl.u32 s25, $0x3  }
0x1b: {  	s29 =	sshrl.u32 s26, $0x3;
	s26 =	rddreg [dreg:$0x5];
	s8 =	sadd.s32 s6, s8  }
0x1c: {  	s21 =	sadd.s32 $0x4728, s7;
	[dreg:$0x12] =	wrdreg s8;
	s8 =	sadd.s32 s6, s9  }
0x1d: {  	s19 =	sshrl.u32 s17, $0x3;
	[dreg:$0x14] =	wrdreg s8;
	s8 =	sshrl.u32 s10, $0x3  }
0x1e: {  	[dreg:$0x13] =	wrdreg s30;
	s20 =	sadd.s32 $0x2018, s7;
	s8 =	sadd.s32 s6, s8  }
0x1f: {  	s9 =	sshrl.u32 s11, $0x3;
	[dreg:$0x15] =	wrdreg s8;
	s8 =	sadd.s32 s6, s14  }
0x20: {  	s13 =	sadd.s32 s6, s9;
	[dreg:$0x17] =	wrdreg s8;
	s8 =	sshrl.u32 s15, $0x3  }
0x21: {  	s24 =	sshrl.u32 s22, $0x3;
	[dreg:$0x16] =	wrdreg s13;
	s8 =	sadd.s32 s6, s8  }
0x22: {  	s9 =	sshrl.u32 s16, $0x3;
	[dreg:$0x18] =	wrdreg s8;
	s8 =	sadd.s32 s6, s19  }
0x23: {  	s18 =	sadd.s32 s6, s9;
	[dreg:$0x1a] =	wrdreg s8;
	s8 =	sshrl.u32 s20, $0x3  }
0x24: {  	s25 =	sadd.s32 $0x2508, s7;
	[dreg:$0x19] =	wrdreg s18;
	s8 =	sadd.s32 s6, s8  }
0x25: {  	s9 =	sshrl.u32 s21, $0x3;
	[dreg:$0x1b] =	wrdreg s8;
	s8 =	sadd.s32 s6, s24  }
0x26: {  	s23 =	sadd.s32 s6, s9;
	[dreg:$0x1d] =	wrdreg s8;
	s8 =	sshrl.u32 s25, $0x3  }
0x27: {  	s7 =	sadd.s32 $0x7328, s7;
	[dreg:$0x1c] =	wrdreg s23;
	s8 =	sadd.s32 s6, s8  }
0x28: {  	s7 =	sshrl.u32 s7, $0x3;
	[dreg:$0x1e] =	wrdreg s8;
	s8 =	sadd.s32 s6, s29  }
0x29: {  	s6 =	sadd.s32 s6, s7;
	[dreg:$0x1f] =	wrdreg s8  }
0x2a: {  	s10 =	sadd.s32 $0x1E600, s0;
	[smem:$0x79A] =	sst s6  }
0x2b: {  	s11 =	sadd.s32 $0x1EAA1, s0;
	_ =	strace $0x80000047;
	[smem:$0x79B] =	sst s10  }
0x2c: {  	s12 =	sadd.s32 $0x1EA52, s0;
	[smem:$0x79C] =	sst s11  }
0x2d: {  	s13 =	sadd.s32 $0x1EA03, s0;
	[smem:$0x79D] =	sst s12  }
0x2e: {  	s14 =	sadd.s32 $0x1E9B4, s0;
	[smem:$0x79E] =	sst s13  }
0x2f: {  	s15 =	sadd.s32 $0x1E965, s0;
	[smem:$0x79F] =	sst s14  }
0x30: {  	s16 =	sadd.s32 $0x1E916, s0;
	[smem:$0x7A0] =	sst s15  }
0x31: {  	s17 =	sadd.s32 $0x1E8C7, s0;
	[smem:$0x7A1] =	sst s16  }
0x32: {  	s18 =	sadd.s32 $0x1E878, s0;
	[smem:$0x7A2] =	sst s17  }
0x33: {  	s19 =	sadd.s32 $0x1E829, s0;
	[smem:$0x7A3] =	sst s18  }
0x34: {  	s20 =	sadd.s32 $0x1E7DA, s0;
	[smem:$0x7A4] =	sst s19  }
0x35: {  	s21 =	sadd.s32 $0x1E78B, s0;
	[smem:$0x7A5] =	sst s20  }
0x36: {  	s22 =	sadd.s32 $0x1E73C, s0;
	[smem:$0x7A6] =	sst s21  }
0x37: {  	s30 =	smul.u32 $0x4F, s1;
	s23 =	sadd.s32 $0x1E6ED, s0;
	[smem:$0x7A7] =	sst s22  }
0x38: {  	s5 =	sadd.s32 s5, s0;
	s24 =	sadd.s32 $0x1E69E, s0;
	[smem:$0x7A8] =	sst s23  }
0x39: {  	s9 =	sadd.s32 s30, s0;
	s0 =	sadd.s32 $0x1E64F, s0;
	[smem:$0x7A9] =	sst s24  }
0x3a: {  	s25 =	sadd.s32 $0xA00, s9;
	[smem:$0x7AA] =	sst s0  }
0x3b: {  	s29 =	smax.u32 s3, $0x1;
	[smem:$0x7AB] =	sst s25  }
0x3c: {  	s30 =	sadd.s32 $0x1000, s5;
	[smem:$0x7AC] =	sst s29  }
0x3d: {  	s3 =	sadd.s32 $0x10FA, s5;
	[smem:$0x7AD] =	sst s30  }
0x3e: {  	s6 =	sadd.s32 $0x11F4, s5;
	[smem:$0x7AE] =	sst s3  }
0x3f: {  	s7 =	sadd.s32 $0x12EE, s5;
	[smem:$0x7AF] =	sst s6  }
0x40: {  	s8 =	sadd.s32 $0x13E8, s5;
	[smem:$0x7B0] =	sst s7  }
0x41: {  	s9 =	sadd.s32 $0xAC40, s5;
	[smem:$0x7B1] =	sst s8  }
0x42: {  	[smem:$0x7B2] =	sst s9;
	s10 =	sadd.s32 $0xAD3A, s5  }
0x43: {  	s11 =	sadd.s32 $0xAE34, s5;
	[smem:$0x7B3] =	sst s10  }
0x44: {  	s12 =	sadd.s32 $0xAF2E, s5;
	[smem:$0x7B4] =	sst s11  }
0x45: {  	s13 =	sadd.s32 $0xB028, s5;
	[smem:$0x7B5] =	sst s12  }
0x46: {  	s14 =	sadd.s32 $0x14880, s5;
	[smem:$0x7B6] =	sst s13  }
0x47: {  	s15 =	sadd.s32 $0x1497A, s5;
	[smem:$0x7B7] =	sst s14  }
0x48: {  	s16 =	sadd.s32 $0x14A74, s5;
	[smem:$0x7B8] =	sst s15  }
0x49: {  	s17 =	sadd.s32 $0x14B6E, s5;
	[smem:$0x7B9] =	sst s16  }
0x4a: {  	s18 =	sadd.s32 $0x14C68, s5;
	[smem:$0x7BA] =	sst s17  }
0x4b: {  	s19 =	sadd.s32 $0x2508, s28;
	[smem:$0x7BB] =	sst s18  }
0x4c: {  	s20 =	sadd.s32 $0x2508, s31;
	[smem:$0x7C8] =	sst s19  }
0x4d: {  	s21 =	sadd.s32 $0x2508, s26;
	[smem:$0x7C9] =	sst s20  }
0x4e: {  	s22 =	sadd.s32 $0x2290, s28;
	[smem:$0x7CA] =	sst s21  }
0x4f: {  	s23 =	sadd.s32 $0x2290, s31;
	[smem:$0x7CB] =	sst s22  }
0x50: {  	s24 =	sadd.s32 $0x2290, s26;
	[smem:$0x7CC] =	sst s23  }
0x51: {  	s25 =	sadd.s32 $0x2018, s28;
	[smem:$0x7CD] =	sst s24  }
0x52: {  	s29 =	sadd.s32 $0x2018, s31;
	[smem:$0x7CE] =	sst s25  }
0x53: {  	s30 =	sadd.s32 $0x2018, s26;
	[smem:$0x7CF] =	sst s29  }
0x54: {  	s3 =	sadd.s32 $0x1DA0, s28;
	[smem:$0x7D0] =	sst s30  }
0x55: {  	s5 =	sadd.s32 $0x1DA0, s31;
	[smem:$0x7D1] =	sst s3  }
0x56: {  	p2 =	sgt.s32 s1, $0x1;
	s6 =	sadd.s32 $0x1DA0, s26;
	[smem:$0x7D2] =	sst s5  }
0x57: {  	p0 =	seq.s32 @p2 s1, $0x2;
	s7 =	sadd.s32 $0x1B28, s28;
	[smem:$0x7D3] =	sst s6  }
0x58: {  	p1 =	por !p0, !p2;
	s8 =	sadd.s32 $0x1B28, s31;
	[smem:$0x7D4] =	sst s7  }
0x59: {  	s0 =	simm.s32 @!p1 $0x0;
	s9 =	sadd.s32 $0x1B28, s26;
	[smem:$0x7D5] =	sst s8  }
0x5a: {  	s0 =	simm.s32 @p1 $0x1;
	[smem:$0x7D6] =	sst s9  }
0x5b: {  	s10 =	sadd.s32 $0x18B0, s28;
	[smem:$0x7BC] =	sst s0  }
0x5c: {  	s11 =	sadd.s32 $0x18B0, s31;
	[smem:$0x7D7] =	sst s10  }
0x5d: {  	s12 =	sadd.s32 $0x18B0, s26;
	[smem:$0x7D8] =	sst s11  }
0x5e: {  	s13 =	sadd.s32 $0x1638, s28;
	[smem:$0x7D9] =	sst s12  }
0x5f: {  	s14 =	sadd.s32 $0x1638, s31;
	[smem:$0x7DA] =	sst s13  }
0x60: {  	s15 =	sadd.s32 $0x1638, s26;
	[smem:$0x7DB] =	sst s14  }
0x61: {  	s16 =	sadd.s32 $0x13C0, s28;
	[smem:$0x7DC] =	sst s15  }
0x62: {  	s17 =	sadd.s32 $0x13C0, s31;
	[smem:$0x7DD] =	sst s16  }
0x63: {  	s18 =	sadd.s32 $0x13C0, s26;
	[smem:$0x7DE] =	sst s17  }
0x64: {  	s19 =	sadd.s32 $0x1148, s28;
	[smem:$0x7DF] =	sst s18  }
0x65: {  	s20 =	sadd.s32 $0x1148, s31;
	[smem:$0x7E0] =	sst s19  }
0x66: {  	p3 =	sgt.s32 s1, $0x5;
	s21 =	sadd.s32 $0x1148, s26;
	[smem:$0x7E1] =	sst s20  }
0x67: {  	p0 =	por p0, !p2;
	s22 =	sadd.s32 $0xED0, s28;
	[smem:$0x7E2] =	sst s21  }
0x68: {  	p1 =	seq.s32 @!p2 s1, $0x0;
	s23 =	sadd.s32 $0xED0, s31;
	[smem:$0x7E3] =	sst s22  }
0x69: {  	s24 =	sadd.s32 $0xED0, s26;
	s25 =	sadd.s32 $0xC58, s28;
	[smem:$0x7E4] =	sst s23  }
0x6a: {  	s3 =	sadd.s32 $0xC58, s31;
	s5 =	sadd.s32 $0x9E0, s28;
	[smem:$0x7E5] =	sst s24  }
0x6b: {  	s6 =	sadd.s32 $0x9E0, s31;
	s29 =	sadd.s32 $0x9C4, s4;
	[smem:$0x7E6] =	sst s25  }
0x6c: {  	s7 =	sadd.s32 $0x9E0, s26;
	s30 =	sadd.s32 $0x9E, s4;
	[smem:$0x7E8] =	sst s29  }
0x6d: {  	s8 =	sadd.s32 $0x768, s28;
	s17 =	sadd.s32 $0x4E2, s4;
	[smem:$0x7E9] =	sst s30  }
0x6e: {  	s9 =	sadd.s32 $0x768, s31;
	s18 =	sadd.s32 $0x580, s4;
	[smem:$0x7E7] =	sst s17  }
0x6f: {  	s0 =	simm.s32 @!p0 $0x0;
	s19 =	sadd.s32 $0xA62, s4;
	[smem:$0x7EA] =	sst s18  }
0x70: {  	s10 =	sadd.s32 $0x768, s26;
	s20 =	sadd.s32 $0x13C, s4;
	[smem:$0x7EB] =	sst s19  }
0x71: {  	s11 =	sadd.s32 $0x4F0, s28;
	s21 =	sadd.s32 $0x61E, s4;
	[smem:$0x7EC] =	sst s20  }
0x72: {  	s12 =	sadd.s32 $0x4F0, s31;
	s22 =	sadd.s32 $0xB00, s4;
	[smem:$0x7ED] =	sst s21  }
0x73: {  	s13 =	sadd.s32 $0x4F0, s26;
	s23 =	sadd.s32 $0x1DA, s4;
	[smem:$0x7EE] =	sst s22  }
0x74: {  	s14 =	sadd.s32 $0x278, s28;
	s24 =	sadd.s32 $0x6BC, s4;
	[smem:$0x7EF] =	sst s23  }
0x75: {  	s15 =	sadd.s32 $0x278, s31;
	s25 =	sadd.s32 $0xB9E, s4;
	[smem:$0x7F0] =	sst s24  }
0x76: {  	s16 =	sadd.s32 $0x278, s26;
	s29 =	sadd.s32 $0x278, s4;
	[smem:$0x7F1] =	sst s25  }
0x77: {  	s30 =	sadd.s32 $0x75A, s4;
	s0 =	simm.s32 @p0 $0x1;
	[smem:$0x7F2] =	sst s29  }
0x78: {  	p0 =	por !p1, p2;
	p1 =	por p1, p2;
	[smem:$0x7F3] =	sst s30  }
0x79: {  	s18 =	sadd.s32 $0xC3C, s4;
	s19 =	sadd.s32 $0x316, s4;
	[smem:$0x7BD] =	sst s0  }
0x7a: {  	s20 =	sadd.s32 $0x7F8, s4;
	s0 =	simm.s32 @!p0 $0x0;
	[smem:$0x7F4] =	sst s18  }
0x7b: {  	s21 =	sadd.s32 $0xCDA, s4;
	[smem:$0x7F5] =	sst s19;
	s0 =	simm.s32 @p0 $0x1  }
0x7c: {  	s22 =	sadd.s32 $0x3B4, s4;
	[smem:$0x7BE] =	sst s0;
	s0 =	simm.s32 @!p2 $0x0  }
0x7d: {  	s23 =	sadd.s32 $0x896, s4;
	[smem:$0x7F6] =	sst s20;
	s0 =	simm.s32 @p2 $0x1  }
0x7e: {  	p0 =	seq.s32 @p3 s1, $0x6;
	[smem:$0x7BF] =	sst s0;
	s0 =	simm.s32 @!p1 $0x0  }
0x7f: {  	[smem:$0x7F7] =	sst s21;
	s0 =	simm.s32 @p1 $0x1;
	p1 =	por !p0, !p3  }
0x80: {  	s24 =	sadd.s32 $0xD78, s4;
	[smem:$0x7C0] =	sst s0;
	s0 =	simm.s32 @!p1 $0x0  }
0x81: {  	[smem:$0x7F8] =	sst s22;
	p0 =	por p0, !p3;
	s0 =	simm.s32 @p1 $0x1  }
0x82: {  	p1 =	seq.s32 @!p3 s1, $0x4;
	[smem:$0x7C1] =	sst s0;
	s0 =	simm.s32 @!p0 $0x0  }
0x83: {  	[smem:$0x7F9] =	sst s23;
	s0 =	simm.s32 @p0 $0x1;
	p0 =	por !p1, p3  }
0x84: {  	s25 =	sadd.s32 $0x452, s4;
	[smem:$0x7C2] =	sst s0;
	s0 =	simm.s32 @!p0 $0x0  }
0x85: {  	s29 =	sadd.s32 $0x934, s4;
	[smem:$0x7FA] =	sst s24;
	s0 =	simm.s32 @p0 $0x1  }
0x86: {  	s30 =	sadd.s32 $0xE16, s4;
	[smem:$0x7C3] =	sst s0;
	s0 =	simm.s32 @!p3 $0x0  }
0x87: {  	[smem:$0x7FB] =	sst s25;
	p0 =	por p1, p3;
	s0 =	simm.s32 @p3 $0x1  }
0x88: {  	s17 =	simm.s32 $0xF38;
	[smem:$0x7C4] =	sst s0;
	s0 =	simm.s32 @!p0 $0x0  }
0x89: {  	[smem:$0x7FC] =	sst s29;
	s0 =	simm.s32 @p0 $0x1;
	p0 =	sgt.s32 s1, $0x7  }
.Ltmp0:
0x8a: {  	[smem:$0x7C5] =	sst s0;
	s0 =	simm.s32 @!p0 $0x0;
	(pc) =	sbr.rel .LBB2_1-.Ltmp0, $4  }
0x8b: {  	[smem:$0x7FD] =	sst s30;
	s0 =	simm.s32 @p0 $0x1;
	p0 =	sgt.s32 s1, $0x3  }
0x8c: {  	s18 =	simm.s32 $0x1;
	[smem:$0x7C6] =	sst s0;
	s0 =	simm.s32 @!p0 $0x0  }
0x8d: {  	s19 =	simm.s32 $0x7D0;
	s20 =	simm.s32 $0x768;
	s0 =	simm.s32 @p0 $0x1  }
0x8e: {  	v0 =	vimm.f32 $1.000000000e+00;
	s21 =	simm.s32 $0x0;
	[smem:$0x7C7] =	sst s0;
	s0 =	sadd.s32 $0xC58, s26  }
.LBB2_9:
0x8f: {  	p4 =	sgt.s32 s1, $0xD;
	s22 =	sld [smem:$0x7CB]  }
0x90: {  	s25 =	sld [smem:$0x79D];
	p1 =	seq.s32 @p4 s1, $0xE  }
0x91: {  	p0 =	por !p1, !p4  }
0x92: {  	s22 =	sshrl.u32 @!p0 s22, $0x3;
	s23 =	simm.s32 @!p0 $0x1F81  }
0x93: {  	[spmem:s22], [sflag:s23] =	dma.local @!p0 [hbm:s25], $0x4F  }
0x94: {  	s22 =	simm.s32 @!p0 $0x1  }
0x95: {  	_ =	swait.ge @!p0 [sflag:s22], $0x4F  }
0x96: {  	s24 =	sld [smem:$0x7CC];
	_ =	sdelay $0x1  }
0x97: {  	[sflag:s22] =	ssyncset.done @!p0 $0x0  }
0x98: {  	[sflag:s22] =	ssyncadd.s32 @!p0 $0xFFFFFFB1;
	s24 =	sshrl.u32 @!p0 s24, $0x3  }
0x99: {  	[spmem:s24], [sflag:s23] =	dma.local @!p0 [hbm:s25], $0x4F  }
0x9a: {  	_ =	swait.ge @!p0 [sflag:s22], $0x4F  }
0x9b: {  	s24 =	sld [smem:$0x7CD];
	_ =	sdelay $0x1  }
0x9c: {  	[sflag:s22] =	ssyncset.done @!p0 $0x0  }
0x9d: {  	[sflag:s22] =	ssyncadd.s32 @!p0 $0xFFFFFFB1;
	s24 =	sshrl.u32 @!p0 s24, $0x3  }
0x9e: {  	[spmem:s24], [sflag:s23] =	dma.local @!p0 [hbm:s25], $0x4F  }
0x9f: {  	_ =	swait.ge @!p0 [sflag:s22], $0x4F  }
0xa0: {  	[sflag:s22] =	ssyncset.done @!p0 $0x0  }
0xa1: {  	[sflag:s22] =	ssyncadd.s32 @!p0 $0xFFFFFFB1;
	s22 =	sld [smem:$0x7C8]  }
0xa2: {  	s25 =	sld [smem:$0x79C]  }
0xa3: {  	p2 =	por p1, !p4  }
0xa4: {  	s23 =	simm.s32 @!p2 $0x1FC1;
	s22 =	sshrl.u32 @!p2 s22, $0x3  }
0xa5: {  	[spmem:s22], [sflag:s23] =	dma.local @!p2 [hbm:s25], $0x41  }
0xa6: {  	s22 =	simm.s32 @!p2 $0x1  }
0xa7: {  	_ =	swait.ge @!p2 [sflag:s22], $0x41  }
0xa8: {  	s24 =	sld [smem:$0x7C9];
	_ =	sdelay $0x1  }
0xa9: {  	[sflag:s22] =	ssyncset.done @!p2 $0x0  }
0xaa: {  	[sflag:s22] =	ssyncadd.s32 @!p2 $0xFFFFFFBF;
	s24 =	sshrl.u32 @!p2 s24, $0x3  }
0xab: {  	[spmem:s24], [sflag:s23] =	dma.local @!p2 [hbm:s25], $0x41  }
0xac: {  	_ =	swait.ge @!p2 [sflag:s22], $0x41  }
0xad: {  	s24 =	sld [smem:$0x7CA];
	_ =	sdelay $0x1  }
0xae: {  	[sflag:s22] =	ssyncset.done @!p2 $0x0  }
0xaf: {  	[sflag:s22] =	ssyncadd.s32 @!p2 $0xFFFFFFBF;
	s24 =	sshrl.u32 @!p2 s24, $0x3  }
0xb0: {  	[spmem:s24], [sflag:s23] =	dma.local @!p2 [hbm:s25], $0x41  }
0xb1: {  	_ =	swait.ge @!p2 [sflag:s22], $0x41  }
0xb2: {  	[sflag:s22] =	ssyncset.done @!p2 $0x0  }
0xb3: {  	[sflag:s22] =	ssyncadd.s32 @!p2 $0xFFFFFFBF;
	s22 =	sld [smem:$0x7D1]  }
0xb4: {  	p1 =	seq.s32 @!p4 s1, $0xC;
	s23 =	simm.s32 @!p4 $0x0;
	s25 =	sld [smem:$0x79F]  }
0xb5: {  	p3 =	por !p1, p4;
	s23 =	simm.s32 @p4 $0x1  }
0xb6: {  	[smem:$0x789] =	sst s23;
	s23 =	simm.s32 @!p3 $0x1F01;
	s22 =	sshrl.u32 @!p3 s22, $0x3  }
0xb7: {  	[spmem:s22], [sflag:s23] =	dma.local @!p3 [hbm:s25], $0x4F  }
0xb8: {  	s22 =	simm.s32 @!p3 $0x1  }
0xb9: {  	_ =	swait.ge @!p3 [sflag:s22], $0x4F  }
0xba: {  	s24 =	sld [smem:$0x7D2];
	_ =	sdelay $0x1  }
0xbb: {  	[sflag:s22] =	ssyncset.done @!p3 $0x0  }
0xbc: {  	[sflag:s22] =	ssyncadd.s32 @!p3 $0xFFFFFFB1;
	s24 =	sshrl.u32 @!p3 s24, $0x3  }
0xbd: {  	[spmem:s24], [sflag:s23] =	dma.local @!p3 [hbm:s25], $0x4F  }
0xbe: {  	_ =	swait.ge @!p3 [sflag:s22], $0x4F  }
0xbf: {  	s24 =	sld [smem:$0x7D3];
	_ =	sdelay $0x1  }
0xc0: {  	[sflag:s22] =	ssyncset.done @!p3 $0x0  }
0xc1: {  	[sflag:s22] =	ssyncadd.s32 @!p3 $0xFFFFFFB1;
	s24 =	sshrl.u32 @!p3 s24, $0x3  }
0xc2: {  	[spmem:s24], [sflag:s23] =	dma.local @!p3 [hbm:s25], $0x4F  }
0xc3: {  	_ =	swait.ge @!p3 [sflag:s22], $0x4F  }
0xc4: {  	[sflag:s22] =	ssyncset.done @!p3 $0x0  }
0xc5: {  	[sflag:s22] =	ssyncadd.s32 @!p3 $0xFFFFFFB1;
	s22 =	sld [smem:$0x7CE]  }
0xc6: {  	p1 =	por p1, p4;
	s25 =	sld [smem:$0x79E]  }
0xc7: {  	p6 =	por @!p2 $0x0, $0x0;
	p4 =	por @!p0 $0x0, $0x0;
	p2 =	por @!p2 $0x1, $0x1  }
0xc8: {  	p2 =	por @!p0 p4, p4;
	s23 =	simm.s32 @!p1 $0x1F41;
	s22 =	sshrl.u32 @!p1 s22, $0x3  }
0xc9: {  	[spmem:s22], [sflag:s23] =	dma.local @!p1 [hbm:s25], $0x4F  }
0xca: {  	s24 =	simm.s32 @!p2 $0x0;
	s22 =	simm.s32 @!p1 $0x1  }
0xcb: {  	s24 =	simm.s32 @p2 $0x1;
	_ =	swait.ge @!p1 [sflag:s22], $0x4F  }
0xcc: {  	[smem:$0x78F] =	sst s24  }
0xcd: {  	s24 =	sld [smem:$0x7CF];
	_ =	sdelay $0x1  }
0xce: {  	p5 =	por p6, p6;
	p2 =	por @!p0 $0x1, $0x1;
	[sflag:s22] =	ssyncset.done @!p1 $0x0  }
0xcf: {  	p6 =	por @!p0 p2, p2;
	[sflag:s22] =	ssyncadd.s32 @!p1 $0xFFFFFFB1;
	s24 =	sshrl.u32 @!p1 s24, $0x3  }
0xd0: {  	[spmem:s24], [sflag:s23] =	dma.local @!p1 [hbm:s25], $0x4F  }
0xd1: {  	s24 =	simm.s32 @!p6 $0x0  }
0xd2: {  	p5 =	por @!p0 p4, p4;
	p4 =	por @!p3 $0x0, $0x0;
	s24 =	simm.s32 @p6 $0x1  }
0xd3: {  	p2 =	por @!p1 $0x1, $0x1;
	p6 =	por @!p1 $0x0, $0x0;
	[smem:$0x78E] =	sst s24  }
0xd4: {  	p2 =	por @!p3 p4, p4;
	p0 =	por p6, p6;
	_ =	swait.ge @!p1 [sflag:s22], $0x4F  }
0xd5: {  	p0 =	por @!p3 p4, p4;
	p4 =	por @!p3 $0x1, $0x1;
	s29 =	sld [smem:$0x789]  }
0xd6: {  	p6 =	por @!p3 p4, p4  }
0xd7: {  	s24 =	simm.s32 @!p6 $0x0  }
0xd8: {  	p3 =	por p5, p5;
	s24 =	simm.s32 @p6 $0x1;
	p6 =	seq.s32 s29, $0x1  }
0xd9: {  	p3 =	por @!p6 p2, p2  }
0xda: {  	[smem:$0x78A] =	sst s24;
	s24 =	simm.s32 @!p3 $0x0  }
0xdb: {  	s24 =	simm.s32 @p3 $0x1  }
0xdc: {  	[smem:$0x790] =	sst s24  }
0xdd: {  	s24 =	sld [smem:$0x7D0];
	_ =	sdelay $0x1  }
0xde: {  	[sflag:s22] =	ssyncset.done @!p1 $0x0  }
0xdf: {  	[sflag:s22] =	ssyncadd.s32 @!p1 $0xFFFFFFB1;
	s24 =	sshrl.u32 @!p1 s24, $0x3  }
0xe0: {  	[spmem:s24], [sflag:s23] =	dma.local @!p1 [hbm:s25], $0x4F  }
0xe1: {  	s23 =	simm.s32 @!p5 $0x0  }
0xe2: {  	s23 =	simm.s32 @p5 $0x1  }
0xe3: {  	[smem:$0x791] =	sst s23;
	s23 =	simm.s32 @!p5 $0x0  }
0xe4: {  	s23 =	simm.s32 @p5 $0x1  }
0xe5: {  	[smem:$0x792] =	sst s23;
	s23 =	simm.s32 @!p5 $0x0  }
0xe6: {  	s23 =	simm.s32 @p5 $0x1  }
0xe7: {  	[smem:$0x793] =	sst s23;
	s23 =	simm.s32 @!p5 $0x0  }
0xe8: {  	s23 =	simm.s32 @p5 $0x1  }
0xe9: {  	[smem:$0x794] =	sst s23;
	s23 =	simm.s32 @!p5 $0x0  }
0xea: {  	s23 =	simm.s32 @p5 $0x1  }
0xeb: {  	[smem:$0x795] =	sst s23;
	s23 =	simm.s32 @!p5 $0x0  }
0xec: {  	s23 =	simm.s32 @p5 $0x1  }
0xed: {  	[smem:$0x78B] =	sst s23;
	s23 =	simm.s32 @!p5 $0x0  }
0xee: {  	s30 =	sld [smem:$0x78A];
	s23 =	simm.s32 @p5 $0x1  }
0xef: {  	p4 =	por p5, p5;
	[smem:$0x796] =	sst s23;
	s23 =	simm.s32 @!p5 $0x0  }
0xf0: {  	p3 =	por p5, p5;
	s25 =	sld [smem:$0x78F];
	s23 =	simm.s32 @p5 $0x1  }
0xf1: {  	p2 =	seq.s32 s30, $0x1;
	[smem:$0x797] =	sst s23;
	s23 =	simm.s32 @!p5 $0x0  }
0xf2: {  	s29 =	sld [smem:$0x791];
	s23 =	simm.s32 @p5 $0x1;
	p5 =	por @!p6 p2, p2  }
0xf3: {  	p2 =	seq.s32 s25, $0x1;
	[smem:$0x798] =	sst s23;
	s23 =	simm.s32 @!p5 $0x0  }
0xf4: {  	p2 =	por @!p6 p0, p0;
	s23 =	simm.s32 @p5 $0x1;
	s24 =	sld [smem:$0x798]  }
0xf5: {  	[smem:$0x799] =	sst s23;
	s23 =	simm.s32 @!p2 $0x0  }
0xf6: {  	s30 =	sld [smem:$0x792];
	s23 =	simm.s32 @p2 $0x1;
	p2 =	seq.s32 s29, $0x1  }
0xf7: {  	p2 =	por @!p6 p0, p0  }
0xf8: {  	p5 =	seq.s32 s24, $0x1;
	[smem:$0x78F] =	sst s23;
	s23 =	simm.s32 @!p2 $0x0  }
0xf9: {  	s24 =	sld [smem:$0x793];
	s23 =	simm.s32 @p2 $0x1;
	p2 =	seq.s32 s30, $0x1  }
0xfa: {  	p2 =	por @!p6 p0, p0  }
0xfb: {  	[smem:$0x791] =	sst s23;
	s23 =	simm.s32 @!p2 $0x0  }
0xfc: {  	s25 =	sld [smem:$0x794];
	s23 =	simm.s32 @p2 $0x1;
	p2 =	seq.s32 s24, $0x1  }
0xfd: {  	p2 =	por @!p6 p0, p0  }
0xfe: {  	[smem:$0x792] =	sst s23;
	s23 =	simm.s32 @!p2 $0x0  }
0xff: {  	s29 =	sld [smem:$0x795];
	s23 =	simm.s32 @p2 $0x1;
	p2 =	seq.s32 s25, $0x1  }
0x100: {  	p2 =	por @!p6 p0, p0  }
0x101: {  	[smem:$0x793] =	sst s23;
	s23 =	simm.s32 @!p2 $0x0  }
0x102: {  	s23 =	simm.s32 @p2 $0x1;
	p2 =	seq.s32 s29, $0x1  }
0x103: {  	p2 =	por @!p6 p0, p0  }
0x104: {  	[smem:$0x794] =	sst s23;
	s23 =	simm.s32 @!p2 $0x0  }
0x105: {  	s23 =	simm.s32 @p2 $0x1  }
0x106: {  	[smem:$0x795] =	sst s23  }
0x107: {  	_ =	swait.ge @!p1 [sflag:s22], $0x4F  }
0x108: {  	s30 =	sld [smem:$0x78B];
	_ =	sdelay $0x2  }
0x109: {  	s24 =	sld [smem:$0x796];
	p2 =	seq.s32 s30, $0x1  }
0x10a: {  	p2 =	por @!p6 p0, p0  }
0x10b: {  	s23 =	simm.s32 @!p2 $0x0  }
0x10c: {  	s25 =	sld [smem:$0x797];
	s23 =	simm.s32 @p2 $0x1;
	p2 =	seq.s32 s24, $0x1  }
0x10d: {  	p2 =	por @!p6 p0, p0  }
0x10e: {  	[smem:$0x78B] =	sst s23;
	s23 =	simm.s32 @!p2 $0x0  }
0x10f: {  	s23 =	simm.s32 @p2 $0x1;
	p2 =	seq.s32 s25, $0x1  }
0x110: {  	p4 =	por @!p6 p0, p0;
	s29 =	sld [smem:$0x78E];
	p2 =	por @!p6 p0, p0  }
0x111: {  	p3 =	por @!p6 p0, p0;
	[smem:$0x796] =	sst s23;
	s23 =	simm.s32 @!p2 $0x0  }
0x112: {  	p5 =	por @!p6 p0, p0;
	s30 =	sld [smem:$0x78B];
	s23 =	simm.s32 @p2 $0x1  }
0x113: {  	[sflag:s22] =	ssyncset.done @!p1 $0x0;
	[smem:$0x797] =	sst s23;
	s23 =	simm.s32 @!p5 $0x0  }
0x114: {  	[sflag:s22] =	ssyncadd.s32 @!p1 $0xFFFFFFB1;
	p2 =	seq.s32 s29, $0x1;
	s23 =	simm.s32 @p5 $0x1  }
0x115: {  	p2 =	por @!p6 p0, p0;
	p6 =	seq.s32 s30, $0x1;
	[smem:$0x798] =	sst s23  }
.LBB2_10:
0x116: {  	s22 =	rddreg [dreg:$0x7];
	[bflag:$0x0] =	sbarrier.arrive $0xFFFF  }
0x117: {  	s24 =	sld [smem:$0x7AB]  }
0x118: {  	p0 =	sne.s32 s22, $0x0  }
0x119: {  	s22 =	simm.s32 @!p0 $0x0;
	s23 =	simm.s32 @!p0 $0x1708  }
0x11a: {  	[tilespmem:s23], [sflag:$0x1] =	stream.linear.gather @!p0 [hbm4b:s24+s22], $0x278, $0x38;
	[tilespmem:$0x15200] =	vst v63  }
0x11b: {  	s24 =	simm.s32 @!p0 $0x1  }
0x11c: {  	_ =	swait.ge @!p0 [sflag:s24], $0x278  }
0x11d: {  	[sflag:s24] =	ssyncset.done @!p0 $0x0  }
0x11e: {  	[sflag:s24] =	ssyncadd.s32 @!p0 $0xFFFFFD88  }
0x11f: {  	s25 =	simm.s32 @!p0 $0x271;
	s29 =	simm.s32 @!p0 $0x1980;
	s30 =	rddreg [dreg:$0x1]  }
0x120: {  	[tilespmem:s29], [sflag:$0x1] =	stream.indirect.gather @!p0 [hbm4b:s30+s25], $0x80, s23, s25, $0xb8;
	[tilespmem:$0x15200] =	vst v63  }
0x121: {  	_ =	swait.ge @!p0 [sflag:s24], $0x13880  }
0x122: {  	[sflag:s24] =	ssyncset.done @!p0 $0x0  }
0x123: {  	s23 =	rddreg [dreg:$0x8];
	[sflag:s24] =	ssyncadd.s32 @!p0 $0xFFFEC780  }
0x124: {  	[hbm4b:s23+s22] =	stream.linear.scatter @!p0 [tilespmem:s29], [sflag:$0x1], $0x13880, $0x38;
	[tilespmem:$0x15200] =	vst v63  }
0x125: {  	_ =	swait.ge @!p0 [sflag:s24], $0x13880  }
0x126: {  	[sflag:s24] =	ssyncset.done @!p0 $0x0  }
0x127: {  	[sflag:s24] =	ssyncadd.s32 @!p0 $0xFFFEC780;
	s24 =	sld [smem:$0x7AD];
	_ =	sdelay $0x2  }
0x128: {  	[tilespmem:s17], [sflag:$0x1] =	stream.linear.gather [hbm4b:s24+s2], $0x7D0, $0x38;
	[tilespmem:$0x15200] =	vst v63  }
0x129: {  	_ =	swait.ge [sflag:s18], $0x7D0  }
0x12a: {  	[sflag:s18] =	ssyncset.done $0x0  }
0x12b: {  	[sflag:s18] =	ssyncadd.s32 $0xFFFFF830  }
0x12c: {  	[spmem:s28] =	stream.indirect.scatter.add.f32 [tilespmem:s20], [sflag:$0x1], $0x1, s17, s19, $0xb8;
	[tilespmem:$0x15200] =	vst v63  }
0x12d: {  	_ =	swait.ge [sflag:s18], $0x7D0  }
0x12e: {  	s25 =	sld [smem:$0x7AE]  }
0x12f: {  	[sflag:s18] =	ssyncset.done $0x0  }
0x130: {  	[sflag:s18] =	ssyncadd.s32 $0xFFFFF830  }
0x131: {  	[tilespmem:s17], [sflag:$0x1] =	stream.linear.gather [hbm4b:s25+s2], $0x7D0, $0x38;
	[tilespmem:$0x15200] =	vst v63  }
0x132: {  	_ =	swait.ge [sflag:s18], $0x7D0  }
0x133: {  	[sflag:s18] =	ssyncset.done $0x0  }
0x134: {  	[sflag:s18] =	ssyncadd.s32 $0xFFFFF830  }
0x135: {  	[spmem:s28] =	stream.indirect.scatter.add.f32 [tilespmem:s20], [sflag:$0x1], $0x1, s17, s19, $0xb8;
	[tilespmem:$0x15200] =	vst v63  }
0x136: {  	_ =	swait.ge [sflag:s18], $0x7D0  }
0x137: {  	s29 =	sld [smem:$0x7AF]  }
0x138: {  	[sflag:s18] =	ssyncset.done $0x0  }
0x139: {  	[sflag:s18] =	ssyncadd.s32 $0xFFFFF830  }
0x13a: {  	[tilespmem:s17], [sflag:$0x1] =	stream.linear.gather [hbm4b:s29+s2], $0x7D0, $0x38;
	[tilespmem:$0x15200] =	vst v63  }
0x13b: {  	_ =	swait.ge [sflag:s18], $0x7D0  }
0x13c: {  	[sflag:s18] =	ssyncset.done $0x0  }
0x13d: {  	[sflag:s18] =	ssyncadd.s32 $0xFFFFF830  }
0x13e: {  	[spmem:s28] =	stream.indirect.scatter.add.f32 [tilespmem:s20], [sflag:$0x1], $0x1, s17, s19, $0xb8;
	[tilespmem:$0x15200] =	vst v63  }
0x13f: {  	_ =	swait.ge [sflag:s18], $0x7D0  }
0x140: {  	s30 =	sld [smem:$0x7B0]  }
0x141: {  	[sflag:s18] =	ssyncset.done $0x0  }
0x142: {  	[sflag:s18] =	ssyncadd.s32 $0xFFFFF830  }
0x143: {  	[tilespmem:s17], [sflag:$0x1] =	stream.linear.gather [hbm4b:s30+s2], $0x7D0, $0x38;
	[tilespmem:$0x15200] =	vst v63  }
0x144: {  	_ =	swait.ge [sflag:s18], $0x7D0  }
0x145: {  	[sflag:s18] =	ssyncset.done $0x0  }
0x146: {  	[sflag:s18] =	ssyncadd.s32 $0xFFFFF830  }
0x147: {  	[spmem:s28] =	stream.indirect.scatter.add.f32 [tilespmem:s20], [sflag:$0x1], $0x1, s17, s19, $0xb8;
	[tilespmem:$0x15200] =	vst v63  }
0x148: {  	_ =	swait.ge [sflag:s18], $0x7D0  }
0x149: {  	s23 =	sld [smem:$0x7B1]  }
0x14a: {  	[sflag:s18] =	ssyncset.done $0x0  }
0x14b: {  	[sflag:s18] =	ssyncadd.s32 $0xFFFFF830  }
0x14c: {  	[tilespmem:s17], [sflag:$0x1] =	stream.linear.gather [hbm4b:s23+s2], $0x7D0, $0x38;
	[tilespmem:$0x15200] =	vst v63  }
0x14d: {  	_ =	swait.ge [sflag:s18], $0x7D0  }
0x14e: {  	[sflag:s18] =	ssyncset.done $0x0  }
0x14f: {  	[sflag:s18] =	ssyncadd.s32 $0xFFFFF830  }
0x150: {  	[spmem:s28] =	stream.indirect.scatter.add.f32 [tilespmem:s20], [sflag:$0x1], $0x1, s17, s19, $0xb8;
	[tilespmem:$0x15200] =	vst v63  }
0x151: {  	_ =	swait.ge [sflag:s18], $0x7D0  }
0x152: {  	s24 =	sld [smem:$0x7B2]  }
0x153: {  	[sflag:s18] =	ssyncset.done $0x0  }
0x154: {  	[sflag:s18] =	ssyncadd.s32 $0xFFFFF830  }
0x155: {  	[tilespmem:s17], [sflag:$0x1] =	stream.linear.gather [hbm4b:s24+s2], $0x7D0, $0x38;
	[tilespmem:$0x15200] =	vst v63  }
0x156: {  	_ =	swait.ge [sflag:s18], $0x7D0  }
0x157: {  	[sflag:s18] =	ssyncset.done $0x0  }
0x158: {  	[sflag:s18] =	ssyncadd.s32 $0xFFFFF830  }
0x159: {  	[spmem:s31] =	stream.indirect.scatter.add.f32 [tilespmem:s20], [sflag:$0x1], $0x1, s17, s19, $0xb8;
	[tilespmem:$0x15200] =	vst v63  }
0x15a: {  	_ =	swait.ge [sflag:s18], $0x7D0  }
0x15b: {  	s25 =	sld [smem:$0x7B3]  }
0x15c: {  	[sflag:s18] =	ssyncset.done $0x0  }
0x15d: {  	[sflag:s18] =	ssyncadd.s32 $0xFFFFF830  }
0x15e: {  	[tilespmem:s17], [sflag:$0x1] =	stream.linear.gather [hbm4b:s25+s2], $0x7D0, $0x38;
	[tilespmem:$0x15200] =	vst v63  }
0x15f: {  	_ =	swait.ge [sflag:s18], $0x7D0  }
0x160: {  	[sflag:s18] =	ssyncset.done $0x0  }
0x161: {  	[sflag:s18] =	ssyncadd.s32 $0xFFFFF830  }
0x162: {  	[spmem:s31] =	stream.indirect.scatter.add.f32 [tilespmem:s20], [sflag:$0x1], $0x1, s17, s19, $0xb8;
	[tilespmem:$0x15200] =	vst v63  }
0x163: {  	_ =	swait.ge [sflag:s18], $0x7D0  }
0x164: {  	s29 =	sld [smem:$0x7B4]  }
0x165: {  	[sflag:s18] =	ssyncset.done $0x0  }
0x166: {  	[sflag:s18] =	ssyncadd.s32 $0xFFFFF830  }
0x167: {  	[tilespmem:s17], [sflag:$0x1] =	stream.linear.gather [hbm4b:s29+s2], $0x7D0, $0x38;
	[tilespmem:$0x15200] =	vst v63  }
0x168: {  	_ =	swait.ge [sflag:s18], $0x7D0  }
0x169: {  	[sflag:s18] =	ssyncset.done $0x0  }
0x16a: {  	[sflag:s18] =	ssyncadd.s32 $0xFFFFF830  }
0x16b: {  	[spmem:s31] =	stream.indirect.scatter.add.f32 [tilespmem:s20], [sflag:$0x1], $0x1, s17, s19, $0xb8;
	[tilespmem:$0x15200] =	vst v63  }
0x16c: {  	_ =	swait.ge [sflag:s18], $0x7D0  }
0x16d: {  	s30 =	sld [smem:$0x7B5]  }
0x16e: {  	[sflag:s18] =	ssyncset.done $0x0  }
0x16f: {  	[sflag:s18] =	ssyncadd.s32 $0xFFFFF830  }
0x170: {  	[tilespmem:s17], [sflag:$0x1] =	stream.linear.gather [hbm4b:s30+s2], $0x7D0, $0x38;
	[tilespmem:$0x15200] =	vst v63  }
0x171: {  	_ =	swait.ge [sflag:s18], $0x7D0  }
0x172: {  	[sflag:s18] =	ssyncset.done $0x0  }
0x173: {  	[sflag:s18] =	ssyncadd.s32 $0xFFFFF830  }
0x174: {  	[spmem:s31] =	stream.indirect.scatter.add.f32 [tilespmem:s20], [sflag:$0x1], $0x1, s17, s19, $0xb8;
	[tilespmem:$0x15200] =	vst v63  }
0x175: {  	_ =	swait.ge [sflag:s18], $0x7D0  }
0x176: {  	s23 =	sld [smem:$0x7B6]  }
0x177: {  	[sflag:s18] =	ssyncset.done $0x0  }
0x178: {  	[sflag:s18] =	ssyncadd.s32 $0xFFFFF830  }
0x179: {  	[tilespmem:s17], [sflag:$0x1] =	stream.linear.gather [hbm4b:s23+s2], $0x7D0, $0x38;
	[tilespmem:$0x15200] =	vst v63  }
0x17a: {  	_ =	swait.ge [sflag:s18], $0x7D0  }
0x17b: {  	[sflag:s18] =	ssyncset.done $0x0  }
0x17c: {  	[sflag:s18] =	ssyncadd.s32 $0xFFFFF830  }
0x17d: {  	[spmem:s31] =	stream.indirect.scatter.add.f32 [tilespmem:s20], [sflag:$0x1], $0x1, s17, s19, $0xb8;
	[tilespmem:$0x15200] =	vst v63  }
0x17e: {  	_ =	swait.ge [sflag:s18], $0x7D0  }
0x17f: {  	s24 =	sld [smem:$0x7B7]  }
0x180: {  	[sflag:s18] =	ssyncset.done $0x0  }
0x181: {  	[sflag:s18] =	ssyncadd.s32 $0xFFFFF830  }
0x182: {  	[tilespmem:s17], [sflag:$0x1] =	stream.linear.gather [hbm4b:s24+s2], $0x7D0, $0x38;
	[tilespmem:$0x15200] =	vst v63  }
0x183: {  	_ =	swait.ge [sflag:s18], $0x7D0  }
0x184: {  	[sflag:s18] =	ssyncset.done $0x0  }
0x185: {  	[sflag:s18] =	ssyncadd.s32 $0xFFFFF830  }
0x186: {  	[spmem:s26] =	stream.indirect.scatter.add.f32 [tilespmem:s20], [sflag:$0x1], $0x1, s17, s19, $0xb8;
	[tilespmem:$0x15200] =	vst v63  }
0x187: {  	_ =	swait.ge [sflag:s18], $0x7D0  }
0x188: {  	s25 =	sld [smem:$0x7B8]  }
0x189: {  	[sflag:s18] =	ssyncset.done $0x0  }
0x18a: {  	[sflag:s18] =	ssyncadd.s32 $0xFFFFF830  }
0x18b: {  	[tilespmem:s17], [sflag:$0x1] =	stream.linear.gather [hbm4b:s25+s2], $0x7D0, $0x38;
	[tilespmem:$0x15200] =	vst v63  }
0x18c: {  	_ =	swait.ge [sflag:s18], $0x7D0  }
0x18d: {  	[sflag:s18] =	ssyncset.done $0x0  }
0x18e: {  	[sflag:s18] =	ssyncadd.s32 $0xFFFFF830  }
0x18f: {  	[spmem:s26] =	stream.indirect.scatter.add.f32 [tilespmem:s20], [sflag:$0x1], $0x1, s17, s19, $0xb8;
	[tilespmem:$0x15200] =	vst v63  }
0x190: {  	_ =	swait.ge [sflag:s18], $0x7D0  }
0x191: {  	s29 =	sld [smem:$0x7B9]  }
0x192: {  	[sflag:s18] =	ssyncset.done $0x0  }
0x193: {  	[sflag:s18] =	ssyncadd.s32 $0xFFFFF830  }
0x194: {  	[tilespmem:s17], [sflag:$0x1] =	stream.linear.gather [hbm4b:s29+s2], $0x7D0, $0x38;
	[tilespmem:$0x15200] =	vst v63  }
0x195: {  	_ =	swait.ge [sflag:s18], $0x7D0  }
0x196: {  	[sflag:s18] =	ssyncset.done $0x0  }
0x197: {  	[sflag:s18] =	ssyncadd.s32 $0xFFFFF830  }
0x198: {  	[spmem:s26] =	stream.indirect.scatter.add.f32 [tilespmem:s20], [sflag:$0x1], $0x1, s17, s19, $0xb8;
	[tilespmem:$0x15200] =	vst v63  }
0x199: {  	_ =	swait.ge [sflag:s18], $0x7D0  }
0x19a: {  	s30 =	sld [smem:$0x7BA]  }
0x19b: {  	[sflag:s18] =	ssyncset.done $0x0  }
0x19c: {  	[sflag:s18] =	ssyncadd.s32 $0xFFFFF830  }
0x19d: {  	[tilespmem:s17], [sflag:$0x1] =	stream.linear.gather [hbm4b:s30+s2], $0x7D0, $0x38;
	[tilespmem:$0x15200] =	vst v63  }
0x19e: {  	_ =	swait.ge [sflag:s18], $0x7D0  }
0x19f: {  	[sflag:s18] =	ssyncset.done $0x0  }
0x1a0: {  	[sflag:s18] =	ssyncadd.s32 $0xFFFFF830  }
0x1a1: {  	[spmem:s26] =	stream.indirect.scatter.add.f32 [tilespmem:s20], [sflag:$0x1], $0x1, s17, s19, $0xb8;
	[tilespmem:$0x15200] =	vst v63  }
0x1a2: {  	_ =	swait.ge [sflag:s18], $0x7D0  }
0x1a3: {  	s23 =	sld [smem:$0x7BB]  }
0x1a4: {  	[sflag:s18] =	ssyncset.done $0x0  }
0x1a5: {  	[sflag:s18] =	ssyncadd.s32 $0xFFFFF830  }
0x1a6: {  	[tilespmem:s17], [sflag:$0x1] =	stream.linear.gather [hbm4b:s23+s2], $0x7D0, $0x38;
	[tilespmem:$0x15200] =	vst v63  }
0x1a7: {  	_ =	swait.ge [sflag:s18], $0x7D0  }
0x1a8: {  	[sflag:s18] =	ssyncset.done $0x0  }
0x1a9: {  	[sflag:s18] =	ssyncadd.s32 $0xFFFFF830  }
0x1aa: {  	[spmem:s26] =	stream.indirect.scatter.add.f32 [tilespmem:s20], [sflag:$0x1], $0x1, s17, s19, $0xb8;
	[tilespmem:$0x15200] =	vst v63  }
0x1ab: {  	_ =	swait.ge [sflag:s18], $0x7D0  }
0x1ac: {  	[sflag:s18] =	ssyncset.done $0x0  }
0x1ad: {  	p1 =	sne.s32 s1, $0x0;
	[sflag:s18] =	ssyncadd.s32 $0xFFFFF830  }
0x1ae: {  	s22 =	sshrl.u32 @!p1 s28, $0x3;
	s23 =	simm.s32 @!p1 $0x1C01;
	[bflag:$0x0] =	sbarrier.arrive $0xFFFF  }
0x1af: {  	[hbm:s4], [sflag:s23] =	dma.local @!p1 [spmem:s22], $0x4F  }
0x1b0: {  	s22 =	simm.s32 @!p1 $0x1  }
0x1b1: {  	_ =	swait.ge @!p1 [sflag:s22], $0x4F  }
0x1b2: {  	s25 =	sld [smem:$0x7E7]  }
0x1b3: {  	[sflag:s22] =	ssyncset.done @!p1 $0x0  }
0x1b4: {  	s24 =	sshrl.u32 @!p1 s31, $0x3;
	[sflag:s22] =	ssyncadd.s32 @!p1 $0xFFFFFFB1  }
0x1b5: {  	[hbm:s25], [sflag:s23] =	dma.local @!p1 [spmem:s24], $0x4F  }
0x1b6: {  	_ =	swait.ge @!p1 [sflag:s22], $0x4F  }
0x1b7: {  	s25 =	sld [smem:$0x7E8]  }
0x1b8: {  	[sflag:s22] =	ssyncset.done @!p1 $0x0  }
0x1b9: {  	s24 =	sshrl.u32 @!p1 s26, $0x3;
	[sflag:s22] =	ssyncadd.s32 @!p1 $0xFFFFFFB1  }
0x1ba: {  	[hbm:s25], [sflag:s23] =	dma.local @!p1 [spmem:s24], $0x4F  }
0x1bb: {  	_ =	swait.ge @!p1 [sflag:s22], $0x4F  }
0x1bc: {  	s23 =	sshll.u32 @p4 s1, $0x6;
	[sflag:s22] =	ssyncset.done @!p1 $0x0;
	s24 =	rddreg [dreg:$0x9]  }
0x1bd: {  	[sflag:s22] =	ssyncadd.s32 @!p1 $0xFFFFFFB1;
	s22 =	sor.u32 @p4 $0x1C01, s23;
	s23 =	sshrl.u32 @p4 s14, $0x3  }
0x1be: {  	[hbm:s24], [sflag:s22] =	dma.local @p4 [spmem:s23], $0x4F  }
0x1bf: {  	s23 =	simm.s32 @p4 $0x1  }
0x1c0: {  	_ =	swait.ge @p4 [sflag:s23], $0x4F  }
0x1c1: {  	[sflag:s23] =	ssyncset.done @p4 $0x0  }
0x1c2: {  	s24 =	sshrl.u32 @p4 s15, $0x3;
	s25 =	rddreg [dreg:$0xa];
	[sflag:s23] =	ssyncadd.s32 @p4 $0xFFFFFFB1  }
0x1c3: {  	[hbm:s25], [sflag:s22] =	dma.local @p4 [spmem:s24], $0x4F  }
0x1c4: {  	_ =	swait.ge @p4 [sflag:s23], $0x4F  }
0x1c5: {  	[sflag:s23] =	ssyncset.done @p4 $0x0  }
0x1c6: {  	s24 =	sshrl.u32 @p4 s16, $0x3;
	s25 =	rddreg [dreg:$0xb];
	[sflag:s23] =	ssyncadd.s32 @p4 $0xFFFFFFB1  }
0x1c7: {  	[hbm:s25], [sflag:s22] =	dma.local @p4 [spmem:s24], $0x4F  }
0x1c8: {  	_ =	swait.ge @p4 [sflag:s23], $0x4F  }
0x1c9: {  	s24 =	sld [smem:$0x7E9]  }
0x1ca: {  	s22 =	sshll.u32 @p3 s1, $0x6;
	[sflag:s23] =	ssyncset.done @p4 $0x0  }
0x1cb: {  	s22 =	sor.u32 @p3 $0x1C01, s22;
	[sflag:s23] =	ssyncadd.s32 @p4 $0xFFFFFFB1;
	s23 =	sshrl.u32 @p3 s11, $0x3  }
0x1cc: {  	[hbm:s24], [sflag:s22] =	dma.local @p3 [spmem:s23], $0x4F  }
0x1cd: {  	s23 =	simm.s32 @p3 $0x1  }
0x1ce: {  	_ =	swait.ge @p3 [sflag:s23], $0x4F  }
0x1cf: {  	s25 =	sld [smem:$0x7EA]  }
0x1d0: {  	[sflag:s23] =	ssyncset.done @p3 $0x0  }
0x1d1: {  	s24 =	sshrl.u32 @p3 s12, $0x3;
	[sflag:s23] =	ssyncadd.s32 @p3 $0xFFFFFFB1  }
0x1d2: {  	[hbm:s25], [sflag:s22] =	dma.local @p3 [spmem:s24], $0x4F  }
0x1d3: {  	_ =	swait.ge @p3 [sflag:s23], $0x4F  }
0x1d4: {  	s25 =	sld [smem:$0x7EB]  }
0x1d5: {  	[sflag:s23] =	ssyncset.done @p3 $0x0  }
0x1d6: {  	s24 =	sshrl.u32 @p3 s13, $0x3;
	[sflag:s23] =	ssyncadd.s32 @p3 $0xFFFFFFB1  }
0x1d7: {  	[hbm:s25], [sflag:s22] =	dma.local @p3 [spmem:s24], $0x4F  }
0x1d8: {  	_ =	swait.ge @p3 [sflag:s23], $0x4F  }
0x1d9: {  	s24 =	sld [smem:$0x795];
	_ =	sdelay $0x2  }
0x1da: {  	[sflag:s23] =	ssyncset.done @p3 $0x0;
	p0 =	seq.s32 s24, $0x1  }
0x1db: {  	[sflag:s23] =	ssyncadd.s32 @p3 $0xFFFFFFB1;
	s22 =	sshll.u32 @p0 s1, $0x6  }
0x1dc: {  	s24 =	rddreg [dreg:$0xc];
	s23 =	sshrl.u32 @p0 s8, $0x3;
	s22 =	sor.u32 @p0 $0x1C01, s22  }
0x1dd: {  	[hbm:s24], [sflag:s22] =	dma.local @p0 [spmem:s23], $0x4F  }
0x1de: {  	s23 =	simm.s32 @p0 $0x1  }
0x1df: {  	_ =	swait.ge @p0 [sflag:s23], $0x4F  }
0x1e0: {  	[sflag:s23] =	ssyncset.done @p0 $0x0  }
0x1e1: {  	s24 =	sshrl.u32 @p0 s9, $0x3;
	s25 =	rddreg [dreg:$0xd];
	[sflag:s23] =	ssyncadd.s32 @p0 $0xFFFFFFB1  }
0x1e2: {  	[hbm:s25], [sflag:s22] =	dma.local @p0 [spmem:s24], $0x4F  }
0x1e3: {  	_ =	swait.ge @p0 [sflag:s23], $0x4F  }
0x1e4: {  	[sflag:s23] =	ssyncset.done @p0 $0x0  }
0x1e5: {  	s24 =	sshrl.u32 @p0 s10, $0x3;
	s25 =	rddreg [dreg:$0xe];
	[sflag:s23] =	ssyncadd.s32 @p0 $0xFFFFFFB1  }
0x1e6: {  	[hbm:s25], [sflag:s22] =	dma.local @p0 [spmem:s24], $0x4F  }
0x1e7: {  	_ =	swait.ge @p0 [sflag:s23], $0x4F  }
0x1e8: {  	s24 =	sld [smem:$0x7EC]  }
0x1e9: {  	s22 =	sshll.u32 @p6 s1, $0x6;
	[sflag:s23] =	ssyncset.done @p0 $0x0  }
0x1ea: {  	s22 =	sor.u32 @p6 $0x1C01, s22;
	[sflag:s23] =	ssyncadd.s32 @p0 $0xFFFFFFB1;
	s23 =	sshrl.u32 @p6 s5, $0x3  }
0x1eb: {  	[hbm:s24], [sflag:s22] =	dma.local @p6 [spmem:s23], $0x4F  }
0x1ec: {  	s23 =	simm.s32 @p6 $0x1  }
0x1ed: {  	_ =	swait.ge @p6 [sflag:s23], $0x4F  }
0x1ee: {  	s25 =	sld [smem:$0x7ED]  }
0x1ef: {  	[sflag:s23] =	ssyncset.done @p6 $0x0  }
0x1f0: {  	s24 =	sshrl.u32 @p6 s6, $0x3;
	[sflag:s23] =	ssyncadd.s32 @p6 $0xFFFFFFB1  }
0x1f1: {  	[hbm:s25], [sflag:s22] =	dma.local @p6 [spmem:s24], $0x4F  }
0x1f2: {  	_ =	swait.ge @p6 [sflag:s23], $0x4F  }
0x1f3: {  	s25 =	sld [smem:$0x7EE]  }
0x1f4: {  	[sflag:s23] =	ssyncset.done @p6 $0x0  }
0x1f5: {  	s24 =	sshrl.u32 @p6 s7, $0x3;
	[sflag:s23] =	ssyncadd.s32 @p6 $0xFFFFFFB1  }
0x1f6: {  	[hbm:s25], [sflag:s22] =	dma.local @p6 [spmem:s24], $0x4F  }
0x1f7: {  	_ =	swait.ge @p6 [sflag:s23], $0x4F  }
0x1f8: {  	s25 =	sld [smem:$0x794]  }
0x1f9: {  	[sflag:s23] =	ssyncset.done @p6 $0x0  }
0x1fa: {  	[sflag:s23] =	ssyncadd.s32 @p6 $0xFFFFFFB1;
	s23 =	sld [smem:$0x7E6]  }
0x1fb: {  	p0 =	seq.s32 s25, $0x1  }
0x1fc: {  	s22 =	sshll.u32 @p0 s1, $0x6  }
0x1fd: {  	s24 =	rddreg [dreg:$0xf];
	s23 =	sshrl.u32 @p0 s23, $0x3;
	s22 =	sor.u32 @p0 $0x1C01, s22  }
0x1fe: {  	[hbm:s24], [sflag:s22] =	dma.local @p0 [spmem:s23], $0x4F  }
0x1ff: {  	s23 =	simm.s32 @p0 $0x1  }
0x200: {  	_ =	swait.ge @p0 [sflag:s23], $0x4F  }
0x201: {  	[sflag:s23] =	ssyncset.done @p0 $0x0  }
0x202: {  	s24 =	sshrl.u32 @p0 s3, $0x3;
	s25 =	rddreg [dreg:$0x10];
	[sflag:s23] =	ssyncadd.s32 @p0 $0xFFFFFFB1  }
0x203: {  	[hbm:s25], [sflag:s22] =	dma.local @p0 [spmem:s24], $0x4F  }
0x204: {  	_ =	swait.ge @p0 [sflag:s23], $0x4F  }
0x205: {  	[sflag:s23] =	ssyncset.done @p0 $0x0  }
0x206: {  	s24 =	sshrl.u32 @p0 s0, $0x3;
	s25 =	rddreg [dreg:$0x11];
	[sflag:s23] =	ssyncadd.s32 @p0 $0xFFFFFFB1  }
0x207: {  	[hbm:s25], [sflag:s22] =	dma.local @p0 [spmem:s24], $0x4F  }
0x208: {  	_ =	swait.ge @p0 [sflag:s23], $0x4F  }
0x209: {  	s29 =	sld [smem:$0x796]  }
0x20a: {  	[sflag:s23] =	ssyncset.done @p0 $0x0  }
0x20b: {  	[sflag:s23] =	ssyncadd.s32 @p0 $0xFFFFFFB1;
	s23 =	sld [smem:$0x7E3]  }
0x20c: {  	s24 =	sld [smem:$0x7EF];
	p3 =	seq.s32 s29, $0x1  }
0x20d: {  	s22 =	sshll.u32 @p3 s1, $0x6  }
0x20e: {  	s23 =	sshrl.u32 @p3 s23, $0x3;
	s22 =	sor.u32 @p3 $0x1C01, s22  }
0x20f: {  	[hbm:s24], [sflag:s22] =	dma.local @p3 [spmem:s23], $0x4F  }
0x210: {  	s23 =	simm.s32 @p3 $0x1  }
0x211: {  	_ =	swait.ge @p3 [sflag:s23], $0x4F  }
0x212: {  	s24 =	sld [smem:$0x7E4]  }
0x213: {  	s25 =	sld [smem:$0x7F0]  }
0x214: {  	[sflag:s23] =	ssyncset.done @p3 $0x0  }
0x215: {  	[sflag:s23] =	ssyncadd.s32 @p3 $0xFFFFFFB1;
	s24 =	sshrl.u32 @p3 s24, $0x3  }
0x216: {  	[hbm:s25], [sflag:s22] =	dma.local @p3 [spmem:s24], $0x4F  }
0x217: {  	_ =	swait.ge @p3 [sflag:s23], $0x4F  }
0x218: {  	s24 =	sld [smem:$0x7E5]  }
0x219: {  	s25 =	sld [smem:$0x7F1]  }
0x21a: {  	[sflag:s23] =	ssyncset.done @p3 $0x0  }
0x21b: {  	[sflag:s23] =	ssyncadd.s32 @p3 $0xFFFFFFB1;
	s24 =	sshrl.u32 @p3 s24, $0x3  }
0x21c: {  	[hbm:s25], [sflag:s22] =	dma.local @p3 [spmem:s24], $0x4F  }
0x21d: {  	_ =	swait.ge @p3 [sflag:s23], $0x4F  }
0x21e: {  	s30 =	sld [smem:$0x793]  }
0x21f: {  	[sflag:s23] =	ssyncset.done @p3 $0x0  }
0x220: {  	[sflag:s23] =	ssyncadd.s32 @p3 $0xFFFFFFB1;
	s23 =	sld [smem:$0x7E0]  }
0x221: {  	p0 =	seq.s32 s30, $0x1  }
0x222: {  	s22 =	sshll.u32 @p0 s1, $0x6  }
0x223: {  	s24 =	rddreg [dreg:$0x12];
	s23 =	sshrl.u32 @p0 s23, $0x3;
	s22 =	sor.u32 @p0 $0x1C01, s22  }
0x224: {  	[hbm:s24], [sflag:s22] =	dma.local @p0 [spmem:s23], $0x4F  }
0x225: {  	s23 =	simm.s32 @p0 $0x1  }
0x226: {  	_ =	swait.ge @p0 [sflag:s23], $0x4F  }
0x227: {  	s24 =	sld [smem:$0x7E1];
	_ =	sdelay $0x1  }
0x228: {  	[sflag:s23] =	ssyncset.done @p0 $0x0  }
0x229: {  	s25 =	rddreg [dreg:$0x13];
	[sflag:s23] =	ssyncadd.s32 @p0 $0xFFFFFFB1;
	s24 =	sshrl.u32 @p0 s24, $0x3  }
0x22a: {  	[hbm:s25], [sflag:s22] =	dma.local @p0 [spmem:s24], $0x4F  }
0x22b: {  	_ =	swait.ge @p0 [sflag:s23], $0x4F  }
0x22c: {  	s24 =	sld [smem:$0x7E2];
	_ =	sdelay $0x1  }
0x22d: {  	[sflag:s23] =	ssyncset.done @p0 $0x0  }
0x22e: {  	s25 =	rddreg [dreg:$0x14];
	[sflag:s23] =	ssyncadd.s32 @p0 $0xFFFFFFB1;
	s24 =	sshrl.u32 @p0 s24, $0x3  }
0x22f: {  	[hbm:s25], [sflag:s22] =	dma.local @p0 [spmem:s24], $0x4F  }
0x230: {  	_ =	swait.ge @p0 [sflag:s23], $0x4F  }
0x231: {  	s24 =	sld [smem:$0x797]  }
0x232: {  	[sflag:s23] =	ssyncset.done @p0 $0x0  }
0x233: {  	[sflag:s23] =	ssyncadd.s32 @p0 $0xFFFFFFB1;
	s23 =	sld [smem:$0x7DD]  }
0x234: {  	p3 =	seq.s32 s24, $0x1;
	s24 =	sld [smem:$0x7F2]  }
0x235: {  	s22 =	sshll.u32 @p3 s1, $0x6  }
0x236: {  	s23 =	sshrl.u32 @p3 s23, $0x3;
	s22 =	sor.u32 @p3 $0x1C01, s22  }
0x237: {  	[hbm:s24], [sflag:s22] =	dma.local @p3 [spmem:s23], $0x4F  }
0x238: {  	s23 =	simm.s32 @p3 $0x1  }
0x239: {  	_ =	swait.ge @p3 [sflag:s23], $0x4F  }
0x23a: {  	s24 =	sld [smem:$0x7DE]  }
0x23b: {  	s25 =	sld [smem:$0x7F3]  }
0x23c: {  	[sflag:s23] =	ssyncset.done @p3 $0x0  }
0x23d: {  	[sflag:s23] =	ssyncadd.s32 @p3 $0xFFFFFFB1;
	s24 =	sshrl.u32 @p3 s24, $0x3  }
0x23e: {  	[hbm:s25], [sflag:s22] =	dma.local @p3 [spmem:s24], $0x4F  }
0x23f: {  	_ =	swait.ge @p3 [sflag:s23], $0x4F  }
0x240: {  	s24 =	sld [smem:$0x7DF]  }
0x241: {  	s25 =	sld [smem:$0x7F4]  }
0x242: {  	[sflag:s23] =	ssyncset.done @p3 $0x0  }
0x243: {  	[sflag:s23] =	ssyncadd.s32 @p3 $0xFFFFFFB1;
	s24 =	sshrl.u32 @p3 s24, $0x3  }
0x244: {  	[hbm:s25], [sflag:s22] =	dma.local @p3 [spmem:s24], $0x4F  }
0x245: {  	_ =	swait.ge @p3 [sflag:s23], $0x4F  }
0x246: {  	s25 =	sld [smem:$0x792]  }
0x247: {  	[sflag:s23] =	ssyncset.done @p3 $0x0  }
0x248: {  	[sflag:s23] =	ssyncadd.s32 @p3 $0xFFFFFFB1;
	s23 =	sld [smem:$0x7DA]  }
0x249: {  	p0 =	seq.s32 s25, $0x1  }
0x24a: {  	s22 =	sshll.u32 @p0 s1, $0x6  }
0x24b: {  	s24 =	rddreg [dreg:$0x15];
	s23 =	sshrl.u32 @p0 s23, $0x3;
	s22 =	sor.u32 @p0 $0x1C01, s22  }
0x24c: {  	[hbm:s24], [sflag:s22] =	dma.local @p0 [spmem:s23], $0x4F  }
0x24d: {  	s23 =	simm.s32 @p0 $0x1  }
0x24e: {  	_ =	swait.ge @p0 [sflag:s23], $0x4F  }
0x24f: {  	s24 =	sld [smem:$0x7DB];
	_ =	sdelay $0x1  }
0x250: {  	[sflag:s23] =	ssyncset.done @p0 $0x0  }
0x251: {  	s25 =	rddreg [dreg:$0x16];
	[sflag:s23] =	ssyncadd.s32 @p0 $0xFFFFFFB1;
	s24 =	sshrl.u32 @p0 s24, $0x3  }
0x252: {  	[hbm:s25], [sflag:s22] =	dma.local @p0 [spmem:s24], $0x4F  }
0x253: {  	_ =	swait.ge @p0 [sflag:s23], $0x4F  }
0x254: {  	s24 =	sld [smem:$0x7DC];
	_ =	sdelay $0x1  }
0x255: {  	[sflag:s23] =	ssyncset.done @p0 $0x0  }
0x256: {  	s25 =	rddreg [dreg:$0x17];
	[sflag:s23] =	ssyncadd.s32 @p0 $0xFFFFFFB1;
	s24 =	sshrl.u32 @p0 s24, $0x3  }
0x257: {  	[hbm:s25], [sflag:s22] =	dma.local @p0 [spmem:s24], $0x4F  }
0x258: {  	_ =	swait.ge @p0 [sflag:s23], $0x4F  }
0x259: {  	s29 =	sld [smem:$0x798]  }
0x25a: {  	[sflag:s23] =	ssyncset.done @p0 $0x0  }
0x25b: {  	[sflag:s23] =	ssyncadd.s32 @p0 $0xFFFFFFB1;
	s23 =	sld [smem:$0x7D7]  }
0x25c: {  	s24 =	sld [smem:$0x7F5];
	p3 =	seq.s32 s29, $0x1  }
0x25d: {  	s22 =	sshll.u32 @p3 s1, $0x6  }
0x25e: {  	s23 =	sshrl.u32 @p3 s23, $0x3;
	s22 =	sor.u32 @p3 $0x1C01, s22  }
0x25f: {  	[hbm:s24], [sflag:s22] =	dma.local @p3 [spmem:s23], $0x4F  }
0x260: {  	s23 =	simm.s32 @p3 $0x1  }
0x261: {  	_ =	swait.ge @p3 [sflag:s23], $0x4F  }
0x262: {  	s24 =	sld [smem:$0x7D8]  }
0x263: {  	s25 =	sld [smem:$0x7F6]  }
0x264: {  	[sflag:s23] =	ssyncset.done @p3 $0x0  }
0x265: {  	[sflag:s23] =	ssyncadd.s32 @p3 $0xFFFFFFB1;
	s24 =	sshrl.u32 @p3 s24, $0x3  }
0x266: {  	[hbm:s25], [sflag:s22] =	dma.local @p3 [spmem:s24], $0x4F  }
0x267: {  	_ =	swait.ge @p3 [sflag:s23], $0x4F  }
0x268: {  	s24 =	sld [smem:$0x7D9]  }
0x269: {  	s25 =	sld [smem:$0x7F7]  }
0x26a: {  	[sflag:s23] =	ssyncset.done @p3 $0x0  }
0x26b: {  	[sflag:s23] =	ssyncadd.s32 @p3 $0xFFFFFFB1;
	s24 =	sshrl.u32 @p3 s24, $0x3  }
0x26c: {  	[hbm:s25], [sflag:s22] =	dma.local @p3 [spmem:s24], $0x4F  }
0x26d: {  	_ =	swait.ge @p3 [sflag:s23], $0x4F  }
0x26e: {  	s30 =	sld [smem:$0x791]  }
0x26f: {  	[sflag:s23] =	ssyncset.done @p3 $0x0  }
0x270: {  	[sflag:s23] =	ssyncadd.s32 @p3 $0xFFFFFFB1;
	s23 =	sld [smem:$0x7D4]  }
0x271: {  	p0 =	seq.s32 s30, $0x1  }
0x272: {  	s22 =	sshll.u32 @p0 s1, $0x6  }
0x273: {  	s24 =	rddreg [dreg:$0x18];
	s23 =	sshrl.u32 @p0 s23, $0x3;
	s22 =	sor.u32 @p0 $0x1C01, s22  }
0x274: {  	[hbm:s24], [sflag:s22] =	dma.local @p0 [spmem:s23], $0x4F  }
0x275: {  	s23 =	simm.s32 @p0 $0x1  }
0x276: {  	_ =	swait.ge @p0 [sflag:s23], $0x4F  }
0x277: {  	s24 =	sld [smem:$0x7D5];
	_ =	sdelay $0x1  }
0x278: {  	[sflag:s23] =	ssyncset.done @p0 $0x0  }
0x279: {  	s25 =	rddreg [dreg:$0x19];
	[sflag:s23] =	ssyncadd.s32 @p0 $0xFFFFFFB1;
	s24 =	sshrl.u32 @p0 s24, $0x3  }
0x27a: {  	[hbm:s25], [sflag:s22] =	dma.local @p0 [spmem:s24], $0x4F  }
0x27b: {  	_ =	swait.ge @p0 [sflag:s23], $0x4F  }
0x27c: {  	s24 =	sld [smem:$0x7D6];
	_ =	sdelay $0x1  }
0x27d: {  	[sflag:s23] =	ssyncset.done @p0 $0x0  }
0x27e: {  	s25 =	rddreg [dreg:$0x1a];
	[sflag:s23] =	ssyncadd.s32 @p0 $0xFFFFFFB1;
	s24 =	sshrl.u32 @p0 s24, $0x3  }
0x27f: {  	[hbm:s25], [sflag:s22] =	dma.local @p0 [spmem:s24], $0x4F  }
0x280: {  	_ =	swait.ge @p0 [sflag:s23], $0x4F  }
0x281: {  	s24 =	sld [smem:$0x799]  }
0x282: {  	[sflag:s23] =	ssyncset.done @p0 $0x0  }
0x283: {  	[sflag:s23] =	ssyncadd.s32 @p0 $0xFFFFFFB1;
	s23 =	sld [smem:$0x7D1]  }
0x284: {  	p3 =	seq.s32 s24, $0x1;
	s24 =	sld [smem:$0x7F8]  }
0x285: {  	s22 =	sshll.u32 @p3 s1, $0x6  }
0x286: {  	s23 =	sshrl.u32 @p3 s23, $0x3;
	s22 =	sor.u32 @p3 $0x1C01, s22  }
0x287: {  	[hbm:s24], [sflag:s22] =	dma.local @p3 [spmem:s23], $0x4F  }
0x288: {  	s23 =	simm.s32 @p3 $0x1  }
0x289: {  	_ =	swait.ge @p3 [sflag:s23], $0x4F  }
0x28a: {  	s24 =	sld [smem:$0x7D2]  }
0x28b: {  	s25 =	sld [smem:$0x7F9]  }
0x28c: {  	[sflag:s23] =	ssyncset.done @p3 $0x0  }
0x28d: {  	[sflag:s23] =	ssyncadd.s32 @p3 $0xFFFFFFB1;
	s24 =	sshrl.u32 @p3 s24, $0x3  }
0x28e: {  	[hbm:s25], [sflag:s22] =	dma.local @p3 [spmem:s24], $0x4F  }
0x28f: {  	_ =	swait.ge @p3 [sflag:s23], $0x4F  }
0x290: {  	s24 =	sld [smem:$0x7D3]  }
0x291: {  	s25 =	sld [smem:$0x7FA]  }
0x292: {  	[sflag:s23] =	ssyncset.done @p3 $0x0  }
0x293: {  	[sflag:s23] =	ssyncadd.s32 @p3 $0xFFFFFFB1;
	s24 =	sshrl.u32 @p3 s24, $0x3  }
0x294: {  	[hbm:s25], [sflag:s22] =	dma.local @p3 [spmem:s24], $0x4F  }
0x295: {  	_ =	swait.ge @p3 [sflag:s23], $0x4F  }
0x296: {  	s25 =	sld [smem:$0x790]  }
0x297: {  	[sflag:s23] =	ssyncset.done @p3 $0x0  }
0x298: {  	[sflag:s23] =	ssyncadd.s32 @p3 $0xFFFFFFB1;
	s23 =	sld [smem:$0x7CE]  }
0x299: {  	p0 =	seq.s32 s25, $0x1  }
0x29a: {  	s22 =	sshll.u32 @p0 s1, $0x6  }
0x29b: {  	s24 =	rddreg [dreg:$0x1b];
	s23 =	sshrl.u32 @p0 s23, $0x3;
	s22 =	sor.u32 @p0 $0x1C01, s22  }
0x29c: {  	[hbm:s24], [sflag:s22] =	dma.local @p0 [spmem:s23], $0x4F  }
0x29d: {  	s23 =	simm.s32 @p0 $0x1  }
0x29e: {  	_ =	swait.ge @p0 [sflag:s23], $0x4F  }
0x29f: {  	s24 =	sld [smem:$0x7CF];
	_ =	sdelay $0x1  }
0x2a0: {  	[sflag:s23] =	ssyncset.done @p0 $0x0  }
0x2a1: {  	s25 =	rddreg [dreg:$0x1c];
	[sflag:s23] =	ssyncadd.s32 @p0 $0xFFFFFFB1;
	s24 =	sshrl.u32 @p0 s24, $0x3  }
0x2a2: {  	[hbm:s25], [sflag:s22] =	dma.local @p0 [spmem:s24], $0x4F  }
0x2a3: {  	_ =	swait.ge @p0 [sflag:s23], $0x4F  }
0x2a4: {  	s24 =	sld [smem:$0x7D0];
	_ =	sdelay $0x1  }
0x2a5: {  	[sflag:s23] =	ssyncset.done @p0 $0x0  }
0x2a6: {  	s25 =	rddreg [dreg:$0x1d];
	[sflag:s23] =	ssyncadd.s32 @p0 $0xFFFFFFB1;
	s24 =	sshrl.u32 @p0 s24, $0x3  }
0x2a7: {  	[hbm:s25], [sflag:s22] =	dma.local @p0 [spmem:s24], $0x4F  }
0x2a8: {  	_ =	swait.ge @p0 [sflag:s23], $0x4F  }
0x2a9: {  	[sflag:s23] =	ssyncset.done @p0 $0x0  }
0x2aa: {  	[sflag:s23] =	ssyncadd.s32 @p0 $0xFFFFFFB1;
	s23 =	sld [smem:$0x7CB]  }
0x2ab: {  	s24 =	sld [smem:$0x7FB]  }
0x2ac: {  	s22 =	sshll.u32 @p2 s1, $0x6  }
0x2ad: {  	s22 =	sor.u32 @p2 $0x1C01, s22;
	s23 =	sshrl.u32 @p2 s23, $0x3  }
0x2ae: {  	[hbm:s24], [sflag:s22] =	dma.local @p2 [spmem:s23], $0x4F  }
0x2af: {  	s23 =	simm.s32 @p2 $0x1  }
0x2b0: {  	_ =	swait.ge @p2 [sflag:s23], $0x4F  }
0x2b1: {  	s24 =	sld [smem:$0x7CC]  }
0x2b2: {  	s25 =	sld [smem:$0x7FC]  }
0x2b3: {  	[sflag:s23] =	ssyncset.done @p2 $0x0  }
0x2b4: {  	[sflag:s23] =	ssyncadd.s32 @p2 $0xFFFFFFB1;
	s24 =	sshrl.u32 @p2 s24, $0x3  }
0x2b5: {  	[hbm:s25], [sflag:s22] =	dma.local @p2 [spmem:s24], $0x4F  }
0x2b6: {  	_ =	swait.ge @p2 [sflag:s23], $0x4F  }
0x2b7: {  	s24 =	sld [smem:$0x7CD]  }
0x2b8: {  	s25 =	sld [smem:$0x7FD]  }
0x2b9: {  	[sflag:s23] =	ssyncset.done @p2 $0x0  }
0x2ba: {  	[sflag:s23] =	ssyncadd.s32 @p2 $0xFFFFFFB1;
	s24 =	sshrl.u32 @p2 s24, $0x3  }
0x2bb: {  	[hbm:s25], [sflag:s22] =	dma.local @p2 [spmem:s24], $0x4F  }
0x2bc: {  	_ =	swait.ge @p2 [sflag:s23], $0x4F  }
0x2bd: {  	s29 =	sld [smem:$0x78F]  }
0x2be: {  	[sflag:s23] =	ssyncset.done @p2 $0x0  }
0x2bf: {  	[sflag:s23] =	ssyncadd.s32 @p2 $0xFFFFFFB1;
	s23 =	sld [smem:$0x7C8]  }
0x2c0: {  	p3 =	seq.s32 s29, $0x1  }
0x2c1: {  	s22 =	sshll.u32 @p3 s1, $0x6  }
0x2c2: {  	s24 =	rddreg [dreg:$0x1e];
	s23 =	sshrl.u32 @p3 s23, $0x3;
	s22 =	sor.u32 @p3 $0x1C01, s22  }
0x2c3: {  	[hbm:s24], [sflag:s22] =	dma.local @p3 [spmem:s23], $0x41  }
0x2c4: {  	s23 =	simm.s32 @p3 $0x1  }
0x2c5: {  	_ =	swait.ge @p3 [sflag:s23], $0x41  }
0x2c6: {  	s24 =	sld [smem:$0x7C9];
	_ =	sdelay $0x1  }
0x2c7: {  	[sflag:s23] =	ssyncset.done @p3 $0x0  }
0x2c8: {  	s25 =	rddreg [dreg:$0x1f];
	[sflag:s23] =	ssyncadd.s32 @p3 $0xFFFFFFBF;
	s24 =	sshrl.u32 @p3 s24, $0x3  }
0x2c9: {  	[hbm:s25], [sflag:s22] =	dma.local @p3 [spmem:s24], $0x41  }
0x2ca: {  	_ =	swait.ge @p3 [sflag:s23], $0x41  }
0x2cb: {  	s24 =	sld [smem:$0x7CA]  }
0x2cc: {  	s25 =	sld [smem:$0x79A]  }
0x2cd: {  	[sflag:s23] =	ssyncset.done @p3 $0x0  }
0x2ce: {  	[sflag:s23] =	ssyncadd.s32 @p3 $0xFFFFFFBF;
	s24 =	sshrl.u32 @p3 s24, $0x3  }
0x2cf: {  	[hbm:s25], [sflag:s22] =	dma.local @p3 [spmem:s24], $0x41  }
0x2d0: {  	_ =	swait.ge @p3 [sflag:s23], $0x41  }
0x2d1: {  	s30 =	sld [smem:$0x7AC];
	_ =	sdelay $0x1  }
0x2d2: {  	s21 =	sadd.s32 $0x1, s21  }
0x2d3: {  	p0 =	sne.s32 s21, s30  }
.Ltmp1:
0x2d4: {  	_ = 	snop;
	(pc) =	sbr.rel @!p0 .LBB2_11-.Ltmp1, $3  }
0x2d5: {  	_ =	sdelay $0x1  }
0x2d6: {  	[sflag:s23] =	ssyncset.done @p3 $0x0  }
0x2d7: {  	[sflag:s23] =	ssyncadd.s32 @p3 $0xFFFFFFBF  }
.LBB2_1:
0x2d8: {  	s22 =	simm.s32 $0x40;
	s23 =	simm.s32 $0x0  }
.LBB2_2:
0x2d9: {  	p0 =	sne.s32 s22, $0x1F00;
	[tilespmem:s23+$0x768] =	vst v0;
	s23 =	smov.u32 s22;
	s22 =	sadd.s32 $0x40, s22  }
.Ltmp2:
0x2da: {  	(pc) =	sbr.rel @p0 .LBB2_2-.Ltmp2, $2  }
0x2db: {  	_ =	sdelay $0x2  }
0x2dc: {  	s23 =	sshra.s32 s23, $0x2  }
0x2dd: {  	s22 =	sld [smem:$0x7C6];
	_ =	sdelay $0x2  }
0x2de: {  	p0 =	seq.s32 s22, $0x1  }
.Ltmp3:
0x2df: {  	_ = 	snop;
	(pc) =	sbr.rel @p0 .LBB2_7-.Ltmp3, $2  }
0x2e0: {  	_ =	sdelay $0x2  }
0x2e1: {  	[tilespmem:s23+$0x768] =	vst v0  }
0x2e2: {  	s22 =	sld [smem:$0x7C7];
	_ =	sdelay $0x2  }
0x2e3: {  	p0 =	seq.s32 s22, $0x1  }
.Ltmp4:
0x2e4: {  	_ = 	snop;
	(pc) =	sbr.rel @p0 .LBB2_6-.Ltmp4, $1  }
0x2e5: {  	_ =	sdelay $0x3  }
0x2e6: {  	s22 =	sld [smem:$0x7BC];
	_ =	sdelay $0x1  }
0x2e7: {  	s25 =	sld [smem:$0x7A9]  }
0x2e8: {  	p4 =	seq.s32 s22, $0x1  }
0x2e9: {  	s22 =	sshrl.u32 @!p4 s11, $0x3;
	s23 =	simm.s32 @!p4 $0x1C81  }
0x2ea: {  	[spmem:s22], [sflag:s23] =	dma.local @!p4 [hbm:s25], $0x4F  }
0x2eb: {  	s22 =	simm.s32 @!p4 $0x1  }
0x2ec: {  	_ =	swait.ge @!p4 [sflag:s22], $0x4F  }
0x2ed: {  	[sflag:s22] =	ssyncset.done @!p4 $0x0  }
0x2ee: {  	s24 =	sshrl.u32 @!p4 s12, $0x3;
	[sflag:s22] =	ssyncadd.s32 @!p4 $0xFFFFFFB1  }
0x2ef: {  	[spmem:s24], [sflag:s23] =	dma.local @!p4 [hbm:s25], $0x4F  }
0x2f0: {  	_ =	swait.ge @!p4 [sflag:s22], $0x4F  }
0x2f1: {  	[sflag:s22] =	ssyncset.done @!p4 $0x0  }
0x2f2: {  	s24 =	sshrl.u32 @!p4 s13, $0x3;
	[sflag:s22] =	ssyncadd.s32 @!p4 $0xFFFFFFB1  }
0x2f3: {  	[spmem:s24], [sflag:s23] =	dma.local @!p4 [hbm:s25], $0x4F  }
0x2f4: {  	_ =	swait.ge @!p4 [sflag:s22], $0x4F  }
0x2f5: {  	s24 =	sld [smem:$0x7BD];
	_ =	sdelay $0x1  }
0x2f6: {  	s25 =	sld [smem:$0x7A8]  }
0x2f7: {  	[sflag:s22] =	ssyncset.done @!p4 $0x0;
	p2 =	seq.s32 s24, $0x1  }
0x2f8: {  	[sflag:s22] =	ssyncadd.s32 @!p4 $0xFFFFFFB1;
	s22 =	sshrl.u32 @!p2 s8, $0x3;
	s23 =	simm.s32 @!p2 $0x1CC1  }
0x2f9: {  	[spmem:s22], [sflag:s23] =	dma.local @!p2 [hbm:s25], $0x4F  }
0x2fa: {  	s22 =	simm.s32 @!p2 $0x1  }
0x2fb: {  	_ =	swait.ge @!p2 [sflag:s22], $0x4F  }
0x2fc: {  	[sflag:s22] =	ssyncset.done @!p2 $0x0  }
0x2fd: {  	s24 =	sshrl.u32 @!p2 s9, $0x3;
	[sflag:s22] =	ssyncadd.s32 @!p2 $0xFFFFFFB1  }
0x2fe: {  	[spmem:s24], [sflag:s23] =	dma.local @!p2 [hbm:s25], $0x4F  }
0x2ff: {  	_ =	swait.ge @!p2 [sflag:s22], $0x4F  }
0x300: {  	[sflag:s22] =	ssyncset.done @!p2 $0x0  }
0x301: {  	s24 =	sshrl.u32 @!p2 s10, $0x3;
	[sflag:s22] =	ssyncadd.s32 @!p2 $0xFFFFFFB1  }
0x302: {  	[spmem:s24], [sflag:s23] =	dma.local @!p2 [hbm:s25], $0x4F  }
0x303: {  	_ =	swait.ge @!p2 [sflag:s22], $0x4F  }
0x304: {  	s25 =	sld [smem:$0x7BE];
	_ =	sdelay $0x2  }
0x305: {  	p6 =	seq.s32 s25, $0x1;
	s25 =	sld [smem:$0x79B]  }
0x306: {  	[sflag:s22] =	ssyncset.done @!p2 $0x0  }
0x307: {  	[sflag:s22] =	ssyncadd.s32 @!p2 $0xFFFFFFB1;
	s22 =	sshrl.u32 @!p6 s28, $0x3;
	s23 =	simm.s32 @!p6 $0x1C01  }
0x308: {  	[spmem:s22], [sflag:s23] =	dma.local @!p6 [hbm:s25], $0x4F  }
0x309: {  	s22 =	simm.s32 @!p6 $0x1  }
0x30a: {  	_ =	swait.ge @!p6 [sflag:s22], $0x4F  }
0x30b: {  	[sflag:s22] =	ssyncset.done @!p6 $0x0  }
0x30c: {  	s24 =	sshrl.u32 @!p6 s31, $0x3;
	[sflag:s22] =	ssyncadd.s32 @!p6 $0xFFFFFFB1  }
0x30d: {  	[spmem:s24], [sflag:s23] =	dma.local @!p6 [hbm:s25], $0x4F  }
0x30e: {  	_ =	swait.ge @!p6 [sflag:s22], $0x4F  }
0x30f: {  	[sflag:s22] =	ssyncset.done @!p6 $0x0  }
0x310: {  	s24 =	sshrl.u32 @!p6 s26, $0x3;
	[sflag:s22] =	ssyncadd.s32 @!p6 $0xFFFFFFB1  }
0x311: {  	[spmem:s24], [sflag:s23] =	dma.local @!p6 [hbm:s25], $0x4F  }
0x312: {  	_ =	swait.ge @!p6 [sflag:s22], $0x4F  }
0x313: {  	s29 =	sld [smem:$0x7C0];
	_ =	sdelay $0x1  }
0x314: {  	s25 =	sld [smem:$0x7AA]  }
0x315: {  	[sflag:s22] =	ssyncset.done @!p6 $0x0;
	p5 =	seq.s32 s29, $0x1  }
0x316: {  	[sflag:s22] =	ssyncadd.s32 @!p6 $0xFFFFFFB1;
	s22 =	sshrl.u32 @!p5 s14, $0x3;
	s23 =	simm.s32 @!p5 $0x1C41  }
0x317: {  	[spmem:s22], [sflag:s23] =	dma.local @!p5 [hbm:s25], $0x4F  }
0x318: {  	s22 =	simm.s32 @!p5 $0x1  }
0x319: {  	_ =	swait.ge @!p5 [sflag:s22], $0x4F  }
0x31a: {  	[sflag:s22] =	ssyncset.done @!p5 $0x0  }
0x31b: {  	s24 =	sshrl.u32 @!p5 s15, $0x3;
	[sflag:s22] =	ssyncadd.s32 @!p5 $0xFFFFFFB1  }
0x31c: {  	[spmem:s24], [sflag:s23] =	dma.local @!p5 [hbm:s25], $0x4F  }
0x31d: {  	_ =	swait.ge @!p5 [sflag:s22], $0x4F  }
0x31e: {  	p1 =	por @!p4 $0x0, $0x0;
	p0 =	por @!p2 $0x1, $0x1;
	[sflag:s22] =	ssyncset.done @!p5 $0x0  }
0x31f: {  	p0 =	por @!p4 p1, p1;
	s24 =	sshrl.u32 @!p5 s16, $0x3;
	[sflag:s22] =	ssyncadd.s32 @!p5 $0xFFFFFFB1  }
0x320: {  	[spmem:s24], [sflag:s23] =	dma.local @!p5 [hbm:s25], $0x4F  }
0x321: {  	p3 =	por @!p2 $0x0, $0x0;
	p2 =	por @!p2 $0x0, $0x0;
	s23 =	simm.s32 @!p0 $0x0  }
0x322: {  	p2 =	por @!p4 p1, p1;
	s23 =	simm.s32 @p0 $0x1  }
0x323: {  	p1 =	por @!p5 $0x1, $0x1;
	[smem:$0x795] =	sst s23;
	s23 =	simm.s32 @!p2 $0x0  }
0x324: {  	p0 =	por @!p4 $0x1, $0x1;
	s30 =	sld [smem:$0x7BF];
	s23 =	simm.s32 @p2 $0x1  }
0x325: {  	p3 =	por @!p4 p0, p0;
	p0 =	por @!p5 $0x0, $0x0;
	[smem:$0x78F] =	sst s23  }
0x326: {  	p5 =	por p1, p1;
	p1 =	por @!p6 $0x0, $0x0;
	s24 =	sld [smem:$0x78F]  }
0x327: {  	p5 =	por @!p6 p1, p1;
	p1 =	por @!p6 $0x0, $0x0  }
0x328: {  	p4 =	por p2, p2;
	p0 =	por @!p6 p1, p1;
	p1 =	seq.s32 s30, $0x1  }
0x329: {  	p4 =	por @!p1 p5, p5;
	p5 =	seq.s32 s24, $0x1  }
0x32a: {  	p5 =	por @!p1 p0, p0  }
0x32b: {  	p6 =	por p2, p2;
	s23 =	simm.s32 @!p5 $0x0  }
0x32c: {  	p6 =	por @!p1 p0, p0;
	s23 =	simm.s32 @p5 $0x1  }
0x32d: {  	[smem:$0x78F] =	sst s23;
	s23 =	simm.s32 @!p6 $0x0  }
0x32e: {  	s23 =	simm.s32 @p6 $0x1;
	p6 =	por p2, p2  }
0x32f: {  	p6 =	por @!p1 p0, p0  }
0x330: {  	p5 =	por p2, p2;
	[smem:$0x790] =	sst s23;
	s23 =	simm.s32 @!p6 $0x0  }
0x331: {  	p5 =	por @!p1 p0, p0;
	s23 =	simm.s32 @p6 $0x1  }
0x332: {  	[smem:$0x791] =	sst s23;
	s23 =	simm.s32 @!p5 $0x0  }
0x333: {  	s23 =	simm.s32 @p5 $0x1;
	p5 =	por p2, p2  }
0x334: {  	s25 =	sld [smem:$0x795];
	p5 =	por @!p1 p0, p0  }
0x335: {  	p6 =	por p2, p2;
	[smem:$0x792] =	sst s23;
	s23 =	simm.s32 @!p5 $0x0  }
0x336: {  	p6 =	por @!p1 p0, p0;
	s23 =	simm.s32 @p5 $0x1  }
0x337: {  	p5 =	seq.s32 s25, $0x1;
	[smem:$0x793] =	sst s23;
	s23 =	simm.s32 @!p6 $0x0  }
0x338: {  	p5 =	por @!p1 p0, p0;
	s23 =	simm.s32 @p6 $0x1  }
0x339: {  	[smem:$0x794] =	sst s23;
	s23 =	simm.s32 @!p5 $0x0  }
0x33a: {  	s29 =	sld [smem:$0x7C0];
	s23 =	simm.s32 @p5 $0x1  }
0x33b: {  	[smem:$0x795] =	sst s23;
	s23 =	simm.s32 @!p2 $0x0  }
0x33c: {  	s23 =	simm.s32 @p2 $0x1  }
0x33d: {  	p5 =	seq.s32 s29, $0x1;
	[smem:$0x796] =	sst s23  }
0x33e: {  	_ =	swait.ge @!p5 [sflag:s22], $0x4F  }
0x33f: {  	s30 =	sld [smem:$0x796];
	_ =	sdelay $0x2  }
0x340: {  	p5 =	seq.s32 s30, $0x1  }
0x341: {  	p5 =	por @!p1 p0, p0  }
0x342: {  	s23 =	simm.s32 @!p5 $0x0  }
0x343: {  	s23 =	simm.s32 @p5 $0x1  }
0x344: {  	[smem:$0x796] =	sst s23;
	s23 =	simm.s32 @!p2 $0x0  }
0x345: {  	s24 =	sld [smem:$0x7C0];
	s23 =	simm.s32 @p2 $0x1  }
0x346: {  	[smem:$0x797] =	sst s23  }
0x347: {  	s23 =	simm.s32 @!p2 $0x0;
	s25 =	sld [smem:$0x797]  }
0x348: {  	s23 =	simm.s32 @p2 $0x1  }
0x349: {  	p5 =	seq.s32 s24, $0x1;
	[smem:$0x798] =	sst s23  }
0x34a: {  	[sflag:s22] =	ssyncset.done @!p5 $0x0;
	s29 =	sld [smem:$0x798];
	p5 =	seq.s32 s25, $0x1  }
0x34b: {  	p5 =	por @!p1 p0, p0  }
0x34c: {  	s23 =	simm.s32 @!p5 $0x0  }
0x34d: {  	s23 =	simm.s32 @p5 $0x1;
	p5 =	seq.s32 s29, $0x1  }
0x34e: {  	s30 =	sld [smem:$0x7C0];
	p5 =	por @!p1 p0, p0  }
0x34f: {  	[smem:$0x797] =	sst s23;
	s23 =	simm.s32 @!p5 $0x0  }
.Ltmp5:
0x350: {  	s23 =	simm.s32 @p5 $0x1;
	p5 =	por p2, p2;
	(pc) =	sbr.rel .LBB2_10-.Ltmp5, $4  }
0x351: {  	p3 =	por @!p1 p0, p0;
	p6 =	por p2, p2;
	p5 =	por @!p1 p0, p0  }
0x352: {  	p6 =	por @!p1 p0, p0;
	[smem:$0x798] =	sst s23;
	s23 =	simm.s32 @!p5 $0x0  }
0x353: {  	p2 =	por @!p1 p0, p0;
	p0 =	seq.s32 s30, $0x1;
	s23 =	simm.s32 @p5 $0x1  }
0x354: {  	[sflag:s22] =	ssyncadd.s32 @!p0 $0xFFFFFFB1;
	[smem:$0x799] =	sst s23  }
.LBB2_7:
0x355: {  	p0 =	sgt.s32 s1, $0xB  }
.Ltmp6:
0x356: {  	_ = 	snop;
	(pc) =	sbr.rel @p0 .LBB2_9-.Ltmp6, $1  }
0x357: {  	_ =	sdelay $0x3  }
0x358: {  	p4 =	sgt.s32 s1, $0x9;
	s22 =	sld [smem:$0x7D7]  }
0x359: {  	s25 =	sld [smem:$0x7A1];
	p1 =	seq.s32 @p4 s1, $0xA  }
0x35a: {  	p0 =	por !p1, !p4  }
0x35b: {  	s22 =	sshrl.u32 @!p0 s22, $0x3;
	s23 =	simm.s32 @!p0 $0x1E81  }
0x35c: {  	[spmem:s22], [sflag:s23] =	dma.local @!p0 [hbm:s25], $0x4F  }
0x35d: {  	s22 =	simm.s32 @!p0 $0x1  }
0x35e: {  	_ =	swait.ge @!p0 [sflag:s22], $0x4F  }
0x35f: {  	s24 =	sld [smem:$0x7D8];
	_ =	sdelay $0x1  }
0x360: {  	[sflag:s22] =	ssyncset.done @!p0 $0x0  }
0x361: {  	[sflag:s22] =	ssyncadd.s32 @!p0 $0xFFFFFFB1;
	s24 =	sshrl.u32 @!p0 s24, $0x3  }
0x362: {  	[spmem:s24], [sflag:s23] =	dma.local @!p0 [hbm:s25], $0x4F  }
0x363: {  	_ =	swait.ge @!p0 [sflag:s22], $0x4F  }
0x364: {  	s24 =	sld [smem:$0x7D9];
	_ =	sdelay $0x1  }
0x365: {  	[sflag:s22] =	ssyncset.done @!p0 $0x0  }
0x366: {  	[sflag:s22] =	ssyncadd.s32 @!p0 $0xFFFFFFB1;
	s24 =	sshrl.u32 @!p0 s24, $0x3  }
0x367: {  	[spmem:s24], [sflag:s23] =	dma.local @!p0 [hbm:s25], $0x4F  }
0x368: {  	_ =	swait.ge @!p0 [sflag:s22], $0x4F  }
0x369: {  	[sflag:s22] =	ssyncset.done @!p0 $0x0  }
0x36a: {  	[sflag:s22] =	ssyncadd.s32 @!p0 $0xFFFFFFB1;
	s22 =	sld [smem:$0x7D4]  }
0x36b: {  	s25 =	sld [smem:$0x7A0]  }
0x36c: {  	p2 =	por p1, !p4  }
0x36d: {  	s23 =	simm.s32 @!p2 $0x1EC1;
	s22 =	sshrl.u32 @!p2 s22, $0x3  }
0x36e: {  	[spmem:s22], [sflag:s23] =	dma.local @!p2 [hbm:s25], $0x4F  }
0x36f: {  	s22 =	simm.s32 @!p2 $0x1  }
0x370: {  	_ =	swait.ge @!p2 [sflag:s22], $0x4F  }
0x371: {  	s24 =	sld [smem:$0x7D5];
	_ =	sdelay $0x1  }
0x372: {  	[sflag:s22] =	ssyncset.done @!p2 $0x0  }
0x373: {  	[sflag:s22] =	ssyncadd.s32 @!p2 $0xFFFFFFB1;
	s24 =	sshrl.u32 @!p2 s24, $0x3  }
0x374: {  	[spmem:s24], [sflag:s23] =	dma.local @!p2 [hbm:s25], $0x4F  }
0x375: {  	_ =	swait.ge @!p2 [sflag:s22], $0x4F  }
0x376: {  	s24 =	sld [smem:$0x7D6];
	_ =	sdelay $0x1  }
0x377: {  	[sflag:s22] =	ssyncset.done @!p2 $0x0  }
0x378: {  	[sflag:s22] =	ssyncadd.s32 @!p2 $0xFFFFFFB1;
	s24 =	sshrl.u32 @!p2 s24, $0x3  }
0x379: {  	[spmem:s24], [sflag:s23] =	dma.local @!p2 [hbm:s25], $0x4F  }
0x37a: {  	_ =	swait.ge @!p2 [sflag:s22], $0x4F  }
0x37b: {  	[sflag:s22] =	ssyncset.done @!p2 $0x0  }
0x37c: {  	[sflag:s22] =	ssyncadd.s32 @!p2 $0xFFFFFFB1;
	s22 =	sld [smem:$0x7DD]  }
0x37d: {  	p1 =	seq.s32 @!p4 s1, $0x8;
	s23 =	simm.s32 @!p4 $0x0;
	s25 =	sld [smem:$0x7A3]  }
0x37e: {  	p3 =	por !p1, p4;
	s23 =	simm.s32 @p4 $0x1  }
0x37f: {  	[smem:$0x78C] =	sst s23;
	s23 =	simm.s32 @!p3 $0x1E01;
	s22 =	sshrl.u32 @!p3 s22, $0x3  }
0x380: {  	[spmem:s22], [sflag:s23] =	dma.local @!p3 [hbm:s25], $0x4F  }
0x381: {  	s22 =	simm.s32 @!p3 $0x1  }
0x382: {  	_ =	swait.ge @!p3 [sflag:s22], $0x4F  }
0x383: {  	s24 =	sld [smem:$0x7DE];
	_ =	sdelay $0x1  }
0x384: {  	[sflag:s22] =	ssyncset.done @!p3 $0x0  }
0x385: {  	[sflag:s22] =	ssyncadd.s32 @!p3 $0xFFFFFFB1;
	s24 =	sshrl.u32 @!p3 s24, $0x3  }
0x386: {  	[spmem:s24], [sflag:s23] =	dma.local @!p3 [hbm:s25], $0x4F  }
0x387: {  	_ =	swait.ge @!p3 [sflag:s22], $0x4F  }
0x388: {  	s24 =	sld [smem:$0x7DF];
	_ =	sdelay $0x1  }
0x389: {  	[sflag:s22] =	ssyncset.done @!p3 $0x0  }
0x38a: {  	[sflag:s22] =	ssyncadd.s32 @!p3 $0xFFFFFFB1;
	s24 =	sshrl.u32 @!p3 s24, $0x3  }
0x38b: {  	[spmem:s24], [sflag:s23] =	dma.local @!p3 [hbm:s25], $0x4F  }
0x38c: {  	_ =	swait.ge @!p3 [sflag:s22], $0x4F  }
0x38d: {  	[sflag:s22] =	ssyncset.done @!p3 $0x0  }
0x38e: {  	[sflag:s22] =	ssyncadd.s32 @!p3 $0xFFFFFFB1;
	s22 =	sld [smem:$0x7DA]  }
0x38f: {  	s25 =	sld [smem:$0x7A2]  }
0x390: {  	p1 =	por p1, p4  }
0x391: {  	s23 =	simm.s32 @!p1 $0x1E41;
	s22 =	sshrl.u32 @!p1 s22, $0x3  }
0x392: {  	[spmem:s22], [sflag:s23] =	dma.local @!p1 [hbm:s25], $0x4F  }
0x393: {  	s22 =	simm.s32 @!p1 $0x1  }
0x394: {  	_ =	swait.ge @!p1 [sflag:s22], $0x4F  }
0x395: {  	s24 =	sld [smem:$0x7DB]  }
0x396: {  	p5 =	por @!p2 $0x1, $0x1;
	p4 =	por @!p0 $0x0, $0x0  }
0x397: {  	p6 =	por @!p2 $0x0, $0x0;
	p5 =	por @!p0 p4, p4;
	[sflag:s22] =	ssyncset.done @!p1 $0x0  }
0x398: {  	p2 =	por p6, p6;
	[sflag:s22] =	ssyncadd.s32 @!p1 $0xFFFFFFB1;
	s24 =	sshrl.u32 @!p1 s24, $0x3  }
0x399: {  	[spmem:s24], [sflag:s23] =	dma.local @!p1 [hbm:s25], $0x4F  }
0x39a: {  	p2 =	por @!p0 p4, p4;
	p4 =	por @!p0 $0x1, $0x1;
	s24 =	simm.s32 @!p5 $0x0  }
0x39b: {  	p6 =	por @!p0 p4, p4;
	s24 =	simm.s32 @p5 $0x1  }
0x39c: {  	[smem:$0x791] =	sst s24;
	s24 =	simm.s32 @!p6 $0x0  }
0x39d: {  	s24 =	simm.s32 @p6 $0x1  }
0x39e: {  	[smem:$0x798] =	sst s24  }
0x39f: {  	_ =	swait.ge @!p1 [sflag:s22], $0x4F  }
0x3a0: {  	p5 =	por @!p1 $0x0, $0x0;
	s30 =	sld [smem:$0x78C]  }
0x3a1: {  	p4 =	por @!p3 $0x0, $0x0;
	p0 =	por p5, p5;
	p6 =	por @!p1 $0x1, $0x1  }
0x3a2: {  	p0 =	por @!p3 p4, p4;
	p6 =	por @!p3 p4, p4;
	p4 =	por @!p3 $0x1, $0x1  }
0x3a3: {  	p5 =	por @!p3 p4, p4;
	p3 =	por p2, p2;
	p4 =	seq.s32 s30, $0x1  }
0x3a4: {  	p3 =	por @!p4 p6, p6  }
0x3a5: {  	s24 =	simm.s32 @!p3 $0x0  }
0x3a6: {  	s24 =	simm.s32 @p3 $0x1  }
0x3a7: {  	[smem:$0x792] =	sst s24  }
0x3a8: {  	s24 =	sld [smem:$0x7DC];
	_ =	sdelay $0x1  }
0x3a9: {  	[sflag:s22] =	ssyncset.done @!p1 $0x0  }
0x3aa: {  	[sflag:s22] =	ssyncadd.s32 @!p1 $0xFFFFFFB1;
	s24 =	sshrl.u32 @!p1 s24, $0x3  }
0x3ab: {  	[spmem:s24], [sflag:s23] =	dma.local @!p1 [hbm:s25], $0x4F  }
0x3ac: {  	p6 =	por p2, p2;
	s23 =	simm.s32 @!p1 $0x0  }
0x3ad: {  	p6 =	por @!p4 p5, p5;
	s23 =	simm.s32 @p1 $0x1  }
0x3ae: {  	p3 =	por p2, p2;
	[smem:$0x78D] =	sst s23;
	s23 =	simm.s32 @!p6 $0x0  }
0x3af: {  	p3 =	por @!p4 p0, p0;
	s23 =	simm.s32 @p6 $0x1  }
0x3b0: {  	[smem:$0x797] =	sst s23;
	s23 =	simm.s32 @!p3 $0x0  }
0x3b1: {  	s25 =	sld [smem:$0x791];
	s23 =	simm.s32 @p3 $0x1;
	p3 =	por p2, p2  }
0x3b2: {  	p3 =	por @!p4 p0, p0  }
0x3b3: {  	[smem:$0x78F] =	sst s23;
	s23 =	simm.s32 @!p3 $0x0  }
0x3b4: {  	s23 =	simm.s32 @p3 $0x1;
	p3 =	seq.s32 s25, $0x1  }
0x3b5: {  	p3 =	por @!p4 p0, p0  }
0x3b6: {  	[smem:$0x790] =	sst s23;
	s23 =	simm.s32 @!p3 $0x0  }
0x3b7: {  	p6 =	por p4, p4;
	s23 =	simm.s32 @p3 $0x1;
	p3 =	por p2, p2  }
0x3b8: {  	p3 =	por @!p6 p0, p0  }
0x3b9: {  	p4 =	por p2, p2;
	[smem:$0x791] =	sst s23;
	s23 =	simm.s32 @!p3 $0x0  }
0x3ba: {  	p4 =	por @!p6 p0, p0;
	s23 =	simm.s32 @p3 $0x1  }
0x3bb: {  	p3 =	por p2, p2;
	[smem:$0x793] =	sst s23;
	s23 =	simm.s32 @!p4 $0x0  }
0x3bc: {  	p3 =	por @!p6 p0, p0;
	s23 =	simm.s32 @p4 $0x1  }
0x3bd: {  	[smem:$0x794] =	sst s23;
	s23 =	simm.s32 @!p3 $0x0  }
0x3be: {  	s23 =	simm.s32 @p3 $0x1  }
0x3bf: {  	[smem:$0x795] =	sst s23  }
0x3c0: {  	p5 =	por p6, p6;
	p4 =	por p2, p2;
	_ =	swait.ge @!p1 [sflag:s22], $0x4F  }
0x3c1: {  	p4 =	por @!p6 p0, p0;
	p6 =	por p2, p2;
	s29 =	sld [smem:$0x78C]  }
0x3c2: {  	p3 =	por p2, p2;
	p6 =	por @!p5 p0, p0  }
0x3c3: {  	p3 =	por @!p5 p0, p0;
	p5 =	por p2, p2;
	s30 =	sld [smem:$0x798]  }
0x3c4: {  	[sflag:s22] =	ssyncset.done @!p1 $0x0;
	s24 =	sld [smem:$0x78C];
	p1 =	seq.s32 s29, $0x1  }
0x3c5: {  	s25 =	sld [smem:$0x78C];
	p5 =	por @!p1 p0, p0  }
0x3c6: {  	s29 =	sld [smem:$0x78C];
	s23 =	simm.s32 @!p5 $0x0  }
0x3c7: {  	p1 =	seq.s32 s24, $0x1;
	s23 =	simm.s32 @p5 $0x1;
	p5 =	seq.s32 s30, $0x1  }
0x3c8: {  	s30 =	sld [smem:$0x78D];
	p5 =	por @!p1 p0, p0  }
0x3c9: {  	[smem:$0x796] =	sst s23;
	p1 =	seq.s32 s25, $0x1;
	s23 =	simm.s32 @!p5 $0x0  }
.Ltmp7:
0x3ca: {  	s23 =	simm.s32 @p5 $0x1;
	p5 =	por p2, p2;
	(pc) =	sbr.rel .LBB2_10-.Ltmp7, $4  }
0x3cb: {  	p5 =	por @!p1 p0, p0  }
0x3cc: {  	[smem:$0x798] =	sst s23;
	p1 =	seq.s32 s29, $0x1;
	s23 =	simm.s32 @!p5 $0x0  }
0x3cd: {  	p2 =	por @!p1 p0, p0;
	p0 =	seq.s32 s30, $0x1;
	s23 =	simm.s32 @p5 $0x1  }
0x3ce: {  	[sflag:s22] =	ssyncadd.s32 @!p0 $0xFFFFFFB1;
	[smem:$0x799] =	sst s23  }
.LBB2_6:
0x3cf: {  	s22 =	sld [smem:$0x7C1];
	_ =	sdelay $0x2  }
0x3d0: {  	p4 =	seq.s32 s22, $0x1;
	s22 =	sld [smem:$0x7E3]  }
0x3d1: {  	s25 =	sld [smem:$0x7A5];
	_ =	sdelay $0x1  }
0x3d2: {  	s23 =	simm.s32 @!p4 $0x1D81;
	s22 =	sshrl.u32 @!p4 s22, $0x3  }
0x3d3: {  	[spmem:s22], [sflag:s23] =	dma.local @!p4 [hbm:s25], $0x4F  }
0x3d4: {  	s22 =	simm.s32 @!p4 $0x1  }
0x3d5: {  	_ =	swait.ge @!p4 [sflag:s22], $0x4F  }
0x3d6: {  	s24 =	sld [smem:$0x7E4];
	_ =	sdelay $0x1  }
0x3d7: {  	[sflag:s22] =	ssyncset.done @!p4 $0x0  }
0x3d8: {  	[sflag:s22] =	ssyncadd.s32 @!p4 $0xFFFFFFB1;
	s24 =	sshrl.u32 @!p4 s24, $0x3  }
0x3d9: {  	[spmem:s24], [sflag:s23] =	dma.local @!p4 [hbm:s25], $0x4F  }
0x3da: {  	_ =	swait.ge @!p4 [sflag:s22], $0x4F  }
0x3db: {  	s24 =	sld [smem:$0x7E5];
	_ =	sdelay $0x1  }
0x3dc: {  	[sflag:s22] =	ssyncset.done @!p4 $0x0  }
0x3dd: {  	[sflag:s22] =	ssyncadd.s32 @!p4 $0xFFFFFFB1;
	s24 =	sshrl.u32 @!p4 s24, $0x3  }
0x3de: {  	[spmem:s24], [sflag:s23] =	dma.local @!p4 [hbm:s25], $0x4F  }
0x3df: {  	_ =	swait.ge @!p4 [sflag:s22], $0x4F  }
0x3e0: {  	[sflag:s22] =	ssyncset.done @!p4 $0x0;
	s23 =	sld [smem:$0x7C2]  }
0x3e1: {  	[sflag:s22] =	ssyncadd.s32 @!p4 $0xFFFFFFB1;
	s22 =	sld [smem:$0x7E0]  }
0x3e2: {  	s25 =	sld [smem:$0x7A4]  }
0x3e3: {  	p3 =	seq.s32 s23, $0x1  }
0x3e4: {  	s22 =	sshrl.u32 @!p3 s22, $0x3;
	s23 =	simm.s32 @!p3 $0x1DC1  }
0x3e5: {  	[spmem:s22], [sflag:s23] =	dma.local @!p3 [hbm:s25], $0x4F  }
0x3e6: {  	s22 =	simm.s32 @!p3 $0x1  }
0x3e7: {  	_ =	swait.ge @!p3 [sflag:s22], $0x4F  }
0x3e8: {  	s24 =	sld [smem:$0x7E1];
	_ =	sdelay $0x1  }
0x3e9: {  	[sflag:s22] =	ssyncset.done @!p3 $0x0  }
0x3ea: {  	[sflag:s22] =	ssyncadd.s32 @!p3 $0xFFFFFFB1;
	s24 =	sshrl.u32 @!p3 s24, $0x3  }
0x3eb: {  	[spmem:s24], [sflag:s23] =	dma.local @!p3 [hbm:s25], $0x4F  }
0x3ec: {  	_ =	swait.ge @!p3 [sflag:s22], $0x4F  }
0x3ed: {  	s24 =	sld [smem:$0x7E2];
	_ =	sdelay $0x1  }
0x3ee: {  	[sflag:s22] =	ssyncset.done @!p3 $0x0  }
0x3ef: {  	[sflag:s22] =	ssyncadd.s32 @!p3 $0xFFFFFFB1;
	s24 =	sshrl.u32 @!p3 s24, $0x3  }
0x3f0: {  	[spmem:s24], [sflag:s23] =	dma.local @!p3 [hbm:s25], $0x4F  }
0x3f1: {  	_ =	swait.ge @!p3 [sflag:s22], $0x4F  }
0x3f2: {  	s24 =	sld [smem:$0x7C3];
	_ =	sdelay $0x1  }
0x3f3: {  	s25 =	sld [smem:$0x7A7]  }
0x3f4: {  	[sflag:s22] =	ssyncset.done @!p3 $0x0;
	p5 =	seq.s32 s24, $0x1  }
0x3f5: {  	[sflag:s22] =	ssyncadd.s32 @!p3 $0xFFFFFFB1;
	s22 =	sshrl.u32 @!p5 s5, $0x3;
	s23 =	simm.s32 @!p5 $0x1D01  }
0x3f6: {  	[spmem:s22], [sflag:s23] =	dma.local @!p5 [hbm:s25], $0x4F  }
0x3f7: {  	s22 =	simm.s32 @!p5 $0x1  }
0x3f8: {  	_ =	swait.ge @!p5 [sflag:s22], $0x4F  }
0x3f9: {  	[sflag:s22] =	ssyncset.done @!p5 $0x0  }
0x3fa: {  	s24 =	sshrl.u32 @!p5 s6, $0x3;
	[sflag:s22] =	ssyncadd.s32 @!p5 $0xFFFFFFB1  }
0x3fb: {  	[spmem:s24], [sflag:s23] =	dma.local @!p5 [hbm:s25], $0x4F  }
0x3fc: {  	_ =	swait.ge @!p5 [sflag:s22], $0x4F  }
0x3fd: {  	[sflag:s22] =	ssyncset.done @!p5 $0x0  }
0x3fe: {  	s24 =	sshrl.u32 @!p5 s7, $0x3;
	[sflag:s22] =	ssyncadd.s32 @!p5 $0xFFFFFFB1  }
0x3ff: {  	[spmem:s24], [sflag:s23] =	dma.local @!p5 [hbm:s25], $0x4F  }
0x400: {  	_ =	swait.ge @!p5 [sflag:s22], $0x4F  }
0x401: {  	s25 =	sld [smem:$0x7C5]  }
0x402: {  	[sflag:s22] =	ssyncset.done @!p5 $0x0  }
0x403: {  	[sflag:s22] =	ssyncadd.s32 @!p5 $0xFFFFFFB1;
	s22 =	sld [smem:$0x7E6]  }
0x404: {  	p2 =	seq.s32 s25, $0x1;
	s25 =	sld [smem:$0x7A6];
	_ =	sdelay $0x1  }
0x405: {  	s22 =	sshrl.u32 @!p2 s22, $0x3;
	s23 =	simm.s32 @!p2 $0x1D41  }
0x406: {  	[spmem:s22], [sflag:s23] =	dma.local @!p2 [hbm:s25], $0x4F  }
0x407: {  	s22 =	simm.s32 @!p2 $0x1  }
0x408: {  	_ =	swait.ge @!p2 [sflag:s22], $0x4F  }
0x409: {  	p1 =	por @!p4 $0x0, $0x0;
	p0 =	por @!p3 $0x0, $0x0;
	[sflag:s22] =	ssyncset.done @!p2 $0x0  }
0x40a: {  	p0 =	por @!p4 p1, p1;
	s24 =	sshrl.u32 @!p2 s3, $0x3;
	[sflag:s22] =	ssyncadd.s32 @!p2 $0xFFFFFFB1  }
0x40b: {  	[spmem:s24], [sflag:s23] =	dma.local @!p2 [hbm:s25], $0x4F  }
0x40c: {  	p6 =	por @!p3 $0x1, $0x1;
	s24 =	simm.s32 @!p0 $0x0  }
0x40d: {  	p1 =	por p0, p0;
	s24 =	simm.s32 @p0 $0x1;
	p0 =	por @!p4 $0x0, $0x0  }
0x40e: {  	p3 =	por @!p3 $0x0, $0x0;
	p6 =	por @!p4 p0, p0  }
0x40f: {  	[smem:$0x78E] =	sst s24;
	p0 =	por @!p4 $0x1, $0x1;
	s24 =	simm.s32 @!p6 $0x0  }
0x410: {  	_ =	swait.ge @!p2 [sflag:s22], $0x4F;
	p3 =	por @!p4 p0, p0;
	s24 =	simm.s32 @p6 $0x1  }
0x411: {  	p4 =	por @!p5 $0x0, $0x0;
	[smem:$0x793] =	sst s24;
	s24 =	simm.s32 @!p3 $0x0  }
0x412: {  	p0 =	por @!p2 $0x0, $0x0;
	[sflag:s22] =	ssyncset.done @!p2 $0x0;
	s24 =	simm.s32 @p3 $0x1  }
0x413: {  	[sflag:s22] =	ssyncadd.s32 @!p2 $0xFFFFFFB1;
	[smem:$0x796] =	sst s24;
	s24 =	sshrl.u32 @!p2 s0, $0x3  }
0x414: {  	[spmem:s24], [sflag:s23] =	dma.local @!p2 [hbm:s25], $0x4F  }
0x415: {  	p0 =	por @!p5 p4, p4;
	s23 =	sld [smem:$0x7C4]  }
0x416: {  	p6 =	por p1, p1;
	p3 =	por @!p2 $0x1, $0x1;
	s29 =	sld [smem:$0x78E]  }
0x417: {  	p1 =	por @!p5 $0x1, $0x1;
	p3 =	por @!p5 p4, p4;
	p4 =	por @!p2 $0x0, $0x0  }
0x418: {  	p4 =	por @!p5 p1, p1;
	p1 =	seq.s32 s23, $0x1  }
0x419: {  	p5 =	seq.s32 s29, $0x1;
	p6 =	por @!p1 p3, p3  }
0x41a: {  	p3 =	por p5, p5;
	s23 =	simm.s32 @!p6 $0x0  }
0x41b: {  	p3 =	por @!p1 p0, p0;
	s23 =	simm.s32 @p6 $0x1  }
0x41c: {  	[smem:$0x794] =	sst s23;
	s23 =	simm.s32 @!p3 $0x0  }
0x41d: {  	p6 =	por p5, p5;
	s23 =	simm.s32 @p3 $0x1;
	p3 =	por p5, p5  }
0x41e: {  	p6 =	por @!p1 p4, p4;
	p3 =	por @!p1 p0, p0  }
0x41f: {  	p4 =	por p5, p5;
	[smem:$0x78F] =	sst s23;
	s23 =	simm.s32 @!p3 $0x0  }
0x420: {  	s30 =	sld [smem:$0x793];
	p4 =	por @!p1 p0, p0;
	s23 =	simm.s32 @p3 $0x1  }
0x421: {  	p3 =	por p5, p5;
	[smem:$0x790] =	sst s23;
	s23 =	simm.s32 @!p4 $0x0  }
0x422: {  	p3 =	por @!p1 p0, p0;
	s23 =	simm.s32 @p4 $0x1  }
0x423: {  	[smem:$0x791] =	sst s23;
	s23 =	simm.s32 @!p3 $0x0  }
0x424: {  	s23 =	simm.s32 @p3 $0x1;
	p3 =	seq.s32 s30, $0x1  }
0x425: {  	p3 =	por @!p1 p0, p0  }
0x426: {  	[smem:$0x792] =	sst s23;
	s23 =	simm.s32 @!p3 $0x0  }
0x427: {  	s23 =	simm.s32 @p3 $0x1;
	p3 =	por p5, p5  }
0x428: {  	p3 =	por @!p1 p0, p0  }
0x429: {  	[smem:$0x793] =	sst s23;
	s23 =	simm.s32 @!p3 $0x0  }
0x42a: {  	s23 =	simm.s32 @p3 $0x1  }
0x42b: {  	[smem:$0x795] =	sst s23  }
0x42c: {  	_ =	swait.ge @!p2 [sflag:s22], $0x4F  }
0x42d: {  	s24 =	sld [smem:$0x796];
	_ =	sdelay $0x1  }
0x42e: {  	p4 =	por p5, p5  }
0x42f: {  	p3 =	por p5, p5;
	s25 =	sld [smem:$0x78E];
	p5 =	seq.s32 s24, $0x1  }
0x430: {  	p5 =	por @!p1 p0, p0  }
0x431: {  	s23 =	simm.s32 @!p5 $0x0  }
0x432: {  	s29 =	sld [smem:$0x78E];
	s23 =	simm.s32 @p5 $0x1;
	p5 =	seq.s32 s25, $0x1  }
0x433: {  	[smem:$0x796] =	sst s23;
	s23 =	simm.s32 @!p5 $0x0  }
0x434: {  	s23 =	simm.s32 @p5 $0x1  }
0x435: {  	p5 =	seq.s32 s29, $0x1;
	[smem:$0x797] =	sst s23  }
0x436: {  	s23 =	simm.s32 @!p5 $0x0;
	s30 =	sld [smem:$0x797]  }
0x437: {  	s23 =	simm.s32 @p5 $0x1  }
0x438: {  	[smem:$0x798] =	sst s23  }
0x439: {  	s24 =	sld [smem:$0x798];
	p5 =	seq.s32 s30, $0x1  }
0x43a: {  	p5 =	por @!p1 p0, p0  }
0x43b: {  	s23 =	simm.s32 @!p5 $0x0  }
0x43c: {  	s25 =	sld [smem:$0x78E];
	s23 =	simm.s32 @p5 $0x1;
	p5 =	seq.s32 s24, $0x1  }
0x43d: {  	p5 =	por @!p1 p0, p0  }
0x43e: {  	[smem:$0x797] =	sst s23;
	s23 =	simm.s32 @!p5 $0x0  }
0x43f: {  	s29 =	sld [smem:$0x78E];
	s23 =	simm.s32 @p5 $0x1;
	p5 =	seq.s32 s25, $0x1  }
0x440: {  	p5 =	por @!p1 p0, p0  }
0x441: {  	[smem:$0x798] =	sst s23;
	s23 =	simm.s32 @!p5 $0x0  }
0x442: {  	s23 =	simm.s32 @p5 $0x1;
	p5 =	seq.s32 s29, $0x1  }
0x443: {  	p5 =	por @!p1 p0, p0  }
0x444: {  	[smem:$0x799] =	sst s23;
	s23 =	simm.s32 @!p5 $0x0  }
0x445: {  	s23 =	simm.s32 @p5 $0x1  }
.Ltmp8:
0x446: {  	[smem:$0x78E] =	sst s23;
	(pc) =	sbr.rel .LBB2_10-.Ltmp8, $3  }
0x447: {  	s30 =	sld [smem:$0x78E];
	_ =	sdelay $0x1  }
0x448: {  	p4 =	por @!p1 p0, p0;
	[sflag:s22] =	ssyncset.done @!p2 $0x0  }
0x449: {  	p3 =	por @!p1 p0, p0;
	[sflag:s22] =	ssyncadd.s32 @!p2 $0xFFFFFFB1;
	p2 =	seq.s32 s30, $0x1  }
.LBB2_11:
0x44a: {  	_ =	sfence.sel $0x180000  }
0x44b: {  	[bflag:$0x0] =	sbarrier.arrive $0xFFFF  }
0x44c: {  	_ =	strace $0x90000047  }
0x44d: {  	[bflag:$0x2] =	sbarrier.arrive $0xFFFF  }
0x44e: {  	s0 =	rddreg [dreg:$0x6]  }
0x44f: {  	s0 =	sadd.s32 @!p1 $0x100000, s0  }
0x450: {  	[sflag:s0] =	ssyncadd.tile.s32 @!p1 $0x1;
	_ =	shalt  }
.Lfunc_end2:
_tile_overlayer_lowered:
.L_overlay_start_2:
0x451: {  	(tag) =	ssettag $0x2  }
0x452: {  	s0 =	rddreg [dreg:$0x0];
	s2 =	stileid.u32  }
0x453: {  	s1 =	rddreg [dreg:$0x1];
	p0 =	sne.s32 s2, $0x0  }
0x454: {  	s3 =	rddreg [dreg:$0x2];
	[bflag:$0x3] =	sbarrier.arrive $0xFFFF;
	s2 =	simm.s32 @!p0 $0x1C01  }
0x455: {  	[timem:s3], [sflag:s2] =	dma.local @!p0 [hbm:s0], s1  }
0x456: {  	s0 =	simm.s32 @!p0 $0x1  }
0x457: {  	_ =	swait.ge @!p0 [sflag:s0], s1  }
0x458: {  	s1 =	ssub.s32 @!p0 $0x0, s1;
	[sflag:s0] =	ssyncset.done @!p0 $0x0  }
0x459: {  	[sflag:s0] =	ssyncadd.s32 @!p0 s1  }
0x45a: {  	[bflag:$0x3] =	sbarrier.arrive $0xFFFF  }
0x45b: {  	_ =	shalt  }

// kernel: kernel.9.cloned.1.call-start
scs
__scs_entry_jumppad:
0x0: {  	(pc) =	sbr.rel $0x88, $3  }
0x1: {  	(tag) =	ssettag $0x0;
	lr =	simm.s32 $0x1  }
0x2: {  	[smem:$0x3F9D] =	sst lr;
	_ =	strace $0xD0000000  }
0x3: {  	_ = 	snop  }
0x4: {  	_ = 	snop  }
0x5: {  	_ = 	snop  }
0x6: {  	_ = 	snop  }
0x7: {  	_ = 	snop  }
__scs_overlays_trampoline_lowered:
0x8: {  	[smem:$0x3FAC] =	sst s0  }
0x9: {  	[smem:$0x3FAD] =	sst s1  }
0xa: {  	[smem:$0x3FAE] =	sst s2  }
0xb: {  	[smem:$0x3FAF] =	sst s3  }
0xc: {  	[smem:$0x3FB0] =	sst s4  }
0xd: {  	[smem:$0x3FB1] =	sst s5  }
0xe: {  	[smem:$0x3FB2] =	sst s6  }
0xf: {  	[smem:$0x3FB3] =	sst s7  }
0x10: {  	[smem:$0x3FB4] =	sst s8  }
0x11: {  	[smem:$0x3FB5] =	sst s9;
	s0 =	simm.s32 @!p0 $0x0  }
0x12: {  	s1 =	sld [smem:$0x3F9B];
	s0 =	simm.s32 @p0 $0x1  }
0x13: {  	[smem:$0x3FB6] =	sst s0;
	s0 =	simm.s32 @!p1 $0x0  }
0x14: {  	s2 =	sld [smem:$0x3F9A];
	s0 =	simm.s32 @p1 $0x1  }
0x15: {  	[smem:$0x3FB7] =	sst s0;
	s0 =	simm.s32 @!p2 $0x0  }
0x16: {  	s3 =	sld [smem:$0x3FDB];
	s0 =	simm.s32 @p2 $0x1  }
0x17: {  	s4 =	simm.s32 $0x1BF5;
	[smem:$0x3FB9] =	sst s0  }
0x18: {  	s0 =	sld [smem:$0x3F9C];
	_ =	swait.ge [sflag:s4], $0x0  }
0x19: {  	s7 =	sld [smem:$0x3F9D]  }
0x1a: {  	s8 =	sadd.s32 $0xFFFFE003, lr  }
0x1b: {  	s9 =	sadd.s32 $0xFFFFFEF7, lr;
	s5 =	simm.s32 $0xFFFFFFFF;
	p2 =	slt.u32 s8, $0xFFFFF086  }
0x1c: {  	p1 =	slt.u32 s9, $0xF7A;
	s5 =	simm.s32 @!p2 $0x0  }
0x1d: {  	s5 =	simm.s32 @p1 $0x1;
	p0 =	seq.s32 s7, s2  }
0x1e: {  	s7 =	smul.u32 @!p0 $0xF7A, s2;
	p2 =	seq.s32 @!p0 s5, $0x0  }
0x1f: {  	s9 =	smul.u32 $0xF7A, s1;
	s8 =	simm.s32 @!p0 $0x1BF5;
	p2 =	por !p2, p0  }
0x20: {  	[sflag:s8] =	ssyncset.s32 @!p0 $0xFFFFF086;
	s6 =	sadd.s32 @!p0 s3, s7;
	s7 =	simm.s32 @!p0 $0x108  }
0x21: {  	s3 =	sadd.s32 s3, s9;
	s6 =	sadd.s32 @!p0 $0x88, s6;
	s7 =	simm.s32 @p2 $0x1082  }
0x22: {  	[simem:s7], [sflag:s8] =	dma.local @!p0 [hbm:s6], $0xF7A  }
0x23: {  	s9 =	sor.u32 $0xD0000000, s2;
	s6 =	simm.s32 $0x108;
	_ =	swait.ge @!p0 [sflag:s8], $0x0  }
0x24: {  	s3 =	sadd.s32 $0x88, s3;
	s6 =	simm.s32 @!p1 $0x1082;
	[sflag:s4] =	ssyncset.s32 $0xFFFFF086  }
0x25: {  	[simem:s6], [sflag:s4] =	dma.local [hbm:s3], $0xF7A  }
0x26: {  	[smem:$0x3F9D] =	sst s1;
	(tag) =	ssettag s2;
	_ =	strace s9  }
0x27: {  	s1 =	sld [smem:$0x3FAD]  }
0x28: {  	s2 =	sld [smem:$0x3FAE]  }
0x29: {  	s4 =	sld [smem:$0x3FB0]  }
0x2a: {  	p0 =	seq.s32 s5, $0x0;
	s5 =	sld [smem:$0x3FB1]  }
0x2b: {  	s6 =	sld [smem:$0x3FB2]  }
0x2c: {  	s7 =	sld [smem:$0x3FB3]  }
0x2d: {  	s3 =	simm.s32 $0x108;
	s8 =	sld [smem:$0x3FB4]  }
0x2e: {  	s3 =	simm.s32 @!p0 $0x1082;
	s9 =	sld [smem:$0x3FB5]  }
0x2f: {  	lr =	sadd.s32 s0, s3;
	s0 =	sld [smem:$0x3FAC]  }
0x30: {  	s3 =	sld [smem:$0x3FAF]  }
0x31: {  	[smem:$0x3FB8] =	sst s10  }
0x32: {  	s10 =	sld [smem:$0x3FB6];
	_ =	sdelay $0x3  }
0x33: {  	p0 =	seq.s32 s10, $0x1;
	s10 =	sld [smem:$0x3FB8];
	_ =	sdelay $0x3  }
0x34: {  	[smem:$0x3FB8] =	sst s10  }
0x35: {  	s10 =	sld [smem:$0x3FB7];
	_ =	sdelay $0x3  }
0x36: {  	p1 =	seq.s32 s10, $0x1;
	s10 =	sld [smem:$0x3FB8];
	_ =	sdelay $0x3  }
0x37: {  	[smem:$0x3FB8] =	sst s10  }
0x38: {  	s10 =	sld [smem:$0x3FB9]  }
0x39: {  	_ = 	snop;
	(pc) =	sbr.ind lr, $3  }
0x3a: {  	_ = 	snop  }
0x3b: {  	_ = 	snop  }
0x3c: {  	p2 =	seq.s32 s10, $0x1;
	s10 =	sld [smem:$0x3FB8]  }
0x3d: {  	_ =	shalt  }
0x3e: {  	_ =	shalt  }
0x3f: {  	_ =	shalt  }
0x40: {  	_ =	shalt  }
0x41: {  	_ =	shalt  }
0x42: {  	_ =	shalt  }
0x43: {  	_ =	shalt  }
0x44: {  	_ =	shalt  }
0x45: {  	_ =	shalt  }
0x46: {  	_ =	shalt  }
0x47: {  	_ =	shalt  }
0x48: {  	_ =	shalt  }
0x49: {  	_ =	shalt  }
0x4a: {  	_ =	shalt  }
0x4b: {  	_ =	shalt  }
0x4c: {  	_ =	shalt  }
0x4d: {  	_ =	shalt  }
0x4e: {  	_ =	shalt  }
0x4f: {  	_ =	shalt  }
0x50: {  	_ =	shalt  }
0x51: {  	_ =	shalt  }
0x52: {  	_ =	shalt  }
0x53: {  	_ =	shalt  }
0x54: {  	_ =	shalt  }
0x55: {  	_ =	shalt  }
0x56: {  	_ =	shalt  }
0x57: {  	_ =	shalt  }
0x58: {  	_ =	shalt  }
0x59: {  	_ =	shalt  }
0x5a: {  	_ =	shalt  }
0x5b: {  	_ =	shalt  }
0x5c: {  	_ =	shalt  }
0x5d: {  	_ =	shalt  }
0x5e: {  	_ =	shalt  }
0x5f: {  	_ =	shalt  }
0x60: {  	_ =	shalt  }
0x61: {  	_ =	shalt  }
0x62: {  	_ =	shalt  }
0x63: {  	_ =	shalt  }
0x64: {  	_ =	shalt  }
0x65: {  	_ =	shalt  }
0x66: {  	_ =	shalt  }
0x67: {  	_ =	shalt  }
0x68: {  	_ =	shalt  }
0x69: {  	_ =	shalt  }
0x6a: {  	_ =	shalt  }
0x6b: {  	_ =	shalt  }
0x6c: {  	_ =	shalt  }
0x6d: {  	_ =	shalt  }
0x6e: {  	_ =	shalt  }
0x6f: {  	_ =	shalt  }
0x70: {  	_ =	shalt  }
0x71: {  	_ =	shalt  }
0x72: {  	_ =	shalt  }
0x73: {  	_ =	shalt  }
0x74: {  	_ =	shalt  }
0x75: {  	_ =	shalt  }
0x76: {  	_ =	shalt  }
0x77: {  	_ =	shalt  }
0x78: {  	_ =	shalt  }
0x79: {  	_ =	shalt  }
0x7a: {  	_ =	shalt  }
0x7b: {  	_ =	shalt  }
0x7c: {  	_ =	shalt  }
0x7d: {  	_ =	shalt  }
0x7e: {  	_ =	shalt  }
0x7f: {  	_ =	shalt  }
0x80: {  	_ =	shalt  }
0x81: {  	_ =	shalt  }
0x82: {  	_ =	shalt  }
0x83: {  	_ =	shalt  }
0x84: {  	_ =	shalt  }
0x85: {  	_ =	shalt  }
0x86: {  	_ =	shalt  }
0x87: {  	_ =	shalt  }
.Lfunc_end0:
.L_simem_size_0:
called_computation.1_lowered:
.L_overlay_start_0:
0x88: {  	s2 =	sld [smem:$0x3FD9]  }
0x89: {  	s3 =	sld [smem:$0x3FFE];
	_ =	sdelay $0x1  }
0x8a: {  	s1 =	srdreg.scid  }
0x8b: {  	s0 =	sand.u32 $0x1, s1  }
0x8c: {  	s14 =	sshll.u32 s0, $0xA;
	s2 =	sadd.s32 s3, s2  }
0x8d: {  	s2 =	sadd.s32 s2, s14  }
0x8e: {  	[smem:$0x3FC4] =	sst s2  }
0x8f: {  	_ = 	snop  }
0x90: {  	s2 =	sld [smem:$0x3FD0];
	_ =	sdelay $0x2  }
0x91: {  	s15 =	simm.s32 $0xA;
	s4 =	simm.s32 $0x10  }
0x92: {  	[smem:s4], [sflag:s15] =	dma.local [hbm:s2], $0x1  }
0x93: {  	_ =	swait.eq [sflag:s15], $0x1  }
0x94: {  	[sflag:s15] =	ssyncset.done $0x0  }
0x95: {  	s16 =	sld [smem:$0x10];
	[sflag:s15] =	ssyncadd.s32 $0xFFFFFFFF  }
0x96: {  	s17 =	sld [smem:$0x11];
	(tm) =	ssettm $0x1  }
0x97: {  	s18 =	sld [smem:$0x3FFB];
	_ =	sdelay $0x3  }
0x98: {  	_ =	strace s18  }
0x99: {  	s4 =	sld [smem:$0x3FFC];
	_ =	sdelay $0x3  }
0x9a: {  	_ =	strace s4  }
0x9b: {  	s4 =	sld [smem:$0x3FFD];
	_ =	sdelay $0x3  }
0x9c: {  	_ =	strace s4  }
0x9d: {  	_ =	strace $0x8FFFFFFF  }
0x9e: {  	s19 =	sld [smem:$0x3FDB];
	_ =	sdelay $0x1  }
0x9f: {  	s5 =	simm.s32 $_scs_section_size  }
0xa0: {  	s6 =	simm.s32 $_size__tile_overlayer_lowered;
	s7 =	simm.s32 $_tile_overlayer_lowered  }
0xa1: {  	s22 =	simm.s32 $0x1BFF;
	s21 =	sshll.u32 s7, $0x1;
	s4 =	sadd.s32 s5, s19  }
0xa2: {  	s8 =	simm.s32 $0x0;
	s20 =	sshll.u32 s6, $0x1;
	s6 =	sadd.s32 s21, s4  }
0xa3: {  	[timem:s8], [sflag:s22] =	dma.local [hbm:s6], s20  }
0xa4: {  	_ =	swait.ge [sflag:s22], s20  }
0xa5: {  	s5 =	ssub.s32 $0x0, s20;
	[sflag:s22] =	ssyncset.done $0x0  }
0xa6: {  	[sflag:s22] =	ssyncadd.s32 s5;
	_ =	sdelay $0x1  }
0xa7: {  	s23 =	simm.s32 $0x1B8B  }
0xa8: {  	_ =	swait.ge [sflag:s23], $0x1  }
0xa9: {  	[sflag:s23] =	ssyncset.done $0x0  }
0xaa: {  	s25 =	simm.s32 $0x1B8E;
	s24 =	sld [smem:$0x3FFE];
	[sflag:s23] =	ssyncadd.s32 $0xFFFFFFFF  }
0xab: {  	s26 =	simm.s32 $execute0_lowered;
	[smem:$0x3FD2] =	sst s25  }
0xac: {  	s6 =	sshll.u32 s26, $0x1;
	_ =	strace $0x80000049;
	[dreg:$0x1] =	wrdreg $0xFFFFFFFF  }
0xad: {  	s28 =	simm.s32 $_size_execute0_lowered;
	s4 =	sadd.s32 s4, s6;
	[dreg:$0x0] =	wrdreg $0x0  }
0xae: {  	s6 =	sshll.u32 s28, $0x1;
	[dreg:$0x2] =	wrdreg s4  }
0xaf: {  	[dreg:$0x3] =	wrdreg s6  }
0xb0: {  	[dreg:$0x4] =	wrdreg $0xC0  }
0xb1: {  	_ =	task [dreg:s8], $0x5FFFF  }
0xb2: {  	[dreg:$0x1] =	wrdreg $0xFFFFFFFF  }
0xb3: {  	[dreg:$0x0] =	wrdreg $0x60  }
0xb4: {  	[dreg:$0x2] =	wrdreg s16  }
0xb5: {  	[dreg:$0x3] =	wrdreg s24  }
0xb6: {  	[dreg:$0x4] =	wrdreg s17  }
0xb7: {  	[dreg:$0x5] =	wrdreg $0x0  }
0xb8: {  	[dreg:$0x6] =	wrdreg $0x9  }
0xb9: {  	_ =	task.clear_ibuf [dreg:s8], $0x7FFFF;
	_ =	strace $0x90000049  }
0xba: {  	s29 =	simm.s32 $0x9;
	_ =	strace $0x8000004B  }
0xbb: {  	_ =	swait.ge [sflag:s29], $0x1  }
0xbc: {  	[sflag:s29] =	ssyncadd.s32 $0xFFFFFFFF  }
0xbd: {  	_ =	strace $0x9000004B  }
0xbe: {  	_ =	sfence  }
0xbf: {  	s30 =	sld [smem:$0x0];
	_ =	sdelay $0x2  }
0xc0: {  	s31 =	sshll.u32 s1, $0xD;
	s1 =	sshrl.u32 s1, $0x2  }
0xc1: {  	s3 =	sand.u32 $0x4000, s31;
	s1 =	sadd.s32 s1, s30  }
0xc2: {  	s0 =	sor.u32 s3, s0;
	s1 =	sshll.u32 s1, $0x11  }
0xc3: {  	s0 =	sor.u32 s1, s0  }
0xc4: {  	s0 =	sadd.s32 $0x8F2B, s0  }
0xc5: {  	[sflag:s0] =	ssyncadd.remote.s32 $0x1  }
0xc6: {  	_ =	sfence.sel $0xFFFF  }
0xc7: {  	[dreg:$0x0] =	wrdreg $0xFFFFFFFF;
	(pc) =	sbr.abs _section_cstart, $3  }
0xc8: {  	[dreg:$0x1] =	wrdreg $0xFFFFFFFF  }
0xc9: {  	_ =	task.clear_ibuf [dreg:s8], $0x2FFFF;
	_ =	strace $0x9FFFFFFF  }
0xca: {  	(tm) =	ssettm $0x7FFFFFFF  }
0xcb: {  	_ =	shalt  }
tec
execute0_lowered:
.L_overlay_start_1:
0x0: {  	(tag) =	ssettag $0x1  }
0x1: {  	s0 =	rddreg [dreg:$0x0]  }
0x2: {  	s2 =	rddreg [dreg:$0x1]  }
0x3: {  	s3 =	rddreg [dreg:$0x2];
	s4 =	srdreg.scid  }
0x4: {  	s1 =	simm.s32 $0x0;
	s16 =	stileid.u32;
	s29 =	simm.s32 $0x3  }
0x5: {  	s30 =	simm.s32 $0x9C40;
	s31 =	simm.s32 $0x9F60;
	s4 =	sand.u32 $0x1, s4  }
0x6: {  	s5 =	sadd.s32 $0x1000, s2;
	s7 =	smul.u32 $0x4E20, s16;
	s8 =	sadd.s32 $0x1E600, s2  }
0x7: {  	s2 =	sadd.s32 $0x268600, s2;
	s10 =	smul.u32 $0x9C40, s16;
	s6 =	ssub.s32 $0x2, s4  }
0x8: {  	s4 =	smul.u32 $0x1D4C00, s4;
	s9 =	sshrl.u32 s6, $0x1;
	s7 =	sshrl.u32 s7, $0x3  }
0x9: {  	[smem:$0x7FF] =	sst s1;
	s6 =	ssub.s32 s6, s9;
	s22 =	sadd.s32 s0, s7  }
0xa: {  	s11 =	sshrl.u32 s4, $0x3;
	s23 =	sadd.s32 s5, s7;
	s24 =	sadd.s32 $0x992, s7  }
0xb: {  	s25 =	sadd.s32 $0x9C40, s7;
	s14 =	sadd.s32 $0xA5D2, s7;
	[dreg:$0x5] =	wrdreg s22  }
0xc: {  	s20 =	sadd.s32 $0x13880, s7;
	s7 =	sadd.s32 $0x14212, s7;
	[dreg:$0x6] =	wrdreg s23  }
0xd: {  	s4 =	sadd.s32 s8, s11;
	s12 =	sadd.s32 s0, s24;
	s9 =	sadd.s32 s5, s24  }
0xe: {  	s26 =	sadd.s32 s2, s11;
	s13 =	sadd.s32 s0, s25;
	s19 =	sadd.s32 $0x13880, s11  }
0xf: {  	s15 =	sadd.s32 s0, s14;
	s14 =	sadd.s32 s5, s14;
	[dreg:$0x7] =	wrdreg s12  }
0x10: {  	s21 =	sadd.s32 s0, s20;
	s11 =	sadd.s32 $0x27100, s11;
	[dreg:$0x8] =	wrdreg s9  }
0x11: {  	s22 =	smul.u32 $0x9C4, s16;
	s23 =	sadd.s32 s0, s7;
	[dreg:$0x9] =	wrdreg s13  }
0x12: {  	s7 =	sadd.s32 s5, s7;
	s24 =	sshrl.u32 s10, $0x3;
	[dreg:$0xb] =	wrdreg s15  }
0x13: {  	s28 =	smax.u32 s6, $0x1;
	s6 =	simm.s32 $0x1;
	[dreg:$0xc] =	wrdreg s14  }
0x14: {  	s9 =	sadd.s32 s5, s25;
	s13 =	sadd.s32 s2, s19;
	[dreg:$0xd] =	wrdreg s21  }
0x15: {  	s14 =	sadd.s32 s5, s20;
	s2 =	sadd.s32 s2, s11;
	[dreg:$0xf] =	wrdreg s23  }
0x16: {  	[dreg:$0x10] =	wrdreg s7;
	s20 =	sadd.s32 s3, s24;
	s25 =	sadd.s32 s24, s26  }
0x17: {  	s23 =	rddreg [dreg:$0x3];
	s26 =	sshll.u32 s16, $0x6;
	s3 =	simm.s32 $0xA0F0  }
0x18: {  	s7 =	simm.s32 $0x2;
	[dreg:$0xa] =	wrdreg s9;
	s9 =	sadd.s32 s8, s19  }
0x19: {  	[dreg:$0xe] =	wrdreg s14;
	s14 =	sadd.s32 s8, s11;
	s17 =	sadd.s32 s22, s5  }
0x1a: {  	s18 =	sadd.s32 s22, s0;
	[dreg:$0x11] =	wrdreg s25;
	s22 =	sadd.s32 s24, s13  }
0x1b: {  	s24 =	sadd.s32 s24, s2;
	s25 =	sadd.s32 s10, s23;
	s26 =	sor.u32 $0x1C03, s26  }
0x1c: {  	s19 =	simm.s32 $0x190;
	s0 =	simm.s32 $0xA280;
	s2 =	simm.s32 $0x9DD0  }
0x1d: {  	s5 =	simm.s32 $0x10680;
	s8 =	simm.s32 $0x0;
	_ =	strace $0x8000004A  }
.LBB2_1:
0x1e: {  	s10 =	sshrl.u32 s25, $0x3  }
0x1f: {  	[spmem:s10], [sflag:s26] =	dma.local [hbm:s20], $0x1388  }
0x20: {  	_ =	swait.ge [sflag:s29], $0x1388  }
0x21: {  	[sflag:s29] =	ssyncset.done $0x0  }
0x22: {  	[sflag:s29] =	ssyncadd.s32 $0xFFFFEC78  }
0x23: {  	[bflag:$0x0] =	sbarrier.arrive $0xFFFF  }
0x24: {  	s11 =	rddreg [dreg:$0x5]  }
0x25: {  	[tilespmem:s30], [sflag:$0x3] =	stream.linear.gather [hbm4b:s11+s1], $0x190, $0x38;
	[tilespmem:$0x16A80] =	vst v63  }
0x26: {  	_ =	swait.ge [sflag:s29], $0x190  }
0x27: {  	[sflag:s29] =	ssyncset.done $0x0  }
0x28: {  	s13 =	rddreg [dreg:$0x6];
	[sflag:s29] =	ssyncadd.s32 $0xFFFFFE70  }
0x29: {  	[tilespmem:s31], [sflag:$0x3] =	stream.linear.gather [hbm4b:s13+s1], $0x190, $0x38;
	[tilespmem:$0x16A80] =	vst v63  }
0x2a: {  	_ =	swait.ge [sflag:s29], $0x190  }
0x2b: {  	[sflag:s29] =	ssyncset.done $0x0  }
0x2c: {  	s15 =	sadd.s32 $0xFFFFF6A0, s18;
	[sflag:s29] =	ssyncadd.s32 $0xFFFFFE70  }
0x2d: {  	[tilespmem:s0], [sflag:$0x1] =	stream.indirect.gather [hbm4b:s4+s19], $0x40, s30, s19, $0xb8;
	[tilespmem:$0x16A80] =	vst v63  }
0x2e: {  	s12 =	sadd.s32 $0x992, s15  }
0x2f: {  	[tilespmem:s2], [sflag:$0x3] =	stream.linear.gather [hbm4b:s12+s1], $0x190, $0x38;
	[tilespmem:$0x16A80] =	vst v63  }
0x30: {  	_ =	swait.ge [sflag:s29], $0x190  }
0x31: {  	s16 =	sadd.s32 $0xFFFFF6A0, s17;
	[sflag:s29] =	ssyncset.done $0x0  }
0x32: {  	s13 =	sadd.s32 $0x992, s16;
	[sflag:s29] =	ssyncadd.s32 $0xFFFFFE70  }
0x33: {  	[tilespmem:s3], [sflag:$0x3] =	stream.linear.gather [hbm4b:s13+s1], $0x190, $0x38;
	[tilespmem:$0x16A80] =	vst v63  }
0x34: {  	_ =	swait.ge [sflag:s29], $0x190  }
0x35: {  	[sflag:s29] =	ssyncset.done $0x0  }
0x36: {  	[sflag:s29] =	ssyncadd.s32 $0xFFFFFE70  }
0x37: {  	[tilespmem:s5], [sflag:$0x2] =	stream.indirect.gather [hbm4b:s4+s19], $0x40, s2, s19, $0xb8;
	[tilespmem:$0x16A80] =	vst v63  }
0x38: {  	_ =	swait.ge [sflag:s6], $0x6400  }
0x39: {  	[sflag:s6] =	ssyncset.done $0x0  }
0x3a: {  	[sflag:s6] =	ssyncadd.s32 $0xFFFF9C00  }
0x3b: {  	[spmem:s23] =	stream.indirect.scatter.add.f32 [tilespmem:s0], [sflag:$0x3], $0x40, s31, s19, $0xb8;
	[tilespmem:$0x16A80] =	vst v63  }
0x3c: {  	_ =	swait.ge [sflag:s29], $0x6400  }
0x3d: {  	[sflag:s29] =	ssyncset.done $0x0  }
0x3e: {  	s11 =	sadd.s32 $0x9C4, s15;
	[sflag:s29] =	ssyncadd.s32 $0xFFFF9C00  }
0x3f: {  	[tilespmem:s30], [sflag:$0x3] =	stream.linear.gather [hbm4b:s11+s1], $0x190, $0x38;
	[tilespmem:$0x16A80] =	vst v63  }
0x40: {  	_ =	swait.ge [sflag:s29], $0x190  }
0x41: {  	[sflag:s29] =	ssyncset.done $0x0  }
0x42: {  	s21 =	sadd.s32 $0x9C4, s16;
	[sflag:s29] =	ssyncadd.s32 $0xFFFFFE70  }
0x43: {  	[tilespmem:s31], [sflag:$0x3] =	stream.linear.gather [hbm4b:s21+s1], $0x190, $0x38;
	[tilespmem:$0x16A80] =	vst v63  }
0x44: {  	_ =	swait.ge [sflag:s29], $0x190  }
0x45: {  	[sflag:s29] =	ssyncset.done $0x0  }
0x46: {  	[sflag:s29] =	ssyncadd.s32 $0xFFFFFE70  }
0x47: {  	[tilespmem:s0], [sflag:$0x1] =	stream.indirect.gather [hbm4b:s4+s19], $0x40, s30, s19, $0xb8;
	[tilespmem:$0x16A80] =	vst v63  }
0x48: {  	_ =	swait.ge [sflag:s7], $0x6400  }
0x49: {  	[sflag:s7] =	ssyncset.done $0x0  }
0x4a: {  	[sflag:s7] =	ssyncadd.s32 $0xFFFF9C00  }
0x4b: {  	[spmem:s23] =	stream.indirect.scatter.add.f32 [tilespmem:s5], [sflag:$0x3], $0x40, s3, s19, $0xb8;
	[tilespmem:$0x16A80] =	vst v63  }
0x4c: {  	s12 =	simm.s32 $0xFFFFF768;
	_ =	swait.ge [sflag:s29], $0x6400  }
0x4d: {  	s13 =	sadd.s32 $0xFFFFF704, s18;
	s11 =	simm.s32 $0xFFFFF704;
	[sflag:s29] =	ssyncset.done $0x0  }
.LBB2_2:
0x4e: {  	s16 =	sadd.s32 $0x992, s13  }
0x4f: {  	[sflag:s29] =	ssyncadd.s32 $0xFFFF9C00;
	s21 =	smov.u32 s12;
	s15 =	sadd.s32 $0x64, s12  }
0x50: {  	[tilespmem:s2], [sflag:$0x3] =	stream.linear.gather [hbm4b:s16+s1], $0x190, $0x38;
	[tilespmem:$0x16A80] =	vst v63  }
0x51: {  	p0 =	sne.s32 s12, $0xFFFFFF9C;
	_ =	swait.ge [sflag:s29], $0x190  }
0x52: {  	s12 =	sadd.s32 s11, s17;
	s11 =	smov.u32 s21;
	[sflag:s29] =	ssyncset.done $0x0  }
0x53: {  	s16 =	sadd.s32 $0x992, s12;
	[sflag:s29] =	ssyncadd.s32 $0xFFFFFE70  }
0x54: {  	[tilespmem:s3], [sflag:$0x3] =	stream.linear.gather [hbm4b:s16+s1], $0x190, $0x38;
	[tilespmem:$0x16A80] =	vst v63  }
0x55: {  	_ =	swait.ge [sflag:s29], $0x190  }
0x56: {  	[sflag:s29] =	ssyncset.done $0x0  }
0x57: {  	[sflag:s29] =	ssyncadd.s32 $0xFFFFFE70  }
0x58: {  	[tilespmem:s5], [sflag:$0x2] =	stream.indirect.gather [hbm4b:s4+s19], $0x40, s2, s19, $0xb8;
	[tilespmem:$0x16A80] =	vst v63  }
0x59: {  	_ =	swait.ge [sflag:s6], $0x6400  }
0x5a: {  	[sflag:s6] =	ssyncset.done $0x0  }
0x5b: {  	[sflag:s6] =	ssyncadd.s32 $0xFFFF9C00  }
0x5c: {  	[spmem:s23] =	stream.indirect.scatter.add.f32 [tilespmem:s0], [sflag:$0x3], $0x40, s31, s19, $0xb8;
	[tilespmem:$0x16A80] =	vst v63  }
0x5d: {  	_ =	swait.ge [sflag:s29], $0x6400  }
0x5e: {  	[sflag:s29] =	ssyncset.done $0x0  }
0x5f: {  	s13 =	sadd.s32 $0x9C4, s13;
	[sflag:s29] =	ssyncadd.s32 $0xFFFF9C00  }
0x60: {  	[tilespmem:s30], [sflag:$0x3] =	stream.linear.gather [hbm4b:s13+s1], $0x190, $0x38;
	[tilespmem:$0x16A80] =	vst v63  }
0x61: {  	_ =	swait.ge [sflag:s29], $0x190  }
0x62: {  	[sflag:s29] =	ssyncset.done $0x0  }
0x63: {  	s12 =	sadd.s32 $0x9C4, s12;
	[sflag:s29] =	ssyncadd.s32 $0xFFFFFE70  }
0x64: {  	[tilespmem:s31], [sflag:$0x3] =	stream.linear.gather [hbm4b:s12+s1], $0x190, $0x38;
	[tilespmem:$0x16A80] =	vst v63  }
0x65: {  	_ =	swait.ge [sflag:s29], $0x190  }
0x66: {  	[sflag:s29] =	ssyncset.done $0x0  }
0x67: {  	[sflag:s29] =	ssyncadd.s32 $0xFFFFFE70  }
0x68: {  	[tilespmem:s0], [sflag:$0x1] =	stream.indirect.gather [hbm4b:s4+s19], $0x40, s30, s19, $0xb8;
	[tilespmem:$0x16A80] =	vst v63  }
0x69: {  	_ =	swait.ge [sflag:s7], $0x6400  }
.Ltmp0:
0x6a: {  	[sflag:s7] =	ssyncset.done $0x0;
	(pc) =	sbr.rel @p0 .LBB2_2-.Ltmp0, $4  }
0x6b: {  	[sflag:s7] =	ssyncadd.s32 $0xFFFF9C00  }
0x6c: {  	[spmem:s23] =	stream.indirect.scatter.add.f32 [tilespmem:s5], [sflag:$0x3], $0x40, s3, s19, $0xb8;
	[tilespmem:$0x16A80] =	vst v63  }
0x6d: {  	_ =	swait.ge [sflag:s29], $0x6400  }
0x6e: {  	s13 =	sadd.s32 s11, s18;
	s12 =	smov.u32 s15;
	[sflag:s29] =	ssyncset.done $0x0  }
0x6f: {  	s12 =	sadd.s32 $0x992, s13;
	[sflag:s29] =	ssyncadd.s32 $0xFFFF9C00  }
0x70: {  	[tilespmem:s2], [sflag:$0x3] =	stream.linear.gather [hbm4b:s12+s1], $0x190, $0x38;
	[tilespmem:$0x16A80] =	vst v63  }
0x71: {  	_ =	swait.ge [sflag:s29], $0x190  }
0x72: {  	s11 =	sadd.s32 s11, s17;
	[sflag:s29] =	ssyncset.done $0x0  }
0x73: {  	s15 =	sadd.s32 $0x992, s11;
	[sflag:s29] =	ssyncadd.s32 $0xFFFFFE70  }
0x74: {  	[tilespmem:s3], [sflag:$0x3] =	stream.linear.gather [hbm4b:s15+s1], $0x190, $0x38;
	[tilespmem:$0x16A80] =	vst v63  }
0x75: {  	_ =	swait.ge [sflag:s29], $0x190  }
0x76: {  	[sflag:s29] =	ssyncset.done $0x0  }
0x77: {  	[sflag:s29] =	ssyncadd.s32 $0xFFFFFE70  }
0x78: {  	[tilespmem:s5], [sflag:$0x2] =	stream.indirect.gather [hbm4b:s4+s19], $0x40, s2, s19, $0xb8;
	[tilespmem:$0x16A80] =	vst v63  }
0x79: {  	_ =	swait.ge [sflag:s6], $0x6400  }
0x7a: {  	[sflag:s6] =	ssyncset.done $0x0  }
0x7b: {  	[sflag:s6] =	ssyncadd.s32 $0xFFFF9C00  }
0x7c: {  	[spmem:s23] =	stream.indirect.scatter.add.f32 [tilespmem:s0], [sflag:$0x3], $0x40, s31, s19, $0xb8;
	[tilespmem:$0x16A80] =	vst v63  }
0x7d: {  	_ =	swait.ge [sflag:s29], $0x6400  }
0x7e: {  	[sflag:s29] =	ssyncset.done $0x0  }
0x7f: {  	s16 =	sadd.s32 $0x9C4, s13;
	[sflag:s29] =	ssyncadd.s32 $0xFFFF9C00  }
0x80: {  	[tilespmem:s30], [sflag:$0x3] =	stream.linear.gather [hbm4b:s16+s1], $0x190, $0x38;
	[tilespmem:$0x16A80] =	vst v63  }
0x81: {  	_ =	swait.ge [sflag:s29], $0x190  }
0x82: {  	[sflag:s29] =	ssyncset.done $0x0  }
0x83: {  	s11 =	sadd.s32 $0x9C4, s11;
	[sflag:s29] =	ssyncadd.s32 $0xFFFFFE70  }
0x84: {  	[tilespmem:s31], [sflag:$0x3] =	stream.linear.gather [hbm4b:s11+s1], $0x190, $0x38;
	[tilespmem:$0x16A80] =	vst v63  }
0x85: {  	_ =	swait.ge [sflag:s29], $0x190  }
0x86: {  	[sflag:s29] =	ssyncset.done $0x0  }
0x87: {  	[sflag:s29] =	ssyncadd.s32 $0xFFFFFE70  }
0x88: {  	[tilespmem:s0], [sflag:$0x1] =	stream.indirect.gather [hbm4b:s4+s19], $0x40, s30, s19, $0xb8;
	[tilespmem:$0x16A80] =	vst v63  }
0x89: {  	_ =	swait.ge [sflag:s7], $0x6400  }
0x8a: {  	[sflag:s7] =	ssyncset.done $0x0  }
0x8b: {  	[sflag:s7] =	ssyncadd.s32 $0xFFFF9C00  }
0x8c: {  	[spmem:s23] =	stream.indirect.scatter.add.f32 [tilespmem:s5], [sflag:$0x3], $0x40, s3, s19, $0xb8;
	[tilespmem:$0x16A80] =	vst v63  }
0x8d: {  	_ =	swait.ge [sflag:s29], $0x6400  }
0x8e: {  	[sflag:s29] =	ssyncset.done $0x0  }
0x8f: {  	[sflag:s29] =	ssyncadd.s32 $0xFFFF9C00  }
0x90: {  	_ =	swait.ge [sflag:s6], $0x6400  }
0x91: {  	[sflag:s6] =	ssyncset.done $0x0  }
0x92: {  	[sflag:s6] =	ssyncadd.s32 $0xFFFF9C00  }
0x93: {  	[spmem:s23] =	stream.indirect.scatter.add.f32 [tilespmem:s0], [sflag:$0x3], $0x40, s31, s19, $0xb8;
	[tilespmem:$0x16A80] =	vst v63  }
0x94: {  	_ =	swait.ge [sflag:s29], $0x6400  }
0x95: {  	[sflag:s29] =	ssyncset.done $0x0  }
0x96: {  	s21 =	rddreg [dreg:$0x7];
	[sflag:s29] =	ssyncadd.s32 $0xFFFF9C00  }
0x97: {  	[tilespmem:s2], [sflag:$0x3] =	stream.linear.gather [hbm4b:s21+s1], $0x190, $0x38;
	[tilespmem:$0x16A80] =	vst v63  }
0x98: {  	_ =	swait.ge [sflag:s29], $0x190  }
0x99: {  	[sflag:s29] =	ssyncset.done $0x0  }
0x9a: {  	s12 =	rddreg [dreg:$0x8];
	[sflag:s29] =	ssyncadd.s32 $0xFFFFFE70  }
0x9b: {  	[tilespmem:s3], [sflag:$0x3] =	stream.linear.gather [hbm4b:s12+s1], $0x190, $0x38;
	[tilespmem:$0x16A80] =	vst v63  }
0x9c: {  	_ =	swait.ge [sflag:s29], $0x190  }
0x9d: {  	[sflag:s29] =	ssyncset.done $0x0  }
0x9e: {  	[sflag:s29] =	ssyncadd.s32 $0xFFFFFE70  }
0x9f: {  	[tilespmem:s5], [sflag:$0x3] =	stream.indirect.gather [hbm4b:s4+s19], $0x40, s2, s19, $0xb8;
	[tilespmem:$0x16A80] =	vst v63  }
0xa0: {  	_ =	swait.ge [sflag:s29], $0x6400  }
0xa1: {  	[sflag:s29] =	ssyncset.done $0x0  }
0xa2: {  	[sflag:s29] =	ssyncadd.s32 $0xFFFF9C00  }
0xa3: {  	[spmem:s23] =	stream.indirect.scatter.add.f32 [tilespmem:s5], [sflag:$0x3], $0x40, s3, s19, $0xb8;
	[tilespmem:$0x16A80] =	vst v63  }
0xa4: {  	_ =	swait.ge [sflag:s29], $0x6400  }
0xa5: {  	[sflag:s29] =	ssyncset.done $0x0  }
0xa6: {  	[sflag:s29] =	ssyncadd.s32 $0xFFFF9C00  }
0xa7: {  	[bflag:$0x0] =	sbarrier.arrive $0xFFFF  }
0xa8: {  	s13 =	rddreg [dreg:$0x11]  }
0xa9: {  	[hbm:s13], [sflag:s26] =	dma.local [spmem:s10], $0x1388  }
0xaa: {  	_ =	swait.ge [sflag:s29], $0x1388  }
0xab: {  	[sflag:s29] =	ssyncset.done $0x0  }
0xac: {  	[sflag:s29] =	ssyncadd.s32 $0xFFFFEC78  }
0xad: {  	[bflag:$0x0] =	sbarrier.arrive $0xFFFF  }
0xae: {  	[spmem:s10], [sflag:s26] =	dma.local [hbm:s20], $0x1388  }
0xaf: {  	_ =	swait.ge [sflag:s29], $0x1388  }
0xb0: {  	[sflag:s29] =	ssyncset.done $0x0  }
0xb1: {  	[sflag:s29] =	ssyncadd.s32 $0xFFFFEC78  }
0xb2: {  	[bflag:$0x0] =	sbarrier.arrive $0xFFFF  }
0xb3: {  	s15 =	rddreg [dreg:$0x9]  }
0xb4: {  	[tilespmem:s30], [sflag:$0x3] =	stream.linear.gather [hbm4b:s15+s1], $0x190, $0x38;
	[tilespmem:$0x16A80] =	vst v63  }
0xb5: {  	_ =	swait.ge [sflag:s29], $0x190  }
0xb6: {  	[sflag:s29] =	ssyncset.done $0x0  }
0xb7: {  	s16 =	rddreg [dreg:$0xa];
	[sflag:s29] =	ssyncadd.s32 $0xFFFFFE70  }
0xb8: {  	[tilespmem:s31], [sflag:$0x3] =	stream.linear.gather [hbm4b:s16+s1], $0x190, $0x38;
	[tilespmem:$0x16A80] =	vst v63  }
0xb9: {  	_ =	swait.ge [sflag:s29], $0x190  }
0xba: {  	[sflag:s29] =	ssyncset.done $0x0  }
0xbb: {  	s21 =	sadd.s32 $0xFFFFF6A0, s18;
	[sflag:s29] =	ssyncadd.s32 $0xFFFFFE70  }
0xbc: {  	[tilespmem:s0], [sflag:$0x1] =	stream.indirect.gather [hbm4b:s9+s19], $0x40, s30, s19, $0xb8;
	[tilespmem:$0x16A80] =	vst v63  }
0xbd: {  	s13 =	sadd.s32 $0xA5D2, s21  }
0xbe: {  	[tilespmem:s2], [sflag:$0x3] =	stream.linear.gather [hbm4b:s13+s1], $0x190, $0x38;
	[tilespmem:$0x16A80] =	vst v63  }
0xbf: {  	_ =	swait.ge [sflag:s29], $0x190  }
0xc0: {  	s15 =	sadd.s32 $0xFFFFF6A0, s17;
	[sflag:s29] =	ssyncset.done $0x0  }
0xc1: {  	s16 =	sadd.s32 $0xA5D2, s15;
	[sflag:s29] =	ssyncadd.s32 $0xFFFFFE70  }
0xc2: {  	[tilespmem:s3], [sflag:$0x3] =	stream.linear.gather [hbm4b:s16+s1], $0x190, $0x38;
	[tilespmem:$0x16A80] =	vst v63  }
0xc3: {  	_ =	swait.ge [sflag:s29], $0x190  }
0xc4: {  	[sflag:s29] =	ssyncset.done $0x0  }
0xc5: {  	[sflag:s29] =	ssyncadd.s32 $0xFFFFFE70  }
0xc6: {  	[tilespmem:s5], [sflag:$0x2] =	stream.indirect.gather [hbm4b:s9+s19], $0x40, s2, s19, $0xb8;
	[tilespmem:$0x16A80] =	vst v63  }
0xc7: {  	_ =	swait.ge [sflag:s6], $0x6400  }
0xc8: {  	[sflag:s6] =	ssyncset.done $0x0  }
0xc9: {  	[sflag:s6] =	ssyncadd.s32 $0xFFFF9C00  }
0xca: {  	[spmem:s23] =	stream.indirect.scatter.add.f32 [tilespmem:s0], [sflag:$0x3], $0x40, s31, s19, $0xb8;
	[tilespmem:$0x16A80] =	vst v63  }
0xcb: {  	_ =	swait.ge [sflag:s29], $0x6400  }
0xcc: {  	[sflag:s29] =	ssyncset.done $0x0  }
0xcd: {  	s11 =	sadd.s32 $0xA604, s21;
	[sflag:s29] =	ssyncadd.s32 $0xFFFF9C00  }
0xce: {  	[tilespmem:s30], [sflag:$0x3] =	stream.linear.gather [hbm4b:s11+s1], $0x190, $0x38;
	[tilespmem:$0x16A80] =	vst v63  }
0xcf: {  	_ =	swait.ge [sflag:s29], $0x190  }
0xd0: {  	[sflag:s29] =	ssyncset.done $0x0  }
0xd1: {  	s21 =	sadd.s32 $0xA604, s15;
	[sflag:s29] =	ssyncadd.s32 $0xFFFFFE70  }
0xd2: {  	[tilespmem:s31], [sflag:$0x3] =	stream.linear.gather [hbm4b:s21+s1], $0x190, $0x38;
	[tilespmem:$0x16A80] =	vst v63  }
0xd3: {  	_ =	swait.ge [sflag:s29], $0x190  }
0xd4: {  	[sflag:s29] =	ssyncset.done $0x0  }
0xd5: {  	[sflag:s29] =	ssyncadd.s32 $0xFFFFFE70  }
0xd6: {  	[tilespmem:s0], [sflag:$0x1] =	stream.indirect.gather [hbm4b:s9+s19], $0x40, s30, s19, $0xb8;
	[tilespmem:$0x16A80] =	vst v63  }
0xd7: {  	_ =	swait.ge [sflag:s7], $0x6400  }
0xd8: {  	[sflag:s7] =	ssyncset.done $0x0  }
0xd9: {  	[sflag:s7] =	ssyncadd.s32 $0xFFFF9C00  }
0xda: {  	[spmem:s23] =	stream.indirect.scatter.add.f32 [tilespmem:s5], [sflag:$0x3], $0x40, s3, s19, $0xb8;
	[tilespmem:$0x16A80] =	vst v63  }
0xdb: {  	s15 =	simm.s32 $0xFFFFF768;
	_ =	swait.ge [sflag:s29], $0x6400  }
0xdc: {  	s13 =	sadd.s32 $0xFFFFF704, s18;
	s11 =	simm.s32 $0xFFFFF704;
	[sflag:s29] =	ssyncset.done $0x0  }
.LBB2_4:
0xdd: {  	s16 =	sadd.s32 $0xA5D2, s13  }
0xde: {  	[sflag:s29] =	ssyncadd.s32 $0xFFFF9C00;
	s21 =	smov.u32 s15;
	s12 =	sadd.s32 $0x64, s15  }
0xdf: {  	[tilespmem:s2], [sflag:$0x3] =	stream.linear.gather [hbm4b:s16+s1], $0x190, $0x38;
	[tilespmem:$0x16A80] =	vst v63  }
0xe0: {  	p0 =	sne.s32 s15, $0xFFFFFF9C;
	_ =	swait.ge [sflag:s29], $0x190  }
0xe1: {  	s15 =	sadd.s32 s11, s17;
	s11 =	smov.u32 s21;
	[sflag:s29] =	ssyncset.done $0x0  }
0xe2: {  	s16 =	sadd.s32 $0xA5D2, s15;
	[sflag:s29] =	ssyncadd.s32 $0xFFFFFE70  }
0xe3: {  	[tilespmem:s3], [sflag:$0x3] =	stream.linear.gather [hbm4b:s16+s1], $0x190, $0x38;
	[tilespmem:$0x16A80] =	vst v63  }
0xe4: {  	_ =	swait.ge [sflag:s29], $0x190  }
0xe5: {  	[sflag:s29] =	ssyncset.done $0x0  }
0xe6: {  	[sflag:s29] =	ssyncadd.s32 $0xFFFFFE70  }
0xe7: {  	[tilespmem:s5], [sflag:$0x2] =	stream.indirect.gather [hbm4b:s9+s19], $0x40, s2, s19, $0xb8;
	[tilespmem:$0x16A80] =	vst v63  }
0xe8: {  	_ =	swait.ge [sflag:s6], $0x6400  }
0xe9: {  	[sflag:s6] =	ssyncset.done $0x0  }
0xea: {  	[sflag:s6] =	ssyncadd.s32 $0xFFFF9C00  }
0xeb: {  	[spmem:s23] =	stream.indirect.scatter.add.f32 [tilespmem:s0], [sflag:$0x3], $0x40, s31, s19, $0xb8;
	[tilespmem:$0x16A80] =	vst v63  }
0xec: {  	_ =	swait.ge [sflag:s29], $0x6400  }
0xed: {  	[sflag:s29] =	ssyncset.done $0x0  }
0xee: {  	s13 =	sadd.s32 $0xA604, s13;
	[sflag:s29] =	ssyncadd.s32 $0xFFFF9C00  }
0xef: {  	[tilespmem:s30], [sflag:$0x3] =	stream.linear.gather [hbm4b:s13+s1], $0x190, $0x38;
	[tilespmem:$0x16A80] =	vst v63  }
0xf0: {  	_ =	swait.ge [sflag:s29], $0x190  }
0xf1: {  	[sflag:s29] =	ssyncset.done $0x0  }
0xf2: {  	s13 =	sadd.s32 $0xA604, s15;
	[sflag:s29] =	ssyncadd.s32 $0xFFFFFE70  }
0xf3: {  	[tilespmem:s31], [sflag:$0x3] =	stream.linear.gather [hbm4b:s13+s1], $0x190, $0x38;
	[tilespmem:$0x16A80] =	vst v63  }
0xf4: {  	_ =	swait.ge [sflag:s29], $0x190  }
0xf5: {  	[sflag:s29] =	ssyncset.done $0x0  }
0xf6: {  	[sflag:s29] =	ssyncadd.s32 $0xFFFFFE70  }
0xf7: {  	[tilespmem:s0], [sflag:$0x1] =	stream.indirect.gather [hbm4b:s9+s19], $0x40, s30, s19, $0xb8;
	[tilespmem:$0x16A80] =	vst v63  }
0xf8: {  	_ =	swait.ge [sflag:s7], $0x6400  }
.Ltmp1:
0xf9: {  	[sflag:s7] =	ssyncset.done $0x0;
	(pc) =	sbr.rel @p0 .LBB2_4-.Ltmp1, $4  }
0xfa: {  	[sflag:s7] =	ssyncadd.s32 $0xFFFF9C00  }
0xfb: {  	[spmem:s23] =	stream.indirect.scatter.add.f32 [tilespmem:s5], [sflag:$0x3], $0x40, s3, s19, $0xb8;
	[tilespmem:$0x16A80] =	vst v63  }
0xfc: {  	_ =	swait.ge [sflag:s29], $0x6400  }
0xfd: {  	s15 =	smov.u32 s12;
	s13 =	sadd.s32 s11, s18;
	[sflag:s29] =	ssyncset.done $0x0  }
0xfe: {  	s12 =	sadd.s32 $0xA5D2, s13;
	[sflag:s29] =	ssyncadd.s32 $0xFFFF9C00  }
0xff: {  	[tilespmem:s2], [sflag:$0x3] =	stream.linear.gather [hbm4b:s12+s1], $0x190, $0x38;
	[tilespmem:$0x16A80] =	vst v63  }
0x100: {  	_ =	swait.ge [sflag:s29], $0x190  }
0x101: {  	s11 =	sadd.s32 s11, s17;
	[sflag:s29] =	ssyncset.done $0x0  }
0x102: {  	s16 =	sadd.s32 $0xA5D2, s11;
	[sflag:s29] =	ssyncadd.s32 $0xFFFFFE70  }
0x103: {  	[tilespmem:s3], [sflag:$0x3] =	stream.linear.gather [hbm4b:s16+s1], $0x190, $0x38;
	[tilespmem:$0x16A80] =	vst v63  }
0x104: {  	_ =	swait.ge [sflag:s29], $0x190  }
0x105: {  	[sflag:s29] =	ssyncset.done $0x0  }
0x106: {  	[sflag:s29] =	ssyncadd.s32 $0xFFFFFE70  }
0x107: {  	[tilespmem:s5], [sflag:$0x2] =	stream.indirect.gather [hbm4b:s9+s19], $0x40, s2, s19, $0xb8;
	[tilespmem:$0x16A80] =	vst v63  }
0x108: {  	_ =	swait.ge [sflag:s6], $0x6400  }
0x109: {  	[sflag:s6] =	ssyncset.done $0x0  }
0x10a: {  	[sflag:s6] =	ssyncadd.s32 $0xFFFF9C00  }
0x10b: {  	[spmem:s23] =	stream.indirect.scatter.add.f32 [tilespmem:s0], [sflag:$0x3], $0x40, s31, s19, $0xb8;
	[tilespmem:$0x16A80] =	vst v63  }
0x10c: {  	_ =	swait.ge [sflag:s29], $0x6400  }
0x10d: {  	[sflag:s29] =	ssyncset.done $0x0  }
0x10e: {  	s21 =	sadd.s32 $0xA604, s13;
	[sflag:s29] =	ssyncadd.s32 $0xFFFF9C00  }
0x10f: {  	[tilespmem:s30], [sflag:$0x3] =	stream.linear.gather [hbm4b:s21+s1], $0x190, $0x38;
	[tilespmem:$0x16A80] =	vst v63  }
0x110: {  	_ =	swait.ge [sflag:s29], $0x190  }
0x111: {  	[sflag:s29] =	ssyncset.done $0x0  }
0x112: {  	s11 =	sadd.s32 $0xA604, s11;
	[sflag:s29] =	ssyncadd.s32 $0xFFFFFE70  }
0x113: {  	[tilespmem:s31], [sflag:$0x3] =	stream.linear.gather [hbm4b:s11+s1], $0x190, $0x38;
	[tilespmem:$0x16A80] =	vst v63  }
0x114: {  	_ =	swait.ge [sflag:s29], $0x190  }
0x115: {  	[sflag:s29] =	ssyncset.done $0x0  }
0x116: {  	[sflag:s29] =	ssyncadd.s32 $0xFFFFFE70  }
0x117: {  	[tilespmem:s0], [sflag:$0x1] =	stream.indirect.gather [hbm4b:s9+s19], $0x40, s30, s19, $0xb8;
	[tilespmem:$0x16A80] =	vst v63  }
0x118: {  	_ =	swait.ge [sflag:s7], $0x6400  }
0x119: {  	[sflag:s7] =	ssyncset.done $0x0  }
0x11a: {  	[sflag:s7] =	ssyncadd.s32 $0xFFFF9C00  }
0x11b: {  	[spmem:s23] =	stream.indirect.scatter.add.f32 [tilespmem:s5], [sflag:$0x3], $0x40, s3, s19, $0xb8;
	[tilespmem:$0x16A80] =	vst v63  }
0x11c: {  	_ =	swait.ge [sflag:s29], $0x6400  }
0x11d: {  	[sflag:s29] =	ssyncset.done $0x0  }
0x11e: {  	[sflag:s29] =	ssyncadd.s32 $0xFFFF9C00  }
0x11f: {  	_ =	swait.ge [sflag:s6], $0x6400  }
0x120: {  	[sflag:s6] =	ssyncset.done $0x0  }
0x121: {  	[sflag:s6] =	ssyncadd.s32 $0xFFFF9C00  }
0x122: {  	[spmem:s23] =	stream.indirect.scatter.add.f32 [tilespmem:s0], [sflag:$0x3], $0x40, s31, s19, $0xb8;
	[tilespmem:$0x16A80] =	vst v63  }
0x123: {  	_ =	swait.ge [sflag:s29], $0x6400  }
0x124: {  	[sflag:s29] =	ssyncset.done $0x0  }
0x125: {  	s12 =	rddreg [dreg:$0xb];
	[sflag:s29] =	ssyncadd.s32 $0xFFFF9C00  }
0x126: {  	[tilespmem:s2], [sflag:$0x3] =	stream.linear.gather [hbm4b:s12+s1], $0x190, $0x38;
	[tilespmem:$0x16A80] =	vst v63  }
0x127: {  	_ =	swait.ge [sflag:s29], $0x190  }
0x128: {  	[sflag:s29] =	ssyncset.done $0x0  }
0x129: {  	s13 =	rddreg [dreg:$0xc];
	[sflag:s29] =	ssyncadd.s32 $0xFFFFFE70  }
0x12a: {  	[tilespmem:s3], [sflag:$0x3] =	stream.linear.gather [hbm4b:s13+s1], $0x190, $0x38;
	[tilespmem:$0x16A80] =	vst v63  }
0x12b: {  	_ =	swait.ge [sflag:s29], $0x190  }
0x12c: {  	[sflag:s29] =	ssyncset.done $0x0  }
0x12d: {  	[sflag:s29] =	ssyncadd.s32 $0xFFFFFE70  }
0x12e: {  	[tilespmem:s5], [sflag:$0x3] =	stream.indirect.gather [hbm4b:s9+s19], $0x40, s2, s19, $0xb8;
	[tilespmem:$0x16A80] =	vst v63  }
0x12f: {  	_ =	swait.ge [sflag:s29], $0x6400  }
0x130: {  	[sflag:s29] =	ssyncset.done $0x0  }
0x131: {  	[sflag:s29] =	ssyncadd.s32 $0xFFFF9C00  }
0x132: {  	[spmem:s23] =	stream.indirect.scatter.add.f32 [tilespmem:s5], [sflag:$0x3], $0x40, s3, s19, $0xb8;
	[tilespmem:$0x16A80] =	vst v63  }
0x133: {  	_ =	swait.ge [sflag:s29], $0x6400  }
0x134: {  	[sflag:s29] =	ssyncset.done $0x0  }
0x135: {  	[sflag:s29] =	ssyncadd.s32 $0xFFFF9C00  }
0x136: {  	[bflag:$0x0] =	sbarrier.arrive $0xFFFF  }
0x137: {  	[hbm:s22], [sflag:s26] =	dma.local [spmem:s10], $0x1388  }
0x138: {  	_ =	swait.ge [sflag:s29], $0x1388  }
0x139: {  	[sflag:s29] =	ssyncset.done $0x0  }
0x13a: {  	[sflag:s29] =	ssyncadd.s32 $0xFFFFEC78  }
0x13b: {  	[bflag:$0x0] =	sbarrier.arrive $0xFFFF  }
0x13c: {  	[spmem:s10], [sflag:s26] =	dma.local [hbm:s20], $0x1388  }
0x13d: {  	_ =	swait.ge [sflag:s29], $0x1388  }
0x13e: {  	[sflag:s29] =	ssyncset.done $0x0  }
0x13f: {  	[sflag:s29] =	ssyncadd.s32 $0xFFFFEC78  }
0x140: {  	[bflag:$0x0] =	sbarrier.arrive $0xFFFF  }
0x141: {  	s15 =	rddreg [dreg:$0xd]  }
0x142: {  	[tilespmem:s30], [sflag:$0x3] =	stream.linear.gather [hbm4b:s15+s1], $0x190, $0x38;
	[tilespmem:$0x16A80] =	vst v63  }
0x143: {  	_ =	swait.ge [sflag:s29], $0x190  }
0x144: {  	[sflag:s29] =	ssyncset.done $0x0  }
0x145: {  	s16 =	rddreg [dreg:$0xe];
	[sflag:s29] =	ssyncadd.s32 $0xFFFFFE70  }
0x146: {  	[tilespmem:s31], [sflag:$0x3] =	stream.linear.gather [hbm4b:s16+s1], $0x190, $0x38;
	[tilespmem:$0x16A80] =	vst v63  }
0x147: {  	_ =	swait.ge [sflag:s29], $0x190  }
0x148: {  	[sflag:s29] =	ssyncset.done $0x0  }
0x149: {  	s21 =	sadd.s32 $0xFFFFF6A0, s18;
	[sflag:s29] =	ssyncadd.s32 $0xFFFFFE70  }
0x14a: {  	[tilespmem:s0], [sflag:$0x1] =	stream.indirect.gather [hbm4b:s14+s19], $0x40, s30, s19, $0xb8;
	[tilespmem:$0x16A80] =	vst v63  }
0x14b: {  	s13 =	sadd.s32 $0x14212, s21  }
0x14c: {  	[tilespmem:s2], [sflag:$0x3] =	stream.linear.gather [hbm4b:s13+s1], $0x190, $0x38;
	[tilespmem:$0x16A80] =	vst v63  }
0x14d: {  	_ =	swait.ge [sflag:s29], $0x190  }
0x14e: {  	s15 =	sadd.s32 $0xFFFFF6A0, s17;
	[sflag:s29] =	ssyncset.done $0x0  }
0x14f: {  	s16 =	sadd.s32 $0x14212, s15;
	[sflag:s29] =	ssyncadd.s32 $0xFFFFFE70  }
0x150: {  	[tilespmem:s3], [sflag:$0x3] =	stream.linear.gather [hbm4b:s16+s1], $0x190, $0x38;
	[tilespmem:$0x16A80] =	vst v63  }
0x151: {  	_ =	swait.ge [sflag:s29], $0x190  }
0x152: {  	[sflag:s29] =	ssyncset.done $0x0  }
0x153: {  	[sflag:s29] =	ssyncadd.s32 $0xFFFFFE70  }
0x154: {  	[tilespmem:s5], [sflag:$0x2] =	stream.indirect.gather [hbm4b:s14+s19], $0x40, s2, s19, $0xb8;
	[tilespmem:$0x16A80] =	vst v63  }
0x155: {  	_ =	swait.ge [sflag:s6], $0x6400  }
0x156: {  	[sflag:s6] =	ssyncset.done $0x0  }
0x157: {  	[sflag:s6] =	ssyncadd.s32 $0xFFFF9C00  }
0x158: {  	[spmem:s23] =	stream.indirect.scatter.add.f32 [tilespmem:s0], [sflag:$0x3], $0x40, s31, s19, $0xb8;
	[tilespmem:$0x16A80] =	vst v63  }
0x159: {  	_ =	swait.ge [sflag:s29], $0x6400  }
0x15a: {  	[sflag:s29] =	ssyncset.done $0x0  }
0x15b: {  	s11 =	sadd.s32 $0x14244, s21;
	[sflag:s29] =	ssyncadd.s32 $0xFFFF9C00  }
0x15c: {  	[tilespmem:s30], [sflag:$0x3] =	stream.linear.gather [hbm4b:s11+s1], $0x190, $0x38;
	[tilespmem:$0x16A80] =	vst v63  }
0x15d: {  	_ =	swait.ge [sflag:s29], $0x190  }
0x15e: {  	[sflag:s29] =	ssyncset.done $0x0  }
0x15f: {  	s21 =	sadd.s32 $0x14244, s15;
	[sflag:s29] =	ssyncadd.s32 $0xFFFFFE70  }
0x160: {  	[tilespmem:s31], [sflag:$0x3] =	stream.linear.gather [hbm4b:s21+s1], $0x190, $0x38;
	[tilespmem:$0x16A80] =	vst v63  }
0x161: {  	_ =	swait.ge [sflag:s29], $0x190  }
0x162: {  	[sflag:s29] =	ssyncset.done $0x0  }
0x163: {  	[sflag:s29] =	ssyncadd.s32 $0xFFFFFE70  }
0x164: {  	[tilespmem:s0], [sflag:$0x1] =	stream.indirect.gather [hbm4b:s14+s19], $0x40, s30, s19, $0xb8;
	[tilespmem:$0x16A80] =	vst v63  }
0x165: {  	_ =	swait.ge [sflag:s7], $0x6400  }
0x166: {  	[sflag:s7] =	ssyncset.done $0x0  }
0x167: {  	[sflag:s7] =	ssyncadd.s32 $0xFFFF9C00  }
0x168: {  	[spmem:s23] =	stream.indirect.scatter.add.f32 [tilespmem:s5], [sflag:$0x3], $0x40, s3, s19, $0xb8;
	[tilespmem:$0x16A80] =	vst v63  }
0x169: {  	s15 =	simm.s32 $0xFFFFF768;
	_ =	swait.ge [sflag:s29], $0x6400  }
0x16a: {  	s13 =	sadd.s32 $0xFFFFF704, s18;
	s11 =	simm.s32 $0xFFFFF704;
	[sflag:s29] =	ssyncset.done $0x0  }
.LBB2_6:
0x16b: {  	s16 =	sadd.s32 $0x14212, s13  }
0x16c: {  	[sflag:s29] =	ssyncadd.s32 $0xFFFF9C00;
	s21 =	smov.u32 s15;
	s12 =	sadd.s32 $0x64, s15  }
0x16d: {  	[tilespmem:s2], [sflag:$0x3] =	stream.linear.gather [hbm4b:s16+s1], $0x190, $0x38;
	[tilespmem:$0x16A80] =	vst v63  }
0x16e: {  	p0 =	sne.s32 s15, $0xFFFFFF9C;
	_ =	swait.ge [sflag:s29], $0x190  }
0x16f: {  	s15 =	sadd.s32 s11, s17;
	s11 =	smov.u32 s21;
	[sflag:s29] =	ssyncset.done $0x0  }
0x170: {  	s16 =	sadd.s32 $0x14212, s15;
	[sflag:s29] =	ssyncadd.s32 $0xFFFFFE70  }
0x171: {  	[tilespmem:s3], [sflag:$0x3] =	stream.linear.gather [hbm4b:s16+s1], $0x190, $0x38;
	[tilespmem:$0x16A80] =	vst v63  }
0x172: {  	_ =	swait.ge [sflag:s29], $0x190  }
0x173: {  	[sflag:s29] =	ssyncset.done $0x0  }
0x174: {  	[sflag:s29] =	ssyncadd.s32 $0xFFFFFE70  }
0x175: {  	[tilespmem:s5], [sflag:$0x2] =	stream.indirect.gather [hbm4b:s14+s19], $0x40, s2, s19, $0xb8;
	[tilespmem:$0x16A80] =	vst v63  }
0x176: {  	_ =	swait.ge [sflag:s6], $0x6400  }
0x177: {  	[sflag:s6] =	ssyncset.done $0x0  }
0x178: {  	[sflag:s6] =	ssyncadd.s32 $0xFFFF9C00  }
0x179: {  	[spmem:s23] =	stream.indirect.scatter.add.f32 [tilespmem:s0], [sflag:$0x3], $0x40, s31, s19, $0xb8;
	[tilespmem:$0x16A80] =	vst v63  }
0x17a: {  	_ =	swait.ge [sflag:s29], $0x6400  }
0x17b: {  	[sflag:s29] =	ssyncset.done $0x0  }
0x17c: {  	s13 =	sadd.s32 $0x14244, s13;
	[sflag:s29] =	ssyncadd.s32 $0xFFFF9C00  }
0x17d: {  	[tilespmem:s30], [sflag:$0x3] =	stream.linear.gather [hbm4b:s13+s1], $0x190, $0x38;
	[tilespmem:$0x16A80] =	vst v63  }
0x17e: {  	_ =	swait.ge [sflag:s29], $0x190  }
0x17f: {  	[sflag:s29] =	ssyncset.done $0x0  }
0x180: {  	s13 =	sadd.s32 $0x14244, s15;
	[sflag:s29] =	ssyncadd.s32 $0xFFFFFE70  }
0x181: {  	[tilespmem:s31], [sflag:$0x3] =	stream.linear.gather [hbm4b:s13+s1], $0x190, $0x38;
	[tilespmem:$0x16A80] =	vst v63  }
0x182: {  	_ =	swait.ge [sflag:s29], $0x190  }
0x183: {  	[sflag:s29] =	ssyncset.done $0x0  }
0x184: {  	[sflag:s29] =	ssyncadd.s32 $0xFFFFFE70  }
0x185: {  	[tilespmem:s0], [sflag:$0x1] =	stream.indirect.gather [hbm4b:s14+s19], $0x40, s30, s19, $0xb8;
	[tilespmem:$0x16A80] =	vst v63  }
0x186: {  	_ =	swait.ge [sflag:s7], $0x6400  }
.Ltmp2:
0x187: {  	[sflag:s7] =	ssyncset.done $0x0;
	(pc) =	sbr.rel @p0 .LBB2_6-.Ltmp2, $4  }
0x188: {  	[sflag:s7] =	ssyncadd.s32 $0xFFFF9C00  }
0x189: {  	[spmem:s23] =	stream.indirect.scatter.add.f32 [tilespmem:s5], [sflag:$0x3], $0x40, s3, s19, $0xb8;
	[tilespmem:$0x16A80] =	vst v63  }
0x18a: {  	_ =	swait.ge [sflag:s29], $0x6400  }
0x18b: {  	s15 =	smov.u32 s12;
	s13 =	sadd.s32 s11, s18;
	[sflag:s29] =	ssyncset.done $0x0  }
0x18c: {  	s12 =	sadd.s32 $0x14212, s13;
	[sflag:s29] =	ssyncadd.s32 $0xFFFF9C00  }
0x18d: {  	[tilespmem:s2], [sflag:$0x3] =	stream.linear.gather [hbm4b:s12+s1], $0x190, $0x38;
	[tilespmem:$0x16A80] =	vst v63  }
0x18e: {  	_ =	swait.ge [sflag:s29], $0x190  }
0x18f: {  	s11 =	sadd.s32 s11, s17;
	[sflag:s29] =	ssyncset.done $0x0  }
0x190: {  	s21 =	sadd.s32 $0x14212, s11;
	[sflag:s29] =	ssyncadd.s32 $0xFFFFFE70  }
0x191: {  	[tilespmem:s3], [sflag:$0x3] =	stream.linear.gather [hbm4b:s21+s1], $0x190, $0x38;
	[tilespmem:$0x16A80] =	vst v63  }
0x192: {  	_ =	swait.ge [sflag:s29], $0x190  }
0x193: {  	[sflag:s29] =	ssyncset.done $0x0  }
0x194: {  	[sflag:s29] =	ssyncadd.s32 $0xFFFFFE70  }
0x195: {  	[tilespmem:s5], [sflag:$0x2] =	stream.indirect.gather [hbm4b:s14+s19], $0x40, s2, s19, $0xb8;
	[tilespmem:$0x16A80] =	vst v63  }
0x196: {  	_ =	swait.ge [sflag:s6], $0x6400  }
0x197: {  	[sflag:s6] =	ssyncset.done $0x0  }
0x198: {  	[sflag:s6] =	ssyncadd.s32 $0xFFFF9C00  }
0x199: {  	[spmem:s23] =	stream.indirect.scatter.add.f32 [tilespmem:s0], [sflag:$0x3], $0x40, s31, s19, $0xb8;
	[tilespmem:$0x16A80] =	vst v63  }
0x19a: {  	_ =	swait.ge [sflag:s29], $0x6400  }
0x19b: {  	[sflag:s29] =	ssyncset.done $0x0  }
0x19c: {  	s15 =	sadd.s32 $0x14244, s13;
	[sflag:s29] =	ssyncadd.s32 $0xFFFF9C00  }
0x19d: {  	[tilespmem:s30], [sflag:$0x3] =	stream.linear.gather [hbm4b:s15+s1], $0x190, $0x38;
	[tilespmem:$0x16A80] =	vst v63  }
0x19e: {  	_ =	swait.ge [sflag:s29], $0x190  }
0x19f: {  	[sflag:s29] =	ssyncset.done $0x0  }
0x1a0: {  	s11 =	sadd.s32 $0x14244, s11;
	[sflag:s29] =	ssyncadd.s32 $0xFFFFFE70  }
0x1a1: {  	[tilespmem:s31], [sflag:$0x3] =	stream.linear.gather [hbm4b:s11+s1], $0x190, $0x38;
	[tilespmem:$0x16A80] =	vst v63  }
0x1a2: {  	_ =	swait.ge [sflag:s29], $0x190  }
0x1a3: {  	[sflag:s29] =	ssyncset.done $0x0  }
0x1a4: {  	[sflag:s29] =	ssyncadd.s32 $0xFFFFFE70  }
0x1a5: {  	[tilespmem:s0], [sflag:$0x1] =	stream.indirect.gather [hbm4b:s14+s19], $0x40, s30, s19, $0xb8;
	[tilespmem:$0x16A80] =	vst v63  }
0x1a6: {  	_ =	swait.ge [sflag:s7], $0x6400  }
0x1a7: {  	[sflag:s7] =	ssyncset.done $0x0  }
0x1a8: {  	[sflag:s7] =	ssyncadd.s32 $0xFFFF9C00  }
0x1a9: {  	[spmem:s23] =	stream.indirect.scatter.add.f32 [tilespmem:s5], [sflag:$0x3], $0x40, s3, s19, $0xb8;
	[tilespmem:$0x16A80] =	vst v63  }
0x1aa: {  	_ =	swait.ge [sflag:s29], $0x6400  }
0x1ab: {  	[sflag:s29] =	ssyncset.done $0x0  }
0x1ac: {  	[sflag:s29] =	ssyncadd.s32 $0xFFFF9C00  }
0x1ad: {  	_ =	swait.ge [sflag:s6], $0x6400  }
0x1ae: {  	[sflag:s6] =	ssyncset.done $0x0  }
0x1af: {  	[sflag:s6] =	ssyncadd.s32 $0xFFFF9C00  }
0x1b0: {  	[spmem:s23] =	stream.indirect.scatter.add.f32 [tilespmem:s0], [sflag:$0x3], $0x40, s31, s19, $0xb8;
	[tilespmem:$0x16A80] =	vst v63  }
0x1b1: {  	_ =	swait.ge [sflag:s29], $0x6400  }
0x1b2: {  	[sflag:s29] =	ssyncset.done $0x0  }
0x1b3: {  	s16 =	rddreg [dreg:$0xf];
	[sflag:s29] =	ssyncadd.s32 $0xFFFF9C00  }
0x1b4: {  	[tilespmem:s2], [sflag:$0x3] =	stream.linear.gather [hbm4b:s16+s1], $0x190, $0x38;
	[tilespmem:$0x16A80] =	vst v63  }
0x1b5: {  	_ =	swait.ge [sflag:s29], $0x190  }
0x1b6: {  	[sflag:s29] =	ssyncset.done $0x0  }
0x1b7: {  	s21 =	rddreg [dreg:$0x10];
	[sflag:s29] =	ssyncadd.s32 $0xFFFFFE70  }
0x1b8: {  	[tilespmem:s3], [sflag:$0x3] =	stream.linear.gather [hbm4b:s21+s1], $0x190, $0x38;
	[tilespmem:$0x16A80] =	vst v63  }
0x1b9: {  	_ =	swait.ge [sflag:s29], $0x190  }
0x1ba: {  	[sflag:s29] =	ssyncset.done $0x0  }
0x1bb: {  	[sflag:s29] =	ssyncadd.s32 $0xFFFFFE70  }
0x1bc: {  	[tilespmem:s5], [sflag:$0x3] =	stream.indirect.gather [hbm4b:s14+s19], $0x40, s2, s19, $0xb8;
	[tilespmem:$0x16A80] =	vst v63  }
0x1bd: {  	_ =	swait.ge [sflag:s29], $0x6400  }
0x1be: {  	[sflag:s29] =	ssyncset.done $0x0  }
0x1bf: {  	[sflag:s29] =	ssyncadd.s32 $0xFFFF9C00  }
0x1c0: {  	[spmem:s23] =	stream.indirect.scatter.add.f32 [tilespmem:s5], [sflag:$0x3], $0x40, s3, s19, $0xb8;
	[tilespmem:$0x16A80] =	vst v63  }
0x1c1: {  	_ =	swait.ge [sflag:s29], $0x6400  }
0x1c2: {  	[sflag:s29] =	ssyncset.done $0x0  }
0x1c3: {  	s8 =	sadd.s32 $0x1, s8;
	[sflag:s29] =	ssyncadd.s32 $0xFFFF9C00  }
0x1c4: {  	p0 =	sne.s32 s8, s28;
	[bflag:$0x0] =	sbarrier.arrive $0xFFFF  }
0x1c5: {  	[hbm:s24], [sflag:s26] =	dma.local [spmem:s10], $0x1388  }
.Ltmp3:
0x1c6: {  	_ =	swait.ge [sflag:s29], $0x1388;
	(pc) =	sbr.rel @p0 .LBB2_1-.Ltmp3, $3  }
0x1c7: {  	[sflag:s29] =	ssyncset.done $0x0  }
0x1c8: {  	[sflag:s29] =	ssyncadd.s32 $0xFFFFEC78  }
0x1c9: {  	[bflag:$0x0] =	sbarrier.arrive $0xFFFF;
	_ =	sdelay $0x1  }
0x1ca: {  	_ =	sfence.sel $0x180000  }
0x1cb: {  	[bflag:$0x0] =	sbarrier.arrive $0xFFFF  }
0x1cc: {  	_ =	strace $0x9000004A  }
0x1cd: {  	s0 =	stileid.u32;
	[bflag:$0x2] =	sbarrier.arrive $0xFFFF  }
0x1ce: {  	p0 =	sne.s32 s0, $0x0;
	s0 =	rddreg [dreg:$0x4]  }
0x1cf: {  	s0 =	sadd.s32 @!p0 $0x100000, s0  }
0x1d0: {  	[sflag:s0] =	ssyncadd.tile.s32 @!p0 $0x1;
	_ =	shalt  }
.Lfunc_end2:
_tile_overlayer_lowered:
.L_overlay_start_2:
0x1d1: {  	(tag) =	ssettag $0x2  }
0x1d2: {  	s0 =	rddreg [dreg:$0x0];
	s2 =	stileid.u32  }
0x1d3: {  	s1 =	rddreg [dreg:$0x1];
	p0 =	sne.s32 s2, $0x0  }
0x1d4: {  	s3 =	rddreg [dreg:$0x2];
	[bflag:$0x3] =	sbarrier.arrive $0xFFFF;
	s2 =	simm.s32 @!p0 $0x1C03  }
0x1d5: {  	[timem:s3], [sflag:s2] =	dma.local @!p0 [hbm:s0], s1  }
0x1d6: {  	s0 =	simm.s32 @!p0 $0x3  }
0x1d7: {  	_ =	swait.ge @!p0 [sflag:s0], s1  }
0x1d8: {  	s1 =	ssub.s32 @!p0 $0x0, s1;
	[sflag:s0] =	ssyncset.done @!p0 $0x0  }
0x1d9: {  	[sflag:s0] =	ssyncadd.s32 @!p0 s1  }
0x1da: {  	[bflag:$0x3] =	sbarrier.arrive $0xFFFF  }
0x1db: {  	_ =	shalt  }

</sc_bundles>
